<compile_context>
chip_gen: v7x
topology: tpu7x:2x2x1
jax: 0.10.2.dev20260603
libtpu: 0.0.44.dev20260713+nightly
codegen_flags: <defaults>
</compile_context>

<pallas_src>
import functools

import jax
import jax.numpy as jnp
from jax import lax
from jax.experimental import pallas as pl
from jax.experimental.pallas import tpu as pltpu
from jax.experimental.pallas import tpu_sc as plsc

_B, _T = 64, 1024
_V, _D = 1024, 64
_MASK_ID = _V
_VP = 1152
_LROWS = 1032

_NW = 32
_C = 16
_NCH = (_B * _T) // (_NW * _C)


def _mask_body(num_mask_ref, score_ref, z_ref, out_ref):
    u = lax.bitcast_convert_type(score_ref[...], jnp.int32)
    k = num_mask_ref[...]
    lo = jnp.zeros((_B, 1), jnp.int32)
    hi = jnp.full((_B, 1), jnp.int32(2**31 - 1))
    for _ in range(31):
        mid = lo + ((hi - lo) >> 1)
        cnt = jnp.sum((u <= mid).astype(jnp.int32), axis=1, keepdims=True)
        ge = cnt >= k
        hi = jnp.where(ge, mid, hi)
        lo = jnp.where(ge, lo, mid + 1)
    vstar = lo
    n_lt = jnp.sum((u < vstar).astype(jnp.int32), axis=1, keepdims=True)
    eq = u == vstar
    i0 = lax.broadcasted_iota(jnp.int32, (_T, _T), 0)
    i1 = lax.broadcasted_iota(jnp.int32, (_T, _T), 1)
    tri = (i0 < i1).astype(jnp.float32)
    pref = jnp.dot(eq.astype(jnp.float32), tri,
                   preferred_element_type=jnp.float32)
    quota = (k - n_lt).astype(jnp.float32)
    masked = (u < vstar) | (eq & (pref < quota))
    out_ref[...] = jnp.where(masked, _MASK_ID, z_ref[...])


def _table_body(emb_ref, w_ref, b_ref, out_ref):
    out_ref[...] = (jnp.dot(emb_ref[...], w_ref[...],
                            preferred_element_type=jnp.float32) + b_ref[...])


def _make_sc_gather():
    mesh = plsc.VectorSubcoreMesh(core_axis_name="c", subcore_axis_name="s")

    @functools.partial(
        pl.kernel, mesh=mesh,
        out_type=jax.ShapeDtypeStruct((_B * _T, _V), jnp.float32),
        scratch_types=[
            pltpu.VMEM((_NCH, _C), jnp.int32),
            pltpu.VMEM_SHARED((_LROWS, _V), jnp.float32),
            pltpu.VMEM((_C, _V), jnp.float32),
            pltpu.VMEM((_C, _V), jnp.float32),
            pltpu.SemaphoreType.DMA,
            pltpu.SemaphoreType.DMA,
            pltpu.SemaphoreType.DMA,
            pltpu.SemaphoreType.DMA,
        ],
    )
    def sc_gather(tbl_hbm, idx_hbm, out_hbm, idx_v, tbl_s, buf_a, buf_b,
                  gs_a, gs_b, os_a, os_b):
        cid = lax.axis_index("c")
        sid = lax.axis_index("s")
        wid = sid * 2 + cid
        base = wid * (_NCH * _C)
        pltpu.sync_copy(tbl_hbm.at[pl.ds(sid * 64, 64)],
                        tbl_s.at[pl.ds(sid * 64, 64)])

        @pl.when(sid == 0)
        def _():
            pltpu.sync_copy(tbl_hbm.at[pl.ds(1024, 8)],
                            tbl_s.at[pl.ds(1024, 8)])

        pltpu.sync_copy(idx_hbm.at[pl.ds(wid * _NCH, _NCH)], idx_v)
        plsc.subcore_barrier()

        def gather_chunk(j, buf, gsem):
            for g in range(_C // 16):
                v16 = idx_v[j, pl.ds(16 * g, 16)]
                for i in range(16):
                    pltpu.async_copy(tbl_s.at[pl.ds(v16[i], 1)],
                                     buf.at[pl.ds(16 * g + i, 1)], gsem)
            pltpu.make_async_copy(tbl_hbm.at[pl.ds(0, _C)], buf, gsem).wait()

        def step(k, _):
            j = 2 * k

            @pl.when(k > 0)
            def _():
                pltpu.make_async_copy(
                    buf_a, out_hbm.at[pl.ds(base, _C)], os_a).wait()

            gather_chunk(j, buf_a, gs_a)
            pltpu.async_copy(buf_a, out_hbm.at[pl.ds(base + j * _C, _C)], os_a)

            @pl.when(k > 0)
            def _():
                pltpu.make_async_copy(
                    buf_b, out_hbm.at[pl.ds(base, _C)], os_b).wait()

            gather_chunk(j + 1, buf_b, gs_b)
            pltpu.async_copy(
                buf_b, out_hbm.at[pl.ds(base + (j + 1) * _C, _C)], os_b)
            return 0

        lax.fori_loop(0, _NCH // 2, step, 0)
        pltpu.make_async_copy(buf_a, out_hbm.at[pl.ds(base, _C)], os_a).wait()
        pltpu.make_async_copy(buf_b, out_hbm.at[pl.ds(base, _C)], os_b).wait()

    return sc_gather


_sc_gather = _make_sc_gather()


def kernel(z_indices, random_ratios, rand_score, emb, W, b):
    num_mask = (jnp.cos(random_ratios * (jnp.pi / 2.0)) * _T).astype(
        jnp.int32).reshape(_B, 1)

    idx = pl.pallas_call(
        _mask_body,
        out_shape=jax.ShapeDtypeStruct((_B, _T), jnp.int32),
    )(num_mask, rand_score, z_indices.astype(jnp.int32))

    emb_pad = jnp.concatenate(
        [emb, jnp.zeros((_LROWS - (_V + 1), _D), jnp.float32)], axis=0)
    table = pl.pallas_call(
        _table_body,
        out_shape=jax.ShapeDtypeStruct((_LROWS, _V), jnp.float32),
    )(emb_pad, W, b.reshape(1, _V))

    idx2 = idx.reshape((_B * _T) // _C, _C)
    logits = _sc_gather(table, idx2)

    return (logits.reshape(_B, _T, _V), z_indices)

# --- scband reference (transcript-rebuilt; emitter-appended) ---
"""Pipeline reference for scband-mask-git-32976758898790 (READ-ONLY COPY).

The authoritative reference and input builder live on the scoring server;
editing this copy changes nothing except your own understanding.
"""

import jax, jax.numpy as jnp
import numpy as np

B, T = 64, 1024
V, D = 1024, 64  # codebook size, stand-in transformer width
MASK_TOKEN_ID = V  # == num_codebook_vectors


def setup_inputs(seed: int = 0) -> dict:
    key = jax.random.key(seed)
    k1, k2, k3, k4, k5 = jax.random.split(key, 5)
    z_indices = jax.random.randint(k1, (B, T), 0, V, dtype=jnp.int64) if jax.config.jax_enable_x64 else jax.random.randint(k1, (B, T), 0, V, dtype=jnp.int32)
    random_ratios = jax.random.uniform(k2, (B,), dtype=jnp.float32)
    rand_score = jax.random.uniform(k3, (B, T), dtype=jnp.float32)
    emb = jax.random.normal(k4, (V + 1, D), dtype=jnp.float32) * 0.02
    W = jax.random.normal(k5, (D, V), dtype=jnp.float32) * 0.02
    b = jnp.zeros((V,), dtype=jnp.float32)
    return {"z_indices": z_indices, "random_ratios": random_ratios, "rand_score": rand_score, "emb": emb, "W": W, "b": b}


def reference(z_indices, random_ratios, rand_score, emb, W, b):
    # MaskGit.forward: cosine gamma schedule -> per-sample mask count,
    # argsort random scores -> scatter boolean mask -> replace with mask token,
    # stand-in bidirectional transformer = embedding lookup + linear head.
    Bsz, Tlen = z_indices.shape
    mask_ratios = jnp.cos(random_ratios * jnp.pi / 2.0)  # gamma_func('cosine')
    num_mask = (mask_ratios * Tlen).astype(jnp.int32)  # .long()
    sorted_idx = jnp.argsort(rand_score, axis=1)
    col_mask = jnp.arange(Tlen)[None, :] < num_mask[:, None]
    rows = jnp.arange(Bsz)[:, None]
    mask = jnp.zeros((Bsz, Tlen), dtype=bool).at[rows, sorted_idx].set(col_mask)  # scatter_ along dim 1
    input_indices = jnp.where(mask, MASK_TOKEN_ID, z_indices)
    h = jnp.take(emb, input_indices, axis=0)  # [B, T, D] embedding gather
    logits = h @ W + b  # [B, T, V]
    return (logits, z_indices)

if __name__ == "__main__":
    import jax
    _d = setup_inputs()
    print(jax.jit(kernel)(*tuple(_d.values())))

</pallas_src>

<mosaic_0001>
#map = affine_map<(d0, d1) -> (0, 0)>
module attributes {stable_mosaic.version = 14 : i64} {
  func.func @sc_gather(%arg0: i32, %arg1: i32, %arg2: memref<1032x1024xf32, #tpu.memory_space<hbm>>, %arg3: memref<4096x16xi32, #tpu.memory_space<hbm>>, %arg4: memref<65536x1024xf32, #tpu.memory_space<hbm>>, %arg5: memref<128x16xi32, #tpu.memory_space<vmem>>, %arg6: memref<1032x1024xf32, #tpu.memory_space<vmem_shared>>, %arg7: memref<16x1024xf32, #tpu.memory_space<vmem>>, %arg8: memref<16x1024xf32, #tpu.memory_space<vmem>>, %arg9: memref<!tpu.dma_semaphore, #tpu.memory_space<semaphore_mem>>, %arg10: memref<!tpu.dma_semaphore, #tpu.memory_space<semaphore_mem>>, %arg11: memref<!tpu.dma_semaphore, #tpu.memory_space<semaphore_mem>>, %arg12: memref<!tpu.dma_semaphore, #tpu.memory_space<semaphore_mem>>) attributes {dimension_semantics = [#tpu.dimension_semantics<core_parallel>, #tpu.dimension_semantics<subcore_parallel>], iteration_bounds = array<i64: 2, 16>, scalar_prefetch = 0 : i64, scratch_operands = 8 : i64, tpu.core_type = #tpu.core_type<sc_vector_subcore>, window_params = [{transform_indices = #map}, {transform_indices = #map}, {transform_indices = #map}]} {
    %mul3A = arith.constant 2 : i32
    %mul3A_0 = arith.muli %arg1, %mul3A : i32
    %add3A = arith.addi %mul3A_0, %arg0 : i32
    %mul3A_1 = arith.constant 2048 : i32
    %mul3A_2 = arith.muli %add3A, %mul3A_1 : i32
    %mul3A_3 = arith.constant 64 : i32
    %mul3A_4 = arith.muli %arg1, %mul3A_3 : i32
    %mul3A_5 = arith.constant 64 : i32
    %mul3A_6 = arith.muli %arg1, %mul3A_5 : i32
    "tpu.region"() ({
      %run_scoped3A = tpu.sem_alloc : memref<!tpu.dma_semaphore, #tpu.memory_space<semaphore_mem>>
      %dma_start3A = arith.constant 0 : i32
      %dma_start3A_24 = tpu.memref_slice %arg6[%mul3A_6, %dma_start3A] : memref<1032x1024xf32, #tpu.memory_space<vmem_shared>> -> memref<64x1024xf32, #tpu.memory_space<vmem_shared>>
      %dma_start3A_25 = arith.constant 0 : i32
      %dma_start3A_26 = tpu.memref_slice %arg2[%mul3A_4, %dma_start3A_25] : memref<1032x1024xf32, #tpu.memory_space<hbm>> -> memref<64x1024xf32, #tpu.memory_space<hbm>>
      tpu.enqueue_dma source(%dma_start3A_26 : memref<64x1024xf32, #tpu.memory_space<hbm>>) target(%dma_start3A_24 : memref<64x1024xf32, #tpu.memory_space<vmem_shared>>) target_semaphore(%run_scoped3A : memref<!tpu.dma_semaphore, #tpu.memory_space<semaphore_mem>>)
      %dma_wait3A_27 = arith.constant 0 : i32
      %dma_wait3A_28 = tpu.memref_slice %arg6[%mul3A_6, %dma_wait3A_27] : memref<1032x1024xf32, #tpu.memory_space<vmem_shared>> -> memref<64x1024xf32, #tpu.memory_space<vmem_shared>>
      %dma_wait3A_29 = arith.constant 0 : i32
      %dma_wait3A_30 = tpu.memref_slice %arg2[%mul3A_4, %dma_wait3A_29] : memref<1032x1024xf32, #tpu.memory_space<hbm>> -> memref<64x1024xf32, #tpu.memory_space<hbm>>
      tpu.wait_dma2 semaphore(%run_scoped3A : memref<!tpu.dma_semaphore, #tpu.memory_space<semaphore_mem>>) src(%dma_wait3A_30 : memref<64x1024xf32, #tpu.memory_space<hbm>>) dst(%dma_wait3A_28 : memref<64x1024xf32, #tpu.memory_space<vmem_shared>>)
      tpu.yield
    }) : () -> ()
    %eq3A = arith.constant 0 : i32
    %eq3A_7 = arith.cmpi eq, %arg1, %eq3A : i32
    %convert_element_type3A = arith.extui %eq3A_7 : i1 to i32
    %cond3A = arith.constant 0 : i32
    %cond3A_8 = arith.cmpi ne, %convert_element_type3A, %cond3A : i32
    scf.if %cond3A_8 {
      "tpu.region"() ({
        %run_scoped3A = tpu.sem_alloc : memref<!tpu.dma_semaphore, #tpu.memory_space<semaphore_mem>>
        %dma_start3A = arith.constant 1024 : i32
        %dma_start3A_24 = arith.constant 0 : i32
        %dma_start3A_25 = tpu.memref_slice %arg6[%dma_start3A, %dma_start3A_24] : memref<1032x1024xf32, #tpu.memory_space<vmem_shared>> -> memref<8x1024xf32, #tpu.memory_space<vmem_shared>>
        %dma_start3A_26 = arith.constant 1024 : i32
        %dma_start3A_27 = arith.constant 0 : i32
        %dma_start3A_28 = tpu.memref_slice %arg2[%dma_start3A_26, %dma_start3A_27] : memref<1032x1024xf32, #tpu.memory_space<hbm>> -> memref<8x1024xf32, #tpu.memory_space<hbm>>
        tpu.enqueue_dma source(%dma_start3A_28 : memref<8x1024xf32, #tpu.memory_space<hbm>>) target(%dma_start3A_25 : memref<8x1024xf32, #tpu.memory_space<vmem_shared>>) target_semaphore(%run_scoped3A : memref<!tpu.dma_semaphore, #tpu.memory_space<semaphore_mem>>)
        %dma_wait3A_29 = arith.constant 1024 : i32
        %dma_wait3A_30 = arith.constant 0 : i32
        %dma_wait3A_31 = tpu.memref_slice %arg6[%dma_wait3A_29, %dma_wait3A_30] : memref<1032x1024xf32, #tpu.memory_space<vmem_shared>> -> memref<8x1024xf32, #tpu.memory_space<vmem_shared>>
        %dma_wait3A_32 = arith.constant 1024 : i32
        %dma_wait3A_33 = arith.constant 0 : i32
        %dma_wait3A_34 = tpu.memref_slice %arg2[%dma_wait3A_32, %dma_wait3A_33] : memref<1032x1024xf32, #tpu.memory_space<hbm>> -> memref<8x1024xf32, #tpu.memory_space<hbm>>
        tpu.wait_dma2 semaphore(%run_scoped3A : memref<!tpu.dma_semaphore, #tpu.memory_space<semaphore_mem>>) src(%dma_wait3A_34 : memref<8x1024xf32, #tpu.memory_space<hbm>>) dst(%dma_wait3A_31 : memref<8x1024xf32, #tpu.memory_space<vmem_shared>>)
        tpu.yield
      }) : () -> ()
    } else {
    }
    %mul3A_9 = arith.constant 128 : i32
    %mul3A_10 = arith.muli %add3A, %mul3A_9 : i32
    "tpu.region"() ({
      %run_scoped3A = tpu.sem_alloc : memref<!tpu.dma_semaphore, #tpu.memory_space<semaphore_mem>>
      %dma_start3A = arith.constant 0 : i32
      %dma_start3A_24 = tpu.memref_slice %arg3[%mul3A_10, %dma_start3A] : memref<4096x16xi32, #tpu.memory_space<hbm>> -> memref<128x16xi32, #tpu.memory_space<hbm>>
      %dma_start3A_25 = arith.constant 0 : i32
      %dma_start3A_26 = tpu.memref_slice %arg3[%mul3A_10, %dma_start3A_25] : memref<4096x16xi32, #tpu.memory_space<hbm>> -> memref<128x16xi32, #tpu.memory_space<hbm>>
      tpu.enqueue_dma source(%dma_start3A_26 : memref<128x16xi32, #tpu.memory_space<hbm>>) target(%arg5 : memref<128x16xi32, #tpu.memory_space<vmem>>) target_semaphore(%run_scoped3A : memref<!tpu.dma_semaphore, #tpu.memory_space<semaphore_mem>>)
      %dma_wait3A_27 = arith.constant 0 : i32
      %dma_wait3A_28 = tpu.memref_slice %arg3[%mul3A_10, %dma_wait3A_27] : memref<4096x16xi32, #tpu.memory_space<hbm>> -> memref<128x16xi32, #tpu.memory_space<hbm>>
      %dma_wait3A_29 = arith.constant 0 : i32
      %dma_wait3A_30 = tpu.memref_slice %arg3[%mul3A_10, %dma_wait3A_29] : memref<4096x16xi32, #tpu.memory_space<hbm>> -> memref<128x16xi32, #tpu.memory_space<hbm>>
      tpu.wait_dma2 semaphore(%run_scoped3A : memref<!tpu.dma_semaphore, #tpu.memory_space<semaphore_mem>>) src(%dma_wait3A_30 : memref<128x16xi32, #tpu.memory_space<hbm>>) dst(%arg5 : memref<128x16xi32, #tpu.memory_space<vmem>>)
      tpu.yield
    }) : () -> ()
    %barrier3A = arith.constant 0 : index
    tpu.barrier barrier_id(%barrier3A)
    %scan3A = arith.constant 0 : i32
    %scan3A_11 = arith.constant 0 : i32
    %scan3A_12 = arith.constant 64 : i32
    %scan3A_13 = arith.addi %scan3A_11, %scan3A_12 : i32
    %scan3A_14 = arith.constant 1 : i32
    %scan3A_15 = scf.for %scan3A_24 = %scan3A_11 to %scan3A_13 step %scan3A_14 iter_args(%scan3A_25 = %scan3A) -> (i32)  : i32 {
      %mul3A_26 = arith.constant 2 : i32
      %mul3A_27 = arith.muli %mul3A_26, %scan3A_24 : i32
      %gt3A = arith.constant 0 : i32
      %gt3A_28 = arith.cmpi sgt, %scan3A_24, %gt3A : i32
      %convert_element_type3A_29 = arith.extui %gt3A_28 : i1 to i32
      %cond3A_30 = arith.constant 0 : i32
      %cond3A_31 = arith.cmpi ne, %convert_element_type3A_29, %cond3A_30 : i32
      scf.if %cond3A_31 {
        %dma_wait3A_456 = arith.constant 0 : i32
        %dma_wait3A_457 = tpu.memref_slice %arg4[%mul3A_2, %dma_wait3A_456] : memref<65536x1024xf32, #tpu.memory_space<hbm>> -> memref<16x1024xf32, #tpu.memory_space<hbm>>
        %dma_wait3A_458 = arith.constant 0 : i32
        %dma_wait3A_459 = tpu.memref_slice %arg4[%mul3A_2, %dma_wait3A_458] : memref<65536x1024xf32, #tpu.memory_space<hbm>> -> memref<16x1024xf32, #tpu.memory_space<hbm>>
        tpu.wait_dma2 semaphore(%arg11 : memref<!tpu.dma_semaphore, #tpu.memory_space<semaphore_mem>>) src(%arg7 : memref<16x1024xf32, #tpu.memory_space<vmem>>) dst(%dma_wait3A_459 : memref<16x1024xf32, #tpu.memory_space<hbm>>)
      } else {
      }
      %get3A = arith.index_cast %mul3A_27 : i32 to index
      %get3A_32 = arith.constant 0 : index
      %get3A_33 = tpu.vector_load %arg5[%get3A, %get3A_32] {strides = array<i32>} : memref<128x16xi32, #tpu.memory_space<vmem>>, vector<1x16xi32>,
      %get3A_34 = vector.shape_cast %get3A_33 : vector<1x16xi32> to vector<16xi32>
      %slice3A = vector.extract_strided_slice %get3A_34 {offsets = [0], sizes = [1], strides = [1]} : vector<16xi32> to vector<1xi32>
      %squeeze3A = vector.extract %slice3A[0] : i32 from vector<1xi32>
      %dma_start3A = arith.constant 0 : i32
      %dma_start3A_35 = arith.constant 0 : i32
      %dma_start3A_36 = tpu.memref_slice %arg7[%dma_start3A, %dma_start3A_35] : memref<16x1024xf32, #tpu.memory_space<vmem>> -> memref<1x1024xf32, #tpu.memory_space<vmem>>
      %dma_start3A_37 = arith.constant 0 : i32
      %dma_start3A_38 = tpu.memref_slice %arg6[%squeeze3A, %dma_start3A_37] : memref<1032x1024xf32, #tpu.memory_space<vmem_shared>> -> memref<1x1024xf32, #tpu.memory_space<vmem_shared>>
      %dma_start3A_39 = arith.constant 0 : i32
      %dma_start3A_40 = arith.constant 0 : i32
      %dma_start3A_41 = tpu.memref_slice %arg7[%dma_start3A_39, %dma_start3A_40] : memref<16x1024xf32, #tpu.memory_space<vmem>> -> memref<1x1024xf32, #tpu.memory_space<vmem>>
      %dma_start3A_42 = arith.constant 0 : i32
      %dma_start3A_43 = tpu.memref_slice %arg6[%squeeze3A, %dma_start3A_42] : memref<1032x1024xf32, #tpu.memory_space<vmem_shared>> -> memref<1x1024xf32, #tpu.memory_space<vmem_shared>>
      tpu.enqueue_dma source(%dma_start3A_43 : memref<1x1024xf32, #tpu.memory_space<vmem_shared>>) target(%dma_start3A_41 : memref<1x1024xf32, #tpu.memory_space<vmem>>) target_semaphore(%arg9 : memref<!tpu.dma_semaphore, #tpu.memory_space<semaphore_mem>>)
      %slice3A_44 = vector.extract_strided_slice %get3A_34 {offsets = [1], sizes = [1], strides = [1]} : vector<16xi32> to vector<1xi32>
      %squeeze3A_45 = vector.extract %slice3A_44[0] : i32 from vector<1xi32>
      %dma_start3A_46 = arith.constant 1 : i32
      %dma_start3A_47 = arith.constant 0 : i32
      %dma_start3A_48 = tpu.memref_slice %arg7[%dma_start3A_46, %dma_start3A_47] : memref<16x1024xf32, #tpu.memory_space<vmem>> -> memref<1x1024xf32, #tpu.memory_space<vmem>>
      %dma_start3A_49 = arith.constant 0 : i32
      %dma_start3A_50 = tpu.memref_slice %arg6[%squeeze3A_45, %dma_start3A_49] : memref<1032x1024xf32, #tpu.memory_space<vmem_shared>> -> memref<1x1024xf32, #tpu.memory_space<vmem_shared>>
      %dma_start3A_51 = arith.constant 1 : i32
      %dma_start3A_52 = arith.constant 0 : i32
      %dma_start3A_53 = tpu.memref_slice %arg7[%dma_start3A_51, %dma_start3A_52] : memref<16x1024xf32, #tpu.memory_space<vmem>> -> memref<1x1024xf32, #tpu.memory_space<vmem>>
      %dma_start3A_54 = arith.constant 0 : i32
      %dma_start3A_55 = tpu.memref_slice %arg6[%squeeze3A_45, %dma_start3A_54] : memref<1032x1024xf32, #tpu.memory_space<vmem_shared>> -> memref<1x1024xf32, #tpu.memory_space<vmem_shared>>
      tpu.enqueue_dma source(%dma_start3A_55 : memref<1x1024xf32, #tpu.memory_space<vmem_shared>>) target(%dma_start3A_53 : memref<1x1024xf32, #tpu.memory_space<vmem>>) target_semaphore(%arg9 : memref<!tpu.dma_semaphore, #tpu.memory_space<semaphore_mem>>)
      %slice3A_56 = vector.extract_strided_slice %get3A_34 {offsets = [2], sizes = [1], strides = [1]} : vector<16xi32> to vector<1xi32>
      %squeeze3A_57 = vector.extract %slice3A_56[0] : i32 from vector<1xi32>
      %dma_start3A_58 = arith.constant 2 : i32
      %dma_start3A_59 = arith.constant 0 : i32
      %dma_start3A_60 = tpu.memref_slice %arg7[%dma_start3A_58, %dma_start3A_59] : memref<16x1024xf32, #tpu.memory_space<vmem>> -> memref<1x1024xf32, #tpu.memory_space<vmem>>
      %dma_start3A_61 = arith.constant 0 : i32
      %dma_start3A_62 = tpu.memref_slice %arg6[%squeeze3A_57, %dma_start3A_61] : memref<1032x1024xf32, #tpu.memory_space<vmem_shared>> -> memref<1x1024xf32, #tpu.memory_space<vmem_shared>>
      %dma_start3A_63 = arith.constant 2 : i32
      %dma_start3A_64 = arith.constant 0 : i32
      %dma_start3A_65 = tpu.memref_slice %arg7[%dma_start3A_63, %dma_start3A_64] : memref<16x1024xf32, #tpu.memory_space<vmem>> -> memref<1x1024xf32, #tpu.memory_space<vmem>>
      %dma_start3A_66 = arith.constant 0 : i32
      %dma_start3A_67 = tpu.memref_slice %arg6[%squeeze3A_57, %dma_start3A_66] : memref<1032x1024xf32, #tpu.memory_space<vmem_shared>> -> memref<1x1024xf32, #tpu.memory_space<vmem_shared>>
      tpu.enqueue_dma source(%dma_start3A_67 : memref<1x1024xf32, #tpu.memory_space<vmem_shared>>) target(%dma_start3A_65 : memref<1x1024xf32, #tpu.memory_space<vmem>>) target_semaphore(%arg9 : memref<!tpu.dma_semaphore, #tpu.memory_space<semaphore_mem>>)
      %slice3A_68 = vector.extract_strided_slice %get3A_34 {offsets = [3], sizes = [1], strides = [1]} : vector<16xi32> to vector<1xi32>
      %squeeze3A_69 = vector.extract %slice3A_68[0] : i32 from vector<1xi32>
      %dma_start3A_70 = arith.constant 3 : i32
      %dma_start3A_71 = arith.constant 0 : i32
      %dma_start3A_72 = tpu.memref_slice %arg7[%dma_start3A_70, %dma_start3A_71] : memref<16x1024xf32, #tpu.memory_space<vmem>> -> memref<1x1024xf32, #tpu.memory_space<vmem>>
      %dma_start3A_73 = arith.constant 0 : i32
      %dma_start3A_74 = tpu.memref_slice %arg6[%squeeze3A_69, %dma_start3A_73] : memref<1032x1024xf32, #tpu.memory_space<vmem_shared>> -> memref<1x1024xf32, #tpu.memory_space<vmem_shared>>
      %dma_start3A_75 = arith.constant 3 : i32
      %dma_start3A_76 = arith.constant 0 : i32
      %dma_start3A_77 = tpu.memref_slice %arg7[%dma_start3A_75, %dma_start3A_76] : memref<16x1024xf32, #tpu.memory_space<vmem>> -> memref<1x1024xf32, #tpu.memory_space<vmem>>
      %dma_start3A_78 = arith.constant 0 : i32
      %dma_start3A_79 = tpu.memref_slice %arg6[%squeeze3A_69, %dma_start3A_78] : memref<1032x1024xf32, #tpu.memory_space<vmem_shared>> -> memref<1x1024xf32, #tpu.memory_space<vmem_shared>>
      tpu.enqueue_dma source(%dma_start3A_79 : memref<1x1024xf32, #tpu.memory_space<vmem_shared>>) target(%dma_start3A_77 : memref<1x1024xf32, #tpu.memory_space<vmem>>) target_semaphore(%arg9 : memref<!tpu.dma_semaphore, #tpu.memory_space<semaphore_mem>>)
      %slice3A_80 = vector.extract_strided_slice %get3A_34 {offsets = [4], sizes = [1], strides = [1]} : vector<16xi32> to vector<1xi32>
      %squeeze3A_81 = vector.extract %slice3A_80[0] : i32 from vector<1xi32>
      %dma_start3A_82 = arith.constant 4 : i32
      %dma_start3A_83 = arith.constant 0 : i32
      %dma_start3A_84 = tpu.memref_slice %arg7[%dma_start3A_82, %dma_start3A_83] : memref<16x1024xf32, #tpu.memory_space<vmem>> -> memref<1x1024xf32, #tpu.memory_space<vmem>>
      %dma_start3A_85 = arith.constant 0 : i32
      %dma_start3A_86 = tpu.memref_slice %arg6[%squeeze3A_81, %dma_start3A_85] : memref<1032x1024xf32, #tpu.memory_space<vmem_shared>> -> memref<1x1024xf32, #tpu.memory_space<vmem_shared>>
      %dma_start3A_87 = arith.constant 4 : i32
      %dma_start3A_88 = arith.constant 0 : i32
      %dma_start3A_89 = tpu.memref_slice %arg7[%dma_start3A_87, %dma_start3A_88] : memref<16x1024xf32, #tpu.memory_space<vmem>> -> memref<1x1024xf32, #tpu.memory_space<vmem>>
      %dma_start3A_90 = arith.constant 0 : i32
      %dma_start3A_91 = tpu.memref_slice %arg6[%squeeze3A_81, %dma_start3A_90] : memref<1032x1024xf32, #tpu.memory_space<vmem_shared>> -> memref<1x1024xf32, #tpu.memory_space<vmem_shared>>
      tpu.enqueue_dma source(%dma_start3A_91 : memref<1x1024xf32, #tpu.memory_space<vmem_shared>>) target(%dma_start3A_89 : memref<1x1024xf32, #tpu.memory_space<vmem>>) target_semaphore(%arg9 : memref<!tpu.dma_semaphore, #tpu.memory_space<semaphore_mem>>)
      %slice3A_92 = vector.extract_strided_slice %get3A_34 {offsets = [5], sizes = [1], strides = [1]} : vector<16xi32> to vector<1xi32>
      %squeeze3A_93 = vector.extract %slice3A_92[0] : i32 from vector<1xi32>
      %dma_start3A_94 = arith.constant 5 : i32
      %dma_start3A_95 = arith.constant 0 : i32
      %dma_start3A_96 = tpu.memref_slice %arg7[%dma_start3A_94, %dma_start3A_95] : memref<16x1024xf32, #tpu.memory_space<vmem>> -> memref<1x1024xf32, #tpu.memory_space<vmem>>
      %dma_start3A_97 = arith.constant 0 : i32
      %dma_start3A_98 = tpu.memref_slice %arg6[%squeeze3A_93, %dma_start3A_97] : memref<1032x1024xf32, #tpu.memory_space<vmem_shared>> -> memref<1x1024xf32, #tpu.memory_space<vmem_shared>>
      %dma_start3A_99 = arith.constant 5 : i32
      %dma_start3A_100 = arith.constant 0 : i32
      %dma_start3A_101 = tpu.memref_slice %arg7[%dma_start3A_99, %dma_start3A_100] : memref<16x1024xf32, #tpu.memory_space<vmem>> -> memref<1x1024xf32, #tpu.memory_space<vmem>>
      %dma_start3A_102 = arith.constant 0 : i32
      %dma_start3A_103 = tpu.memref_slice %arg6[%squeeze3A_93, %dma_start3A_102] : memref<1032x1024xf32, #tpu.memory_space<vmem_shared>> -> memref<1x1024xf32, #tpu.memory_space<vmem_shared>>
      tpu.enqueue_dma source(%dma_start3A_103 : memref<1x1024xf32, #tpu.memory_space<vmem_shared>>) target(%dma_start3A_101 : memref<1x1024xf32, #tpu.memory_space<vmem>>) target_semaphore(%arg9 : memref<!tpu.dma_semaphore, #tpu.memory_space<semaphore_mem>>)
      %slice3A_104 = vector.extract_strided_slice %get3A_34 {offsets = [6], sizes = [1], strides = [1]} : vector<16xi32> to vector<1xi32>
      %squeeze3A_105 = vector.extract %slice3A_104[0] : i32 from vector<1xi32>
      %dma_start3A_106 = arith.constant 6 : i32
      %dma_start3A_107 = arith.constant 0 : i32
      %dma_start3A_108 = tpu.memref_slice %arg7[%dma_start3A_106, %dma_start3A_107] : memref<16x1024xf32, #tpu.memory_space<vmem>> -> memref<1x1024xf32, #tpu.memory_space<vmem>>
      %dma_start3A_109 = arith.constant 0 : i32
      %dma_start3A_110 = tpu.memref_slice %arg6[%squeeze3A_105, %dma_start3A_109] : memref<1032x1024xf32, #tpu.memory_space<vmem_shared>> -> memref<1x1024xf32, #tpu.memory_space<vmem_shared>>
      %dma_start3A_111 = arith.constant 6 : i32
      %dma_start3A_112 = arith.constant 0 : i32
      %dma_start3A_113 = tpu.memref_slice %arg7[%dma_start3A_111, %dma_start3A_112] : memref<16x1024xf32, #tpu.memory_space<vmem>> -> memref<1x1024xf32, #tpu.memory_space<vmem>>
      %dma_start3A_114 = arith.constant 0 : i32
      %dma_start3A_115 = tpu.memref_slice %arg6[%squeeze3A_105, %dma_start3A_114] : memref<1032x1024xf32, #tpu.memory_space<vmem_shared>> -> memref<1x1024xf32, #tpu.memory_space<vmem_shared>>
      tpu.enqueue_dma source(%dma_start3A_115 : memref<1x1024xf32, #tpu.memory_space<vmem_shared>>) target(%dma_start3A_113 : memref<1x1024xf32, #tpu.memory_space<vmem>>) target_semaphore(%arg9 : memref<!tpu.dma_semaphore, #tpu.memory_space<semaphore_mem>>)
      %slice3A_116 = vector.extract_strided_slice %get3A_34 {offsets = [7], sizes = [1], strides = [1]} : vector<16xi32> to vector<1xi32>
      %squeeze3A_117 = vector.extract %slice3A_116[0] : i32 from vector<1xi32>
      %dma_start3A_118 = arith.constant 7 : i32
      %dma_start3A_119 = arith.constant 0 : i32
      %dma_start3A_120 = tpu.memref_slice %arg7[%dma_start3A_118, %dma_start3A_119] : memref<16x1024xf32, #tpu.memory_space<vmem>> -> memref<1x1024xf32, #tpu.memory_space<vmem>>
      %dma_start3A_121 = arith.constant 0 : i32
      %dma_start3A_122 = tpu.memref_slice %arg6[%squeeze3A_117, %dma_start3A_121] : memref<1032x1024xf32, #tpu.memory_space<vmem_shared>> -> memref<1x1024xf32, #tpu.memory_space<vmem_shared>>
      %dma_start3A_123 = arith.constant 7 : i32
      %dma_start3A_124 = arith.constant 0 : i32
      %dma_start3A_125 = tpu.memref_slice %arg7[%dma_start3A_123, %dma_start3A_124] : memref<16x1024xf32, #tpu.memory_space<vmem>> -> memref<1x1024xf32, #tpu.memory_space<vmem>>
      %dma_start3A_126 = arith.constant 0 : i32
      %dma_start3A_127 = tpu.memref_slice %arg6[%squeeze3A_117, %dma_start3A_126] : memref<1032x1024xf32, #tpu.memory_space<vmem_shared>> -> memref<1x1024xf32, #tpu.memory_space<vmem_shared>>
      tpu.enqueue_dma source(%dma_start3A_127 : memref<1x1024xf32, #tpu.memory_space<vmem_shared>>) target(%dma_start3A_125 : memref<1x1024xf32, #tpu.memory_space<vmem>>) target_semaphore(%arg9 : memref<!tpu.dma_semaphore, #tpu.memory_space<semaphore_mem>>)
      %slice3A_128 = vector.extract_strided_slice %get3A_34 {offsets = [8], sizes = [1], strides = [1]} : vector<16xi32> to vector<1xi32>
      %squeeze3A_129 = vector.extract %slice3A_128[0] : i32 from vector<1xi32>
      %dma_start3A_130 = arith.constant 8 : i32
      %dma_start3A_131 = arith.constant 0 : i32
      %dma_start3A_132 = tpu.memref_slice %arg7[%dma_start3A_130, %dma_start3A_131] : memref<16x1024xf32, #tpu.memory_space<vmem>> -> memref<1x1024xf32, #tpu.memory_space<vmem>>
      %dma_start3A_133 = arith.constant 0 : i32
      %dma_start3A_134 = tpu.memref_slice %arg6[%squeeze3A_129, %dma_start3A_133] : memref<1032x1024xf32, #tpu.memory_space<vmem_shared>> -> memref<1x1024xf32, #tpu.memory_space<vmem_shared>>
      %dma_start3A_135 = arith.constant 8 : i32
      %dma_start3A_136 = arith.constant 0 : i32
      %dma_start3A_137 = tpu.memref_slice %arg7[%dma_start3A_135, %dma_start3A_136] : memref<16x1024xf32, #tpu.memory_space<vmem>> -> memref<1x1024xf32, #tpu.memory_space<vmem>>
      %dma_start3A_138 = arith.constant 0 : i32
      %dma_start3A_139 = tpu.memref_slice %arg6[%squeeze3A_129, %dma_start3A_138] : memref<1032x1024xf32, #tpu.memory_space<vmem_shared>> -> memref<1x1024xf32, #tpu.memory_space<vmem_shared>>
      tpu.enqueue_dma source(%dma_start3A_139 : memref<1x1024xf32, #tpu.memory_space<vmem_shared>>) target(%dma_start3A_137 : memref<1x1024xf32, #tpu.memory_space<vmem>>) target_semaphore(%arg9 : memref<!tpu.dma_semaphore, #tpu.memory_space<semaphore_mem>>)
      %slice3A_140 = vector.extract_strided_slice %get3A_34 {offsets = [9], sizes = [1], strides = [1]} : vector<16xi32> to vector<1xi32>
      %squeeze3A_141 = vector.extract %slice3A_140[0] : i32 from vector<1xi32>
      %dma_start3A_142 = arith.constant 9 : i32
      %dma_start3A_143 = arith.constant 0 : i32
      %dma_start3A_144 = tpu.memref_slice %arg7[%dma_start3A_142, %dma_start3A_143] : memref<16x1024xf32, #tpu.memory_space<vmem>> -> memref<1x1024xf32, #tpu.memory_space<vmem>>
      %dma_start3A_145 = arith.constant 0 : i32
      %dma_start3A_146 = tpu.memref_slice %arg6[%squeeze3A_141, %dma_start3A_145] : memref<1032x1024xf32, #tpu.memory_space<vmem_shared>> -> memref<1x1024xf32, #tpu.memory_space<vmem_shared>>
      %dma_start3A_147 = arith.constant 9 : i32
      %dma_start3A_148 = arith.constant 0 : i32
      %dma_start3A_149 = tpu.memref_slice %arg7[%dma_start3A_147, %dma_start3A_148] : memref<16x1024xf32, #tpu.memory_space<vmem>> -> memref<1x1024xf32, #tpu.memory_space<vmem>>
      %dma_start3A_150 = arith.constant 0 : i32
      %dma_start3A_151 = tpu.memref_slice %arg6[%squeeze3A_141, %dma_start3A_150] : memref<1032x1024xf32, #tpu.memory_space<vmem_shared>> -> memref<1x1024xf32, #tpu.memory_space<vmem_shared>>
      tpu.enqueue_dma source(%dma_start3A_151 : memref<1x1024xf32, #tpu.memory_space<vmem_shared>>) target(%dma_start3A_149 : memref<1x1024xf32, #tpu.memory_space<vmem>>) target_semaphore(%arg9 : memref<!tpu.dma_semaphore, #tpu.memory_space<semaphore_mem>>)
      %slice3A_152 = vector.extract_strided_slice %get3A_34 {offsets = [10], sizes = [1], strides = [1]} : vector<16xi32> to vector<1xi32>
      %squeeze3A_153 = vector.extract %slice3A_152[0] : i32 from vector<1xi32>
      %dma_start3A_154 = arith.constant 10 : i32
      %dma_start3A_155 = arith.constant 0 : i32
      %dma_start3A_156 = tpu.memref_slice %arg7[%dma_start3A_154, %dma_start3A_155] : memref<16x1024xf32, #tpu.memory_space<vmem>> -> memref<1x1024xf32, #tpu.memory_space<vmem>>
      %dma_start3A_157 = arith.constant 0 : i32
      %dma_start3A_158 = tpu.memref_slice %arg6[%squeeze3A_153, %dma_start3A_157] : memref<1032x1024xf32, #tpu.memory_space<vmem_shared>> -> memref<1x1024xf32, #tpu.memory_space<vmem_shared>>
      %dma_start3A_159 = arith.constant 10 : i32
      %dma_start3A_160 = arith.constant 0 : i32
      %dma_start3A_161 = tpu.memref_slice %arg7[%dma_start3A_159, %dma_start3A_160] : memref<16x1024xf32, #tpu.memory_space<vmem>> -> memref<1x1024xf32, #tpu.memory_space<vmem>>
      %dma_start3A_162 = arith.constant 0 : i32
      %dma_start3A_163 = tpu.memref_slice %arg6[%squeeze3A_153, %dma_start3A_162] : memref<1032x1024xf32, #tpu.memory_space<vmem_shared>> -> memref<1x1024xf32, #tpu.memory_space<vmem_shared>>
      tpu.enqueue_dma source(%dma_start3A_163 : memref<1x1024xf32, #tpu.memory_space<vmem_shared>>) target(%dma_start3A_161 : memref<1x1024xf32, #tpu.memory_space<vmem>>) target_semaphore(%arg9 : memref<!tpu.dma_semaphore, #tpu.memory_space<semaphore_mem>>)
      %slice3A_164 = vector.extract_strided_slice %get3A_34 {offsets = [11], sizes = [1], strides = [1]} : vector<16xi32> to vector<1xi32>
      %squeeze3A_165 = vector.extract %slice3A_164[0] : i32 from vector<1xi32>
      %dma_start3A_166 = arith.constant 11 : i32
      %dma_start3A_167 = arith.constant 0 : i32
      %dma_start3A_168 = tpu.memref_slice %arg7[%dma_start3A_166, %dma_start3A_167] : memref<16x1024xf32, #tpu.memory_space<vmem>> -> memref<1x1024xf32, #tpu.memory_space<vmem>>
      %dma_start3A_169 = arith.constant 0 : i32
      %dma_start3A_170 = tpu.memref_slice %arg6[%squeeze3A_165, %dma_start3A_169] : memref<1032x1024xf32, #tpu.memory_space<vmem_shared>> -> memref<1x1024xf32, #tpu.memory_space<vmem_shared>>
      %dma_start3A_171 = arith.constant 11 : i32
      %dma_start3A_172 = arith.constant 0 : i32
      %dma_start3A_173 = tpu.memref_slice %arg7[%dma_start3A_171, %dma_start3A_172] : memref<16x1024xf32, #tpu.memory_space<vmem>> -> memref<1x1024xf32, #tpu.memory_space<vmem>>
      %dma_start3A_174 = arith.constant 0 : i32
      %dma_start3A_175 = tpu.memref_slice %arg6[%squeeze3A_165, %dma_start3A_174] : memref<1032x1024xf32, #tpu.memory_space<vmem_shared>> -> memref<1x1024xf32, #tpu.memory_space<vmem_shared>>
      tpu.enqueue_dma source(%dma_start3A_175 : memref<1x1024xf32, #tpu.memory_space<vmem_shared>>) target(%dma_start3A_173 : memref<1x1024xf32, #tpu.memory_space<vmem>>) target_semaphore(%arg9 : memref<!tpu.dma_semaphore, #tpu.memory_space<semaphore_mem>>)
      %slice3A_176 = vector.extract_strided_slice %get3A_34 {offsets = [12], sizes = [1], strides = [1]} : vector<16xi32> to vector<1xi32>
      %squeeze3A_177 = vector.extract %slice3A_176[0] : i32 from vector<1xi32>
      %dma_start3A_178 = arith.constant 12 : i32
      %dma_start3A_179 = arith.constant 0 : i32
      %dma_start3A_180 = tpu.memref_slice %arg7[%dma_start3A_178, %dma_start3A_179] : memref<16x1024xf32, #tpu.memory_space<vmem>> -> memref<1x1024xf32, #tpu.memory_space<vmem>>
      %dma_start3A_181 = arith.constant 0 : i32
      %dma_start3A_182 = tpu.memref_slice %arg6[%squeeze3A_177, %dma_start3A_181] : memref<1032x1024xf32, #tpu.memory_space<vmem_shared>> -> memref<1x1024xf32, #tpu.memory_space<vmem_shared>>
      %dma_start3A_183 = arith.constant 12 : i32
      %dma_start3A_184 = arith.constant 0 : i32
      %dma_start3A_185 = tpu.memref_slice %arg7[%dma_start3A_183, %dma_start3A_184] : memref<16x1024xf32, #tpu.memory_space<vmem>> -> memref<1x1024xf32, #tpu.memory_space<vmem>>
      %dma_start3A_186 = arith.constant 0 : i32
      %dma_start3A_187 = tpu.memref_slice %arg6[%squeeze3A_177, %dma_start3A_186] : memref<1032x1024xf32, #tpu.memory_space<vmem_shared>> -> memref<1x1024xf32, #tpu.memory_space<vmem_shared>>
      tpu.enqueue_dma source(%dma_start3A_187 : memref<1x1024xf32, #tpu.memory_space<vmem_shared>>) target(%dma_start3A_185 : memref<1x1024xf32, #tpu.memory_space<vmem>>) target_semaphore(%arg9 : memref<!tpu.dma_semaphore, #tpu.memory_space<semaphore_mem>>)
      %slice3A_188 = vector.extract_strided_slice %get3A_34 {offsets = [13], sizes = [1], strides = [1]} : vector<16xi32> to vector<1xi32>
      %squeeze3A_189 = vector.extract %slice3A_188[0] : i32 from vector<1xi32>
      %dma_start3A_190 = arith.constant 13 : i32
      %dma_start3A_191 = arith.constant 0 : i32
      %dma_start3A_192 = tpu.memref_slice %arg7[%dma_start3A_190, %dma_start3A_191] : memref<16x1024xf32, #tpu.memory_space<vmem>> -> memref<1x1024xf32, #tpu.memory_space<vmem>>
      %dma_start3A_193 = arith.constant 0 : i32
      %dma_start3A_194 = tpu.memref_slice %arg6[%squeeze3A_189, %dma_start3A_193] : memref<1032x1024xf32, #tpu.memory_space<vmem_shared>> -> memref<1x1024xf32, #tpu.memory_space<vmem_shared>>
      %dma_start3A_195 = arith.constant 13 : i32
      %dma_start3A_196 = arith.constant 0 : i32
      %dma_start3A_197 = tpu.memref_slice %arg7[%dma_start3A_195, %dma_start3A_196] : memref<16x1024xf32, #tpu.memory_space<vmem>> -> memref<1x1024xf32, #tpu.memory_space<vmem>>
      %dma_start3A_198 = arith.constant 0 : i32
      %dma_start3A_199 = tpu.memref_slice %arg6[%squeeze3A_189, %dma_start3A_198] : memref<1032x1024xf32, #tpu.memory_space<vmem_shared>> -> memref<1x1024xf32, #tpu.memory_space<vmem_shared>>
      tpu.enqueue_dma source(%dma_start3A_199 : memref<1x1024xf32, #tpu.memory_space<vmem_shared>>) target(%dma_start3A_197 : memref<1x1024xf32, #tpu.memory_space<vmem>>) target_semaphore(%arg9 : memref<!tpu.dma_semaphore, #tpu.memory_space<semaphore_mem>>)
      %slice3A_200 = vector.extract_strided_slice %get3A_34 {offsets = [14], sizes = [1], strides = [1]} : vector<16xi32> to vector<1xi32>
      %squeeze3A_201 = vector.extract %slice3A_200[0] : i32 from vector<1xi32>
      %dma_start3A_202 = arith.constant 14 : i32
      %dma_start3A_203 = arith.constant 0 : i32
      %dma_start3A_204 = tpu.memref_slice %arg7[%dma_start3A_202, %dma_start3A_203] : memref<16x1024xf32, #tpu.memory_space<vmem>> -> memref<1x1024xf32, #tpu.memory_space<vmem>>
      %dma_start3A_205 = arith.constant 0 : i32
      %dma_start3A_206 = tpu.memref_slice %arg6[%squeeze3A_201, %dma_start3A_205] : memref<1032x1024xf32, #tpu.memory_space<vmem_shared>> -> memref<1x1024xf32, #tpu.memory_space<vmem_shared>>
      %dma_start3A_207 = arith.constant 14 : i32
      %dma_start3A_208 = arith.constant 0 : i32
      %dma_start3A_209 = tpu.memref_slice %arg7[%dma_start3A_207, %dma_start3A_208] : memref<16x1024xf32, #tpu.memory_space<vmem>> -> memref<1x1024xf32, #tpu.memory_space<vmem>>
      %dma_start3A_210 = arith.constant 0 : i32
      %dma_start3A_211 = tpu.memref_slice %arg6[%squeeze3A_201, %dma_start3A_210] : memref<1032x1024xf32, #tpu.memory_space<vmem_shared>> -> memref<1x1024xf32, #tpu.memory_space<vmem_shared>>
      tpu.enqueue_dma source(%dma_start3A_211 : memref<1x1024xf32, #tpu.memory_space<vmem_shared>>) target(%dma_start3A_209 : memref<1x1024xf32, #tpu.memory_space<vmem>>) target_semaphore(%arg9 : memref<!tpu.dma_semaphore, #tpu.memory_space<semaphore_mem>>)
      %slice3A_212 = vector.extract_strided_slice %get3A_34 {offsets = [15], sizes = [1], strides = [1]} : vector<16xi32> to vector<1xi32>
      %squeeze3A_213 = vector.extract %slice3A_212[0] : i32 from vector<1xi32>
      %dma_start3A_214 = arith.constant 15 : i32
      %dma_start3A_215 = arith.constant 0 : i32
      %dma_start3A_216 = tpu.memref_slice %arg7[%dma_start3A_214, %dma_start3A_215] : memref<16x1024xf32, #tpu.memory_space<vmem>> -> memref<1x1024xf32, #tpu.memory_space<vmem>>
      %dma_start3A_217 = arith.constant 0 : i32
      %dma_start3A_218 = tpu.memref_slice %arg6[%squeeze3A_213, %dma_start3A_217] : memref<1032x1024xf32, #tpu.memory_space<vmem_shared>> -> memref<1x1024xf32, #tpu.memory_space<vmem_shared>>
      %dma_start3A_219 = arith.constant 15 : i32
      %dma_start3A_220 = arith.constant 0 : i32
      %dma_start3A_221 = tpu.memref_slice %arg7[%dma_start3A_219, %dma_start3A_220] : memref<16x1024xf32, #tpu.memory_space<vmem>> -> memref<1x1024xf32, #tpu.memory_space<vmem>>
      %dma_start3A_222 = arith.constant 0 : i32
      %dma_start3A_223 = tpu.memref_slice %arg6[%squeeze3A_213, %dma_start3A_222] : memref<1032x1024xf32, #tpu.memory_space<vmem_shared>> -> memref<1x1024xf32, #tpu.memory_space<vmem_shared>>
      tpu.enqueue_dma source(%dma_start3A_223 : memref<1x1024xf32, #tpu.memory_space<vmem_shared>>) target(%dma_start3A_221 : memref<1x1024xf32, #tpu.memory_space<vmem>>) target_semaphore(%arg9 : memref<!tpu.dma_semaphore, #tpu.memory_space<semaphore_mem>>)
      %dma_wait3A_224 = arith.constant 0 : i32
      %dma_wait3A_225 = arith.constant 0 : i32
      %dma_wait3A_226 = tpu.memref_slice %arg2[%dma_wait3A_224, %dma_wait3A_225] : memref<1032x1024xf32, #tpu.memory_space<hbm>> -> memref<16x1024xf32, #tpu.memory_space<hbm>>
      %dma_wait3A_227 = arith.constant 0 : i32
      %dma_wait3A_228 = arith.constant 0 : i32
      %dma_wait3A_229 = tpu.memref_slice %arg2[%dma_wait3A_227, %dma_wait3A_228] : memref<1032x1024xf32, #tpu.memory_space<hbm>> -> memref<16x1024xf32, #tpu.memory_space<hbm>>
      tpu.wait_dma2 semaphore(%arg9 : memref<!tpu.dma_semaphore, #tpu.memory_space<semaphore_mem>>) src(%dma_wait3A_229 : memref<16x1024xf32, #tpu.memory_space<hbm>>) dst(%arg7 : memref<16x1024xf32, #tpu.memory_space<vmem>>)
      %mul3A_230 = arith.constant 16 : i32
      %mul3A_231 = arith.muli %mul3A_27, %mul3A_230 : i32
      %add3A_232 = arith.addi %mul3A_2, %mul3A_231 : i32
      %dma_start3A_233 = arith.constant 0 : i32
      %dma_start3A_234 = tpu.memref_slice %arg4[%add3A_232, %dma_start3A_233] : memref<65536x1024xf32, #tpu.memory_space<hbm>> -> memref<16x1024xf32, #tpu.memory_space<hbm>>
      %dma_start3A_235 = arith.constant 0 : i32
      %dma_start3A_236 = tpu.memref_slice %arg4[%add3A_232, %dma_start3A_235] : memref<65536x1024xf32, #tpu.memory_space<hbm>> -> memref<16x1024xf32, #tpu.memory_space<hbm>>
      tpu.enqueue_dma source(%arg7 : memref<16x1024xf32, #tpu.memory_space<vmem>>) target(%dma_start3A_236 : memref<16x1024xf32, #tpu.memory_space<hbm>>) target_semaphore(%arg11 : memref<!tpu.dma_semaphore, #tpu.memory_space<semaphore_mem>>)
      %gt3A_237 = arith.constant 0 : i32
      %gt3A_238 = arith.cmpi sgt, %scan3A_24, %gt3A_237 : i32
      %convert_element_type3A_239 = arith.extui %gt3A_238 : i1 to i32
      %cond3A_240 = arith.constant 0 : i32
      %cond3A_241 = arith.cmpi ne, %convert_element_type3A_239, %cond3A_240 : i32
      scf.if %cond3A_241 {
        %dma_wait3A_456 = arith.constant 0 : i32
        %dma_wait3A_457 = tpu.memref_slice %arg4[%mul3A_2, %dma_wait3A_456] : memref<65536x1024xf32, #tpu.memory_space<hbm>> -> memref<16x1024xf32, #tpu.memory_space<hbm>>
        %dma_wait3A_458 = arith.constant 0 : i32
        %dma_wait3A_459 = tpu.memref_slice %arg4[%mul3A_2, %dma_wait3A_458] : memref<65536x1024xf32, #tpu.memory_space<hbm>> -> memref<16x1024xf32, #tpu.memory_space<hbm>>
        tpu.wait_dma2 semaphore(%arg12 : memref<!tpu.dma_semaphore, #tpu.memory_space<semaphore_mem>>) src(%arg8 : memref<16x1024xf32, #tpu.memory_space<vmem>>) dst(%dma_wait3A_459 : memref<16x1024xf32, #tpu.memory_space<hbm>>)
      } else {
      }
      %add3A_242 = arith.constant 1 : i32
      %add3A_243 = arith.addi %mul3A_27, %add3A_242 : i32
      %get3A_244 = arith.index_cast %add3A_243 : i32 to index
      %get3A_245 = arith.constant 0 : index
      %get3A_246 = tpu.vector_load %arg5[%get3A_244, %get3A_245] {strides = array<i32>} : memref<128x16xi32, #tpu.memory_space<vmem>>, vector<1x16xi32>,
      %get3A_247 = vector.shape_cast %get3A_246 : vector<1x16xi32> to vector<16xi32>
      %slice3A_248 = vector.extract_strided_slice %get3A_247 {offsets = [0], sizes = [1], strides = [1]} : vector<16xi32> to vector<1xi32>
      %squeeze3A_249 = vector.extract %slice3A_248[0] : i32 from vector<1xi32>
      %dma_start3A_250 = arith.constant 0 : i32
      %dma_start3A_251 = arith.constant 0 : i32
      %dma_start3A_252 = tpu.memref_slice %arg8[%dma_start3A_250, %dma_start3A_251] : memref<16x1024xf32, #tpu.memory_space<vmem>> -> memref<1x1024xf32, #tpu.memory_space<vmem>>
      %dma_start3A_253 = arith.constant 0 : i32
      %dma_start3A_254 = tpu.memref_slice %arg6[%squeeze3A_249, %dma_start3A_253] : memref<1032x1024xf32, #tpu.memory_space<vmem_shared>> -> memref<1x1024xf32, #tpu.memory_space<vmem_shared>>
      %dma_start3A_255 = arith.constant 0 : i32
      %dma_start3A_256 = arith.constant 0 : i32
      %dma_start3A_257 = tpu.memref_slice %arg8[%dma_start3A_255, %dma_start3A_256] : memref<16x1024xf32, #tpu.memory_space<vmem>> -> memref<1x1024xf32, #tpu.memory_space<vmem>>
      %dma_start3A_258 = arith.constant 0 : i32
      %dma_start3A_259 = tpu.memref_slice %arg6[%squeeze3A_249, %dma_start3A_258] : memref<1032x1024xf32, #tpu.memory_space<vmem_shared>> -> memref<1x1024xf32, #tpu.memory_space<vmem_shared>>
      tpu.enqueue_dma source(%dma_start3A_259 : memref<1x1024xf32, #tpu.memory_space<vmem_shared>>) target(%dma_start3A_257 : memref<1x1024xf32, #tpu.memory_space<vmem>>) target_semaphore(%arg10 : memref<!tpu.dma_semaphore, #tpu.memory_space<semaphore_mem>>)
      %slice3A_260 = vector.extract_strided_slice %get3A_247 {offsets = [1], sizes = [1], strides = [1]} : vector<16xi32> to vector<1xi32>
      %squeeze3A_261 = vector.extract %slice3A_260[0] : i32 from vector<1xi32>
      %dma_start3A_262 = arith.constant 1 : i32
      %dma_start3A_263 = arith.constant 0 : i32
      %dma_start3A_264 = tpu.memref_slice %arg8[%dma_start3A_262, %dma_start3A_263] : memref<16x1024xf32, #tpu.memory_space<vmem>> -> memref<1x1024xf32, #tpu.memory_space<vmem>>
      %dma_start3A_265 = arith.constant 0 : i32
      %dma_start3A_266 = tpu.memref_slice %arg6[%squeeze3A_261, %dma_start3A_265] : memref<1032x1024xf32, #tpu.memory_space<vmem_shared>> -> memref<1x1024xf32, #tpu.memory_space<vmem_shared>>
      %dma_start3A_267 = arith.constant 1 : i32
      %dma_start3A_268 = arith.constant 0 : i32
      %dma_start3A_269 = tpu.memref_slice %arg8[%dma_start3A_267, %dma_start3A_268] : memref<16x1024xf32, #tpu.memory_space<vmem>> -> memref<1x1024xf32, #tpu.memory_space<vmem>>
      %dma_start3A_270 = arith.constant 0 : i32
      %dma_start3A_271 = tpu.memref_slice %arg6[%squeeze3A_261, %dma_start3A_270] : memref<1032x1024xf32, #tpu.memory_space<vmem_shared>> -> memref<1x1024xf32, #tpu.memory_space<vmem_shared>>
      tpu.enqueue_dma source(%dma_start3A_271 : memref<1x1024xf32, #tpu.memory_space<vmem_shared>>) target(%dma_start3A_269 : memref<1x1024xf32, #tpu.memory_space<vmem>>) target_semaphore(%arg10 : memref<!tpu.dma_semaphore, #tpu.memory_space<semaphore_mem>>)
      %slice3A_272 = vector.extract_strided_slice %get3A_247 {offsets = [2], sizes = [1], strides = [1]} : vector<16xi32> to vector<1xi32>
      %squeeze3A_273 = vector.extract %slice3A_272[0] : i32 from vector<1xi32>
      %dma_start3A_274 = arith.constant 2 : i32
      %dma_start3A_275 = arith.constant 0 : i32
      %dma_start3A_276 = tpu.memref_slice %arg8[%dma_start3A_274, %dma_start3A_275] : memref<16x1024xf32, #tpu.memory_space<vmem>> -> memref<1x1024xf32, #tpu.memory_space<vmem>>
      %dma_start3A_277 = arith.constant 0 : i32
      %dma_start3A_278 = tpu.memref_slice %arg6[%squeeze3A_273, %dma_start3A_277] : memref<1032x1024xf32, #tpu.memory_space<vmem_shared>> -> memref<1x1024xf32, #tpu.memory_space<vmem_shared>>
      %dma_start3A_279 = arith.constant 2 : i32
      %dma_start3A_280 = arith.constant 0 : i32
      %dma_start3A_281 = tpu.memref_slice %arg8[%dma_start3A_279, %dma_start3A_280] : memref<16x1024xf32, #tpu.memory_space<vmem>> -> memref<1x1024xf32, #tpu.memory_space<vmem>>
      %dma_start3A_282 = arith.constant 0 : i32
      %dma_start3A_283 = tpu.memref_slice %arg6[%squeeze3A_273, %dma_start3A_282] : memref<1032x1024xf32, #tpu.memory_space<vmem_shared>> -> memref<1x1024xf32, #tpu.memory_space<vmem_shared>>
      tpu.enqueue_dma source(%dma_start3A_283 : memref<1x1024xf32, #tpu.memory_space<vmem_shared>>) target(%dma_start3A_281 : memref<1x1024xf32, #tpu.memory_space<vmem>>) target_semaphore(%arg10 : memref<!tpu.dma_semaphore, #tpu.memory_space<semaphore_mem>>)
      %slice3A_284 = vector.extract_strided_slice %get3A_247 {offsets = [3], sizes = [1], strides = [1]} : vector<16xi32> to vector<1xi32>
      %squeeze3A_285 = vector.extract %slice3A_284[0] : i32 from vector<1xi32>
      %dma_start3A_286 = arith.constant 3 : i32
      %dma_start3A_287 = arith.constant 0 : i32
      %dma_start3A_288 = tpu.memref_slice %arg8[%dma_start3A_286, %dma_start3A_287] : memref<16x1024xf32, #tpu.memory_space<vmem>> -> memref<1x1024xf32, #tpu.memory_space<vmem>>
      %dma_start3A_289 = arith.constant 0 : i32
      %dma_start3A_290 = tpu.memref_slice %arg6[%squeeze3A_285, %dma_start3A_289] : memref<1032x1024xf32, #tpu.memory_space<vmem_shared>> -> memref<1x1024xf32, #tpu.memory_space<vmem_shared>>
      %dma_start3A_291 = arith.constant 3 : i32
      %dma_start3A_292 = arith.constant 0 : i32
      %dma_start3A_293 = tpu.memref_slice %arg8[%dma_start3A_291, %dma_start3A_292] : memref<16x1024xf32, #tpu.memory_space<vmem>> -> memref<1x1024xf32, #tpu.memory_space<vmem>>
      %dma_start3A_294 = arith.constant 0 : i32
      %dma_start3A_295 = tpu.memref_slice %arg6[%squeeze3A_285, %dma_start3A_294] : memref<1032x1024xf32, #tpu.memory_space<vmem_shared>> -> memref<1x1024xf32, #tpu.memory_space<vmem_shared>>
      tpu.enqueue_dma source(%dma_start3A_295 : memref<1x1024xf32, #tpu.memory_space<vmem_shared>>) target(%dma_start3A_293 : memref<1x1024xf32, #tpu.memory_space<vmem>>) target_semaphore(%arg10 : memref<!tpu.dma_semaphore, #tpu.memory_space<semaphore_mem>>)
      %slice3A_296 = vector.extract_strided_slice %get3A_247 {offsets = [4], sizes = [1], strides = [1]} : vector<16xi32> to vector<1xi32>
      %squeeze3A_297 = vector.extract %slice3A_296[0] : i32 from vector<1xi32>
      %dma_start3A_298 = arith.constant 4 : i32
      %dma_start3A_299 = arith.constant 0 : i32
      %dma_start3A_300 = tpu.memref_slice %arg8[%dma_start3A_298, %dma_start3A_299] : memref<16x1024xf32, #tpu.memory_space<vmem>> -> memref<1x1024xf32, #tpu.memory_space<vmem>>
      %dma_start3A_301 = arith.constant 0 : i32
      %dma_start3A_302 = tpu.memref_slice %arg6[%squeeze3A_297, %dma_start3A_301] : memref<1032x1024xf32, #tpu.memory_space<vmem_shared>> -> memref<1x1024xf32, #tpu.memory_space<vmem_shared>>
      %dma_start3A_303 = arith.constant 4 : i32
      %dma_start3A_304 = arith.constant 0 : i32
      %dma_start3A_305 = tpu.memref_slice %arg8[%dma_start3A_303, %dma_start3A_304] : memref<16x1024xf32, #tpu.memory_space<vmem>> -> memref<1x1024xf32, #tpu.memory_space<vmem>>
      %dma_start3A_306 = arith.constant 0 : i32
      %dma_start3A_307 = tpu.memref_slice %arg6[%squeeze3A_297, %dma_start3A_306] : memref<1032x1024xf32, #tpu.memory_space<vmem_shared>> -> memref<1x1024xf32, #tpu.memory_space<vmem_shared>>
      tpu.enqueue_dma source(%dma_start3A_307 : memref<1x1024xf32, #tpu.memory_space<vmem_shared>>) target(%dma_start3A_305 : memref<1x1024xf32, #tpu.memory_space<vmem>>) target_semaphore(%arg10 : memref<!tpu.dma_semaphore, #tpu.memory_space<semaphore_mem>>)
      %slice3A_308 = vector.extract_strided_slice %get3A_247 {offsets = [5], sizes = [1], strides = [1]} : vector<16xi32> to vector<1xi32>
      %squeeze3A_309 = vector.extract %slice3A_308[0] : i32 from vector<1xi32>
      %dma_start3A_310 = arith.constant 5 : i32
      %dma_start3A_311 = arith.constant 0 : i32
      %dma_start3A_312 = tpu.memref_slice %arg8[%dma_start3A_310, %dma_start3A_311] : memref<16x1024xf32, #tpu.memory_space<vmem>> -> memref<1x1024xf32, #tpu.memory_space<vmem>>
      %dma_start3A_313 = arith.constant 0 : i32
      %dma_start3A_314 = tpu.memref_slice %arg6[%squeeze3A_309, %dma_start3A_313] : memref<1032x1024xf32, #tpu.memory_space<vmem_shared>> -> memref<1x1024xf32, #tpu.memory_space<vmem_shared>>
      %dma_start3A_315 = arith.constant 5 : i32
      %dma_start3A_316 = arith.constant 0 : i32
      %dma_start3A_317 = tpu.memref_slice %arg8[%dma_start3A_315, %dma_start3A_316] : memref<16x1024xf32, #tpu.memory_space<vmem>> -> memref<1x1024xf32, #tpu.memory_space<vmem>>
      %dma_start3A_318 = arith.constant 0 : i32
      %dma_start3A_319 = tpu.memref_slice %arg6[%squeeze3A_309, %dma_start3A_318] : memref<1032x1024xf32, #tpu.memory_space<vmem_shared>> -> memref<1x1024xf32, #tpu.memory_space<vmem_shared>>
      tpu.enqueue_dma source(%dma_start3A_319 : memref<1x1024xf32, #tpu.memory_space<vmem_shared>>) target(%dma_start3A_317 : memref<1x1024xf32, #tpu.memory_space<vmem>>) target_semaphore(%arg10 : memref<!tpu.dma_semaphore, #tpu.memory_space<semaphore_mem>>)
      %slice3A_320 = vector.extract_strided_slice %get3A_247 {offsets = [6], sizes = [1], strides = [1]} : vector<16xi32> to vector<1xi32>
      %squeeze3A_321 = vector.extract %slice3A_320[0] : i32 from vector<1xi32>
      %dma_start3A_322 = arith.constant 6 : i32
      %dma_start3A_323 = arith.constant 0 : i32
      %dma_start3A_324 = tpu.memref_slice %arg8[%dma_start3A_322, %dma_start3A_323] : memref<16x1024xf32, #tpu.memory_space<vmem>> -> memref<1x1024xf32, #tpu.memory_space<vmem>>
      %dma_start3A_325 = arith.constant 0 : i32
      %dma_start3A_326 = tpu.memref_slice %arg6[%squeeze3A_321, %dma_start3A_325] : memref<1032x1024xf32, #tpu.memory_space<vmem_shared>> -> memref<1x1024xf32, #tpu.memory_space<vmem_shared>>
      %dma_start3A_327 = arith.constant 6 : i32
      %dma_start3A_328 = arith.constant 0 : i32
      %dma_start3A_329 = tpu.memref_slice %arg8[%dma_start3A_327, %dma_start3A_328] : memref<16x1024xf32, #tpu.memory_space<vmem>> -> memref<1x1024xf32, #tpu.memory_space<vmem>>
      %dma_start3A_330 = arith.constant 0 : i32
      %dma_start3A_331 = tpu.memref_slice %arg6[%squeeze3A_321, %dma_start3A_330] : memref<1032x1024xf32, #tpu.memory_space<vmem_shared>> -> memref<1x1024xf32, #tpu.memory_space<vmem_shared>>
      tpu.enqueue_dma source(%dma_start3A_331 : memref<1x1024xf32, #tpu.memory_space<vmem_shared>>) target(%dma_start3A_329 : memref<1x1024xf32, #tpu.memory_space<vmem>>) target_semaphore(%arg10 : memref<!tpu.dma_semaphore, #tpu.memory_space<semaphore_mem>>)
      %slice3A_332 = vector.extract_strided_slice %get3A_247 {offsets = [7], sizes = [1], strides = [1]} : vector<16xi32> to vector<1xi32>
      %squeeze3A_333 = vector.extract %slice3A_332[0] : i32 from vector<1xi32>
      %dma_start3A_334 = arith.constant 7 : i32
      %dma_start3A_335 = arith.constant 0 : i32
      %dma_start3A_336 = tpu.memref_slice %arg8[%dma_start3A_334, %dma_start3A_335] : memref<16x1024xf32, #tpu.memory_space<vmem>> -> memref<1x1024xf32, #tpu.memory_space<vmem>>
      %dma_start3A_337 = arith.constant 0 : i32
      %dma_start3A_338 = tpu.memref_slice %arg6[%squeeze3A_333, %dma_start3A_337] : memref<1032x1024xf32, #tpu.memory_space<vmem_shared>> -> memref<1x1024xf32, #tpu.memory_space<vmem_shared>>
      %dma_start3A_339 = arith.constant 7 : i32
      %dma_start3A_340 = arith.constant 0 : i32
      %dma_start3A_341 = tpu.memref_slice %arg8[%dma_start3A_339, %dma_start3A_340] : memref<16x1024xf32, #tpu.memory_space<vmem>> -> memref<1x1024xf32, #tpu.memory_space<vmem>>
      %dma_start3A_342 = arith.constant 0 : i32
      %dma_start3A_343 = tpu.memref_slice %arg6[%squeeze3A_333, %dma_start3A_342] : memref<1032x1024xf32, #tpu.memory_space<vmem_shared>> -> memref<1x1024xf32, #tpu.memory_space<vmem_shared>>
      tpu.enqueue_dma source(%dma_start3A_343 : memref<1x1024xf32, #tpu.memory_space<vmem_shared>>) target(%dma_start3A_341 : memref<1x1024xf32, #tpu.memory_space<vmem>>) target_semaphore(%arg10 : memref<!tpu.dma_semaphore, #tpu.memory_space<semaphore_mem>>)
      %slice3A_344 = vector.extract_strided_slice %get3A_247 {offsets = [8], sizes = [1], strides = [1]} : vector<16xi32> to vector<1xi32>
      %squeeze3A_345 = vector.extract %slice3A_344[0] : i32 from vector<1xi32>
      %dma_start3A_346 = arith.constant 8 : i32
      %dma_start3A_347 = arith.constant 0 : i32
      %dma_start3A_348 = tpu.memref_slice %arg8[%dma_start3A_346, %dma_start3A_347] : memref<16x1024xf32, #tpu.memory_space<vmem>> -> memref<1x1024xf32, #tpu.memory_space<vmem>>
      %dma_start3A_349 = arith.constant 0 : i32
      %dma_start3A_350 = tpu.memref_slice %arg6[%squeeze3A_345, %dma_start3A_349] : memref<1032x1024xf32, #tpu.memory_space<vmem_shared>> -> memref<1x1024xf32, #tpu.memory_space<vmem_shared>>
      %dma_start3A_351 = arith.constant 8 : i32
      %dma_start3A_352 = arith.constant 0 : i32
      %dma_start3A_353 = tpu.memref_slice %arg8[%dma_start3A_351, %dma_start3A_352] : memref<16x1024xf32, #tpu.memory_space<vmem>> -> memref<1x1024xf32, #tpu.memory_space<vmem>>
      %dma_start3A_354 = arith.constant 0 : i32
      %dma_start3A_355 = tpu.memref_slice %arg6[%squeeze3A_345, %dma_start3A_354] : memref<1032x1024xf32, #tpu.memory_space<vmem_shared>> -> memref<1x1024xf32, #tpu.memory_space<vmem_shared>>
      tpu.enqueue_dma source(%dma_start3A_355 : memref<1x1024xf32, #tpu.memory_space<vmem_shared>>) target(%dma_start3A_353 : memref<1x1024xf32, #tpu.memory_space<vmem>>) target_semaphore(%arg10 : memref<!tpu.dma_semaphore, #tpu.memory_space<semaphore_mem>>)
      %slice3A_356 = vector.extract_strided_slice %get3A_247 {offsets = [9], sizes = [1], strides = [1]} : vector<16xi32> to vector<1xi32>
      %squeeze3A_357 = vector.extract %slice3A_356[0] : i32 from vector<1xi32>
      %dma_start3A_358 = arith.constant 9 : i32
      %dma_start3A_359 = arith.constant 0 : i32
      %dma_start3A_360 = tpu.memref_slice %arg8[%dma_start3A_358, %dma_start3A_359] : memref<16x1024xf32, #tpu.memory_space<vmem>> -> memref<1x1024xf32, #tpu.memory_space<vmem>>
      %dma_start3A_361 = arith.constant 0 : i32
      %dma_start3A_362 = tpu.memref_slice %arg6[%squeeze3A_357, %dma_start3A_361] : memref<1032x1024xf32, #tpu.memory_space<vmem_shared>> -> memref<1x1024xf32, #tpu.memory_space<vmem_shared>>
      %dma_start3A_363 = arith.constant 9 : i32
      %dma_start3A_364 = arith.constant 0 : i32
      %dma_start3A_365 = tpu.memref_slice %arg8[%dma_start3A_363, %dma_start3A_364] : memref<16x1024xf32, #tpu.memory_space<vmem>> -> memref<1x1024xf32, #tpu.memory_space<vmem>>
      %dma_start3A_366 = arith.constant 0 : i32
      %dma_start3A_367 = tpu.memref_slice %arg6[%squeeze3A_357, %dma_start3A_366] : memref<1032x1024xf32, #tpu.memory_space<vmem_shared>> -> memref<1x1024xf32, #tpu.memory_space<vmem_shared>>
      tpu.enqueue_dma source(%dma_start3A_367 : memref<1x1024xf32, #tpu.memory_space<vmem_shared>>) target(%dma_start3A_365 : memref<1x1024xf32, #tpu.memory_space<vmem>>) target_semaphore(%arg10 : memref<!tpu.dma_semaphore, #tpu.memory_space<semaphore_mem>>)
      %slice3A_368 = vector.extract_strided_slice %get3A_247 {offsets = [10], sizes = [1], strides = [1]} : vector<16xi32> to vector<1xi32>
      %squeeze3A_369 = vector.extract %slice3A_368[0] : i32 from vector<1xi32>
      %dma_start3A_370 = arith.constant 10 : i32
      %dma_start3A_371 = arith.constant 0 : i32
      %dma_start3A_372 = tpu.memref_slice %arg8[%dma_start3A_370, %dma_start3A_371] : memref<16x1024xf32, #tpu.memory_space<vmem>> -> memref<1x1024xf32, #tpu.memory_space<vmem>>
      %dma_start3A_373 = arith.constant 0 : i32
      %dma_start3A_374 = tpu.memref_slice %arg6[%squeeze3A_369, %dma_start3A_373] : memref<1032x1024xf32, #tpu.memory_space<vmem_shared>> -> memref<1x1024xf32, #tpu.memory_space<vmem_shared>>
      %dma_start3A_375 = arith.constant 10 : i32
      %dma_start3A_376 = arith.constant 0 : i32
      %dma_start3A_377 = tpu.memref_slice %arg8[%dma_start3A_375, %dma_start3A_376] : memref<16x1024xf32, #tpu.memory_space<vmem>> -> memref<1x1024xf32, #tpu.memory_space<vmem>>
      %dma_start3A_378 = arith.constant 0 : i32
      %dma_start3A_379 = tpu.memref_slice %arg6[%squeeze3A_369, %dma_start3A_378] : memref<1032x1024xf32, #tpu.memory_space<vmem_shared>> -> memref<1x1024xf32, #tpu.memory_space<vmem_shared>>
      tpu.enqueue_dma source(%dma_start3A_379 : memref<1x1024xf32, #tpu.memory_space<vmem_shared>>) target(%dma_start3A_377 : memref<1x1024xf32, #tpu.memory_space<vmem>>) target_semaphore(%arg10 : memref<!tpu.dma_semaphore, #tpu.memory_space<semaphore_mem>>)
      %slice3A_380 = vector.extract_strided_slice %get3A_247 {offsets = [11], sizes = [1], strides = [1]} : vector<16xi32> to vector<1xi32>
      %squeeze3A_381 = vector.extract %slice3A_380[0] : i32 from vector<1xi32>
      %dma_start3A_382 = arith.constant 11 : i32
      %dma_start3A_383 = arith.constant 0 : i32
      %dma_start3A_384 = tpu.memref_slice %arg8[%dma_start3A_382, %dma_start3A_383] : memref<16x1024xf32, #tpu.memory_space<vmem>> -> memref<1x1024xf32, #tpu.memory_space<vmem>>
      %dma_start3A_385 = arith.constant 0 : i32
      %dma_start3A_386 = tpu.memref_slice %arg6[%squeeze3A_381, %dma_start3A_385] : memref<1032x1024xf32, #tpu.memory_space<vmem_shared>> -> memref<1x1024xf32, #tpu.memory_space<vmem_shared>>
      %dma_start3A_387 = arith.constant 11 : i32
      %dma_start3A_388 = arith.constant 0 : i32
      %dma_start3A_389 = tpu.memref_slice %arg8[%dma_start3A_387, %dma_start3A_388] : memref<16x1024xf32, #tpu.memory_space<vmem>> -> memref<1x1024xf32, #tpu.memory_space<vmem>>
      %dma_start3A_390 = arith.constant 0 : i32
      %dma_start3A_391 = tpu.memref_slice %arg6[%squeeze3A_381, %dma_start3A_390] : memref<1032x1024xf32, #tpu.memory_space<vmem_shared>> -> memref<1x1024xf32, #tpu.memory_space<vmem_shared>>
      tpu.enqueue_dma source(%dma_start3A_391 : memref<1x1024xf32, #tpu.memory_space<vmem_shared>>) target(%dma_start3A_389 : memref<1x1024xf32, #tpu.memory_space<vmem>>) target_semaphore(%arg10 : memref<!tpu.dma_semaphore, #tpu.memory_space<semaphore_mem>>)
      %slice3A_392 = vector.extract_strided_slice %get3A_247 {offsets = [12], sizes = [1], strides = [1]} : vector<16xi32> to vector<1xi32>
      %squeeze3A_393 = vector.extract %slice3A_392[0] : i32 from vector<1xi32>
      %dma_start3A_394 = arith.constant 12 : i32
      %dma_start3A_395 = arith.constant 0 : i32
      %dma_start3A_396 = tpu.memref_slice %arg8[%dma_start3A_394, %dma_start3A_395] : memref<16x1024xf32, #tpu.memory_space<vmem>> -> memref<1x1024xf32, #tpu.memory_space<vmem>>
      %dma_start3A_397 = arith.constant 0 : i32
      %dma_start3A_398 = tpu.memref_slice %arg6[%squeeze3A_393, %dma_start3A_397] : memref<1032x1024xf32, #tpu.memory_space<vmem_shared>> -> memref<1x1024xf32, #tpu.memory_space<vmem_shared>>
      %dma_start3A_399 = arith.constant 12 : i32
      %dma_start3A_400 = arith.constant 0 : i32
      %dma_start3A_401 = tpu.memref_slice %arg8[%dma_start3A_399, %dma_start3A_400] : memref<16x1024xf32, #tpu.memory_space<vmem>> -> memref<1x1024xf32, #tpu.memory_space<vmem>>
      %dma_start3A_402 = arith.constant 0 : i32
      %dma_start3A_403 = tpu.memref_slice %arg6[%squeeze3A_393, %dma_start3A_402] : memref<1032x1024xf32, #tpu.memory_space<vmem_shared>> -> memref<1x1024xf32, #tpu.memory_space<vmem_shared>>
      tpu.enqueue_dma source(%dma_start3A_403 : memref<1x1024xf32, #tpu.memory_space<vmem_shared>>) target(%dma_start3A_401 : memref<1x1024xf32, #tpu.memory_space<vmem>>) target_semaphore(%arg10 : memref<!tpu.dma_semaphore, #tpu.memory_space<semaphore_mem>>)
      %slice3A_404 = vector.extract_strided_slice %get3A_247 {offsets = [13], sizes = [1], strides = [1]} : vector<16xi32> to vector<1xi32>
      %squeeze3A_405 = vector.extract %slice3A_404[0] : i32 from vector<1xi32>
      %dma_start3A_406 = arith.constant 13 : i32
      %dma_start3A_407 = arith.constant 0 : i32
      %dma_start3A_408 = tpu.memref_slice %arg8[%dma_start3A_406, %dma_start3A_407] : memref<16x1024xf32, #tpu.memory_space<vmem>> -> memref<1x1024xf32, #tpu.memory_space<vmem>>
      %dma_start3A_409 = arith.constant 0 : i32
      %dma_start3A_410 = tpu.memref_slice %arg6[%squeeze3A_405, %dma_start3A_409] : memref<1032x1024xf32, #tpu.memory_space<vmem_shared>> -> memref<1x1024xf32, #tpu.memory_space<vmem_shared>>
      %dma_start3A_411 = arith.constant 13 : i32
      %dma_start3A_412 = arith.constant 0 : i32
      %dma_start3A_413 = tpu.memref_slice %arg8[%dma_start3A_411, %dma_start3A_412] : memref<16x1024xf32, #tpu.memory_space<vmem>> -> memref<1x1024xf32, #tpu.memory_space<vmem>>
      %dma_start3A_414 = arith.constant 0 : i32
      %dma_start3A_415 = tpu.memref_slice %arg6[%squeeze3A_405, %dma_start3A_414] : memref<1032x1024xf32, #tpu.memory_space<vmem_shared>> -> memref<1x1024xf32, #tpu.memory_space<vmem_shared>>
      tpu.enqueue_dma source(%dma_start3A_415 : memref<1x1024xf32, #tpu.memory_space<vmem_shared>>) target(%dma_start3A_413 : memref<1x1024xf32, #tpu.memory_space<vmem>>) target_semaphore(%arg10 : memref<!tpu.dma_semaphore, #tpu.memory_space<semaphore_mem>>)
      %slice3A_416 = vector.extract_strided_slice %get3A_247 {offsets = [14], sizes = [1], strides = [1]} : vector<16xi32> to vector<1xi32>
      %squeeze3A_417 = vector.extract %slice3A_416[0] : i32 from vector<1xi32>
      %dma_start3A_418 = arith.constant 14 : i32
      %dma_start3A_419 = arith.constant 0 : i32
      %dma_start3A_420 = tpu.memref_slice %arg8[%dma_start3A_418, %dma_start3A_419] : memref<16x1024xf32, #tpu.memory_space<vmem>> -> memref<1x1024xf32, #tpu.memory_space<vmem>>
      %dma_start3A_421 = arith.constant 0 : i32
      %dma_start3A_422 = tpu.memref_slice %arg6[%squeeze3A_417, %dma_start3A_421] : memref<1032x1024xf32, #tpu.memory_space<vmem_shared>> -> memref<1x1024xf32, #tpu.memory_space<vmem_shared>>
      %dma_start3A_423 = arith.constant 14 : i32
      %dma_start3A_424 = arith.constant 0 : i32
      %dma_start3A_425 = tpu.memref_slice %arg8[%dma_start3A_423, %dma_start3A_424] : memref<16x1024xf32, #tpu.memory_space<vmem>> -> memref<1x1024xf32, #tpu.memory_space<vmem>>
      %dma_start3A_426 = arith.constant 0 : i32
      %dma_start3A_427 = tpu.memref_slice %arg6[%squeeze3A_417, %dma_start3A_426] : memref<1032x1024xf32, #tpu.memory_space<vmem_shared>> -> memref<1x1024xf32, #tpu.memory_space<vmem_shared>>
      tpu.enqueue_dma source(%dma_start3A_427 : memref<1x1024xf32, #tpu.memory_space<vmem_shared>>) target(%dma_start3A_425 : memref<1x1024xf32, #tpu.memory_space<vmem>>) target_semaphore(%arg10 : memref<!tpu.dma_semaphore, #tpu.memory_space<semaphore_mem>>)
      %slice3A_428 = vector.extract_strided_slice %get3A_247 {offsets = [15], sizes = [1], strides = [1]} : vector<16xi32> to vector<1xi32>
      %squeeze3A_429 = vector.extract %slice3A_428[0] : i32 from vector<1xi32>
      %dma_start3A_430 = arith.constant 15 : i32
      %dma_start3A_431 = arith.constant 0 : i32
      %dma_start3A_432 = tpu.memref_slice %arg8[%dma_start3A_430, %dma_start3A_431] : memref<16x1024xf32, #tpu.memory_space<vmem>> -> memref<1x1024xf32, #tpu.memory_space<vmem>>
      %dma_start3A_433 = arith.constant 0 : i32
      %dma_start3A_434 = tpu.memref_slice %arg6[%squeeze3A_429, %dma_start3A_433] : memref<1032x1024xf32, #tpu.memory_space<vmem_shared>> -> memref<1x1024xf32, #tpu.memory_space<vmem_shared>>
      %dma_start3A_435 = arith.constant 15 : i32
      %dma_start3A_436 = arith.constant 0 : i32
      %dma_start3A_437 = tpu.memref_slice %arg8[%dma_start3A_435, %dma_start3A_436] : memref<16x1024xf32, #tpu.memory_space<vmem>> -> memref<1x1024xf32, #tpu.memory_space<vmem>>
      %dma_start3A_438 = arith.constant 0 : i32
      %dma_start3A_439 = tpu.memref_slice %arg6[%squeeze3A_429, %dma_start3A_438] : memref<1032x1024xf32, #tpu.memory_space<vmem_shared>> -> memref<1x1024xf32, #tpu.memory_space<vmem_shared>>
      tpu.enqueue_dma source(%dma_start3A_439 : memref<1x1024xf32, #tpu.memory_space<vmem_shared>>) target(%dma_start3A_437 : memref<1x1024xf32, #tpu.memory_space<vmem>>) target_semaphore(%arg10 : memref<!tpu.dma_semaphore, #tpu.memory_space<semaphore_mem>>)
      %dma_wait3A_440 = arith.constant 0 : i32
      %dma_wait3A_441 = arith.constant 0 : i32
      %dma_wait3A_442 = tpu.memref_slice %arg2[%dma_wait3A_440, %dma_wait3A_441] : memref<1032x1024xf32, #tpu.memory_space<hbm>> -> memref<16x1024xf32, #tpu.memory_space<hbm>>
      %dma_wait3A_443 = arith.constant 0 : i32
      %dma_wait3A_444 = arith.constant 0 : i32
      %dma_wait3A_445 = tpu.memref_slice %arg2[%dma_wait3A_443, %dma_wait3A_444] : memref<1032x1024xf32, #tpu.memory_space<hbm>> -> memref<16x1024xf32, #tpu.memory_space<hbm>>
      tpu.wait_dma2 semaphore(%arg10 : memref<!tpu.dma_semaphore, #tpu.memory_space<semaphore_mem>>) src(%dma_wait3A_445 : memref<16x1024xf32, #tpu.memory_space<hbm>>) dst(%arg8 : memref<16x1024xf32, #tpu.memory_space<vmem>>)
      %add3A_446 = arith.constant 1 : i32
      %add3A_447 = arith.addi %mul3A_27, %add3A_446 : i32
      %mul3A_448 = arith.constant 16 : i32
      %mul3A_449 = arith.muli %add3A_447, %mul3A_448 : i32
      %add3A_450 = arith.addi %mul3A_2, %mul3A_449 : i32
      %dma_start3A_451 = arith.constant 0 : i32
      %dma_start3A_452 = tpu.memref_slice %arg4[%add3A_450, %dma_start3A_451] : memref<65536x1024xf32, #tpu.memory_space<hbm>> -> memref<16x1024xf32, #tpu.memory_space<hbm>>
      %dma_start3A_453 = arith.constant 0 : i32
      %dma_start3A_454 = tpu.memref_slice %arg4[%add3A_450, %dma_start3A_453] : memref<65536x1024xf32, #tpu.memory_space<hbm>> -> memref<16x1024xf32, #tpu.memory_space<hbm>>
      tpu.enqueue_dma source(%arg8 : memref<16x1024xf32, #tpu.memory_space<vmem>>) target(%dma_start3A_454 : memref<16x1024xf32, #tpu.memory_space<hbm>>) target_semaphore(%arg12 : memref<!tpu.dma_semaphore, #tpu.memory_space<semaphore_mem>>)
      %scan3A_455 = arith.constant 0 : i32
      scf.yield %scan3A_455 : i32
    }
    %scan3A_16 = arith.constant 64 : i32
    %dma_wait3A = arith.constant 0 : i32
    %dma_wait3A_17 = tpu.memref_slice %arg4[%mul3A_2, %dma_wait3A] : memref<65536x1024xf32, #tpu.memory_space<hbm>> -> memref<16x1024xf32, #tpu.memory_space<hbm>>
    %dma_wait3A_18 = arith.constant 0 : i32
    %dma_wait3A_19 = tpu.memref_slice %arg4[%mul3A_2, %dma_wait3A_18] : memref<65536x1024xf32, #tpu.memory_space<hbm>> -> memref<16x1024xf32, #tpu.memory_space<hbm>>
    tpu.wait_dma2 semaphore(%arg11 : memref<!tpu.dma_semaphore, #tpu.memory_space<semaphore_mem>>) src(%arg7 : memref<16x1024xf32, #tpu.memory_space<vmem>>) dst(%dma_wait3A_19 : memref<16x1024xf32, #tpu.memory_space<hbm>>)
    %dma_wait3A_20 = arith.constant 0 : i32
    %dma_wait3A_21 = tpu.memref_slice %arg4[%mul3A_2, %dma_wait3A_20] : memref<65536x1024xf32, #tpu.memory_space<hbm>> -> memref<16x1024xf32, #tpu.memory_space<hbm>>
    %dma_wait3A_22 = arith.constant 0 : i32
    %dma_wait3A_23 = tpu.memref_slice %arg4[%mul3A_2, %dma_wait3A_22] : memref<65536x1024xf32, #tpu.memory_space<hbm>> -> memref<16x1024xf32, #tpu.memory_space<hbm>>
    tpu.wait_dma2 semaphore(%arg12 : memref<!tpu.dma_semaphore, #tpu.memory_space<semaphore_mem>>) src(%arg8 : memref<16x1024xf32, #tpu.memory_space<vmem>>) dst(%dma_wait3A_23 : memref<16x1024xf32, #tpu.memory_space<hbm>>)
    return
  }
}

module attributes {stable_mosaic.version = 14 : i64} {
  func.func @_mask_body(%arg0: memref<64x1xi32, #tpu.memory_space<vmem>>, %arg1: memref<64x1024xf32, #tpu.memory_space<vmem>>, %arg2: memref<64x1024xi32, #tpu.memory_space<vmem>>, %arg3: memref<64x1024xi32, #tpu.memory_space<vmem>>) attributes {dimension_semantics = [], scalar_prefetch = 0 : i64, scratch_operands = 0 : i64, tpu.core_type = #tpu.core_type<tc>} {
    %get3A = arith.constant 0 : index
    %get3A_0 = arith.constant 0 : index
    %get3A_1 = vector.load %arg1[%get3A, %get3A_0] : memref<64x1024xf32, #tpu.memory_space<vmem>>, vector<64x1024xf32>
    %bitcast_convert_type3A = tpu.bitcast %get3A_1 : vector<64x1024xf32> -> vector<64x1024xi32>
    %get3A_2 = arith.constant 0 : index
    %get3A_3 = arith.constant 0 : index
    %get3A_4 = vector.load %arg0[%get3A_2, %get3A_3] : memref<64x1xi32, #tpu.memory_space<vmem>>, vector<64x1xi32>
    %broadcast_in_dim3A = arith.constant 0 : i32
    %broadcast_in_dim3A_5 = vector.broadcast %broadcast_in_dim3A : i32 to vector<64x1xi32>
    %broadcast_in_dim3A_6 = arith.constant 2147483647 : i32
    %broadcast_in_dim3A_7 = vector.broadcast %broadcast_in_dim3A_6 : i32 to vector<64x1xi32>
    %sub3A = arith.subi %broadcast_in_dim3A_7, %broadcast_in_dim3A_5 : vector<64x1xi32>
    %shift_right_arithmetic3A = arith.constant 1 : i32
    %shift_right_arithmetic3A_8 = vector.broadcast %shift_right_arithmetic3A : i32 to vector<64x1xi32>
    %shift_right_arithmetic3A_9 = arith.shrsi %sub3A, %shift_right_arithmetic3A_8 : vector<64x1xi32>
    %add3A = arith.addi %broadcast_in_dim3A_5, %shift_right_arithmetic3A_9 : vector<64x1xi32>
    %le3A = vector.broadcast %add3A : vector<64x1xi32> to vector<64x1024xi32>
    %le3A_10 = arith.cmpi sle, %bitcast_convert_type3A, %le3A : vector<64x1024xi32>
    %convert_element_type3A = arith.extui %le3A_10 : vector<64x1024xi1> to vector<64x1024xi32>
    %reduce_sum3A = arith.constant dense<0> : vector<64xi32>
    %reduce_sum3A_11 = vector.multi_reduction <add>, %convert_element_type3A, %reduce_sum3A [1] : vector<64x1024xi32> to vector<64xi32>
    %broadcast_in_dim3A_12 = vector.shape_cast %reduce_sum3A_11 : vector<64xi32> to vector<64x1xi32>
    %ge3A = arith.cmpi sge, %broadcast_in_dim3A_12, %get3A_4 : vector<64x1xi32>
    %select_n3A = arith.select %ge3A, %add3A, %broadcast_in_dim3A_7 : vector<64x1xi1>, vector<64x1xi32>
    %add3A_13 = arith.constant 1 : i32
    %add3A_14 = vector.broadcast %add3A_13 : i32 to vector<64x1xi32>
    %add3A_15 = arith.addi %add3A, %add3A_14 : vector<64x1xi32>
    %select_n3A_16 = arith.select %ge3A, %broadcast_in_dim3A_5, %add3A_15 : vector<64x1xi1>, vector<64x1xi32>
    %sub3A_17 = arith.subi %select_n3A, %select_n3A_16 : vector<64x1xi32>
    %shift_right_arithmetic3A_18 = arith.constant 1 : i32
    %shift_right_arithmetic3A_19 = vector.broadcast %shift_right_arithmetic3A_18 : i32 to vector<64x1xi32>
    %shift_right_arithmetic3A_20 = arith.shrsi %sub3A_17, %shift_right_arithmetic3A_19 : vector<64x1xi32>
    %add3A_21 = arith.addi %select_n3A_16, %shift_right_arithmetic3A_20 : vector<64x1xi32>
    %le3A_22 = vector.broadcast %add3A_21 : vector<64x1xi32> to vector<64x1024xi32>
    %le3A_23 = arith.cmpi sle, %bitcast_convert_type3A, %le3A_22 : vector<64x1024xi32>
    %convert_element_type3A_24 = arith.extui %le3A_23 : vector<64x1024xi1> to vector<64x1024xi32>
    %reduce_sum3A_25 = arith.constant dense<0> : vector<64xi32>
    %reduce_sum3A_26 = vector.multi_reduction <add>, %convert_element_type3A_24, %reduce_sum3A_25 [1] : vector<64x1024xi32> to vector<64xi32>
    %broadcast_in_dim3A_27 = vector.shape_cast %reduce_sum3A_26 : vector<64xi32> to vector<64x1xi32>
    %ge3A_28 = arith.cmpi sge, %broadcast_in_dim3A_27, %get3A_4 : vector<64x1xi32>
    %select_n3A_29 = arith.select %ge3A_28, %add3A_21, %select_n3A : vector<64x1xi1>, vector<64x1xi32>
    %add3A_30 = arith.constant 1 : i32
    %add3A_31 = vector.broadcast %add3A_30 : i32 to vector<64x1xi32>
    %add3A_32 = arith.addi %add3A_21, %add3A_31 : vector<64x1xi32>
    %select_n3A_33 = arith.select %ge3A_28, %select_n3A_16, %add3A_32 : vector<64x1xi1>, vector<64x1xi32>
    %sub3A_34 = arith.subi %select_n3A_29, %select_n3A_33 : vector<64x1xi32>
    %shift_right_arithmetic3A_35 = arith.constant 1 : i32
    %shift_right_arithmetic3A_36 = vector.broadcast %shift_right_arithmetic3A_35 : i32 to vector<64x1xi32>
    %shift_right_arithmetic3A_37 = arith.shrsi %sub3A_34, %shift_right_arithmetic3A_36 : vector<64x1xi32>
    %add3A_38 = arith.addi %select_n3A_33, %shift_right_arithmetic3A_37 : vector<64x1xi32>
    %le3A_39 = vector.broadcast %add3A_38 : vector<64x1xi32> to vector<64x1024xi32>
    %le3A_40 = arith.cmpi sle, %bitcast_convert_type3A, %le3A_39 : vector<64x1024xi32>
    %convert_element_type3A_41 = arith.extui %le3A_40 : vector<64x1024xi1> to vector<64x1024xi32>
    %reduce_sum3A_42 = arith.constant dense<0> : vector<64xi32>
    %reduce_sum3A_43 = vector.multi_reduction <add>, %convert_element_type3A_41, %reduce_sum3A_42 [1] : vector<64x1024xi32> to vector<64xi32>
    %broadcast_in_dim3A_44 = vector.shape_cast %reduce_sum3A_43 : vector<64xi32> to vector<64x1xi32>
    %ge3A_45 = arith.cmpi sge, %broadcast_in_dim3A_44, %get3A_4 : vector<64x1xi32>
    %select_n3A_46 = arith.select %ge3A_45, %add3A_38, %select_n3A_29 : vector<64x1xi1>, vector<64x1xi32>
    %add3A_47 = arith.constant 1 : i32
    %add3A_48 = vector.broadcast %add3A_47 : i32 to vector<64x1xi32>
    %add3A_49 = arith.addi %add3A_38, %add3A_48 : vector<64x1xi32>
    %select_n3A_50 = arith.select %ge3A_45, %select_n3A_33, %add3A_49 : vector<64x1xi1>, vector<64x1xi32>
    %sub3A_51 = arith.subi %select_n3A_46, %select_n3A_50 : vector<64x1xi32>
    %shift_right_arithmetic3A_52 = arith.constant 1 : i32
    %shift_right_arithmetic3A_53 = vector.broadcast %shift_right_arithmetic3A_52 : i32 to vector<64x1xi32>
    %shift_right_arithmetic3A_54 = arith.shrsi %sub3A_51, %shift_right_arithmetic3A_53 : vector<64x1xi32>
    %add3A_55 = arith.addi %select_n3A_50, %shift_right_arithmetic3A_54 : vector<64x1xi32>
    %le3A_56 = vector.broadcast %add3A_55 : vector<64x1xi32> to vector<64x1024xi32>
    %le3A_57 = arith.cmpi sle, %bitcast_convert_type3A, %le3A_56 : vector<64x1024xi32>
    %convert_element_type3A_58 = arith.extui %le3A_57 : vector<64x1024xi1> to vector<64x1024xi32>
    %reduce_sum3A_59 = arith.constant dense<0> : vector<64xi32>
    %reduce_sum3A_60 = vector.multi_reduction <add>, %convert_element_type3A_58, %reduce_sum3A_59 [1] : vector<64x1024xi32> to vector<64xi32>
    %broadcast_in_dim3A_61 = vector.shape_cast %reduce_sum3A_60 : vector<64xi32> to vector<64x1xi32>
    %ge3A_62 = arith.cmpi sge, %broadcast_in_dim3A_61, %get3A_4 : vector<64x1xi32>
    %select_n3A_63 = arith.select %ge3A_62, %add3A_55, %select_n3A_46 : vector<64x1xi1>, vector<64x1xi32>
    %add3A_64 = arith.constant 1 : i32
    %add3A_65 = vector.broadcast %add3A_64 : i32 to vector<64x1xi32>
    %add3A_66 = arith.addi %add3A_55, %add3A_65 : vector<64x1xi32>
    %select_n3A_67 = arith.select %ge3A_62, %select_n3A_50, %add3A_66 : vector<64x1xi1>, vector<64x1xi32>
    %sub3A_68 = arith.subi %select_n3A_63, %select_n3A_67 : vector<64x1xi32>
    %shift_right_arithmetic3A_69 = arith.constant 1 : i32
    %shift_right_arithmetic3A_70 = vector.broadcast %shift_right_arithmetic3A_69 : i32 to vector<64x1xi32>
    %shift_right_arithmetic3A_71 = arith.shrsi %sub3A_68, %shift_right_arithmetic3A_70 : vector<64x1xi32>
    %add3A_72 = arith.addi %select_n3A_67, %shift_right_arithmetic3A_71 : vector<64x1xi32>
    %le3A_73 = vector.broadcast %add3A_72 : vector<64x1xi32> to vector<64x1024xi32>
    %le3A_74 = arith.cmpi sle, %bitcast_convert_type3A, %le3A_73 : vector<64x1024xi32>
    %convert_element_type3A_75 = arith.extui %le3A_74 : vector<64x1024xi1> to vector<64x1024xi32>
    %reduce_sum3A_76 = arith.constant dense<0> : vector<64xi32>
    %reduce_sum3A_77 = vector.multi_reduction <add>, %convert_element_type3A_75, %reduce_sum3A_76 [1] : vector<64x1024xi32> to vector<64xi32>
    %broadcast_in_dim3A_78 = vector.shape_cast %reduce_sum3A_77 : vector<64xi32> to vector<64x1xi32>
    %ge3A_79 = arith.cmpi sge, %broadcast_in_dim3A_78, %get3A_4 : vector<64x1xi32>
    %select_n3A_80 = arith.select %ge3A_79, %add3A_72, %select_n3A_63 : vector<64x1xi1>, vector<64x1xi32>
    %add3A_81 = arith.constant 1 : i32
    %add3A_82 = vector.broadcast %add3A_81 : i32 to vector<64x1xi32>
    %add3A_83 = arith.addi %add3A_72, %add3A_82 : vector<64x1xi32>
    %select_n3A_84 = arith.select %ge3A_79, %select_n3A_67, %add3A_83 : vector<64x1xi1>, vector<64x1xi32>
    %sub3A_85 = arith.subi %select_n3A_80, %select_n3A_84 : vector<64x1xi32>
    %shift_right_arithmetic3A_86 = arith.constant 1 : i32
    %shift_right_arithmetic3A_87 = vector.broadcast %shift_right_arithmetic3A_86 : i32 to vector<64x1xi32>
    %shift_right_arithmetic3A_88 = arith.shrsi %sub3A_85, %shift_right_arithmetic3A_87 : vector<64x1xi32>
    %add3A_89 = arith.addi %select_n3A_84, %shift_right_arithmetic3A_88 : vector<64x1xi32>
    %le3A_90 = vector.broadcast %add3A_89 : vector<64x1xi32> to vector<64x1024xi32>
    %le3A_91 = arith.cmpi sle, %bitcast_convert_type3A, %le3A_90 : vector<64x1024xi32>
    %convert_element_type3A_92 = arith.extui %le3A_91 : vector<64x1024xi1> to vector<64x1024xi32>
    %reduce_sum3A_93 = arith.constant dense<0> : vector<64xi32>
    %reduce_sum3A_94 = vector.multi_reduction <add>, %convert_element_type3A_92, %reduce_sum3A_93 [1] : vector<64x1024xi32> to vector<64xi32>
    %broadcast_in_dim3A_95 = vector.shape_cast %reduce_sum3A_94 : vector<64xi32> to vector<64x1xi32>
    %ge3A_96 = arith.cmpi sge, %broadcast_in_dim3A_95, %get3A_4 : vector<64x1xi32>
    %select_n3A_97 = arith.select %ge3A_96, %add3A_89, %select_n3A_80 : vector<64x1xi1>, vector<64x1xi32>
    %add3A_98 = arith.constant 1 : i32
    %add3A_99 = vector.broadcast %add3A_98 : i32 to vector<64x1xi32>
    %add3A_100 = arith.addi %add3A_89, %add3A_99 : vector<64x1xi32>
    %select_n3A_101 = arith.select %ge3A_96, %select_n3A_84, %add3A_100 : vector<64x1xi1>, vector<64x1xi32>
    %sub3A_102 = arith.subi %select_n3A_97, %select_n3A_101 : vector<64x1xi32>
    %shift_right_arithmetic3A_103 = arith.constant 1 : i32
    %shift_right_arithmetic3A_104 = vector.broadcast %shift_right_arithmetic3A_103 : i32 to vector<64x1xi32>
    %shift_right_arithmetic3A_105 = arith.shrsi %sub3A_102, %shift_right_arithmetic3A_104 : vector<64x1xi32>
    %add3A_106 = arith.addi %select_n3A_101, %shift_right_arithmetic3A_105 : vector<64x1xi32>
    %le3A_107 = vector.broadcast %add3A_106 : vector<64x1xi32> to vector<64x1024xi32>
    %le3A_108 = arith.cmpi sle, %bitcast_convert_type3A, %le3A_107 : vector<64x1024xi32>
    %convert_element_type3A_109 = arith.extui %le3A_108 : vector<64x1024xi1> to vector<64x1024xi32>
    %reduce_sum3A_110 = arith.constant dense<0> : vector<64xi32>
    %reduce_sum3A_111 = vector.multi_reduction <add>, %convert_element_type3A_109, %reduce_sum3A_110 [1] : vector<64x1024xi32> to vector<64xi32>
    %broadcast_in_dim3A_112 = vector.shape_cast %reduce_sum3A_111 : vector<64xi32> to vector<64x1xi32>
    %ge3A_113 = arith.cmpi sge, %broadcast_in_dim3A_112, %get3A_4 : vector<64x1xi32>
    %select_n3A_114 = arith.select %ge3A_113, %add3A_106, %select_n3A_97 : vector<64x1xi1>, vector<64x1xi32>
    %add3A_115 = arith.constant 1 : i32
    %add3A_116 = vector.broadcast %add3A_115 : i32 to vector<64x1xi32>
    %add3A_117 = arith.addi %add3A_106, %add3A_116 : vector<64x1xi32>
    %select_n3A_118 = arith.select %ge3A_113, %select_n3A_101, %add3A_117 : vector<64x1xi1>, vector<64x1xi32>
    %sub3A_119 = arith.subi %select_n3A_114, %select_n3A_118 : vector<64x1xi32>
    %shift_right_arithmetic3A_120 = arith.constant 1 : i32
    %shift_right_arithmetic3A_121 = vector.broadcast %shift_right_arithmetic3A_120 : i32 to vector<64x1xi32>
    %shift_right_arithmetic3A_122 = arith.shrsi %sub3A_119, %shift_right_arithmetic3A_121 : vector<64x1xi32>
    %add3A_123 = arith.addi %select_n3A_118, %shift_right_arithmetic3A_122 : vector<64x1xi32>
    %le3A_124 = vector.broadcast %add3A_123 : vector<64x1xi32> to vector<64x1024xi32>
    %le3A_125 = arith.cmpi sle, %bitcast_convert_type3A, %le3A_124 : vector<64x1024xi32>
    %convert_element_type3A_126 = arith.extui %le3A_125 : vector<64x1024xi1> to vector<64x1024xi32>
    %reduce_sum3A_127 = arith.constant dense<0> : vector<64xi32>
    %reduce_sum3A_128 = vector.multi_reduction <add>, %convert_element_type3A_126, %reduce_sum3A_127 [1] : vector<64x1024xi32> to vector<64xi32>
    %broadcast_in_dim3A_129 = vector.shape_cast %reduce_sum3A_128 : vector<64xi32> to vector<64x1xi32>
    %ge3A_130 = arith.cmpi sge, %broadcast_in_dim3A_129, %get3A_4 : vector<64x1xi32>
    %select_n3A_131 = arith.select %ge3A_130, %add3A_123, %select_n3A_114 : vector<64x1xi1>, vector<64x1xi32>
    %add3A_132 = arith.constant 1 : i32
    %add3A_133 = vector.broadcast %add3A_132 : i32 to vector<64x1xi32>
    %add3A_134 = arith.addi %add3A_123, %add3A_133 : vector<64x1xi32>
    %select_n3A_135 = arith.select %ge3A_130, %select_n3A_118, %add3A_134 : vector<64x1xi1>, vector<64x1xi32>
    %sub3A_136 = arith.subi %select_n3A_131, %select_n3A_135 : vector<64x1xi32>
    %shift_right_arithmetic3A_137 = arith.constant 1 : i32
    %shift_right_arithmetic3A_138 = vector.broadcast %shift_right_arithmetic3A_137 : i32 to vector<64x1xi32>
    %shift_right_arithmetic3A_139 = arith.shrsi %sub3A_136, %shift_right_arithmetic3A_138 : vector<64x1xi32>
    %add3A_140 = arith.addi %select_n3A_135, %shift_right_arithmetic3A_139 : vector<64x1xi32>
    %le3A_141 = vector.broadcast %add3A_140 : vector<64x1xi32> to vector<64x1024xi32>
    %le3A_142 = arith.cmpi sle, %bitcast_convert_type3A, %le3A_141 : vector<64x1024xi32>
    %convert_element_type3A_143 = arith.extui %le3A_142 : vector<64x1024xi1> to vector<64x1024xi32>
    %reduce_sum3A_144 = arith.constant dense<0> : vector<64xi32>
    %reduce_sum3A_145 = vector.multi_reduction <add>, %convert_element_type3A_143, %reduce_sum3A_144 [1] : vector<64x1024xi32> to vector<64xi32>
    %broadcast_in_dim3A_146 = vector.shape_cast %reduce_sum3A_145 : vector<64xi32> to vector<64x1xi32>
    %ge3A_147 = arith.cmpi sge, %broadcast_in_dim3A_146, %get3A_4 : vector<64x1xi32>
    %select_n3A_148 = arith.select %ge3A_147, %add3A_140, %select_n3A_131 : vector<64x1xi1>, vector<64x1xi32>
    %add3A_149 = arith.constant 1 : i32
    %add3A_150 = vector.broadcast %add3A_149 : i32 to vector<64x1xi32>
    %add3A_151 = arith.addi %add3A_140, %add3A_150 : vector<64x1xi32>
    %select_n3A_152 = arith.select %ge3A_147, %select_n3A_135, %add3A_151 : vector<64x1xi1>, vector<64x1xi32>
    %sub3A_153 = arith.subi %select_n3A_148, %select_n3A_152 : vector<64x1xi32>
    %shift_right_arithmetic3A_154 = arith.constant 1 : i32
    %shift_right_arithmetic3A_155 = vector.broadcast %shift_right_arithmetic3A_154 : i32 to vector<64x1xi32>
    %shift_right_arithmetic3A_156 = arith.shrsi %sub3A_153, %shift_right_arithmetic3A_155 : vector<64x1xi32>
    %add3A_157 = arith.addi %select_n3A_152, %shift_right_arithmetic3A_156 : vector<64x1xi32>
    %le3A_158 = vector.broadcast %add3A_157 : vector<64x1xi32> to vector<64x1024xi32>
    %le3A_159 = arith.cmpi sle, %bitcast_convert_type3A, %le3A_158 : vector<64x1024xi32>
    %convert_element_type3A_160 = arith.extui %le3A_159 : vector<64x1024xi1> to vector<64x1024xi32>
    %reduce_sum3A_161 = arith.constant dense<0> : vector<64xi32>
    %reduce_sum3A_162 = vector.multi_reduction <add>, %convert_element_type3A_160, %reduce_sum3A_161 [1] : vector<64x1024xi32> to vector<64xi32>
    %broadcast_in_dim3A_163 = vector.shape_cast %reduce_sum3A_162 : vector<64xi32> to vector<64x1xi32>
    %ge3A_164 = arith.cmpi sge, %broadcast_in_dim3A_163, %get3A_4 : vector<64x1xi32>
    %select_n3A_165 = arith.select %ge3A_164, %add3A_157, %select_n3A_148 : vector<64x1xi1>, vector<64x1xi32>
    %add3A_166 = arith.constant 1 : i32
    %add3A_167 = vector.broadcast %add3A_166 : i32 to vector<64x1xi32>
    %add3A_168 = arith.addi %add3A_157, %add3A_167 : vector<64x1xi32>
    %select_n3A_169 = arith.select %ge3A_164, %select_n3A_152, %add3A_168 : vector<64x1xi1>, vector<64x1xi32>
    %sub3A_170 = arith.subi %select_n3A_165, %select_n3A_169 : vector<64x1xi32>
    %shift_right_arithmetic3A_171 = arith.constant 1 : i32
    %shift_right_arithmetic3A_172 = vector.broadcast %shift_right_arithmetic3A_171 : i32 to vector<64x1xi32>
    %shift_right_arithmetic3A_173 = arith.shrsi %sub3A_170, %shift_right_arithmetic3A_172 : vector<64x1xi32>
    %add3A_174 = arith.addi %select_n3A_169, %shift_right_arithmetic3A_173 : vector<64x1xi32>
    %le3A_175 = vector.broadcast %add3A_174 : vector<64x1xi32> to vector<64x1024xi32>
    %le3A_176 = arith.cmpi sle, %bitcast_convert_type3A, %le3A_175 : vector<64x1024xi32>
    %convert_element_type3A_177 = arith.extui %le3A_176 : vector<64x1024xi1> to vector<64x1024xi32>
    %reduce_sum3A_178 = arith.constant dense<0> : vector<64xi32>
    %reduce_sum3A_179 = vector.multi_reduction <add>, %convert_element_type3A_177, %reduce_sum3A_178 [1] : vector<64x1024xi32> to vector<64xi32>
    %broadcast_in_dim3A_180 = vector.shape_cast %reduce_sum3A_179 : vector<64xi32> to vector<64x1xi32>
    %ge3A_181 = arith.cmpi sge, %broadcast_in_dim3A_180, %get3A_4 : vector<64x1xi32>
    %select_n3A_182 = arith.select %ge3A_181, %add3A_174, %select_n3A_165 : vector<64x1xi1>, vector<64x1xi32>
    %add3A_183 = arith.constant 1 : i32
    %add3A_184 = vector.broadcast %add3A_183 : i32 to vector<64x1xi32>
    %add3A_185 = arith.addi %add3A_174, %add3A_184 : vector<64x1xi32>
    %select_n3A_186 = arith.select %ge3A_181, %select_n3A_169, %add3A_185 : vector<64x1xi1>, vector<64x1xi32>
    %sub3A_187 = arith.subi %select_n3A_182, %select_n3A_186 : vector<64x1xi32>
    %shift_right_arithmetic3A_188 = arith.constant 1 : i32
    %shift_right_arithmetic3A_189 = vector.broadcast %shift_right_arithmetic3A_188 : i32 to vector<64x1xi32>
    %shift_right_arithmetic3A_190 = arith.shrsi %sub3A_187, %shift_right_arithmetic3A_189 : vector<64x1xi32>
    %add3A_191 = arith.addi %select_n3A_186, %shift_right_arithmetic3A_190 : vector<64x1xi32>
    %le3A_192 = vector.broadcast %add3A_191 : vector<64x1xi32> to vector<64x1024xi32>
    %le3A_193 = arith.cmpi sle, %bitcast_convert_type3A, %le3A_192 : vector<64x1024xi32>
    %convert_element_type3A_194 = arith.extui %le3A_193 : vector<64x1024xi1> to vector<64x1024xi32>
    %reduce_sum3A_195 = arith.constant dense<0> : vector<64xi32>
    %reduce_sum3A_196 = vector.multi_reduction <add>, %convert_element_type3A_194, %reduce_sum3A_195 [1] : vector<64x1024xi32> to vector<64xi32>
    %broadcast_in_dim3A_197 = vector.shape_cast %reduce_sum3A_196 : vector<64xi32> to vector<64x1xi32>
    %ge3A_198 = arith.cmpi sge, %broadcast_in_dim3A_197, %get3A_4 : vector<64x1xi32>
    %select_n3A_199 = arith.select %ge3A_198, %add3A_191, %select_n3A_182 : vector<64x1xi1>, vector<64x1xi32>
    %add3A_200 = arith.constant 1 : i32
    %add3A_201 = vector.broadcast %add3A_200 : i32 to vector<64x1xi32>
    %add3A_202 = arith.addi %add3A_191, %add3A_201 : vector<64x1xi32>
    %select_n3A_203 = arith.select %ge3A_198, %select_n3A_186, %add3A_202 : vector<64x1xi1>, vector<64x1xi32>
    %sub3A_204 = arith.subi %select_n3A_199, %select_n3A_203 : vector<64x1xi32>
    %shift_right_arithmetic3A_205 = arith.constant 1 : i32
    %shift_right_arithmetic3A_206 = vector.broadcast %shift_right_arithmetic3A_205 : i32 to vector<64x1xi32>
    %shift_right_arithmetic3A_207 = arith.shrsi %sub3A_204, %shift_right_arithmetic3A_206 : vector<64x1xi32>
    %add3A_208 = arith.addi %select_n3A_203, %shift_right_arithmetic3A_207 : vector<64x1xi32>
    %le3A_209 = vector.broadcast %add3A_208 : vector<64x1xi32> to vector<64x1024xi32>
    %le3A_210 = arith.cmpi sle, %bitcast_convert_type3A, %le3A_209 : vector<64x1024xi32>
    %convert_element_type3A_211 = arith.extui %le3A_210 : vector<64x1024xi1> to vector<64x1024xi32>
    %reduce_sum3A_212 = arith.constant dense<0> : vector<64xi32>
    %reduce_sum3A_213 = vector.multi_reduction <add>, %convert_element_type3A_211, %reduce_sum3A_212 [1] : vector<64x1024xi32> to vector<64xi32>
    %broadcast_in_dim3A_214 = vector.shape_cast %reduce_sum3A_213 : vector<64xi32> to vector<64x1xi32>
    %ge3A_215 = arith.cmpi sge, %broadcast_in_dim3A_214, %get3A_4 : vector<64x1xi32>
    %select_n3A_216 = arith.select %ge3A_215, %add3A_208, %select_n3A_199 : vector<64x1xi1>, vector<64x1xi32>
    %add3A_217 = arith.constant 1 : i32
    %add3A_218 = vector.broadcast %add3A_217 : i32 to vector<64x1xi32>
    %add3A_219 = arith.addi %add3A_208, %add3A_218 : vector<64x1xi32>
    %select_n3A_220 = arith.select %ge3A_215, %select_n3A_203, %add3A_219 : vector<64x1xi1>, vector<64x1xi32>
    %sub3A_221 = arith.subi %select_n3A_216, %select_n3A_220 : vector<64x1xi32>
    %shift_right_arithmetic3A_222 = arith.constant 1 : i32
    %shift_right_arithmetic3A_223 = vector.broadcast %shift_right_arithmetic3A_222 : i32 to vector<64x1xi32>
    %shift_right_arithmetic3A_224 = arith.shrsi %sub3A_221, %shift_right_arithmetic3A_223 : vector<64x1xi32>
    %add3A_225 = arith.addi %select_n3A_220, %shift_right_arithmetic3A_224 : vector<64x1xi32>
    %le3A_226 = vector.broadcast %add3A_225 : vector<64x1xi32> to vector<64x1024xi32>
    %le3A_227 = arith.cmpi sle, %bitcast_convert_type3A, %le3A_226 : vector<64x1024xi32>
    %convert_element_type3A_228 = arith.extui %le3A_227 : vector<64x1024xi1> to vector<64x1024xi32>
    %reduce_sum3A_229 = arith.constant dense<0> : vector<64xi32>
    %reduce_sum3A_230 = vector.multi_reduction <add>, %convert_element_type3A_228, %reduce_sum3A_229 [1] : vector<64x1024xi32> to vector<64xi32>
    %broadcast_in_dim3A_231 = vector.shape_cast %reduce_sum3A_230 : vector<64xi32> to vector<64x1xi32>
    %ge3A_232 = arith.cmpi sge, %broadcast_in_dim3A_231, %get3A_4 : vector<64x1xi32>
    %select_n3A_233 = arith.select %ge3A_232, %add3A_225, %select_n3A_216 : vector<64x1xi1>, vector<64x1xi32>
    %add3A_234 = arith.constant 1 : i32
    %add3A_235 = vector.broadcast %add3A_234 : i32 to vector<64x1xi32>
    %add3A_236 = arith.addi %add3A_225, %add3A_235 : vector<64x1xi32>
    %select_n3A_237 = arith.select %ge3A_232, %select_n3A_220, %add3A_236 : vector<64x1xi1>, vector<64x1xi32>
    %sub3A_238 = arith.subi %select_n3A_233, %select_n3A_237 : vector<64x1xi32>
    %shift_right_arithmetic3A_239 = arith.constant 1 : i32
    %shift_right_arithmetic3A_240 = vector.broadcast %shift_right_arithmetic3A_239 : i32 to vector<64x1xi32>
    %shift_right_arithmetic3A_241 = arith.shrsi %sub3A_238, %shift_right_arithmetic3A_240 : vector<64x1xi32>
    %add3A_242 = arith.addi %select_n3A_237, %shift_right_arithmetic3A_241 : vector<64x1xi32>
    %le3A_243 = vector.broadcast %add3A_242 : vector<64x1xi32> to vector<64x1024xi32>
    %le3A_244 = arith.cmpi sle, %bitcast_convert_type3A, %le3A_243 : vector<64x1024xi32>
    %convert_element_type3A_245 = arith.extui %le3A_244 : vector<64x1024xi1> to vector<64x1024xi32>
    %reduce_sum3A_246 = arith.constant dense<0> : vector<64xi32>
    %reduce_sum3A_247 = vector.multi_reduction <add>, %convert_element_type3A_245, %reduce_sum3A_246 [1] : vector<64x1024xi32> to vector<64xi32>
    %broadcast_in_dim3A_248 = vector.shape_cast %reduce_sum3A_247 : vector<64xi32> to vector<64x1xi32>
    %ge3A_249 = arith.cmpi sge, %broadcast_in_dim3A_248, %get3A_4 : vector<64x1xi32>
    %select_n3A_250 = arith.select %ge3A_249, %add3A_242, %select_n3A_233 : vector<64x1xi1>, vector<64x1xi32>
    %add3A_251 = arith.constant 1 : i32
    %add3A_252 = vector.broadcast %add3A_251 : i32 to vector<64x1xi32>
    %add3A_253 = arith.addi %add3A_242, %add3A_252 : vector<64x1xi32>
    %select_n3A_254 = arith.select %ge3A_249, %select_n3A_237, %add3A_253 : vector<64x1xi1>, vector<64x1xi32>
    %sub3A_255 = arith.subi %select_n3A_250, %select_n3A_254 : vector<64x1xi32>
    %shift_right_arithmetic3A_256 = arith.constant 1 : i32
    %shift_right_arithmetic3A_257 = vector.broadcast %shift_right_arithmetic3A_256 : i32 to vector<64x1xi32>
    %shift_right_arithmetic3A_258 = arith.shrsi %sub3A_255, %shift_right_arithmetic3A_257 : vector<64x1xi32>
    %add3A_259 = arith.addi %select_n3A_254, %shift_right_arithmetic3A_258 : vector<64x1xi32>
    %le3A_260 = vector.broadcast %add3A_259 : vector<64x1xi32> to vector<64x1024xi32>
    %le3A_261 = arith.cmpi sle, %bitcast_convert_type3A, %le3A_260 : vector<64x1024xi32>
    %convert_element_type3A_262 = arith.extui %le3A_261 : vector<64x1024xi1> to vector<64x1024xi32>
    %reduce_sum3A_263 = arith.constant dense<0> : vector<64xi32>
    %reduce_sum3A_264 = vector.multi_reduction <add>, %convert_element_type3A_262, %reduce_sum3A_263 [1] : vector<64x1024xi32> to vector<64xi32>
    %broadcast_in_dim3A_265 = vector.shape_cast %reduce_sum3A_264 : vector<64xi32> to vector<64x1xi32>
    %ge3A_266 = arith.cmpi sge, %broadcast_in_dim3A_265, %get3A_4 : vector<64x1xi32>
    %select_n3A_267 = arith.select %ge3A_266, %add3A_259, %select_n3A_250 : vector<64x1xi1>, vector<64x1xi32>
    %add3A_268 = arith.constant 1 : i32
    %add3A_269 = vector.broadcast %add3A_268 : i32 to vector<64x1xi32>
    %add3A_270 = arith.addi %add3A_259, %add3A_269 : vector<64x1xi32>
    %select_n3A_271 = arith.select %ge3A_266, %select_n3A_254, %add3A_270 : vector<64x1xi1>, vector<64x1xi32>
    %sub3A_272 = arith.subi %select_n3A_267, %select_n3A_271 : vector<64x1xi32>
    %shift_right_arithmetic3A_273 = arith.constant 1 : i32
    %shift_right_arithmetic3A_274 = vector.broadcast %shift_right_arithmetic3A_273 : i32 to vector<64x1xi32>
    %shift_right_arithmetic3A_275 = arith.shrsi %sub3A_272, %shift_right_arithmetic3A_274 : vector<64x1xi32>
    %add3A_276 = arith.addi %select_n3A_271, %shift_right_arithmetic3A_275 : vector<64x1xi32>
    %le3A_277 = vector.broadcast %add3A_276 : vector<64x1xi32> to vector<64x1024xi32>
    %le3A_278 = arith.cmpi sle, %bitcast_convert_type3A, %le3A_277 : vector<64x1024xi32>
    %convert_element_type3A_279 = arith.extui %le3A_278 : vector<64x1024xi1> to vector<64x1024xi32>
    %reduce_sum3A_280 = arith.constant dense<0> : vector<64xi32>
    %reduce_sum3A_281 = vector.multi_reduction <add>, %convert_element_type3A_279, %reduce_sum3A_280 [1] : vector<64x1024xi32> to vector<64xi32>
    %broadcast_in_dim3A_282 = vector.shape_cast %reduce_sum3A_281 : vector<64xi32> to vector<64x1xi32>
    %ge3A_283 = arith.cmpi sge, %broadcast_in_dim3A_282, %get3A_4 : vector<64x1xi32>
    %select_n3A_284 = arith.select %ge3A_283, %add3A_276, %select_n3A_267 : vector<64x1xi1>, vector<64x1xi32>
    %add3A_285 = arith.constant 1 : i32
    %add3A_286 = vector.broadcast %add3A_285 : i32 to vector<64x1xi32>
    %add3A_287 = arith.addi %add3A_276, %add3A_286 : vector<64x1xi32>
    %select_n3A_288 = arith.select %ge3A_283, %select_n3A_271, %add3A_287 : vector<64x1xi1>, vector<64x1xi32>
    %sub3A_289 = arith.subi %select_n3A_284, %select_n3A_288 : vector<64x1xi32>
    %shift_right_arithmetic3A_290 = arith.constant 1 : i32
    %shift_right_arithmetic3A_291 = vector.broadcast %shift_right_arithmetic3A_290 : i32 to vector<64x1xi32>
    %shift_right_arithmetic3A_292 = arith.shrsi %sub3A_289, %shift_right_arithmetic3A_291 : vector<64x1xi32>
    %add3A_293 = arith.addi %select_n3A_288, %shift_right_arithmetic3A_292 : vector<64x1xi32>
    %le3A_294 = vector.broadcast %add3A_293 : vector<64x1xi32> to vector<64x1024xi32>
    %le3A_295 = arith.cmpi sle, %bitcast_convert_type3A, %le3A_294 : vector<64x1024xi32>
    %convert_element_type3A_296 = arith.extui %le3A_295 : vector<64x1024xi1> to vector<64x1024xi32>
    %reduce_sum3A_297 = arith.constant dense<0> : vector<64xi32>
    %reduce_sum3A_298 = vector.multi_reduction <add>, %convert_element_type3A_296, %reduce_sum3A_297 [1] : vector<64x1024xi32> to vector<64xi32>
    %broadcast_in_dim3A_299 = vector.shape_cast %reduce_sum3A_298 : vector<64xi32> to vector<64x1xi32>
    %ge3A_300 = arith.cmpi sge, %broadcast_in_dim3A_299, %get3A_4 : vector<64x1xi32>
    %select_n3A_301 = arith.select %ge3A_300, %add3A_293, %select_n3A_284 : vector<64x1xi1>, vector<64x1xi32>
    %add3A_302 = arith.constant 1 : i32
    %add3A_303 = vector.broadcast %add3A_302 : i32 to vector<64x1xi32>
    %add3A_304 = arith.addi %add3A_293, %add3A_303 : vector<64x1xi32>
    %select_n3A_305 = arith.select %ge3A_300, %select_n3A_288, %add3A_304 : vector<64x1xi1>, vector<64x1xi32>
    %sub3A_306 = arith.subi %select_n3A_301, %select_n3A_305 : vector<64x1xi32>
    %shift_right_arithmetic3A_307 = arith.constant 1 : i32
    %shift_right_arithmetic3A_308 = vector.broadcast %shift_right_arithmetic3A_307 : i32 to vector<64x1xi32>
    %shift_right_arithmetic3A_309 = arith.shrsi %sub3A_306, %shift_right_arithmetic3A_308 : vector<64x1xi32>
    %add3A_310 = arith.addi %select_n3A_305, %shift_right_arithmetic3A_309 : vector<64x1xi32>
    %le3A_311 = vector.broadcast %add3A_310 : vector<64x1xi32> to vector<64x1024xi32>
    %le3A_312 = arith.cmpi sle, %bitcast_convert_type3A, %le3A_311 : vector<64x1024xi32>
    %convert_element_type3A_313 = arith.extui %le3A_312 : vector<64x1024xi1> to vector<64x1024xi32>
    %reduce_sum3A_314 = arith.constant dense<0> : vector<64xi32>
    %reduce_sum3A_315 = vector.multi_reduction <add>, %convert_element_type3A_313, %reduce_sum3A_314 [1] : vector<64x1024xi32> to vector<64xi32>
    %broadcast_in_dim3A_316 = vector.shape_cast %reduce_sum3A_315 : vector<64xi32> to vector<64x1xi32>
    %ge3A_317 = arith.cmpi sge, %broadcast_in_dim3A_316, %get3A_4 : vector<64x1xi32>
    %select_n3A_318 = arith.select %ge3A_317, %add3A_310, %select_n3A_301 : vector<64x1xi1>, vector<64x1xi32>
    %add3A_319 = arith.constant 1 : i32
    %add3A_320 = vector.broadcast %add3A_319 : i32 to vector<64x1xi32>
    %add3A_321 = arith.addi %add3A_310, %add3A_320 : vector<64x1xi32>
    %select_n3A_322 = arith.select %ge3A_317, %select_n3A_305, %add3A_321 : vector<64x1xi1>, vector<64x1xi32>
    %sub3A_323 = arith.subi %select_n3A_318, %select_n3A_322 : vector<64x1xi32>
    %shift_right_arithmetic3A_324 = arith.constant 1 : i32
    %shift_right_arithmetic3A_325 = vector.broadcast %shift_right_arithmetic3A_324 : i32 to vector<64x1xi32>
    %shift_right_arithmetic3A_326 = arith.shrsi %sub3A_323, %shift_right_arithmetic3A_325 : vector<64x1xi32>
    %add3A_327 = arith.addi %select_n3A_322, %shift_right_arithmetic3A_326 : vector<64x1xi32>
    %le3A_328 = vector.broadcast %add3A_327 : vector<64x1xi32> to vector<64x1024xi32>
    %le3A_329 = arith.cmpi sle, %bitcast_convert_type3A, %le3A_328 : vector<64x1024xi32>
    %convert_element_type3A_330 = arith.extui %le3A_329 : vector<64x1024xi1> to vector<64x1024xi32>
    %reduce_sum3A_331 = arith.constant dense<0> : vector<64xi32>
    %reduce_sum3A_332 = vector.multi_reduction <add>, %convert_element_type3A_330, %reduce_sum3A_331 [1] : vector<64x1024xi32> to vector<64xi32>
    %broadcast_in_dim3A_333 = vector.shape_cast %reduce_sum3A_332 : vector<64xi32> to vector<64x1xi32>
    %ge3A_334 = arith.cmpi sge, %broadcast_in_dim3A_333, %get3A_4 : vector<64x1xi32>
    %select_n3A_335 = arith.select %ge3A_334, %add3A_327, %select_n3A_318 : vector<64x1xi1>, vector<64x1xi32>
    %add3A_336 = arith.constant 1 : i32
    %add3A_337 = vector.broadcast %add3A_336 : i32 to vector<64x1xi32>
    %add3A_338 = arith.addi %add3A_327, %add3A_337 : vector<64x1xi32>
    %select_n3A_339 = arith.select %ge3A_334, %select_n3A_322, %add3A_338 : vector<64x1xi1>, vector<64x1xi32>
    %sub3A_340 = arith.subi %select_n3A_335, %select_n3A_339 : vector<64x1xi32>
    %shift_right_arithmetic3A_341 = arith.constant 1 : i32
    %shift_right_arithmetic3A_342 = vector.broadcast %shift_right_arithmetic3A_341 : i32 to vector<64x1xi32>
    %shift_right_arithmetic3A_343 = arith.shrsi %sub3A_340, %shift_right_arithmetic3A_342 : vector<64x1xi32>
    %add3A_344 = arith.addi %select_n3A_339, %shift_right_arithmetic3A_343 : vector<64x1xi32>
    %le3A_345 = vector.broadcast %add3A_344 : vector<64x1xi32> to vector<64x1024xi32>
    %le3A_346 = arith.cmpi sle, %bitcast_convert_type3A, %le3A_345 : vector<64x1024xi32>
    %convert_element_type3A_347 = arith.extui %le3A_346 : vector<64x1024xi1> to vector<64x1024xi32>
    %reduce_sum3A_348 = arith.constant dense<0> : vector<64xi32>
    %reduce_sum3A_349 = vector.multi_reduction <add>, %convert_element_type3A_347, %reduce_sum3A_348 [1] : vector<64x1024xi32> to vector<64xi32>
    %broadcast_in_dim3A_350 = vector.shape_cast %reduce_sum3A_349 : vector<64xi32> to vector<64x1xi32>
    %ge3A_351 = arith.cmpi sge, %broadcast_in_dim3A_350, %get3A_4 : vector<64x1xi32>
    %select_n3A_352 = arith.select %ge3A_351, %add3A_344, %select_n3A_335 : vector<64x1xi1>, vector<64x1xi32>
    %add3A_353 = arith.constant 1 : i32
    %add3A_354 = vector.broadcast %add3A_353 : i32 to vector<64x1xi32>
    %add3A_355 = arith.addi %add3A_344, %add3A_354 : vector<64x1xi32>
    %select_n3A_356 = arith.select %ge3A_351, %select_n3A_339, %add3A_355 : vector<64x1xi1>, vector<64x1xi32>
    %sub3A_357 = arith.subi %select_n3A_352, %select_n3A_356 : vector<64x1xi32>
    %shift_right_arithmetic3A_358 = arith.constant 1 : i32
    %shift_right_arithmetic3A_359 = vector.broadcast %shift_right_arithmetic3A_358 : i32 to vector<64x1xi32>
    %shift_right_arithmetic3A_360 = arith.shrsi %sub3A_357, %shift_right_arithmetic3A_359 : vector<64x1xi32>
    %add3A_361 = arith.addi %select_n3A_356, %shift_right_arithmetic3A_360 : vector<64x1xi32>
    %le3A_362 = vector.broadcast %add3A_361 : vector<64x1xi32> to vector<64x1024xi32>
    %le3A_363 = arith.cmpi sle, %bitcast_convert_type3A, %le3A_362 : vector<64x1024xi32>
    %convert_element_type3A_364 = arith.extui %le3A_363 : vector<64x1024xi1> to vector<64x1024xi32>
    %reduce_sum3A_365 = arith.constant dense<0> : vector<64xi32>
    %reduce_sum3A_366 = vector.multi_reduction <add>, %convert_element_type3A_364, %reduce_sum3A_365 [1] : vector<64x1024xi32> to vector<64xi32>
    %broadcast_in_dim3A_367 = vector.shape_cast %reduce_sum3A_366 : vector<64xi32> to vector<64x1xi32>
    %ge3A_368 = arith.cmpi sge, %broadcast_in_dim3A_367, %get3A_4 : vector<64x1xi32>
    %select_n3A_369 = arith.select %ge3A_368, %add3A_361, %select_n3A_352 : vector<64x1xi1>, vector<64x1xi32>
    %add3A_370 = arith.constant 1 : i32
    %add3A_371 = vector.broadcast %add3A_370 : i32 to vector<64x1xi32>
    %add3A_372 = arith.addi %add3A_361, %add3A_371 : vector<64x1xi32>
    %select_n3A_373 = arith.select %ge3A_368, %select_n3A_356, %add3A_372 : vector<64x1xi1>, vector<64x1xi32>
    %sub3A_374 = arith.subi %select_n3A_369, %select_n3A_373 : vector<64x1xi32>
    %shift_right_arithmetic3A_375 = arith.constant 1 : i32
    %shift_right_arithmetic3A_376 = vector.broadcast %shift_right_arithmetic3A_375 : i32 to vector<64x1xi32>
    %shift_right_arithmetic3A_377 = arith.shrsi %sub3A_374, %shift_right_arithmetic3A_376 : vector<64x1xi32>
    %add3A_378 = arith.addi %select_n3A_373, %shift_right_arithmetic3A_377 : vector<64x1xi32>
    %le3A_379 = vector.broadcast %add3A_378 : vector<64x1xi32> to vector<64x1024xi32>
    %le3A_380 = arith.cmpi sle, %bitcast_convert_type3A, %le3A_379 : vector<64x1024xi32>
    %convert_element_type3A_381 = arith.extui %le3A_380 : vector<64x1024xi1> to vector<64x1024xi32>
    %reduce_sum3A_382 = arith.constant dense<0> : vector<64xi32>
    %reduce_sum3A_383 = vector.multi_reduction <add>, %convert_element_type3A_381, %reduce_sum3A_382 [1] : vector<64x1024xi32> to vector<64xi32>
    %broadcast_in_dim3A_384 = vector.shape_cast %reduce_sum3A_383 : vector<64xi32> to vector<64x1xi32>
    %ge3A_385 = arith.cmpi sge, %broadcast_in_dim3A_384, %get3A_4 : vector<64x1xi32>
    %select_n3A_386 = arith.select %ge3A_385, %add3A_378, %select_n3A_369 : vector<64x1xi1>, vector<64x1xi32>
    %add3A_387 = arith.constant 1 : i32
    %add3A_388 = vector.broadcast %add3A_387 : i32 to vector<64x1xi32>
    %add3A_389 = arith.addi %add3A_378, %add3A_388 : vector<64x1xi32>
    %select_n3A_390 = arith.select %ge3A_385, %select_n3A_373, %add3A_389 : vector<64x1xi1>, vector<64x1xi32>
    %sub3A_391 = arith.subi %select_n3A_386, %select_n3A_390 : vector<64x1xi32>
    %shift_right_arithmetic3A_392 = arith.constant 1 : i32
    %shift_right_arithmetic3A_393 = vector.broadcast %shift_right_arithmetic3A_392 : i32 to vector<64x1xi32>
    %shift_right_arithmetic3A_394 = arith.shrsi %sub3A_391, %shift_right_arithmetic3A_393 : vector<64x1xi32>
    %add3A_395 = arith.addi %select_n3A_390, %shift_right_arithmetic3A_394 : vector<64x1xi32>
    %le3A_396 = vector.broadcast %add3A_395 : vector<64x1xi32> to vector<64x1024xi32>
    %le3A_397 = arith.cmpi sle, %bitcast_convert_type3A, %le3A_396 : vector<64x1024xi32>
    %convert_element_type3A_398 = arith.extui %le3A_397 : vector<64x1024xi1> to vector<64x1024xi32>
    %reduce_sum3A_399 = arith.constant dense<0> : vector<64xi32>
    %reduce_sum3A_400 = vector.multi_reduction <add>, %convert_element_type3A_398, %reduce_sum3A_399 [1] : vector<64x1024xi32> to vector<64xi32>
    %broadcast_in_dim3A_401 = vector.shape_cast %reduce_sum3A_400 : vector<64xi32> to vector<64x1xi32>
    %ge3A_402 = arith.cmpi sge, %broadcast_in_dim3A_401, %get3A_4 : vector<64x1xi32>
    %select_n3A_403 = arith.select %ge3A_402, %add3A_395, %select_n3A_386 : vector<64x1xi1>, vector<64x1xi32>
    %add3A_404 = arith.constant 1 : i32
    %add3A_405 = vector.broadcast %add3A_404 : i32 to vector<64x1xi32>
    %add3A_406 = arith.addi %add3A_395, %add3A_405 : vector<64x1xi32>
    %select_n3A_407 = arith.select %ge3A_402, %select_n3A_390, %add3A_406 : vector<64x1xi1>, vector<64x1xi32>
    %sub3A_408 = arith.subi %select_n3A_403, %select_n3A_407 : vector<64x1xi32>
    %shift_right_arithmetic3A_409 = arith.constant 1 : i32
    %shift_right_arithmetic3A_410 = vector.broadcast %shift_right_arithmetic3A_409 : i32 to vector<64x1xi32>
    %shift_right_arithmetic3A_411 = arith.shrsi %sub3A_408, %shift_right_arithmetic3A_410 : vector<64x1xi32>
    %add3A_412 = arith.addi %select_n3A_407, %shift_right_arithmetic3A_411 : vector<64x1xi32>
    %le3A_413 = vector.broadcast %add3A_412 : vector<64x1xi32> to vector<64x1024xi32>
    %le3A_414 = arith.cmpi sle, %bitcast_convert_type3A, %le3A_413 : vector<64x1024xi32>
    %convert_element_type3A_415 = arith.extui %le3A_414 : vector<64x1024xi1> to vector<64x1024xi32>
    %reduce_sum3A_416 = arith.constant dense<0> : vector<64xi32>
    %reduce_sum3A_417 = vector.multi_reduction <add>, %convert_element_type3A_415, %reduce_sum3A_416 [1] : vector<64x1024xi32> to vector<64xi32>
    %broadcast_in_dim3A_418 = vector.shape_cast %reduce_sum3A_417 : vector<64xi32> to vector<64x1xi32>
    %ge3A_419 = arith.cmpi sge, %broadcast_in_dim3A_418, %get3A_4 : vector<64x1xi32>
    %select_n3A_420 = arith.select %ge3A_419, %add3A_412, %select_n3A_403 : vector<64x1xi1>, vector<64x1xi32>
    %add3A_421 = arith.constant 1 : i32
    %add3A_422 = vector.broadcast %add3A_421 : i32 to vector<64x1xi32>
    %add3A_423 = arith.addi %add3A_412, %add3A_422 : vector<64x1xi32>
    %select_n3A_424 = arith.select %ge3A_419, %select_n3A_407, %add3A_423 : vector<64x1xi1>, vector<64x1xi32>
    %sub3A_425 = arith.subi %select_n3A_420, %select_n3A_424 : vector<64x1xi32>
    %shift_right_arithmetic3A_426 = arith.constant 1 : i32
    %shift_right_arithmetic3A_427 = vector.broadcast %shift_right_arithmetic3A_426 : i32 to vector<64x1xi32>
    %shift_right_arithmetic3A_428 = arith.shrsi %sub3A_425, %shift_right_arithmetic3A_427 : vector<64x1xi32>
    %add3A_429 = arith.addi %select_n3A_424, %shift_right_arithmetic3A_428 : vector<64x1xi32>
    %le3A_430 = vector.broadcast %add3A_429 : vector<64x1xi32> to vector<64x1024xi32>
    %le3A_431 = arith.cmpi sle, %bitcast_convert_type3A, %le3A_430 : vector<64x1024xi32>
    %convert_element_type3A_432 = arith.extui %le3A_431 : vector<64x1024xi1> to vector<64x1024xi32>
    %reduce_sum3A_433 = arith.constant dense<0> : vector<64xi32>
    %reduce_sum3A_434 = vector.multi_reduction <add>, %convert_element_type3A_432, %reduce_sum3A_433 [1] : vector<64x1024xi32> to vector<64xi32>
    %broadcast_in_dim3A_435 = vector.shape_cast %reduce_sum3A_434 : vector<64xi32> to vector<64x1xi32>
    %ge3A_436 = arith.cmpi sge, %broadcast_in_dim3A_435, %get3A_4 : vector<64x1xi32>
    %select_n3A_437 = arith.select %ge3A_436, %add3A_429, %select_n3A_420 : vector<64x1xi1>, vector<64x1xi32>
    %add3A_438 = arith.constant 1 : i32
    %add3A_439 = vector.broadcast %add3A_438 : i32 to vector<64x1xi32>
    %add3A_440 = arith.addi %add3A_429, %add3A_439 : vector<64x1xi32>
    %select_n3A_441 = arith.select %ge3A_436, %select_n3A_424, %add3A_440 : vector<64x1xi1>, vector<64x1xi32>
    %sub3A_442 = arith.subi %select_n3A_437, %select_n3A_441 : vector<64x1xi32>
    %shift_right_arithmetic3A_443 = arith.constant 1 : i32
    %shift_right_arithmetic3A_444 = vector.broadcast %shift_right_arithmetic3A_443 : i32 to vector<64x1xi32>
    %shift_right_arithmetic3A_445 = arith.shrsi %sub3A_442, %shift_right_arithmetic3A_444 : vector<64x1xi32>
    %add3A_446 = arith.addi %select_n3A_441, %shift_right_arithmetic3A_445 : vector<64x1xi32>
    %le3A_447 = vector.broadcast %add3A_446 : vector<64x1xi32> to vector<64x1024xi32>
    %le3A_448 = arith.cmpi sle, %bitcast_convert_type3A, %le3A_447 : vector<64x1024xi32>
    %convert_element_type3A_449 = arith.extui %le3A_448 : vector<64x1024xi1> to vector<64x1024xi32>
    %reduce_sum3A_450 = arith.constant dense<0> : vector<64xi32>
    %reduce_sum3A_451 = vector.multi_reduction <add>, %convert_element_type3A_449, %reduce_sum3A_450 [1] : vector<64x1024xi32> to vector<64xi32>
    %broadcast_in_dim3A_452 = vector.shape_cast %reduce_sum3A_451 : vector<64xi32> to vector<64x1xi32>
    %ge3A_453 = arith.cmpi sge, %broadcast_in_dim3A_452, %get3A_4 : vector<64x1xi32>
    %select_n3A_454 = arith.select %ge3A_453, %add3A_446, %select_n3A_437 : vector<64x1xi1>, vector<64x1xi32>
    %add3A_455 = arith.constant 1 : i32
    %add3A_456 = vector.broadcast %add3A_455 : i32 to vector<64x1xi32>
    %add3A_457 = arith.addi %add3A_446, %add3A_456 : vector<64x1xi32>
    %select_n3A_458 = arith.select %ge3A_453, %select_n3A_441, %add3A_457 : vector<64x1xi1>, vector<64x1xi32>
    %sub3A_459 = arith.subi %select_n3A_454, %select_n3A_458 : vector<64x1xi32>
    %shift_right_arithmetic3A_460 = arith.constant 1 : i32
    %shift_right_arithmetic3A_461 = vector.broadcast %shift_right_arithmetic3A_460 : i32 to vector<64x1xi32>
    %shift_right_arithmetic3A_462 = arith.shrsi %sub3A_459, %shift_right_arithmetic3A_461 : vector<64x1xi32>
    %add3A_463 = arith.addi %select_n3A_458, %shift_right_arithmetic3A_462 : vector<64x1xi32>
    %le3A_464 = vector.broadcast %add3A_463 : vector<64x1xi32> to vector<64x1024xi32>
    %le3A_465 = arith.cmpi sle, %bitcast_convert_type3A, %le3A_464 : vector<64x1024xi32>
    %convert_element_type3A_466 = arith.extui %le3A_465 : vector<64x1024xi1> to vector<64x1024xi32>
    %reduce_sum3A_467 = arith.constant dense<0> : vector<64xi32>
    %reduce_sum3A_468 = vector.multi_reduction <add>, %convert_element_type3A_466, %reduce_sum3A_467 [1] : vector<64x1024xi32> to vector<64xi32>
    %broadcast_in_dim3A_469 = vector.shape_cast %reduce_sum3A_468 : vector<64xi32> to vector<64x1xi32>
    %ge3A_470 = arith.cmpi sge, %broadcast_in_dim3A_469, %get3A_4 : vector<64x1xi32>
    %select_n3A_471 = arith.select %ge3A_470, %add3A_463, %select_n3A_454 : vector<64x1xi1>, vector<64x1xi32>
    %add3A_472 = arith.constant 1 : i32
    %add3A_473 = vector.broadcast %add3A_472 : i32 to vector<64x1xi32>
    %add3A_474 = arith.addi %add3A_463, %add3A_473 : vector<64x1xi32>
    %select_n3A_475 = arith.select %ge3A_470, %select_n3A_458, %add3A_474 : vector<64x1xi1>, vector<64x1xi32>
    %sub3A_476 = arith.subi %select_n3A_471, %select_n3A_475 : vector<64x1xi32>
    %shift_right_arithmetic3A_477 = arith.constant 1 : i32
    %shift_right_arithmetic3A_478 = vector.broadcast %shift_right_arithmetic3A_477 : i32 to vector<64x1xi32>
    %shift_right_arithmetic3A_479 = arith.shrsi %sub3A_476, %shift_right_arithmetic3A_478 : vector<64x1xi32>
    %add3A_480 = arith.addi %select_n3A_475, %shift_right_arithmetic3A_479 : vector<64x1xi32>
    %le3A_481 = vector.broadcast %add3A_480 : vector<64x1xi32> to vector<64x1024xi32>
    %le3A_482 = arith.cmpi sle, %bitcast_convert_type3A, %le3A_481 : vector<64x1024xi32>
    %convert_element_type3A_483 = arith.extui %le3A_482 : vector<64x1024xi1> to vector<64x1024xi32>
    %reduce_sum3A_484 = arith.constant dense<0> : vector<64xi32>
    %reduce_sum3A_485 = vector.multi_reduction <add>, %convert_element_type3A_483, %reduce_sum3A_484 [1] : vector<64x1024xi32> to vector<64xi32>
    %broadcast_in_dim3A_486 = vector.shape_cast %reduce_sum3A_485 : vector<64xi32> to vector<64x1xi32>
    %ge3A_487 = arith.cmpi sge, %broadcast_in_dim3A_486, %get3A_4 : vector<64x1xi32>
    %select_n3A_488 = arith.select %ge3A_487, %add3A_480, %select_n3A_471 : vector<64x1xi1>, vector<64x1xi32>
    %add3A_489 = arith.constant 1 : i32
    %add3A_490 = vector.broadcast %add3A_489 : i32 to vector<64x1xi32>
    %add3A_491 = arith.addi %add3A_480, %add3A_490 : vector<64x1xi32>
    %select_n3A_492 = arith.select %ge3A_487, %select_n3A_475, %add3A_491 : vector<64x1xi1>, vector<64x1xi32>
    %sub3A_493 = arith.subi %select_n3A_488, %select_n3A_492 : vector<64x1xi32>
    %shift_right_arithmetic3A_494 = arith.constant 1 : i32
    %shift_right_arithmetic3A_495 = vector.broadcast %shift_right_arithmetic3A_494 : i32 to vector<64x1xi32>
    %shift_right_arithmetic3A_496 = arith.shrsi %sub3A_493, %shift_right_arithmetic3A_495 : vector<64x1xi32>
    %add3A_497 = arith.addi %select_n3A_492, %shift_right_arithmetic3A_496 : vector<64x1xi32>
    %le3A_498 = vector.broadcast %add3A_497 : vector<64x1xi32> to vector<64x1024xi32>
    %le3A_499 = arith.cmpi sle, %bitcast_convert_type3A, %le3A_498 : vector<64x1024xi32>
    %convert_element_type3A_500 = arith.extui %le3A_499 : vector<64x1024xi1> to vector<64x1024xi32>
    %reduce_sum3A_501 = arith.constant dense<0> : vector<64xi32>
    %reduce_sum3A_502 = vector.multi_reduction <add>, %convert_element_type3A_500, %reduce_sum3A_501 [1] : vector<64x1024xi32> to vector<64xi32>
    %broadcast_in_dim3A_503 = vector.shape_cast %reduce_sum3A_502 : vector<64xi32> to vector<64x1xi32>
    %ge3A_504 = arith.cmpi sge, %broadcast_in_dim3A_503, %get3A_4 : vector<64x1xi32>
    %select_n3A_505 = arith.select %ge3A_504, %add3A_497, %select_n3A_488 : vector<64x1xi1>, vector<64x1xi32>
    %add3A_506 = arith.constant 1 : i32
    %add3A_507 = vector.broadcast %add3A_506 : i32 to vector<64x1xi32>
    %add3A_508 = arith.addi %add3A_497, %add3A_507 : vector<64x1xi32>
    %select_n3A_509 = arith.select %ge3A_504, %select_n3A_492, %add3A_508 : vector<64x1xi1>, vector<64x1xi32>
    %sub3A_510 = arith.subi %select_n3A_505, %select_n3A_509 : vector<64x1xi32>
    %shift_right_arithmetic3A_511 = arith.constant 1 : i32
    %shift_right_arithmetic3A_512 = vector.broadcast %shift_right_arithmetic3A_511 : i32 to vector<64x1xi32>
    %shift_right_arithmetic3A_513 = arith.shrsi %sub3A_510, %shift_right_arithmetic3A_512 : vector<64x1xi32>
    %add3A_514 = arith.addi %select_n3A_509, %shift_right_arithmetic3A_513 : vector<64x1xi32>
    %le3A_515 = vector.broadcast %add3A_514 : vector<64x1xi32> to vector<64x1024xi32>
    %le3A_516 = arith.cmpi sle, %bitcast_convert_type3A, %le3A_515 : vector<64x1024xi32>
    %convert_element_type3A_517 = arith.extui %le3A_516 : vector<64x1024xi1> to vector<64x1024xi32>
    %reduce_sum3A_518 = arith.constant dense<0> : vector<64xi32>
    %reduce_sum3A_519 = vector.multi_reduction <add>, %convert_element_type3A_517, %reduce_sum3A_518 [1] : vector<64x1024xi32> to vector<64xi32>
    %broadcast_in_dim3A_520 = vector.shape_cast %reduce_sum3A_519 : vector<64xi32> to vector<64x1xi32>
    %ge3A_521 = arith.cmpi sge, %broadcast_in_dim3A_520, %get3A_4 : vector<64x1xi32>
    %add3A_522 = arith.constant 1 : i32
    %add3A_523 = vector.broadcast %add3A_522 : i32 to vector<64x1xi32>
    %add3A_524 = arith.addi %add3A_514, %add3A_523 : vector<64x1xi32>
    %select_n3A_525 = arith.select %ge3A_521, %select_n3A_509, %add3A_524 : vector<64x1xi1>, vector<64x1xi32>
    %lt3A = vector.broadcast %select_n3A_525 : vector<64x1xi32> to vector<64x1024xi32>
    %lt3A_526 = arith.cmpi slt, %bitcast_convert_type3A, %lt3A : vector<64x1024xi32>
    %convert_element_type3A_527 = arith.extui %lt3A_526 : vector<64x1024xi1> to vector<64x1024xi32>
    %reduce_sum3A_528 = arith.constant dense<0> : vector<64xi32>
    %reduce_sum3A_529 = vector.multi_reduction <add>, %convert_element_type3A_527, %reduce_sum3A_528 [1] : vector<64x1024xi32> to vector<64xi32>
    %broadcast_in_dim3A_530 = vector.shape_cast %reduce_sum3A_529 : vector<64xi32> to vector<64x1xi32>
    %eq3A = vector.broadcast %select_n3A_525 : vector<64x1xi32> to vector<64x1024xi32>
    %eq3A_531 = arith.cmpi eq, %bitcast_convert_type3A, %eq3A : vector<64x1024xi32>
    %iota3A = tpu.iota {dimensions = array<i32: 0>} : vector<1024x1024xi32>
    %iota3A_532 = tpu.iota {dimensions = array<i32: 1>} : vector<1024x1024xi32>
    %lt3A_533 = arith.cmpi slt, %iota3A, %iota3A_532 : vector<1024x1024xi32>
    %convert_element_type3A_534 = arith.extui %lt3A_533 : vector<1024x1024xi1> to vector<1024x1024xi32>
    %convert_element_type3A_535 = arith.sitofp %convert_element_type3A_534 : vector<1024x1024xi32> to vector<1024x1024xf32>
    %convert_element_type3A_536 = arith.extui %eq3A_531 : vector<64x1024xi1> to vector<64x1024xi32>
    %convert_element_type3A_537 = arith.sitofp %convert_element_type3A_536 : vector<64x1024xi32> to vector<64x1024xf32>
    %dot_general3A = arith.constant dense<0.000000e+00> : vector<64x1024xf32>
    %dot_general3A_538 = tpu.matmul %convert_element_type3A_537, %convert_element_type3A_535, %dot_general3A {dimension_numbers = #tpu.dot_dimension_numbers<[1], [0], [0], [1], [0, 0, 1, 1], [], []>, transpose_lhs_hint = false} : vector<64x1024xf32>, vector<1024x1024xf32>, vector<64x1024xf32> -> vector<64x1024xf32>
    %sub3A_539 = arith.subi %get3A_4, %broadcast_in_dim3A_530 : vector<64x1xi32>
    %convert_element_type3A_540 = arith.sitofp %sub3A_539 : vector<64x1xi32> to vector<64x1xf32>
    %lt3A_541 = vector.broadcast %select_n3A_525 : vector<64x1xi32> to vector<64x1024xi32>
    %lt3A_542 = arith.cmpi slt, %bitcast_convert_type3A, %lt3A_541 : vector<64x1024xi32>
    %lt3A_543 = vector.broadcast %convert_element_type3A_540 : vector<64x1xf32> to vector<64x1024xf32>
    %lt3A_544 = arith.cmpf olt, %dot_general3A_538, %lt3A_543 : vector<64x1024xf32>
    %and3A = arith.andi %eq3A_531, %lt3A_544 : vector<64x1024xi1>
    %or3A = arith.ori %lt3A_542, %and3A : vector<64x1024xi1>
    %get3A_545 = arith.constant 0 : index
    %get3A_546 = arith.constant 0 : index
    %get3A_547 = vector.load %arg2[%get3A_545, %get3A_546] : memref<64x1024xi32, #tpu.memory_space<vmem>>, vector<64x1024xi32>
    %jit3A = arith.constant 1024 : i32
    %broadcast_in_dim3A_548 = vector.broadcast %jit3A : i32 to vector<64x1024xi32>
    %select_n3A_549 = arith.select %or3A, %broadcast_in_dim3A_548, %get3A_547 : vector<64x1024xi1>, vector<64x1024xi32>
    %swap3A = arith.constant 0 : index
    %swap3A_550 = arith.constant 0 : index
    %swap3A_551 = vector.load %arg3[%swap3A, %swap3A_550] : memref<64x1024xi32, #tpu.memory_space<vmem>>, vector<64x1024xi32>
    tpu.vector_store %arg3[%swap3A, %swap3A_550], %select_n3A_549 {strides = array<i32>} : memref<64x1024xi32, #tpu.memory_space<vmem>>, vector<64x1024xi32>,
    return
  }
}

module attributes {stable_mosaic.version = 14 : i64} {
  func.func @_table_body(%arg0: memref<1032x64xf32, #tpu.memory_space<vmem>>, %arg1: memref<64x1024xf32, #tpu.memory_space<vmem>>, %arg2: memref<1x1024xf32, #tpu.memory_space<vmem>>, %arg3: memref<1032x1024xf32, #tpu.memory_space<vmem>>) attributes {dimension_semantics = [], scalar_prefetch = 0 : i64, scratch_operands = 0 : i64, tpu.core_type = #tpu.core_type<tc>} {
    %get3A = arith.constant 0 : index
    %get3A_0 = arith.constant 0 : index
    %get3A_1 = vector.load %arg0[%get3A, %get3A_0] : memref<1032x64xf32, #tpu.memory_space<vmem>>, vector<1032x64xf32>
    %get3A_2 = arith.constant 0 : index
    %get3A_3 = arith.constant 0 : index
    %get3A_4 = vector.load %arg1[%get3A_2, %get3A_3] : memref<64x1024xf32, #tpu.memory_space<vmem>>, vector<64x1024xf32>
    %dot_general3A = arith.constant dense<0.000000e+00> : vector<1032x1024xf32>
    %dot_general3A_5 = tpu.matmul %get3A_1, %get3A_4, %dot_general3A {dimension_numbers = #tpu.dot_dimension_numbers<[1], [0], [0], [1], [0, 0, 1, 1], [], []>, transpose_lhs_hint = false} : vector<1032x64xf32>, vector<64x1024xf32>, vector<1032x1024xf32> -> vector<1032x1024xf32>
    %get3A_6 = arith.constant 0 : index
    %get3A_7 = arith.constant 0 : index
    %get3A_8 = vector.load %arg2[%get3A_6, %get3A_7] : memref<1x1024xf32, #tpu.memory_space<vmem>>, vector<1x1024xf32>
    %add3A = vector.broadcast %get3A_8 : vector<1x1024xf32> to vector<1032x1024xf32>
    %add3A_9 = arith.addf %dot_general3A_5, %add3A : vector<1032x1024xf32>
    %swap3A = arith.constant 0 : index
    %swap3A_10 = arith.constant 0 : index
    %swap3A_11 = vector.load %arg3[%swap3A, %swap3A_10] : memref<1032x1024xf32, #tpu.memory_space<vmem>>, vector<1032x1024xf32>
    tpu.vector_store %arg3[%swap3A, %swap3A_10], %add3A_9 {strides = array<i32>} : memref<1032x1024xf32, #tpu.memory_space<vmem>>, vector<1032x1024xf32>,
    return
  }
}

</mosaic_0001>

<sc_bundles>
// kernel: kernel.5.cloned.1.call-start
scs
__scs_entry_jumppad:
0x0: {  	(pc) =	sbr.rel $0x88, $3  }
0x1: {  	(tag) =	ssettag $0x0;
	lr =	simm.s32 $0x1  }
0x2: {  	[smem:$0x3F9B] =	sst lr;
	_ =	strace $0xD0000000  }
0x3: {  	_ = 	snop  }
0x4: {  	_ = 	snop  }
0x5: {  	_ = 	snop  }
0x6: {  	_ = 	snop  }
0x7: {  	_ = 	snop  }
__scs_overlays_trampoline_lowered:
0x8: {  	[smem:$0x3FAA] =	sst s0  }
0x9: {  	[smem:$0x3FAB] =	sst s1  }
0xa: {  	[smem:$0x3FAC] =	sst s2  }
0xb: {  	[smem:$0x3FAD] =	sst s3  }
0xc: {  	[smem:$0x3FAE] =	sst s4  }
0xd: {  	[smem:$0x3FAF] =	sst s5  }
0xe: {  	[smem:$0x3FB0] =	sst s6  }
0xf: {  	[smem:$0x3FB1] =	sst s7  }
0x10: {  	[smem:$0x3FB2] =	sst s8  }
0x11: {  	[smem:$0x3FB3] =	sst s9;
	s0 =	simm.s32 @!p0 $0x0  }
0x12: {  	s1 =	sld [smem:$0x3F99];
	s0 =	simm.s32 @p0 $0x1  }
0x13: {  	[smem:$0x3FB4] =	sst s0;
	s0 =	simm.s32 @!p1 $0x0  }
0x14: {  	s2 =	sld [smem:$0x3F98];
	s0 =	simm.s32 @p1 $0x1  }
0x15: {  	[smem:$0x3FB5] =	sst s0;
	s0 =	simm.s32 @!p2 $0x0  }
0x16: {  	s3 =	sld [smem:$0x3FDB];
	s0 =	simm.s32 @p2 $0x1  }
0x17: {  	s4 =	simm.s32 $0x1BF5;
	[smem:$0x3FB7] =	sst s0  }
0x18: {  	s0 =	sld [smem:$0x3F9A];
	_ =	swait.ge [sflag:s4], $0x0  }
0x19: {  	s7 =	sld [smem:$0x3F9B]  }
0x1a: {  	s8 =	sadd.s32 $0xFFFFE003, lr  }
0x1b: {  	s9 =	sadd.s32 $0xFFFFFEF7, lr;
	s5 =	simm.s32 $0xFFFFFFFF;
	p2 =	slt.u32 s8, $0xFFFFF086  }
0x1c: {  	p1 =	slt.u32 s9, $0xF7A;
	s5 =	simm.s32 @!p2 $0x0  }
0x1d: {  	s5 =	simm.s32 @p1 $0x1;
	p0 =	seq.s32 s7, s2  }
0x1e: {  	s7 =	smul.u32 @!p0 $0xF7A, s2;
	p2 =	seq.s32 @!p0 s5, $0x0  }
0x1f: {  	s9 =	smul.u32 $0xF7A, s1;
	s8 =	simm.s32 @!p0 $0x1BF5;
	p2 =	por !p2, p0  }
0x20: {  	[sflag:s8] =	ssyncset.s32 @!p0 $0xFFFFF086;
	s6 =	sadd.s32 @!p0 s3, s7;
	s7 =	simm.s32 @!p0 $0x108  }
0x21: {  	s3 =	sadd.s32 s3, s9;
	s6 =	sadd.s32 @!p0 $0x88, s6;
	s7 =	simm.s32 @p2 $0x1082  }
0x22: {  	[simem:s7], [sflag:s8] =	dma.local @!p0 [hbm:s6], $0xF7A  }
0x23: {  	s9 =	sor.u32 $0xD0000000, s2;
	s6 =	simm.s32 $0x108;
	_ =	swait.ge @!p0 [sflag:s8], $0x0  }
0x24: {  	s3 =	sadd.s32 $0x88, s3;
	s6 =	simm.s32 @!p1 $0x1082;
	[sflag:s4] =	ssyncset.s32 $0xFFFFF086  }
0x25: {  	[simem:s6], [sflag:s4] =	dma.local [hbm:s3], $0xF7A  }
0x26: {  	[smem:$0x3F9B] =	sst s1;
	(tag) =	ssettag s2;
	_ =	strace s9  }
0x27: {  	s1 =	sld [smem:$0x3FAB]  }
0x28: {  	s2 =	sld [smem:$0x3FAC]  }
0x29: {  	s4 =	sld [smem:$0x3FAE]  }
0x2a: {  	p0 =	seq.s32 s5, $0x0;
	s5 =	sld [smem:$0x3FAF]  }
0x2b: {  	s6 =	sld [smem:$0x3FB0]  }
0x2c: {  	s7 =	sld [smem:$0x3FB1]  }
0x2d: {  	s3 =	simm.s32 $0x108;
	s8 =	sld [smem:$0x3FB2]  }
0x2e: {  	s3 =	simm.s32 @!p0 $0x1082;
	s9 =	sld [smem:$0x3FB3]  }
0x2f: {  	lr =	sadd.s32 s0, s3;
	s0 =	sld [smem:$0x3FAA]  }
0x30: {  	s3 =	sld [smem:$0x3FAD]  }
0x31: {  	[smem:$0x3FB6] =	sst s10  }
0x32: {  	s10 =	sld [smem:$0x3FB4];
	_ =	sdelay $0x3  }
0x33: {  	p0 =	seq.s32 s10, $0x1;
	s10 =	sld [smem:$0x3FB6];
	_ =	sdelay $0x3  }
0x34: {  	[smem:$0x3FB6] =	sst s10  }
0x35: {  	s10 =	sld [smem:$0x3FB5];
	_ =	sdelay $0x3  }
0x36: {  	p1 =	seq.s32 s10, $0x1;
	s10 =	sld [smem:$0x3FB6];
	_ =	sdelay $0x3  }
0x37: {  	[smem:$0x3FB6] =	sst s10  }
0x38: {  	s10 =	sld [smem:$0x3FB7]  }
0x39: {  	_ = 	snop;
	(pc) =	sbr.ind lr, $3  }
0x3a: {  	_ = 	snop  }
0x3b: {  	_ = 	snop  }
0x3c: {  	p2 =	seq.s32 s10, $0x1;
	s10 =	sld [smem:$0x3FB6]  }
0x3d: {  	_ =	shalt  }
0x3e: {  	_ =	shalt  }
0x3f: {  	_ =	shalt  }
0x40: {  	_ =	shalt  }
0x41: {  	_ =	shalt  }
0x42: {  	_ =	shalt  }
0x43: {  	_ =	shalt  }
0x44: {  	_ =	shalt  }
0x45: {  	_ =	shalt  }
0x46: {  	_ =	shalt  }
0x47: {  	_ =	shalt  }
0x48: {  	_ =	shalt  }
0x49: {  	_ =	shalt  }
0x4a: {  	_ =	shalt  }
0x4b: {  	_ =	shalt  }
0x4c: {  	_ =	shalt  }
0x4d: {  	_ =	shalt  }
0x4e: {  	_ =	shalt  }
0x4f: {  	_ =	shalt  }
0x50: {  	_ =	shalt  }
0x51: {  	_ =	shalt  }
0x52: {  	_ =	shalt  }
0x53: {  	_ =	shalt  }
0x54: {  	_ =	shalt  }
0x55: {  	_ =	shalt  }
0x56: {  	_ =	shalt  }
0x57: {  	_ =	shalt  }
0x58: {  	_ =	shalt  }
0x59: {  	_ =	shalt  }
0x5a: {  	_ =	shalt  }
0x5b: {  	_ =	shalt  }
0x5c: {  	_ =	shalt  }
0x5d: {  	_ =	shalt  }
0x5e: {  	_ =	shalt  }
0x5f: {  	_ =	shalt  }
0x60: {  	_ =	shalt  }
0x61: {  	_ =	shalt  }
0x62: {  	_ =	shalt  }
0x63: {  	_ =	shalt  }
0x64: {  	_ =	shalt  }
0x65: {  	_ =	shalt  }
0x66: {  	_ =	shalt  }
0x67: {  	_ =	shalt  }
0x68: {  	_ =	shalt  }
0x69: {  	_ =	shalt  }
0x6a: {  	_ =	shalt  }
0x6b: {  	_ =	shalt  }
0x6c: {  	_ =	shalt  }
0x6d: {  	_ =	shalt  }
0x6e: {  	_ =	shalt  }
0x6f: {  	_ =	shalt  }
0x70: {  	_ =	shalt  }
0x71: {  	_ =	shalt  }
0x72: {  	_ =	shalt  }
0x73: {  	_ =	shalt  }
0x74: {  	_ =	shalt  }
0x75: {  	_ =	shalt  }
0x76: {  	_ =	shalt  }
0x77: {  	_ =	shalt  }
0x78: {  	_ =	shalt  }
0x79: {  	_ =	shalt  }
0x7a: {  	_ =	shalt  }
0x7b: {  	_ =	shalt  }
0x7c: {  	_ =	shalt  }
0x7d: {  	_ =	shalt  }
0x7e: {  	_ =	shalt  }
0x7f: {  	_ =	shalt  }
0x80: {  	_ =	shalt  }
0x81: {  	_ =	shalt  }
0x82: {  	_ =	shalt  }
0x83: {  	_ =	shalt  }
0x84: {  	_ =	shalt  }
0x85: {  	_ =	shalt  }
0x86: {  	_ =	shalt  }
0x87: {  	_ =	shalt  }
.Lfunc_end0:
.L_simem_size_0:
called_computation_lowered:
.L_overlay_start_0:
0x88: {  	s2 =	sld [smem:$0x3FD9]  }
0x89: {  	s3 =	sld [smem:$0x3FFE];
	_ =	sdelay $0x1  }
0x8a: {  	s1 =	srdreg.scid  }
0x8b: {  	s0 =	sand.u32 $0x1, s1  }
0x8c: {  	s14 =	sshll.u32 s0, $0xA;
	s2 =	sadd.s32 s3, s2  }
0x8d: {  	s2 =	sadd.s32 s2, s14  }
0x8e: {  	[smem:$0x3FC2] =	sst s2  }
0x8f: {  	_ = 	snop  }
0x90: {  	s2 =	sld [smem:$0x3FD0];
	_ =	sdelay $0x2  }
0x91: {  	s15 =	simm.s32 $0xA;
	s4 =	simm.s32 $0x10  }
0x92: {  	[smem:s4], [sflag:s15] =	dma.local [hbm:s2], $0x1  }
0x93: {  	_ =	swait.eq [sflag:s15], $0x1  }
0x94: {  	[sflag:s15] =	ssyncset.done $0x0  }
0x95: {  	[sflag:s15] =	ssyncadd.s32 $0xFFFFFFFF  }
0x96: {  	s16 =	sld [smem:$0x10];
	(tm) =	ssettm $0x1  }
0x97: {  	s17 =	sld [smem:$0x3FFB];
	_ =	sdelay $0x3  }
0x98: {  	_ =	strace s17  }
0x99: {  	s3 =	sld [smem:$0x3FFC];
	_ =	sdelay $0x3  }
0x9a: {  	_ =	strace s3  }
0x9b: {  	s3 =	sld [smem:$0x3FFD];
	_ =	sdelay $0x3  }
0x9c: {  	_ =	strace s3  }
0x9d: {  	_ =	strace $0x8FFFFFFF  }
0x9e: {  	s18 =	sld [smem:$0x3FDB];
	_ =	sdelay $0x1  }
0x9f: {  	s19 =	simm.s32 $_scs_section_size  }
0xa0: {  	s5 =	simm.s32 $_size__tile_overlayer_lowered;
	s6 =	simm.s32 $_tile_overlayer_lowered  }
0xa1: {  	s22 =	simm.s32 $0x1BFF;
	s21 =	sshll.u32 s6, $0x1;
	s3 =	sadd.s32 s19, s18  }
0xa2: {  	s7 =	simm.s32 $0x0;
	s20 =	sshll.u32 s5, $0x1;
	s5 =	sadd.s32 s21, s3  }
0xa3: {  	[timem:s7], [sflag:s22] =	dma.local [hbm:s5], s20  }
0xa4: {  	_ =	swait.ge [sflag:s22], s20  }
0xa5: {  	s4 =	ssub.s32 $0x0, s20;
	[sflag:s22] =	ssyncset.done $0x0  }
0xa6: {  	[sflag:s22] =	ssyncadd.s32 s4;
	_ =	sdelay $0x1  }
0xa7: {  	s23 =	simm.s32 $0x1B8B  }
0xa8: {  	_ =	swait.ge [sflag:s23], $0x1  }
0xa9: {  	[sflag:s23] =	ssyncset.done $0x0  }
0xaa: {  	s25 =	simm.s32 $0x1B8E;
	s24 =	sld [smem:$0x3FFE];
	[sflag:s23] =	ssyncadd.s32 $0xFFFFFFFF  }
0xab: {  	s26 =	simm.s32 $execute0_lowered;
	[smem:$0x3FD2] =	sst s25  }
0xac: {  	s5 =	sshll.u32 s26, $0x1;
	_ =	strace $0x80000046;
	[dreg:$0x1] =	wrdreg $0xFFFFFFFF  }
0xad: {  	s28 =	simm.s32 $_size_execute0_lowered;
	s3 =	sadd.s32 s3, s5;
	[dreg:$0x0] =	wrdreg $0x0  }
0xae: {  	s5 =	sshll.u32 s28, $0x1;
	[dreg:$0x2] =	wrdreg s3  }
0xaf: {  	[dreg:$0x3] =	wrdreg s5  }
0xb0: {  	[dreg:$0x4] =	wrdreg $0xC0  }
0xb1: {  	_ =	task [dreg:s7], $0x5FFFF  }
0xb2: {  	[dreg:$0x1] =	wrdreg $0xFFFFFFFF  }
0xb3: {  	[dreg:$0x0] =	wrdreg $0x60  }
0xb4: {  	[dreg:$0x2] =	wrdreg s24  }
0xb5: {  	[dreg:$0x3] =	wrdreg s16  }
0xb6: {  	[dreg:$0x4] =	wrdreg $0x40000  }
0xb7: {  	[dreg:$0x5] =	wrdreg $0x9  }
0xb8: {  	_ =	task.clear_ibuf [dreg:s7], $0x6FFFF;
	_ =	strace $0x90000046  }
0xb9: {  	s29 =	simm.s32 $0x9;
	_ =	strace $0x80000048  }
0xba: {  	_ =	swait.ge [sflag:s29], $0x1  }
0xbb: {  	[sflag:s29] =	ssyncadd.s32 $0xFFFFFFFF  }
0xbc: {  	_ =	strace $0x90000048  }
0xbd: {  	_ =	sfence  }
0xbe: {  	s30 =	sld [smem:$0x0];
	_ =	sdelay $0x2  }
0xbf: {  	s31 =	sshll.u32 s1, $0xD;
	s1 =	sshrl.u32 s1, $0x2  }
0xc0: {  	s3 =	sand.u32 $0x4000, s31;
	s1 =	sadd.s32 s1, s30  }
0xc1: {  	s0 =	sor.u32 s3, s0;
	s1 =	sshll.u32 s1, $0x11  }
0xc2: {  	s0 =	sor.u32 s1, s0  }
0xc3: {  	s0 =	sadd.s32 $0x8F2B, s0  }
0xc4: {  	[sflag:s0] =	ssyncadd.remote.s32 $0x1  }
0xc5: {  	_ =	sfence.sel $0xFFFF  }
0xc6: {  	[dreg:$0x0] =	wrdreg $0xFFFFFFFF;
	(pc) =	sbr.abs _section_cstart, $3  }
0xc7: {  	[dreg:$0x1] =	wrdreg $0xFFFFFFFF  }
0xc8: {  	_ =	task.clear_ibuf [dreg:s7], $0x2FFFF;
	_ =	strace $0x9FFFFFFF  }
0xc9: {  	(tm) =	ssettm $0x7FFFFFFF  }
tec
execute0_lowered:
.L_overlay_start_1:
0x0: {  	(tag) =	ssettag $0x1  }
0x1: {  	s5 =	rddreg [dreg:$0x0]  }
0x2: {  	s0 =	rddreg [dreg:$0x1]  }
0x3: {  	s1 =	rddreg [dreg:$0x2];
	s2 =	simm.s32 $0x0  }
0x4: {  	s20 =	simm.s32 $0x14600;
	[smem:$0x7FF] =	sst s2  }
0x5: {  	s21 =	simm.s32 $0x14A00;
	_ =	strace $0x80000047;
	[dreg:$0x5] =	wrdreg s20  }
0x6: {  	s22 =	simm.s32 $0x14E00;
	[dreg:$0x6] =	wrdreg s21  }
0x7: {  	s23 =	simm.s32 $0x15200;
	[dreg:$0x7] =	wrdreg s22  }
0x8: {  	s24 =	simm.s32 $0x15600;
	[dreg:$0x8] =	wrdreg s23  }
0x9: {  	s25 =	simm.s32 $0x15A00;
	[dreg:$0x9] =	wrdreg s24  }
0xa: {  	s26 =	simm.s32 $0x15E00;
	[dreg:$0xa] =	wrdreg s25  }
0xb: {  	s28 =	simm.s32 $0x14280;
	[dreg:$0xb] =	wrdreg s26  }
0xc: {  	s29 =	simm.s32 $0x14680;
	[dreg:$0xc] =	wrdreg s28  }
0xd: {  	s30 =	simm.s32 $0x14A80;
	[dreg:$0xd] =	wrdreg s29  }
0xe: {  	s31 =	simm.s32 $0x14E80;
	[dreg:$0xe] =	wrdreg s30  }
0xf: {  	s6 =	simm.s32 $0x15680;
	[dreg:$0xf] =	wrdreg s31  }
0x10: {  	s7 =	simm.s32 $0x15A80;
	[dreg:$0x11] =	wrdreg s6  }
0x11: {  	s9 =	simm.s32 $0x15E80;
	[dreg:$0x12] =	wrdreg s7  }
0x12: {  	s10 =	simm.s32 $0x14300;
	[dreg:$0x13] =	wrdreg s9  }
0x13: {  	s11 =	simm.s32 $0x14700;
	[dreg:$0x14] =	wrdreg s10  }
0x14: {  	s12 =	simm.s32 $0x14B00;
	[dreg:$0x15] =	wrdreg s11  }
0x15: {  	s13 =	simm.s32 $0x14F00;
	[dreg:$0x16] =	wrdreg s12  }
0x16: {  	s14 =	simm.s32 $0x15300;
	[dreg:$0x17] =	wrdreg s13  }
0x17: {  	s15 =	simm.s32 $0x15700;
	[dreg:$0x18] =	wrdreg s14  }
0x18: {  	s16 =	simm.s32 $0x15B00;
	[dreg:$0x19] =	wrdreg s15  }
0x19: {  	s8 =	stileid.u32;
	s17 =	simm.s32 $0x15F00;
	[dreg:$0x1a] =	wrdreg s16  }
0x1a: {  	s18 =	simm.s32 $0x14380;
	s4 =	sshll.u32 s8, $0x13;
	[dreg:$0x1b] =	wrdreg s17  }
0x1b: {  	s0 =	sadd.s32 s4, s0;
	s4 =	simm.s32 $0x15280;
	[dreg:$0x1c] =	wrdreg s18  }
0x1c: {  	s20 =	simm.s32 $0x14B80;
	[dreg:$0x10] =	wrdreg s4  }
0x1d: {  	s21 =	simm.s32 $0x14F80;
	[dreg:$0x1e] =	wrdreg s20  }
0x1e: {  	s22 =	simm.s32 $0x15380;
	[dreg:$0x1f] =	wrdreg s21  }
0x1f: {  	s23 =	simm.s32 $0x15780;
	[smem:$0x715] =	sst s22  }
0x20: {  	s24 =	simm.s32 $0x15B80;
	[smem:$0x716] =	sst s23  }
0x21: {  	s25 =	simm.s32 $0x15F80;
	[smem:$0x717] =	sst s24  }
0x22: {  	s26 =	simm.s32 $0x14400;
	[smem:$0x718] =	sst s25  }
0x23: {  	s28 =	simm.s32 $0x14800;
	[smem:$0x719] =	sst s26  }
0x24: {  	s29 =	simm.s32 $0x14C00;
	[smem:$0x71A] =	sst s28  }
0x25: {  	s30 =	simm.s32 $0x15000;
	[smem:$0x71B] =	sst s29  }
0x26: {  	s31 =	simm.s32 $0x15400;
	[smem:$0x71C] =	sst s30  }
0x27: {  	s6 =	simm.s32 $0x15C00;
	[smem:$0x71D] =	sst s31  }
0x28: {  	s7 =	simm.s32 $0x16000;
	[smem:$0x71F] =	sst s6  }
0x29: {  	s9 =	simm.s32 $0x14480;
	[smem:$0x720] =	sst s7  }
0x2a: {  	s10 =	simm.s32 $0x14880;
	[smem:$0x721] =	sst s9  }
0x2b: {  	s11 =	simm.s32 $0x14C80;
	[smem:$0x722] =	sst s10  }
0x2c: {  	s12 =	simm.s32 $0x15080;
	[smem:$0x723] =	sst s11  }
0x2d: {  	s13 =	simm.s32 $0x15480;
	[smem:$0x724] =	sst s12  }
0x2e: {  	s14 =	simm.s32 $0x15880;
	[smem:$0x725] =	sst s13  }
0x2f: {  	s15 =	simm.s32 $0x15C80;
	[smem:$0x726] =	sst s14  }
0x30: {  	s3 =	srdreg.scid;
	s16 =	simm.s32 $0x16080;
	[smem:$0x727] =	sst s15  }
0x31: {  	s3 =	sand.u32 $0x1, s3;
	s17 =	simm.s32 $0x14500;
	[smem:$0x728] =	sst s16  }
0x32: {  	s19 =	sshll.u32 s3, $0x12;
	s18 =	simm.s32 $0x14900;
	[smem:$0x729] =	sst s17  }
0x33: {  	s0 =	sadd.s32 s19, s0;
	[smem:$0x72A] =	sst s18  }
0x34: {  	s19 =	simm.s32 $0x14780;
	[dreg:$0x4] =	wrdreg s0  }
0x35: {  	s4 =	simm.s32 $0x15800;
	[dreg:$0x1d] =	wrdreg s19  }
0x36: {  	s20 =	simm.s32 $0x15100;
	[smem:$0x71E] =	sst s4  }
0x37: {  	s21 =	simm.s32 $0x15500;
	[smem:$0x72C] =	sst s20  }
0x38: {  	s22 =	simm.s32 $0x15900;
	[smem:$0x72D] =	sst s21  }
0x39: {  	s23 =	simm.s32 $0x15D00;
	[smem:$0x72E] =	sst s22  }
0x3a: {  	s24 =	simm.s32 $0x16100;
	[smem:$0x72F] =	sst s23  }
0x3b: {  	s25 =	simm.s32 $0x14580;
	[smem:$0x730] =	sst s24  }
0x3c: {  	s26 =	simm.s32 $0x14980;
	[smem:$0x731] =	sst s25  }
0x3d: {  	s28 =	simm.s32 $0x14D80;
	[smem:$0x732] =	sst s26  }
0x3e: {  	s29 =	simm.s32 $0x15180;
	[smem:$0x733] =	sst s28  }
0x3f: {  	s30 =	simm.s32 $0x15580;
	[smem:$0x734] =	sst s29  }
0x40: {  	s31 =	simm.s32 $0x15980;
	[smem:$0x735] =	sst s30  }
0x41: {  	s6 =	simm.s32 $0x16180;
	[smem:$0x736] =	sst s31  }
0x42: {  	s7 =	simm.s32 $0x16200;
	[smem:$0x738] =	sst s6  }
0x43: {  	s9 =	simm.s32 $0x16600;
	[smem:$0x739] =	sst s7  }
0x44: {  	s10 =	simm.s32 $0x16A00;
	[smem:$0x73A] =	sst s9  }
0x45: {  	s11 =	simm.s32 $0x16E00;
	[smem:$0x73B] =	sst s10  }
0x46: {  	s12 =	simm.s32 $0x17200;
	[smem:$0x73C] =	sst s11  }
0x47: {  	s13 =	simm.s32 $0x17600;
	[smem:$0x73D] =	sst s12  }
0x48: {  	s14 =	simm.s32 $0x17A00;
	[smem:$0x73E] =	sst s13  }
0x49: {  	s15 =	simm.s32 $0x17E00;
	[smem:$0x73F] =	sst s14  }
0x4a: {  	s16 =	simm.s32 $0x16280;
	[smem:$0x740] =	sst s15  }
0x4b: {  	s17 =	simm.s32 $0x16680;
	[smem:$0x741] =	sst s16  }
0x4c: {  	s18 =	simm.s32 $0x16A80;
	[smem:$0x742] =	sst s17  }
0x4d: {  	s19 =	simm.s32 $0x14D00;
	[smem:$0x743] =	sst s18  }
0x4e: {  	s4 =	simm.s32 $0x15D80;
	[smem:$0x72B] =	sst s19  }
0x4f: {  	s20 =	simm.s32 $0x17280;
	[smem:$0x737] =	sst s4  }
0x50: {  	s21 =	simm.s32 $0x17680;
	[smem:$0x745] =	sst s20  }
0x51: {  	s22 =	simm.s32 $0x17A80;
	[smem:$0x746] =	sst s21  }
0x52: {  	s23 =	simm.s32 $0x17E80;
	[smem:$0x747] =	sst s22  }
0x53: {  	s24 =	simm.s32 $0x16300;
	[smem:$0x748] =	sst s23  }
0x54: {  	s25 =	simm.s32 $0x16700;
	[smem:$0x749] =	sst s24  }
0x55: {  	s26 =	simm.s32 $0x16B00;
	[smem:$0x74A] =	sst s25  }
0x56: {  	s28 =	simm.s32 $0x16F00;
	[smem:$0x74B] =	sst s26  }
0x57: {  	s29 =	simm.s32 $0x17300;
	[smem:$0x74C] =	sst s28  }
0x58: {  	s30 =	simm.s32 $0x17700;
	[smem:$0x74D] =	sst s29  }
0x59: {  	s31 =	simm.s32 $0x17B00;
	[smem:$0x74E] =	sst s30  }
0x5a: {  	s6 =	simm.s32 $0x16380;
	[smem:$0x74F] =	sst s31  }
0x5b: {  	s7 =	simm.s32 $0x16780;
	[smem:$0x751] =	sst s6  }
0x5c: {  	s9 =	simm.s32 $0x16B80;
	[smem:$0x752] =	sst s7  }
0x5d: {  	s10 =	simm.s32 $0x16F80;
	[smem:$0x753] =	sst s9  }
0x5e: {  	s11 =	simm.s32 $0x17380;
	[smem:$0x754] =	sst s10  }
0x5f: {  	s12 =	simm.s32 $0x17780;
	[smem:$0x755] =	sst s11  }
0x60: {  	s13 =	simm.s32 $0x17B80;
	[smem:$0x756] =	sst s12  }
0x61: {  	s14 =	simm.s32 $0x17F80;
	[smem:$0x757] =	sst s13  }
0x62: {  	s15 =	simm.s32 $0x16400;
	[smem:$0x758] =	sst s14  }
0x63: {  	s16 =	simm.s32 $0x16800;
	[smem:$0x759] =	sst s15  }
0x64: {  	s17 =	simm.s32 $0x16C00;
	[smem:$0x75A] =	sst s16  }
0x65: {  	s18 =	simm.s32 $0x17000;
	[smem:$0x75B] =	sst s17  }
0x66: {  	s19 =	simm.s32 $0x16E80;
	[smem:$0x75C] =	sst s18  }
0x67: {  	s4 =	simm.s32 $0x17F00;
	[smem:$0x744] =	sst s19  }
0x68: {  	s20 =	simm.s32 $0x17800;
	[smem:$0x750] =	sst s4  }
0x69: {  	s21 =	simm.s32 $0x17C00;
	[smem:$0x75E] =	sst s20  }
0x6a: {  	s22 =	simm.s32 $0x18000;
	[smem:$0x75F] =	sst s21  }
0x6b: {  	s23 =	simm.s32 $0x16480;
	[smem:$0x760] =	sst s22  }
0x6c: {  	s24 =	simm.s32 $0x16880;
	[smem:$0x761] =	sst s23  }
0x6d: {  	s25 =	simm.s32 $0x16C80;
	[smem:$0x762] =	sst s24  }
0x6e: {  	s26 =	simm.s32 $0x17080;
	[smem:$0x763] =	sst s25  }
0x6f: {  	s28 =	simm.s32 $0x17480;
	[smem:$0x764] =	sst s26  }
0x70: {  	s29 =	simm.s32 $0x17880;
	[smem:$0x765] =	sst s28  }
0x71: {  	s30 =	simm.s32 $0x17C80;
	[smem:$0x766] =	sst s29  }
0x72: {  	s31 =	simm.s32 $0x18080;
	[smem:$0x767] =	sst s30  }
0x73: {  	s6 =	simm.s32 $0x16900;
	[smem:$0x768] =	sst s31  }
0x74: {  	s7 =	simm.s32 $0x16D00;
	[smem:$0x76A] =	sst s6  }
0x75: {  	s9 =	simm.s32 $0x17100;
	[smem:$0x76B] =	sst s7  }
0x76: {  	s10 =	simm.s32 $0x17500;
	[smem:$0x76C] =	sst s9  }
0x77: {  	s11 =	simm.s32 $0x17900;
	[smem:$0x76D] =	sst s10  }
0x78: {  	s12 =	simm.s32 $0x17D00;
	[smem:$0x76E] =	sst s11  }
0x79: {  	s13 =	simm.s32 $0x18100;
	[smem:$0x76F] =	sst s12  }
0x7a: {  	s14 =	simm.s32 $0x16580;
	[smem:$0x770] =	sst s13  }
0x7b: {  	s15 =	simm.s32 $0x16980;
	[smem:$0x771] =	sst s14  }
0x7c: {  	s16 =	simm.s32 $0x16D80;
	[smem:$0x772] =	sst s15  }
0x7d: {  	s17 =	simm.s32 $0x17180;
	[smem:$0x773] =	sst s16  }
0x7e: {  	s18 =	simm.s32 $0x17580;
	[smem:$0x774] =	sst s17  }
0x7f: {  	s19 =	simm.s32 $0x17400;
	[smem:$0x775] =	sst s18  }
0x80: {  	s4 =	simm.s32 $0x16500;
	[smem:$0x75D] =	sst s19  }
0x81: {  	s20 =	simm.s32 $0x17D80;
	[smem:$0x769] =	sst s4  }
0x82: {  	s21 =	simm.s32 $0x18180;
	[smem:$0x777] =	sst s20  }
0x83: {  	s22 =	simm.s32 $0x18600;
	[smem:$0x778] =	sst s21  }
0x84: {  	s23 =	simm.s32 $0x18A00;
	[smem:$0x779] =	sst s22  }
0x85: {  	s24 =	simm.s32 $0x18E00;
	[smem:$0x77A] =	sst s23  }
0x86: {  	s25 =	simm.s32 $0x19200;
	[smem:$0x77B] =	sst s24  }
0x87: {  	s26 =	simm.s32 $0x19600;
	[smem:$0x77C] =	sst s25  }
0x88: {  	s28 =	simm.s32 $0x19A00;
	[smem:$0x77D] =	sst s26  }
0x89: {  	s29 =	simm.s32 $0x19E00;
	[smem:$0x77E] =	sst s28  }
0x8a: {  	s30 =	simm.s32 $0x18280;
	[smem:$0x77F] =	sst s29  }
0x8b: {  	s31 =	simm.s32 $0x18680;
	[smem:$0x780] =	sst s30  }
0x8c: {  	s6 =	simm.s32 $0x18E80;
	[smem:$0x781] =	sst s31  }
0x8d: {  	s7 =	simm.s32 $0x19280;
	[smem:$0x783] =	sst s6  }
0x8e: {  	s9 =	simm.s32 $0x19680;
	[smem:$0x784] =	sst s7  }
0x8f: {  	s10 =	simm.s32 $0x19A80;
	[smem:$0x785] =	sst s9  }
0x90: {  	s11 =	simm.s32 $0x19E80;
	[smem:$0x786] =	sst s10  }
0x91: {  	s12 =	simm.s32 $0x18300;
	[smem:$0x787] =	sst s11  }
0x92: {  	s13 =	simm.s32 $0x18700;
	[smem:$0x788] =	sst s12  }
0x93: {  	s14 =	simm.s32 $0x18B00;
	[smem:$0x789] =	sst s13  }
0x94: {  	s15 =	simm.s32 $0x18F00;
	[smem:$0x78A] =	sst s14  }
0x95: {  	s16 =	simm.s32 $0x19300;
	[smem:$0x78B] =	sst s15  }
0x96: {  	s17 =	simm.s32 $0x19700;
	[smem:$0x78C] =	sst s16  }
0x97: {  	s18 =	simm.s32 $0x19B00;
	[smem:$0x78D] =	sst s17  }
0x98: {  	s19 =	simm.s32 $0x17980;
	[smem:$0x78E] =	sst s18  }
0x99: {  	s4 =	simm.s32 $0x18A80;
	[smem:$0x776] =	sst s19  }
0x9a: {  	s20 =	simm.s32 $0x18380;
	[smem:$0x782] =	sst s4  }
0x9b: {  	s21 =	simm.s32 $0x18780;
	[smem:$0x790] =	sst s20  }
0x9c: {  	s22 =	simm.s32 $0x18B80;
	[smem:$0x791] =	sst s21  }
0x9d: {  	s23 =	simm.s32 $0x18F80;
	[smem:$0x792] =	sst s22  }
0x9e: {  	s24 =	simm.s32 $0x19380;
	[smem:$0x793] =	sst s23  }
0x9f: {  	s25 =	simm.s32 $0x19780;
	[smem:$0x794] =	sst s24  }
0xa0: {  	s26 =	simm.s32 $0x19B80;
	[smem:$0x795] =	sst s25  }
0xa1: {  	s28 =	simm.s32 $0x19F80;
	[smem:$0x796] =	sst s26  }
0xa2: {  	s29 =	simm.s32 $0x18400;
	[smem:$0x797] =	sst s28  }
0xa3: {  	s30 =	simm.s32 $0x18800;
	[smem:$0x798] =	sst s29  }
0xa4: {  	s31 =	simm.s32 $0x18C00;
	[smem:$0x799] =	sst s30  }
0xa5: {  	s6 =	simm.s32 $0x19400;
	[smem:$0x79A] =	sst s31  }
0xa6: {  	s7 =	simm.s32 $0x19800;
	[smem:$0x79C] =	sst s6  }
0xa7: {  	s9 =	simm.s32 $0x19C00;
	[smem:$0x79D] =	sst s7  }
0xa8: {  	s10 =	simm.s32 $0x1A000;
	[smem:$0x79E] =	sst s9  }
0xa9: {  	s11 =	simm.s32 $0x18480;
	[smem:$0x79F] =	sst s10  }
0xaa: {  	s12 =	simm.s32 $0x18880;
	[smem:$0x7A0] =	sst s11  }
0xab: {  	s13 =	simm.s32 $0x18C80;
	[smem:$0x7A1] =	sst s12  }
0xac: {  	s14 =	simm.s32 $0x19080;
	[smem:$0x7A2] =	sst s13  }
0xad: {  	s15 =	simm.s32 $0x19480;
	[smem:$0x7A3] =	sst s14  }
0xae: {  	s16 =	simm.s32 $0x19880;
	[smem:$0x7A4] =	sst s15  }
0xaf: {  	s17 =	simm.s32 $0x19C80;
	[smem:$0x7A5] =	sst s16  }
0xb0: {  	s18 =	simm.s32 $0x1A080;
	[smem:$0x7A6] =	sst s17  }
0xb1: {  	s19 =	simm.s32 $0x19F00;
	[smem:$0x7A7] =	sst s18  }
0xb2: {  	s4 =	simm.s32 $0x19000;
	[smem:$0x78F] =	sst s19  }
0xb3: {  	s20 =	simm.s32 $0x18900;
	[smem:$0x79B] =	sst s4  }
0xb4: {  	s21 =	simm.s32 $0x18D00;
	[smem:$0x7A9] =	sst s20  }
0xb5: {  	s22 =	simm.s32 $0x19100;
	[smem:$0x7AA] =	sst s21  }
0xb6: {  	s23 =	simm.s32 $0x19500;
	[smem:$0x7AB] =	sst s22  }
0xb7: {  	s24 =	simm.s32 $0x19900;
	[smem:$0x7AC] =	sst s23  }
0xb8: {  	s25 =	simm.s32 $0x19D00;
	[smem:$0x7AD] =	sst s24  }
0xb9: {  	s26 =	simm.s32 $0x1A100;
	[smem:$0x7AE] =	sst s25  }
0xba: {  	s28 =	simm.s32 $0x18580;
	[smem:$0x7AF] =	sst s26  }
0xbb: {  	s29 =	simm.s32 $0x18980;
	[smem:$0x7B0] =	sst s28  }
0xbc: {  	s30 =	simm.s32 $0x18D80;
	[smem:$0x7B1] =	sst s29  }
0xbd: {  	s31 =	simm.s32 $0x19180;
	[smem:$0x7B2] =	sst s30  }
0xbe: {  	s6 =	simm.s32 $0x19980;
	[smem:$0x7B3] =	sst s31  }
0xbf: {  	s7 =	simm.s32 $0x19D80;
	[smem:$0x7B5] =	sst s6  }
0xc0: {  	s9 =	simm.s32 $0x1A180;
	[smem:$0x7B6] =	sst s7  }
0xc1: {  	s10 =	simm.s32 $0x1A200;
	[smem:$0x7B7] =	sst s9  }
0xc2: {  	s11 =	simm.s32 $0x1A600;
	[smem:$0x7B8] =	sst s10  }
0xc3: {  	s12 =	simm.s32 $0x1AA00;
	[smem:$0x7B9] =	sst s11  }
0xc4: {  	s13 =	simm.s32 $0x1AE00;
	[smem:$0x7BA] =	sst s12  }
0xc5: {  	s14 =	simm.s32 $0x1B200;
	[smem:$0x7BB] =	sst s13  }
0xc6: {  	s15 =	simm.s32 $0x1B600;
	[smem:$0x7BC] =	sst s14  }
0xc7: {  	s16 =	simm.s32 $0x1BA00;
	[smem:$0x7BD] =	sst s15  }
0xc8: {  	s17 =	simm.s32 $0x1BE00;
	[smem:$0x7BE] =	sst s16  }
0xc9: {  	s18 =	simm.s32 $0x1A280;
	[smem:$0x7BF] =	sst s17  }
0xca: {  	s19 =	simm.s32 $0x18500;
	[smem:$0x7C0] =	sst s18  }
0xcb: {  	s4 =	simm.s32 $0x19580;
	[smem:$0x7A8] =	sst s19  }
0xcc: {  	s20 =	simm.s32 $0x1AA80;
	[smem:$0x7B4] =	sst s4  }
0xcd: {  	s21 =	simm.s32 $0x1AE80;
	[smem:$0x7C2] =	sst s20  }
0xce: {  	s22 =	simm.s32 $0x1B280;
	[smem:$0x7C3] =	sst s21  }
0xcf: {  	s23 =	simm.s32 $0x1B680;
	[smem:$0x7C4] =	sst s22  }
0xd0: {  	s24 =	simm.s32 $0x1BA80;
	[smem:$0x7C5] =	sst s23  }
0xd1: {  	s25 =	simm.s32 $0x1BE80;
	[smem:$0x7C6] =	sst s24  }
0xd2: {  	s26 =	simm.s32 $0x1A300;
	[smem:$0x7C7] =	sst s25  }
0xd3: {  	s28 =	simm.s32 $0x1A700;
	[smem:$0x7C8] =	sst s26  }
0xd4: {  	s29 =	simm.s32 $0x1AB00;
	[smem:$0x7C9] =	sst s28  }
0xd5: {  	s30 =	simm.s32 $0x1AF00;
	[smem:$0x7CA] =	sst s29  }
0xd6: {  	s31 =	simm.s32 $0x1B300;
	[smem:$0x7CB] =	sst s30  }
0xd7: {  	s6 =	simm.s32 $0x1BB00;
	[smem:$0x7CC] =	sst s31  }
0xd8: {  	s7 =	simm.s32 $0x1BF00;
	[smem:$0x7CE] =	sst s6  }
0xd9: {  	s9 =	simm.s32 $0x1A380;
	[smem:$0x7CF] =	sst s7  }
0xda: {  	s10 =	simm.s32 $0x1A780;
	[smem:$0x7D0] =	sst s9  }
0xdb: {  	s11 =	simm.s32 $0x1AB80;
	[smem:$0x7D1] =	sst s10  }
0xdc: {  	s12 =	simm.s32 $0x1AF80;
	[smem:$0x7D2] =	sst s11  }
0xdd: {  	s13 =	simm.s32 $0x1B380;
	[smem:$0x7D3] =	sst s12  }
0xde: {  	s14 =	simm.s32 $0x1B780;
	[smem:$0x7D4] =	sst s13  }
0xdf: {  	s15 =	simm.s32 $0x1BB80;
	[smem:$0x7D5] =	sst s14  }
0xe0: {  	s16 =	simm.s32 $0x1BF80;
	[smem:$0x7D6] =	sst s15  }
0xe1: {  	s17 =	simm.s32 $0x1A400;
	[smem:$0x7D7] =	sst s16  }
0xe2: {  	s18 =	simm.s32 $0x1A800;
	[smem:$0x7D8] =	sst s17  }
0xe3: {  	s19 =	simm.s32 $0x1A680;
	[smem:$0x7D9] =	sst s18  }
0xe4: {  	s4 =	simm.s32 $0x1B700;
	[smem:$0x7C1] =	sst s19  }
0xe5: {  	s20 =	simm.s32 $0x1B000;
	[smem:$0x7CD] =	sst s4  }
0xe6: {  	s21 =	simm.s32 $0x1B400;
	[smem:$0x7DB] =	sst s20  }
0xe7: {  	s22 =	simm.s32 $0x1B800;
	[smem:$0x7DC] =	sst s21  }
0xe8: {  	s23 =	simm.s32 $0x1BC00;
	[smem:$0x7DD] =	sst s22  }
0xe9: {  	s24 =	simm.s32 $0x1C000;
	[smem:$0x7DE] =	sst s23  }
0xea: {  	s26 =	simm.s32 $0x1A480;
	[smem:$0x7DF] =	sst s24  }
0xeb: {  	s28 =	simm.s32 $0x1A880;
	[smem:$0x7E0] =	sst s26  }
0xec: {  	s29 =	simm.s32 $0x1AC80;
	[smem:$0x7E1] =	sst s28  }
0xed: {  	s30 =	simm.s32 $0x1B080;
	[smem:$0x7E2] =	sst s29  }
0xee: {  	s31 =	simm.s32 $0x1B480;
	[smem:$0x7E3] =	sst s30  }
0xef: {  	s9 =	simm.s32 $0x1BC80;
	[smem:$0x7E4] =	sst s31  }
0xf0: {  	s11 =	simm.s32 $0x1C080;
	[smem:$0x7E6] =	sst s9  }
0xf1: {  	s12 =	simm.s32 $0x1A500;
	[smem:$0x7E7] =	sst s11  }
0xf2: {  	s13 =	simm.s32 $0x1A900;
	[smem:$0x7E9] =	sst s12  }
0xf3: {  	s15 =	simm.s32 $0x1AD00;
	[smem:$0x7EA] =	sst s13  }
0xf4: {  	s16 =	simm.s32 $0x1B100;
	[smem:$0x7EB] =	sst s15  }
0xf5: {  	s6 =	sshll.u32 s8, $0xC;
	s18 =	simm.s32 $0x1B500;
	[smem:$0x7EC] =	sst s16  }
0xf6: {  	s7 =	sshll.u32 s3, $0xB;
	s19 =	simm.s32 $0x1AC00;
	[smem:$0x7ED] =	sst s18  }
0xf7: {  	s6 =	sor.u32 s7, s6;
	s7 =	simm.s32 $0x1B880;
	[smem:$0x7DA] =	sst s19  }
0xf8: {  	s20 =	simm.s32 $0x1BD00;
	[smem:$0x7E5] =	sst s7  }
0xf9: {  	p0 =	sne.s32 s8, $0x0;
	s21 =	simm.s32 $0x1C100;
	[smem:$0x7F0] =	sst s20  }
0xfa: {  	s25 =	sshll.u32 s8, $0xD;
	s22 =	simm.s32 $0x1A580;
	[smem:$0x7F2] =	sst s21  }
0xfb: {  	s3 =	ssub.s32 $0x2, s3;
	s23 =	simm.s32 $0x1A980;
	[smem:$0x7F4] =	sst s22  }
0xfc: {  	s14 =	sshll.u32 s8, $0x10;
	s24 =	simm.s32 $0x1AD80;
	[smem:$0x7F5] =	sst s23  }
0xfd: {  	s17 =	sshll.u32 s8, $0x6;
	s26 =	simm.s32 $0x1B180;
	[smem:$0x7F7] =	sst s24  }
0xfe: {  	s4 =	sadd.s32 s25, s5;
	s28 =	simm.s32 $0x1B580;
	[smem:$0x7F8] =	sst s26  }
0xff: {  	s10 =	sshrl.u32 s3, $0x1;
	s29 =	simm.s32 $0x1B980;
	[smem:$0x7FA] =	sst s28  }
0x100: {  	s9 =	sadd.s32 s14, s1;
	s30 =	simm.s32 $0x1BD80;
	[smem:$0x7FB] =	sst s29  }
0x101: {  	s11 =	simm.s32 $0x14200;
	s31 =	simm.s32 $0x1C180;
	[smem:$0x7FC] =	sst s30  }
0x102: {  	s12 =	simm.s32 $0x1;
	s4 =	sadd.s32 $0x11000, s4;
	[smem:$0x7FD] =	sst s31  }
0x103: {  	s6 =	sadd.s32 s6, s5;
	s5 =	sadd.s32 $0x31000, s5;
	[smem:$0x7E8] =	sst s4  }
0x104: {  	s13 =	simm.s32 $0x18200;
	s19 =	simm.s32 $0x1B900;
	[smem:$0x7EE] =	sst s5  }
0x105: {  	s14 =	simm.s32 $0x2;
	s25 =	sshrl.u32 s9, $0x3;
	[smem:$0x7EF] =	sst s19  }
0x106: {  	s3 =	ssub.s32 s3, s10;
	s6 =	sadd.s32 $0x1000, s6;
	[smem:$0x7F6] =	sst s25  }
0x107: {  	s5 =	sadd.s32 $0x100000, s1;
	s3 =	smax.u32 s3, $0x1;
	[smem:$0x7F1] =	sst s6  }
0x108: {  	s9 =	simm.s32 $0x5;
	[smem:$0x7F3] =	sst s3;
	s0 =	sshrl.u32 @!p0 s5, $0x3  }
0x109: {  	s4 =	sor.u32 $0x1C05, s17;
	s17 =	simm.s32 $0x0;
	[smem:$0x7F9] =	sst s0  }
.LBB2_1:
0x10a: {  	s0 =	sld [smem:$0x7E8]  }
0x10b: {  	s3 =	sld [smem:$0x7F6];
	_ =	sdelay $0x2  }
0x10c: {  	[spmem:s3], [sflag:s4] =	dma.local [hbm:s0], $0x2000  }
0x10d: {  	_ =	swait.ge [sflag:s9], $0x2000  }
0x10e: {  	s0 =	sld [smem:$0x7EE]  }
0x10f: {  	s3 =	sld [smem:$0x7F9]  }
0x110: {  	[sflag:s9] =	ssyncset.done $0x0  }
0x111: {  	[sflag:s9] =	ssyncadd.s32 $0xFFFFE000  }
0x112: {  	[spmem:s3], [sflag:s4] =	dma.local @!p0 [hbm:s0], $0x400  }
0x113: {  	s0 =	simm.s32 @!p0 $0x5  }
0x114: {  	_ =	swait.ge @!p0 [sflag:s0], $0x400  }
0x115: {  	s20 =	sld [smem:$0x7F1]  }
0x116: {  	[sflag:s0] =	ssyncset.done @!p0 $0x0  }
0x117: {  	[sflag:s0] =	ssyncadd.s32 @!p0 $0xFFFFFC00  }
0x118: {  	[tilespmem:s2], [sflag:$0x5] =	stream.linear.gather [hbm4b:s20+s2], $0x4000, $0x38;
	[tilespmem:$0x1C200] =	vst v63  }
0x119: {  	_ =	swait.ge [sflag:s9], $0x4000  }
0x11a: {  	p1 =	por $0x1, $0x1;
	[sflag:s9] =	ssyncset.done $0x0  }
0x11b: {  	p1 =	por p1, p1;
	[sflag:s9] =	ssyncadd.s32 $0xFFFFC000  }
0x11c: {  	s0 =	simm.s32 @!p1 $0x3;
	[bflag:$0x0] =	sbarrier.arrive $0xFFFF  }
0x11d: {  	_ =	swait.ge @!p1 [sflag:s0], $0x4000  }
0x11e: {  	[sflag:s0] =	ssyncset.done @!p1 $0x0  }
0x11f: {  	s19 =	simm.s32 $0x80;
	[sflag:s0] =	ssyncadd.s32 @!p1 $0xFFFFC000  }
0x120: {  	v0 =	vld [tilespmem:s19+$0xFFFFFF80];
	_ =	sdelay $0x4  }
0x121: {  	(v2sf) =	vpush v0, $0x0;
	_ =	sdelay $0xb  }
0x122: {  	(v2sf) =	vpush v0, $0x1;
	_ =	sdelay $0x2  }
0x123: {  	s21 =	spop (v2sf)  }
0x124: {  	s22 =	sshll.u32 s21, $0xA  }
0x125: {  	s23 =	rddreg [dreg:$0x5];
	s0 =	sshll.u32 s21, $0x7;
	s3 =	sand.u32 $0xFFFFE000, s22  }
0x126: {  	s6 =	rddreg [dreg:$0x6];
	s0 =	sand.u32 $0x380, s0;
	s3 =	sadd.s32 s3, s1  }
0x127: {  	s18 =	rddreg [dreg:$0x7];
	s0 =	sadd.s32 s0, s3  }
0x128: {  	[tilespmem:s11], [sflag:$0x1] =	stream.linear.gather [spmem:s0], $0x80, $0x38;
	[tilespmem:$0x1C200] =	vst v63  }
0x129: {  	s20 =	rddreg [dreg:$0x8];
	s5 =	sadd.s32 $0x400, s0  }
0x12a: {  	[tilespmem:s23], [sflag:$0x1] =	stream.linear.gather [spmem:s5], $0x80, $0x38;
	[tilespmem:$0x1C200] =	vst v63  }
0x12b: {  	s30 =	rddreg [dreg:$0x9];
	s25 =	sadd.s32 $0x800, s0  }
0x12c: {  	(v2sf) =	vpush v0, $0x2;
	[tilespmem:s6], [sflag:$0x1] =	stream.linear.gather [spmem:s25], $0x80, $0x38;
	[tilespmem:$0x1C200] =	vst v63  }
0x12d: {  	s7 =	rddreg [dreg:$0xa];
	s28 =	sadd.s32 $0xC00, s0  }
0x12e: {  	[tilespmem:s18], [sflag:$0x1] =	stream.linear.gather [spmem:s28], $0x80, $0x38;
	[tilespmem:$0x1C200] =	vst v63  }
0x12f: {  	s10 =	rddreg [dreg:$0xb];
	s24 =	spop (v2sf);
	s29 =	sadd.s32 $0x1000, s0  }
0x130: {  	[tilespmem:s20], [sflag:$0x1] =	stream.linear.gather [spmem:s29], $0x80, $0x38;
	[tilespmem:$0x1C200] =	vst v63  }
0x131: {  	s15 =	rddreg [dreg:$0xc];
	s26 =	sshll.u32 s24, $0xA;
	s31 =	sadd.s32 $0x1400, s0  }
0x132: {  	[tilespmem:s30], [sflag:$0x1] =	stream.linear.gather [spmem:s31], $0x80, $0x38;
	[tilespmem:$0x1C200] =	vst v63  }
0x133: {  	s3 =	sshll.u32 s24, $0x7;
	s8 =	sadd.s32 $0x1800, s0;
	s5 =	sand.u32 $0xFFFFE000, s26  }
0x134: {  	[tilespmem:s7], [sflag:$0x1] =	stream.linear.gather [spmem:s8], $0x80, $0x38;
	[tilespmem:$0x1C200] =	vst v63  }
0x135: {  	s0 =	sadd.s32 $0x1C00, s0;
	s3 =	sand.u32 $0x380, s3;
	s5 =	sadd.s32 s5, s1  }
0x136: {  	[tilespmem:s10], [sflag:$0x1] =	stream.linear.gather [spmem:s0], $0x80, $0x38;
	[tilespmem:$0x1C200] =	vst v63  }
0x137: {  	s21 =	rddreg [dreg:$0xe];
	s16 =	sadd.s32 s3, s5  }
0x138: {  	[tilespmem:s15], [sflag:$0x1] =	stream.linear.gather [spmem:s16], $0x80, $0x38;
	[tilespmem:$0x1C200] =	vst v63  }
0x139: {  	s5 =	sadd.s32 $0x400, s16;
	s20 =	rddreg [dreg:$0xd]  }
0x13a: {  	[tilespmem:s20], [sflag:$0x1] =	stream.linear.gather [spmem:s5], $0x80, $0x38;
	[tilespmem:$0x1C200] =	vst v63  }
0x13b: {  	s22 =	spop (v2sf);
	s24 =	rddreg [dreg:$0xf];
	s23 =	sadd.s32 $0x800, s16  }
0x13c: {  	(v2sf) =	vpush v0, $0x3;
	[tilespmem:s21], [sflag:$0x1] =	stream.linear.gather [spmem:s23], $0x80, $0x38;
	[tilespmem:$0x1C200] =	vst v63  }
0x13d: {  	s25 =	sshll.u32 s22, $0xA;
	s26 =	sadd.s32 $0xC00, s16;
	s28 =	rddreg [dreg:$0x10]  }
0x13e: {  	[tilespmem:s24], [sflag:$0x1] =	stream.linear.gather [spmem:s26], $0x80, $0x38;
	[tilespmem:$0x1C200] =	vst v63  }
0x13f: {  	s3 =	sshll.u32 s22, $0x7;
	s29 =	sadd.s32 $0x1000, s16;
	s30 =	rddreg [dreg:$0x11]  }
0x140: {  	[tilespmem:s28], [sflag:$0x1] =	stream.linear.gather [spmem:s29], $0x80, $0x38;
	[tilespmem:$0x1C200] =	vst v63  }
0x141: {  	s3 =	sand.u32 $0x380, s3;
	s31 =	sadd.s32 $0x1400, s16;
	s7 =	rddreg [dreg:$0x12]  }
0x142: {  	[tilespmem:s30], [sflag:$0x1] =	stream.linear.gather [spmem:s31], $0x80, $0x38;
	[tilespmem:$0x1C200] =	vst v63  }
0x143: {  	s8 =	sadd.s32 $0x1800, s16;
	s10 =	rddreg [dreg:$0x13];
	s5 =	sand.u32 $0xFFFFE000, s25  }
0x144: {  	[tilespmem:s7], [sflag:$0x1] =	stream.linear.gather [spmem:s8], $0x80, $0x38;
	[tilespmem:$0x1C200] =	vst v63  }
0x145: {  	s0 =	sadd.s32 $0x1C00, s16;
	s15 =	rddreg [dreg:$0x14];
	s5 =	sadd.s32 s5, s1  }
0x146: {  	[tilespmem:s10], [sflag:$0x1] =	stream.linear.gather [spmem:s0], $0x80, $0x38;
	[tilespmem:$0x1C200] =	vst v63  }
0x147: {  	s20 =	rddreg [dreg:$0x15];
	s16 =	sadd.s32 s3, s5  }
0x148: {  	[tilespmem:s15], [sflag:$0x1] =	stream.linear.gather [spmem:s16], $0x80, $0x38;
	[tilespmem:$0x1C200] =	vst v63  }
0x149: {  	s21 =	rddreg [dreg:$0x16];
	s5 =	sadd.s32 $0x400, s16  }
0x14a: {  	(v2sf) =	vpush v0, $0x4;
	[tilespmem:s20], [sflag:$0x1] =	stream.linear.gather [spmem:s5], $0x80, $0x38;
	[tilespmem:$0x1C200] =	vst v63  }
0x14b: {  	s22 =	spop (v2sf);
	s23 =	sadd.s32 $0x800, s16;
	s24 =	rddreg [dreg:$0x17]  }
0x14c: {  	[tilespmem:s21], [sflag:$0x1] =	stream.linear.gather [spmem:s23], $0x80, $0x38;
	[tilespmem:$0x1C200] =	vst v63  }
0x14d: {  	s25 =	sshll.u32 s22, $0xA;
	s26 =	sadd.s32 $0xC00, s16;
	s28 =	rddreg [dreg:$0x18]  }
0x14e: {  	[tilespmem:s24], [sflag:$0x1] =	stream.linear.gather [spmem:s26], $0x80, $0x38;
	[tilespmem:$0x1C200] =	vst v63  }
0x14f: {  	s3 =	sshll.u32 s22, $0x7;
	s29 =	sadd.s32 $0x1000, s16;
	s30 =	rddreg [dreg:$0x19]  }
0x150: {  	[tilespmem:s28], [sflag:$0x1] =	stream.linear.gather [spmem:s29], $0x80, $0x38;
	[tilespmem:$0x1C200] =	vst v63  }
0x151: {  	s3 =	sand.u32 $0x380, s3;
	s31 =	sadd.s32 $0x1400, s16;
	s7 =	rddreg [dreg:$0x1a]  }
0x152: {  	(v2sf) =	vpush v0, $0x5;
	[tilespmem:s30], [sflag:$0x1] =	stream.linear.gather [spmem:s31], $0x80, $0x38;
	[tilespmem:$0x1C200] =	vst v63  }
0x153: {  	s8 =	sadd.s32 $0x1800, s16;
	s10 =	rddreg [dreg:$0x1b];
	s5 =	sand.u32 $0xFFFFE000, s25  }
0x154: {  	(v2sf) =	vpush v0, $0x6;
	[tilespmem:s7], [sflag:$0x1] =	stream.linear.gather [spmem:s8], $0x80, $0x38;
	[tilespmem:$0x1C200] =	vst v63  }
0x155: {  	s0 =	sadd.s32 $0x1C00, s16;
	s15 =	rddreg [dreg:$0x1c];
	s5 =	sadd.s32 s5, s1  }
0x156: {  	(v2sf) =	vpush v0, $0x7;
	[tilespmem:s10], [sflag:$0x1] =	stream.linear.gather [spmem:s0], $0x80, $0x38;
	[tilespmem:$0x1C200] =	vst v63  }
0x157: {  	s20 =	rddreg [dreg:$0x1d];
	s16 =	sadd.s32 s3, s5  }
0x158: {  	(v2sf) =	vpush v0, $0x8;
	[tilespmem:s15], [sflag:$0x1] =	stream.linear.gather [spmem:s16], $0x80, $0x38;
	[tilespmem:$0x1C200] =	vst v63  }
0x159: {  	s21 =	spop (v2sf);
	s23 =	rddreg [dreg:$0x1e];
	s22 =	sadd.s32 $0x400, s16  }
0x15a: {  	[tilespmem:s20], [sflag:$0x1] =	stream.linear.gather [spmem:s22], $0x80, $0x38;
	[tilespmem:$0x1C200] =	vst v63  }
0x15b: {  	s25 =	sadd.s32 $0x800, s16;
	s24 =	sshll.u32 s21, $0xA;
	s26 =	rddreg [dreg:$0x1f]  }
0x15c: {  	[tilespmem:s23], [sflag:$0x1] =	stream.linear.gather [spmem:s25], $0x80, $0x38;
	[tilespmem:$0x1C200] =	vst v63  }
0x15d: {  	s28 =	sshll.u32 s21, $0x7;
	s29 =	sadd.s32 $0xC00, s16;
	s30 =	sld [smem:$0x715]  }
0x15e: {  	[tilespmem:s26], [sflag:$0x1] =	stream.linear.gather [spmem:s29], $0x80, $0x38;
	[tilespmem:$0x1C200] =	vst v63  }
0x15f: {  	s21 =	sld [smem:$0x716];
	s31 =	sadd.s32 $0x1000, s16;
	s7 =	sand.u32 $0xFFFFE000, s24  }
0x160: {  	[tilespmem:s30], [sflag:$0x1] =	stream.linear.gather [spmem:s31], $0x80, $0x38;
	[tilespmem:$0x1C200] =	vst v63  }
0x161: {  	s8 =	sadd.s32 $0x1400, s16;
	s20 =	spop (v2sf);
	s22 =	sld [smem:$0x717]  }
0x162: {  	[tilespmem:s21], [sflag:$0x1] =	stream.linear.gather [spmem:s8], $0x80, $0x38;
	[tilespmem:$0x1C200] =	vst v63  }
0x163: {  	s10 =	sadd.s32 $0x1800, s16;
	s15 =	sld [smem:$0x718];
	s5 =	spop (v2sf)  }
0x164: {  	[tilespmem:s22], [sflag:$0x1] =	stream.linear.gather [spmem:s10], $0x80, $0x38;
	[tilespmem:$0x1C200] =	vst v63  }
0x165: {  	s0 =	sadd.s32 $0x1C00, s16;
	s16 =	sld [smem:$0x719];
	s3 =	spop (v2sf)  }
0x166: {  	[tilespmem:s15], [sflag:$0x1] =	stream.linear.gather [spmem:s0], $0x80, $0x38;
	[tilespmem:$0x1C200] =	vst v63  }
0x167: {  	s6 =	sand.u32 $0x380, s28;
	s18 =	sadd.s32 s7, s1;
	(v2sf) =	vpush v0, $0x9;
	s0 =	spop (v2sf)  }
0x168: {  	s6 =	sadd.s32 s6, s18;
	s21 =	sld [smem:$0x71A]  }
0x169: {  	[tilespmem:s16], [sflag:$0x1] =	stream.linear.gather [spmem:s6], $0x80, $0x38;
	[tilespmem:$0x1C200] =	vst v63  }
0x16a: {  	s23 =	sadd.s32 $0x400, s6;
	s24 =	sld [smem:$0x71B]  }
0x16b: {  	[tilespmem:s21], [sflag:$0x1] =	stream.linear.gather [spmem:s23], $0x80, $0x38;
	[tilespmem:$0x1C200] =	vst v63  }
0x16c: {  	s25 =	sadd.s32 $0x800, s6;
	s26 =	sld [smem:$0x71C]  }
0x16d: {  	[tilespmem:s24], [sflag:$0x1] =	stream.linear.gather [spmem:s25], $0x80, $0x38;
	[tilespmem:$0x1C200] =	vst v63  }
0x16e: {  	s28 =	sadd.s32 $0xC00, s6;
	s29 =	sld [smem:$0x71D]  }
0x16f: {  	[tilespmem:s26], [sflag:$0x1] =	stream.linear.gather [spmem:s28], $0x80, $0x38;
	[tilespmem:$0x1C200] =	vst v63  }
0x170: {  	s30 =	sadd.s32 $0x1000, s6;
	s31 =	sld [smem:$0x71E]  }
0x171: {  	[tilespmem:s29], [sflag:$0x1] =	stream.linear.gather [spmem:s30], $0x80, $0x38;
	[tilespmem:$0x1C200] =	vst v63  }
0x172: {  	s7 =	sadd.s32 $0x1400, s6;
	s10 =	sadd.s32 $0x1800, s6;
	s8 =	sld [smem:$0x71F]  }
0x173: {  	[tilespmem:s31], [sflag:$0x1] =	stream.linear.gather [spmem:s7], $0x80, $0x38;
	[tilespmem:$0x1C200] =	vst v63  }
0x174: {  	s16 =	sshll.u32 s20, $0xA;
	s6 =	sadd.s32 $0x1C00, s6;
	s15 =	sld [smem:$0x720]  }
0x175: {  	[tilespmem:s8], [sflag:$0x1] =	stream.linear.gather [spmem:s10], $0x80, $0x38;
	[tilespmem:$0x1C200] =	vst v63  }
0x176: {  	s20 =	sshll.u32 s20, $0x7;
	s18 =	sand.u32 $0xFFFFE000, s16;
	s21 =	sld [smem:$0x721]  }
0x177: {  	[tilespmem:s15], [sflag:$0x1] =	stream.linear.gather [spmem:s6], $0x80, $0x38;
	[tilespmem:$0x1C200] =	vst v63  }
0x178: {  	s6 =	sadd.s32 s18, s1;
	s18 =	sand.u32 $0x380, s20  }
0x179: {  	s22 =	sld [smem:$0x722];
	s6 =	sadd.s32 s18, s6  }
0x17a: {  	[tilespmem:s21], [sflag:$0x1] =	stream.linear.gather [spmem:s6], $0x80, $0x38;
	[tilespmem:$0x1C200] =	vst v63  }
0x17b: {  	s24 =	sld [smem:$0x723];
	s23 =	sadd.s32 $0x400, s6  }
0x17c: {  	[tilespmem:s22], [sflag:$0x1] =	stream.linear.gather [spmem:s23], $0x80, $0x38;
	[tilespmem:$0x1C200] =	vst v63  }
0x17d: {  	s26 =	sld [smem:$0x724];
	s25 =	sadd.s32 $0x800, s6  }
0x17e: {  	[tilespmem:s24], [sflag:$0x1] =	stream.linear.gather [spmem:s25], $0x80, $0x38;
	[tilespmem:$0x1C200] =	vst v63  }
0x17f: {  	s29 =	sld [smem:$0x725];
	s28 =	sadd.s32 $0xC00, s6  }
0x180: {  	[tilespmem:s26], [sflag:$0x1] =	stream.linear.gather [spmem:s28], $0x80, $0x38;
	[tilespmem:$0x1C200] =	vst v63  }
0x181: {  	s31 =	sld [smem:$0x726];
	s30 =	sadd.s32 $0x1000, s6  }
0x182: {  	[tilespmem:s29], [sflag:$0x1] =	stream.linear.gather [spmem:s30], $0x80, $0x38;
	[tilespmem:$0x1C200] =	vst v63  }
0x183: {  	s16 =	sshll.u32 s5, $0xA;
	s8 =	sld [smem:$0x727];
	s7 =	sadd.s32 $0x1400, s6  }
0x184: {  	[tilespmem:s31], [sflag:$0x1] =	stream.linear.gather [spmem:s7], $0x80, $0x38;
	[tilespmem:$0x1C200] =	vst v63  }
0x185: {  	s5 =	sshll.u32 s5, $0x7;
	s15 =	sld [smem:$0x728];
	s10 =	sadd.s32 $0x1800, s6  }
0x186: {  	[tilespmem:s8], [sflag:$0x1] =	stream.linear.gather [spmem:s10], $0x80, $0x38;
	[tilespmem:$0x1C200] =	vst v63  }
0x187: {  	s20 =	sand.u32 $0xFFFFE000, s16;
	s6 =	sadd.s32 $0x1C00, s6;
	s21 =	sld [smem:$0x729]  }
0x188: {  	[tilespmem:s15], [sflag:$0x1] =	stream.linear.gather [spmem:s6], $0x80, $0x38;
	[tilespmem:$0x1C200] =	vst v63  }
0x189: {  	s5 =	sand.u32 $0x380, s5;
	s6 =	sadd.s32 s20, s1  }
0x18a: {  	s22 =	sld [smem:$0x72A];
	s5 =	sadd.s32 s5, s6  }
0x18b: {  	[tilespmem:s21], [sflag:$0x1] =	stream.linear.gather [spmem:s5], $0x80, $0x38;
	[tilespmem:$0x1C200] =	vst v63  }
0x18c: {  	s24 =	sld [smem:$0x72B];
	s23 =	sadd.s32 $0x400, s5  }
0x18d: {  	[tilespmem:s22], [sflag:$0x1] =	stream.linear.gather [spmem:s23], $0x80, $0x38;
	[tilespmem:$0x1C200] =	vst v63  }
0x18e: {  	s26 =	sld [smem:$0x72C];
	s25 =	sadd.s32 $0x800, s5  }
0x18f: {  	[tilespmem:s24], [sflag:$0x1] =	stream.linear.gather [spmem:s25], $0x80, $0x38;
	[tilespmem:$0x1C200] =	vst v63  }
0x190: {  	s29 =	sld [smem:$0x72D];
	s28 =	sadd.s32 $0xC00, s5  }
0x191: {  	[tilespmem:s26], [sflag:$0x1] =	stream.linear.gather [spmem:s28], $0x80, $0x38;
	[tilespmem:$0x1C200] =	vst v63  }
0x192: {  	s31 =	sld [smem:$0x72E];
	s30 =	sadd.s32 $0x1000, s5  }
0x193: {  	[tilespmem:s29], [sflag:$0x1] =	stream.linear.gather [spmem:s30], $0x80, $0x38;
	[tilespmem:$0x1C200] =	vst v63  }
0x194: {  	s16 =	sshll.u32 s3, $0xA;
	s8 =	sld [smem:$0x72F];
	s7 =	sadd.s32 $0x1400, s5  }
0x195: {  	[tilespmem:s31], [sflag:$0x1] =	stream.linear.gather [spmem:s7], $0x80, $0x38;
	[tilespmem:$0x1C200] =	vst v63  }
0x196: {  	s3 =	sshll.u32 s3, $0x7;
	s15 =	sld [smem:$0x730];
	s10 =	sadd.s32 $0x1800, s5  }
0x197: {  	[tilespmem:s8], [sflag:$0x1] =	stream.linear.gather [spmem:s10], $0x80, $0x38;
	[tilespmem:$0x1C200] =	vst v63  }
0x198: {  	s18 =	sand.u32 $0xFFFFE000, s16;
	s20 =	sld [smem:$0x731];
	s5 =	sadd.s32 $0x1C00, s5  }
0x199: {  	[tilespmem:s15], [sflag:$0x1] =	stream.linear.gather [spmem:s5], $0x80, $0x38;
	[tilespmem:$0x1C200] =	vst v63  }
0x19a: {  	s3 =	sand.u32 $0x380, s3;
	s21 =	sld [smem:$0x732];
	s5 =	sadd.s32 s18, s1  }
0x19b: {  	s23 =	sld [smem:$0x733];
	s3 =	sadd.s32 s3, s5  }
0x19c: {  	[tilespmem:s20], [sflag:$0x1] =	stream.linear.gather [spmem:s3], $0x80, $0x38;
	[tilespmem:$0x1C200] =	vst v63  }
0x19d: {  	s25 =	sld [smem:$0x734];
	s22 =	sadd.s32 $0x400, s3  }
0x19e: {  	[tilespmem:s21], [sflag:$0x1] =	stream.linear.gather [spmem:s22], $0x80, $0x38;
	[tilespmem:$0x1C200] =	vst v63  }
0x19f: {  	s28 =	sld [smem:$0x735];
	s24 =	sadd.s32 $0x800, s3  }
0x1a0: {  	[tilespmem:s23], [sflag:$0x1] =	stream.linear.gather [spmem:s24], $0x80, $0x38;
	[tilespmem:$0x1C200] =	vst v63  }
0x1a1: {  	s30 =	sld [smem:$0x736];
	s26 =	sadd.s32 $0xC00, s3  }
0x1a2: {  	[tilespmem:s25], [sflag:$0x1] =	stream.linear.gather [spmem:s26], $0x80, $0x38;
	[tilespmem:$0x1C200] =	vst v63  }
0x1a3: {  	s7 =	sld [smem:$0x737];
	s29 =	sadd.s32 $0x1000, s3  }
0x1a4: {  	[tilespmem:s28], [sflag:$0x1] =	stream.linear.gather [spmem:s29], $0x80, $0x38;
	[tilespmem:$0x1C200] =	vst v63  }
0x1a5: {  	s10 =	sld [smem:$0x738];
	s31 =	sadd.s32 $0x1400, s3  }
0x1a6: {  	[tilespmem:s30], [sflag:$0x1] =	stream.linear.gather [spmem:s31], $0x80, $0x38;
	[tilespmem:$0x1C200] =	vst v63  }
0x1a7: {  	s15 =	sshll.u32 s0, $0xA;
	s0 =	sshll.u32 s0, $0x7;
	s8 =	sadd.s32 $0x1800, s3  }
0x1a8: {  	[tilespmem:s7], [sflag:$0x1] =	stream.linear.gather [spmem:s8], $0x80, $0x38;
	[tilespmem:$0x1C200] =	vst v63  }
0x1a9: {  	s18 =	sld [smem:$0x739];
	s16 =	sand.u32 $0xFFFFE000, s15;
	s3 =	sadd.s32 $0x1C00, s3  }
0x1aa: {  	[tilespmem:s10], [sflag:$0x1] =	stream.linear.gather [spmem:s3], $0x80, $0x38;
	[tilespmem:$0x1C200] =	vst v63  }
0x1ab: {  	s0 =	sand.u32 $0x380, s0;
	s20 =	sld [smem:$0x73A];
	s3 =	sadd.s32 s16, s1  }
0x1ac: {  	s22 =	sld [smem:$0x73B];
	s0 =	sadd.s32 s0, s3  }
0x1ad: {  	[tilespmem:s18], [sflag:$0x1] =	stream.linear.gather [spmem:s0], $0x80, $0x38;
	[tilespmem:$0x1C200] =	vst v63  }
0x1ae: {  	s24 =	sld [smem:$0x73C];
	s21 =	sadd.s32 $0x400, s0  }
0x1af: {  	[tilespmem:s20], [sflag:$0x1] =	stream.linear.gather [spmem:s21], $0x80, $0x38;
	[tilespmem:$0x1C200] =	vst v63  }
0x1b0: {  	s26 =	sld [smem:$0x73D];
	s23 =	sadd.s32 $0x800, s0  }
0x1b1: {  	[tilespmem:s22], [sflag:$0x1] =	stream.linear.gather [spmem:s23], $0x80, $0x38;
	[tilespmem:$0x1C200] =	vst v63  }
0x1b2: {  	s29 =	sld [smem:$0x73E];
	s25 =	sadd.s32 $0xC00, s0  }
0x1b3: {  	[tilespmem:s24], [sflag:$0x1] =	stream.linear.gather [spmem:s25], $0x80, $0x38;
	[tilespmem:$0x1C200] =	vst v63  }
0x1b4: {  	s31 =	sld [smem:$0x73F];
	s28 =	sadd.s32 $0x1000, s0  }
0x1b5: {  	[tilespmem:s26], [sflag:$0x1] =	stream.linear.gather [spmem:s28], $0x80, $0x38;
	[tilespmem:$0x1C200] =	vst v63  }
0x1b6: {  	s8 =	sld [smem:$0x740];
	s10 =	spop (v2sf);
	(v2sf) =	vpush v0, $0xA;
	s30 =	sadd.s32 $0x1400, s0  }
0x1b7: {  	[tilespmem:s29], [sflag:$0x1] =	stream.linear.gather [spmem:s30], $0x80, $0x38;
	[tilespmem:$0x1C200] =	vst v63  }
0x1b8: {  	s15 =	sshll.u32 s10, $0xA;
	s3 =	sshll.u32 s10, $0x7;
	s7 =	sadd.s32 $0x1800, s0  }
0x1b9: {  	[tilespmem:s31], [sflag:$0x1] =	stream.linear.gather [spmem:s7], $0x80, $0x38;
	[tilespmem:$0x1C200] =	vst v63  }
0x1ba: {  	s0 =	sadd.s32 $0x1C00, s0;
	s16 =	sand.u32 $0xFFFFE000, s15;
	s18 =	sld [smem:$0x741]  }
0x1bb: {  	[tilespmem:s8], [sflag:$0x1] =	stream.linear.gather [spmem:s0], $0x80, $0x38;
	[tilespmem:$0x1C200] =	vst v63  }
0x1bc: {  	s3 =	sand.u32 $0x380, s3;
	s0 =	sadd.s32 s16, s1  }
0x1bd: {  	s20 =	sld [smem:$0x742];
	s0 =	sadd.s32 s3, s0  }
0x1be: {  	[tilespmem:s18], [sflag:$0x1] =	stream.linear.gather [spmem:s0], $0x80, $0x38;
	[tilespmem:$0x1C200] =	vst v63  }
0x1bf: {  	s22 =	sld [smem:$0x743];
	s21 =	sadd.s32 $0x400, s0  }
0x1c0: {  	[tilespmem:s20], [sflag:$0x1] =	stream.linear.gather [spmem:s21], $0x80, $0x38;
	[tilespmem:$0x1C200] =	vst v63  }
0x1c1: {  	s24 =	sld [smem:$0x744];
	s23 =	sadd.s32 $0x800, s0  }
0x1c2: {  	[tilespmem:s22], [sflag:$0x1] =	stream.linear.gather [spmem:s23], $0x80, $0x38;
	[tilespmem:$0x1C200] =	vst v63  }
0x1c3: {  	s26 =	sld [smem:$0x745];
	s25 =	sadd.s32 $0xC00, s0  }
0x1c4: {  	[tilespmem:s24], [sflag:$0x1] =	stream.linear.gather [spmem:s25], $0x80, $0x38;
	[tilespmem:$0x1C200] =	vst v63  }
0x1c5: {  	s29 =	sld [smem:$0x746];
	s10 =	spop (v2sf);
	s28 =	sadd.s32 $0x1000, s0  }
0x1c6: {  	[tilespmem:s26], [sflag:$0x1] =	stream.linear.gather [spmem:s28], $0x80, $0x38;
	[tilespmem:$0x1C200] =	vst v63  }
0x1c7: {  	s31 =	sld [smem:$0x747];
	(v2sf) =	vpush v0, $0xB;
	s15 =	sshll.u32 s10, $0xA;
	s30 =	sadd.s32 $0x1400, s0  }
0x1c8: {  	[tilespmem:s29], [sflag:$0x1] =	stream.linear.gather [spmem:s30], $0x80, $0x38;
	[tilespmem:$0x1C200] =	vst v63  }
0x1c9: {  	s8 =	sld [smem:$0x748];
	s16 =	sand.u32 $0xFFFFE000, s15;
	s7 =	sadd.s32 $0x1800, s0  }
0x1ca: {  	[tilespmem:s31], [sflag:$0x1] =	stream.linear.gather [spmem:s7], $0x80, $0x38;
	[tilespmem:$0x1C200] =	vst v63  }
0x1cb: {  	s3 =	sshll.u32 s10, $0x7;
	s0 =	sadd.s32 $0x1C00, s0;
	s18 =	sld [smem:$0x749]  }
0x1cc: {  	[tilespmem:s8], [sflag:$0x1] =	stream.linear.gather [spmem:s0], $0x80, $0x38;
	[tilespmem:$0x1C200] =	vst v63  }
0x1cd: {  	s3 =	sand.u32 $0x380, s3;
	s0 =	sadd.s32 s16, s1  }
0x1ce: {  	s20 =	sld [smem:$0x74A];
	s0 =	sadd.s32 s3, s0  }
0x1cf: {  	[tilespmem:s18], [sflag:$0x1] =	stream.linear.gather [spmem:s0], $0x80, $0x38;
	[tilespmem:$0x1C200] =	vst v63  }
0x1d0: {  	s22 =	sld [smem:$0x74B];
	s21 =	sadd.s32 $0x400, s0  }
0x1d1: {  	[tilespmem:s20], [sflag:$0x1] =	stream.linear.gather [spmem:s21], $0x80, $0x38;
	[tilespmem:$0x1C200] =	vst v63  }
0x1d2: {  	s24 =	sld [smem:$0x74C];
	s23 =	sadd.s32 $0x800, s0  }
0x1d3: {  	[tilespmem:s22], [sflag:$0x1] =	stream.linear.gather [spmem:s23], $0x80, $0x38;
	[tilespmem:$0x1C200] =	vst v63  }
0x1d4: {  	s26 =	sld [smem:$0x74D];
	s25 =	sadd.s32 $0xC00, s0  }
0x1d5: {  	[tilespmem:s24], [sflag:$0x1] =	stream.linear.gather [spmem:s25], $0x80, $0x38;
	[tilespmem:$0x1C200] =	vst v63  }
0x1d6: {  	s29 =	sld [smem:$0x74E];
	s10 =	spop (v2sf);
	s28 =	sadd.s32 $0x1000, s0  }
0x1d7: {  	[tilespmem:s26], [sflag:$0x1] =	stream.linear.gather [spmem:s28], $0x80, $0x38;
	[tilespmem:$0x1C200] =	vst v63  }
0x1d8: {  	s31 =	sld [smem:$0x74F];
	(v2sf) =	vpush v0, $0xC;
	s15 =	sshll.u32 s10, $0xA;
	s30 =	sadd.s32 $0x1400, s0  }
0x1d9: {  	[tilespmem:s29], [sflag:$0x1] =	stream.linear.gather [spmem:s30], $0x80, $0x38;
	[tilespmem:$0x1C200] =	vst v63  }
0x1da: {  	s8 =	sld [smem:$0x750];
	s16 =	sand.u32 $0xFFFFE000, s15;
	s7 =	sadd.s32 $0x1800, s0  }
0x1db: {  	[tilespmem:s31], [sflag:$0x1] =	stream.linear.gather [spmem:s7], $0x80, $0x38;
	[tilespmem:$0x1C200] =	vst v63  }
0x1dc: {  	s3 =	sshll.u32 s10, $0x7;
	s0 =	sadd.s32 $0x1C00, s0;
	s18 =	sld [smem:$0x751]  }
0x1dd: {  	[tilespmem:s8], [sflag:$0x1] =	stream.linear.gather [spmem:s0], $0x80, $0x38;
	[tilespmem:$0x1C200] =	vst v63  }
0x1de: {  	s3 =	sand.u32 $0x380, s3;
	s0 =	sadd.s32 s16, s1  }
0x1df: {  	s20 =	sld [smem:$0x752];
	s0 =	sadd.s32 s3, s0  }
0x1e0: {  	[tilespmem:s18], [sflag:$0x1] =	stream.linear.gather [spmem:s0], $0x80, $0x38;
	[tilespmem:$0x1C200] =	vst v63  }
0x1e1: {  	s22 =	sld [smem:$0x753];
	s21 =	sadd.s32 $0x400, s0  }
0x1e2: {  	[tilespmem:s20], [sflag:$0x1] =	stream.linear.gather [spmem:s21], $0x80, $0x38;
	[tilespmem:$0x1C200] =	vst v63  }
0x1e3: {  	s24 =	sld [smem:$0x754];
	s23 =	sadd.s32 $0x800, s0  }
0x1e4: {  	[tilespmem:s22], [sflag:$0x1] =	stream.linear.gather [spmem:s23], $0x80, $0x38;
	[tilespmem:$0x1C200] =	vst v63  }
0x1e5: {  	s26 =	sld [smem:$0x755];
	s25 =	sadd.s32 $0xC00, s0  }
0x1e6: {  	[tilespmem:s24], [sflag:$0x1] =	stream.linear.gather [spmem:s25], $0x80, $0x38;
	[tilespmem:$0x1C200] =	vst v63  }
0x1e7: {  	s29 =	sld [smem:$0x756];
	s10 =	spop (v2sf);
	s28 =	sadd.s32 $0x1000, s0  }
0x1e8: {  	[tilespmem:s26], [sflag:$0x1] =	stream.linear.gather [spmem:s28], $0x80, $0x38;
	[tilespmem:$0x1C200] =	vst v63  }
0x1e9: {  	(v2sf) =	vpush v0, $0xD;
	s31 =	sld [smem:$0x757];
	s15 =	sshll.u32 s10, $0xA;
	s30 =	sadd.s32 $0x1400, s0  }
0x1ea: {  	[tilespmem:s29], [sflag:$0x1] =	stream.linear.gather [spmem:s30], $0x80, $0x38;
	[tilespmem:$0x1C200] =	vst v63  }
0x1eb: {  	s8 =	sld [smem:$0x758];
	s16 =	sand.u32 $0xFFFFE000, s15;
	s7 =	sadd.s32 $0x1800, s0  }
0x1ec: {  	[tilespmem:s31], [sflag:$0x1] =	stream.linear.gather [spmem:s7], $0x80, $0x38;
	[tilespmem:$0x1C200] =	vst v63  }
0x1ed: {  	s3 =	sshll.u32 s10, $0x7;
	s0 =	sadd.s32 $0x1C00, s0;
	s18 =	sld [smem:$0x759]  }
0x1ee: {  	[tilespmem:s8], [sflag:$0x1] =	stream.linear.gather [spmem:s0], $0x80, $0x38;
	[tilespmem:$0x1C200] =	vst v63  }
0x1ef: {  	s3 =	sand.u32 $0x380, s3;
	s0 =	sadd.s32 s16, s1  }
0x1f0: {  	s20 =	sld [smem:$0x75A];
	s0 =	sadd.s32 s3, s0  }
0x1f1: {  	[tilespmem:s18], [sflag:$0x1] =	stream.linear.gather [spmem:s0], $0x80, $0x38;
	[tilespmem:$0x1C200] =	vst v63  }
0x1f2: {  	s22 =	sld [smem:$0x75B];
	s21 =	sadd.s32 $0x400, s0  }
0x1f3: {  	[tilespmem:s20], [sflag:$0x1] =	stream.linear.gather [spmem:s21], $0x80, $0x38;
	[tilespmem:$0x1C200] =	vst v63  }
0x1f4: {  	s24 =	sld [smem:$0x75C];
	s23 =	sadd.s32 $0x800, s0  }
0x1f5: {  	[tilespmem:s22], [sflag:$0x1] =	stream.linear.gather [spmem:s23], $0x80, $0x38;
	[tilespmem:$0x1C200] =	vst v63  }
0x1f6: {  	s26 =	sld [smem:$0x75D];
	s25 =	sadd.s32 $0xC00, s0  }
0x1f7: {  	[tilespmem:s24], [sflag:$0x1] =	stream.linear.gather [spmem:s25], $0x80, $0x38;
	[tilespmem:$0x1C200] =	vst v63  }
0x1f8: {  	s29 =	sld [smem:$0x75E];
	s10 =	spop (v2sf);
	s28 =	sadd.s32 $0x1000, s0  }
0x1f9: {  	[tilespmem:s26], [sflag:$0x1] =	stream.linear.gather [spmem:s28], $0x80, $0x38;
	[tilespmem:$0x1C200] =	vst v63  }
0x1fa: {  	(v2sf) =	vpush v0, $0xE;
	s15 =	sshll.u32 s10, $0xA;
	s31 =	sld [smem:$0x75F];
	s30 =	sadd.s32 $0x1400, s0  }
0x1fb: {  	[tilespmem:s29], [sflag:$0x1] =	stream.linear.gather [spmem:s30], $0x80, $0x38;
	[tilespmem:$0x1C200] =	vst v63  }
0x1fc: {  	s8 =	sld [smem:$0x760];
	s16 =	sand.u32 $0xFFFFE000, s15;
	s7 =	sadd.s32 $0x1800, s0  }
0x1fd: {  	[tilespmem:s31], [sflag:$0x1] =	stream.linear.gather [spmem:s7], $0x80, $0x38;
	[tilespmem:$0x1C200] =	vst v63  }
0x1fe: {  	s3 =	sshll.u32 s10, $0x7;
	s0 =	sadd.s32 $0x1C00, s0;
	s18 =	sld [smem:$0x761]  }
0x1ff: {  	[tilespmem:s8], [sflag:$0x1] =	stream.linear.gather [spmem:s0], $0x80, $0x38;
	[tilespmem:$0x1C200] =	vst v63  }
0x200: {  	s3 =	sand.u32 $0x380, s3;
	s0 =	sadd.s32 s16, s1  }
0x201: {  	s20 =	sld [smem:$0x762];
	s0 =	sadd.s32 s3, s0  }
0x202: {  	[tilespmem:s18], [sflag:$0x1] =	stream.linear.gather [spmem:s0], $0x80, $0x38;
	[tilespmem:$0x1C200] =	vst v63  }
0x203: {  	s22 =	sld [smem:$0x763];
	s21 =	sadd.s32 $0x400, s0  }
0x204: {  	[tilespmem:s20], [sflag:$0x1] =	stream.linear.gather [spmem:s21], $0x80, $0x38;
	[tilespmem:$0x1C200] =	vst v63  }
0x205: {  	s24 =	sld [smem:$0x764];
	s23 =	sadd.s32 $0x800, s0  }
0x206: {  	[tilespmem:s22], [sflag:$0x1] =	stream.linear.gather [spmem:s23], $0x80, $0x38;
	[tilespmem:$0x1C200] =	vst v63  }
0x207: {  	s26 =	sld [smem:$0x765];
	s25 =	sadd.s32 $0xC00, s0  }
0x208: {  	[tilespmem:s24], [sflag:$0x1] =	stream.linear.gather [spmem:s25], $0x80, $0x38;
	[tilespmem:$0x1C200] =	vst v63  }
0x209: {  	s10 =	spop (v2sf);
	s29 =	sld [smem:$0x766];
	s28 =	sadd.s32 $0x1000, s0  }
0x20a: {  	[tilespmem:s26], [sflag:$0x1] =	stream.linear.gather [spmem:s28], $0x80, $0x38;
	[tilespmem:$0x1C200] =	vst v63  }
0x20b: {  	(v2sf) =	vpush v0, $0xF;
	s15 =	sshll.u32 s10, $0xA;
	s31 =	sld [smem:$0x767];
	s30 =	sadd.s32 $0x1400, s0  }
0x20c: {  	[tilespmem:s29], [sflag:$0x1] =	stream.linear.gather [spmem:s30], $0x80, $0x38;
	[tilespmem:$0x1C200] =	vst v63  }
0x20d: {  	s8 =	sld [smem:$0x768];
	s16 =	sand.u32 $0xFFFFE000, s15;
	s7 =	sadd.s32 $0x1800, s0  }
0x20e: {  	[tilespmem:s31], [sflag:$0x1] =	stream.linear.gather [spmem:s7], $0x80, $0x38;
	[tilespmem:$0x1C200] =	vst v63  }
0x20f: {  	s3 =	sshll.u32 s10, $0x7;
	s0 =	sadd.s32 $0x1C00, s0;
	s18 =	sld [smem:$0x769]  }
0x210: {  	[tilespmem:s8], [sflag:$0x1] =	stream.linear.gather [spmem:s0], $0x80, $0x38;
	[tilespmem:$0x1C200] =	vst v63  }
0x211: {  	s3 =	sand.u32 $0x380, s3;
	s0 =	sadd.s32 s16, s1  }
0x212: {  	s20 =	sld [smem:$0x76A];
	s0 =	sadd.s32 s3, s0  }
0x213: {  	[tilespmem:s18], [sflag:$0x1] =	stream.linear.gather [spmem:s0], $0x80, $0x38;
	[tilespmem:$0x1C200] =	vst v63  }
0x214: {  	s22 =	sld [smem:$0x76B];
	s21 =	sadd.s32 $0x400, s0  }
0x215: {  	[tilespmem:s20], [sflag:$0x1] =	stream.linear.gather [spmem:s21], $0x80, $0x38;
	[tilespmem:$0x1C200] =	vst v63  }
0x216: {  	s24 =	sld [smem:$0x76C];
	s23 =	sadd.s32 $0x800, s0  }
0x217: {  	[tilespmem:s22], [sflag:$0x1] =	stream.linear.gather [spmem:s23], $0x80, $0x38;
	[tilespmem:$0x1C200] =	vst v63  }
0x218: {  	s26 =	sld [smem:$0x76D];
	s25 =	sadd.s32 $0xC00, s0  }
0x219: {  	[tilespmem:s24], [sflag:$0x1] =	stream.linear.gather [spmem:s25], $0x80, $0x38;
	[tilespmem:$0x1C200] =	vst v63  }
0x21a: {  	s10 =	spop (v2sf);
	s29 =	sld [smem:$0x76E];
	s28 =	sadd.s32 $0x1000, s0  }
0x21b: {  	[tilespmem:s26], [sflag:$0x1] =	stream.linear.gather [spmem:s28], $0x80, $0x38;
	[tilespmem:$0x1C200] =	vst v63  }
0x21c: {  	s15 =	sshll.u32 s10, $0xA;
	s31 =	sld [smem:$0x76F];
	s30 =	sadd.s32 $0x1400, s0  }
0x21d: {  	[tilespmem:s29], [sflag:$0x1] =	stream.linear.gather [spmem:s30], $0x80, $0x38;
	[tilespmem:$0x1C200] =	vst v63  }
0x21e: {  	s8 =	sld [smem:$0x770];
	s16 =	sand.u32 $0xFFFFE000, s15;
	s7 =	sadd.s32 $0x1800, s0  }
0x21f: {  	[tilespmem:s31], [sflag:$0x1] =	stream.linear.gather [spmem:s7], $0x80, $0x38;
	[tilespmem:$0x1C200] =	vst v63  }
0x220: {  	s3 =	sshll.u32 s10, $0x7;
	s0 =	sadd.s32 $0x1C00, s0;
	s18 =	sld [smem:$0x771]  }
0x221: {  	[tilespmem:s8], [sflag:$0x1] =	stream.linear.gather [spmem:s0], $0x80, $0x38;
	[tilespmem:$0x1C200] =	vst v63  }
0x222: {  	s3 =	sand.u32 $0x380, s3;
	s0 =	sadd.s32 s16, s1  }
0x223: {  	s20 =	sld [smem:$0x772];
	s0 =	sadd.s32 s3, s0  }
0x224: {  	[tilespmem:s18], [sflag:$0x1] =	stream.linear.gather [spmem:s0], $0x80, $0x38;
	[tilespmem:$0x1C200] =	vst v63  }
0x225: {  	s22 =	sld [smem:$0x773];
	s21 =	sadd.s32 $0x400, s0  }
0x226: {  	[tilespmem:s20], [sflag:$0x1] =	stream.linear.gather [spmem:s21], $0x80, $0x38;
	[tilespmem:$0x1C200] =	vst v63  }
0x227: {  	s24 =	sld [smem:$0x774];
	s23 =	sadd.s32 $0x800, s0  }
0x228: {  	[tilespmem:s22], [sflag:$0x1] =	stream.linear.gather [spmem:s23], $0x80, $0x38;
	[tilespmem:$0x1C200] =	vst v63  }
0x229: {  	s26 =	sld [smem:$0x775];
	s25 =	sadd.s32 $0xC00, s0  }
0x22a: {  	[tilespmem:s24], [sflag:$0x1] =	stream.linear.gather [spmem:s25], $0x80, $0x38;
	[tilespmem:$0x1C200] =	vst v63  }
0x22b: {  	s29 =	sld [smem:$0x776];
	s28 =	sadd.s32 $0x1000, s0  }
0x22c: {  	[tilespmem:s26], [sflag:$0x1] =	stream.linear.gather [spmem:s28], $0x80, $0x38;
	[tilespmem:$0x1C200] =	vst v63  }
0x22d: {  	s31 =	sld [smem:$0x777];
	s30 =	sadd.s32 $0x1400, s0  }
0x22e: {  	[tilespmem:s29], [sflag:$0x1] =	stream.linear.gather [spmem:s30], $0x80, $0x38;
	[tilespmem:$0x1C200] =	vst v63  }
0x22f: {  	s7 =	sld [smem:$0x778];
	s5 =	sadd.s32 $0x1800, s0  }
0x230: {  	[tilespmem:s31], [sflag:$0x1] =	stream.linear.gather [spmem:s5], $0x80, $0x38;
	[tilespmem:$0x1C200] =	vst v63  }
0x231: {  	s0 =	sadd.s32 $0x1C00, s0  }
0x232: {  	[tilespmem:s7], [sflag:$0x1] =	stream.linear.gather [spmem:s0], $0x80, $0x38;
	[tilespmem:$0x1C200] =	vst v63  }
0x233: {  	_ =	swait.ge [sflag:s12], $0x4000  }
0x234: {  	s8 =	rddreg [dreg:$0x4];
	[sflag:s12] =	ssyncset.done $0x0  }
0x235: {  	s0 =	simm.s32 @!p1 $0x4;
	[sflag:s12] =	ssyncadd.s32 $0xFFFFC000;
	s18 =	sadd.s32 $0x0, s8  }
0x236: {  	[hbm4b:s18+s2] =	stream.linear.scatter [tilespmem:s11], [sflag:$0x3], $0x4000, $0x38;
	[tilespmem:$0x1C200] =	vst v63  }
0x237: {  	_ =	swait.ge @!p1 [sflag:s0], $0x4000  }
0x238: {  	[sflag:s0] =	ssyncset.done @!p1 $0x0  }
0x239: {  	[sflag:s0] =	ssyncadd.s32 @!p1 $0xFFFFC000  }
0x23a: {  	v63 =	vld [tilespmem:s19+$0x0];
	_ =	sdelay $0x4  }
0x23b: {  	(v2sf) =	vpush v63, $0x0;
	_ =	sdelay $0xe  }
0x23c: {  	s10 =	spop (v2sf)  }
0x23d: {  	(v2sf) =	vpush v63, $0x1;
	s15 =	sshll.u32 s10, $0xA  }
0x23e: {  	s0 =	sshll.u32 s10, $0x7;
	s3 =	sand.u32 $0xFFFFE000, s15  }
0x23f: {  	s0 =	sand.u32 $0x380, s0;
	s3 =	sadd.s32 s3, s1  }
0x240: {  	s16 =	sld [smem:$0x779];
	s0 =	sadd.s32 s0, s3  }
0x241: {  	[tilespmem:s13], [sflag:$0x2] =	stream.linear.gather [spmem:s0], $0x80, $0x38;
	[tilespmem:$0x1C200] =	vst v63  }
0x242: {  	s20 =	sld [smem:$0x77A];
	s19 =	sadd.s32 $0x400, s0  }
0x243: {  	[tilespmem:s16], [sflag:$0x2] =	stream.linear.gather [spmem:s19], $0x80, $0x38;
	[tilespmem:$0x1C200] =	vst v63  }
0x244: {  	s22 =	sld [smem:$0x77B];
	s21 =	sadd.s32 $0x800, s0  }
0x245: {  	[tilespmem:s20], [sflag:$0x2] =	stream.linear.gather [spmem:s21], $0x80, $0x38;
	[tilespmem:$0x1C200] =	vst v63  }
0x246: {  	s24 =	sld [smem:$0x77C];
	s23 =	sadd.s32 $0xC00, s0  }
0x247: {  	[tilespmem:s22], [sflag:$0x2] =	stream.linear.gather [spmem:s23], $0x80, $0x38;
	[tilespmem:$0x1C200] =	vst v63  }
0x248: {  	s25 =	sld [smem:$0x77D];
	s26 =	sadd.s32 $0x1000, s0  }
0x249: {  	[tilespmem:s24], [sflag:$0x2] =	stream.linear.gather [spmem:s26], $0x80, $0x38;
	[tilespmem:$0x1C200] =	vst v63  }
0x24a: {  	s29 =	sld [smem:$0x77E];
	s28 =	sadd.s32 $0x1400, s0  }
0x24b: {  	[tilespmem:s25], [sflag:$0x2] =	stream.linear.gather [spmem:s28], $0x80, $0x38;
	[tilespmem:$0x1C200] =	vst v63  }
0x24c: {  	s31 =	sld [smem:$0x77F];
	s6 =	spop (v2sf)  }
0x24d: {  	s15 =	sld [smem:$0x780];
	s30 =	sadd.s32 $0x1800, s0;
	(v2sf) =	vpush v63, $0x2;
	s7 =	sshll.u32 s6, $0xA  }
0x24e: {  	[tilespmem:s29], [sflag:$0x2] =	stream.linear.gather [spmem:s30], $0x80, $0x38;
	[tilespmem:$0x1C200] =	vst v63  }
0x24f: {  	s0 =	sadd.s32 $0x1C00, s0;
	s8 =	sshll.u32 s6, $0x7;
	s10 =	sand.u32 $0xFFFFE000, s7  }
0x250: {  	[tilespmem:s31], [sflag:$0x2] =	stream.linear.gather [spmem:s0], $0x80, $0x38;
	[tilespmem:$0x1C200] =	vst v63  }
0x251: {  	s16 =	sld [smem:$0x781];
	s3 =	sadd.s32 s10, s1;
	s0 =	sand.u32 $0x380, s8  }
0x252: {  	s20 =	sld [smem:$0x782];
	s0 =	sadd.s32 s0, s3  }
0x253: {  	[tilespmem:s15], [sflag:$0x2] =	stream.linear.gather [spmem:s0], $0x80, $0x38;
	[tilespmem:$0x1C200] =	vst v63  }
0x254: {  	s22 =	sld [smem:$0x783];
	s19 =	sadd.s32 $0x400, s0  }
0x255: {  	[tilespmem:s16], [sflag:$0x2] =	stream.linear.gather [spmem:s19], $0x80, $0x38;
	[tilespmem:$0x1C200] =	vst v63  }
0x256: {  	s24 =	sld [smem:$0x784];
	s21 =	sadd.s32 $0x800, s0  }
0x257: {  	[tilespmem:s20], [sflag:$0x2] =	stream.linear.gather [spmem:s21], $0x80, $0x38;
	[tilespmem:$0x1C200] =	vst v63  }
0x258: {  	s26 =	sld [smem:$0x785];
	s23 =	sadd.s32 $0xC00, s0  }
0x259: {  	[tilespmem:s22], [sflag:$0x2] =	stream.linear.gather [spmem:s23], $0x80, $0x38;
	[tilespmem:$0x1C200] =	vst v63  }
0x25a: {  	s29 =	sld [smem:$0x786];
	s25 =	sadd.s32 $0x1000, s0  }
0x25b: {  	[tilespmem:s24], [sflag:$0x2] =	stream.linear.gather [spmem:s25], $0x80, $0x38;
	[tilespmem:$0x1C200] =	vst v63  }
0x25c: {  	s31 =	sld [smem:$0x787];
	s28 =	sadd.s32 $0x1400, s0;
	s7 =	spop (v2sf)  }
0x25d: {  	[tilespmem:s26], [sflag:$0x2] =	stream.linear.gather [spmem:s28], $0x80, $0x38;
	[tilespmem:$0x1C200] =	vst v63  }
0x25e: {  	s30 =	sadd.s32 $0x1800, s0;
	s0 =	sadd.s32 $0x1C00, s0;
	(v2sf) =	vpush v63, $0x3;
	s8 =	sshll.u32 s7, $0xA  }
0x25f: {  	[tilespmem:s29], [sflag:$0x2] =	stream.linear.gather [spmem:s30], $0x80, $0x38;
	[tilespmem:$0x1C200] =	vst v63  }
0x260: {  	s15 =	sld [smem:$0x788];
	s3 =	sshll.u32 s7, $0x7;
	s10 =	sand.u32 $0xFFFFE000, s8  }
0x261: {  	[tilespmem:s31], [sflag:$0x2] =	stream.linear.gather [spmem:s0], $0x80, $0x38;
	[tilespmem:$0x1C200] =	vst v63  }
0x262: {  	s16 =	sld [smem:$0x789];
	s3 =	sand.u32 $0x380, s3;
	s0 =	sadd.s32 s10, s1  }
0x263: {  	s20 =	sld [smem:$0x78A];
	s0 =	sadd.s32 s3, s0  }
0x264: {  	[tilespmem:s15], [sflag:$0x2] =	stream.linear.gather [spmem:s0], $0x80, $0x38;
	[tilespmem:$0x1C200] =	vst v63  }
0x265: {  	s22 =	sld [smem:$0x78B];
	s19 =	sadd.s32 $0x400, s0  }
0x266: {  	[tilespmem:s16], [sflag:$0x2] =	stream.linear.gather [spmem:s19], $0x80, $0x38;
	[tilespmem:$0x1C200] =	vst v63  }
0x267: {  	s24 =	sld [smem:$0x78C];
	s21 =	sadd.s32 $0x800, s0  }
0x268: {  	[tilespmem:s20], [sflag:$0x2] =	stream.linear.gather [spmem:s21], $0x80, $0x38;
	[tilespmem:$0x1C200] =	vst v63  }
0x269: {  	s26 =	sld [smem:$0x78D];
	s23 =	sadd.s32 $0xC00, s0  }
0x26a: {  	[tilespmem:s22], [sflag:$0x2] =	stream.linear.gather [spmem:s23], $0x80, $0x38;
	[tilespmem:$0x1C200] =	vst v63  }
0x26b: {  	s29 =	sld [smem:$0x78E];
	s25 =	sadd.s32 $0x1000, s0  }
0x26c: {  	[tilespmem:s24], [sflag:$0x2] =	stream.linear.gather [spmem:s25], $0x80, $0x38;
	[tilespmem:$0x1C200] =	vst v63  }
0x26d: {  	s31 =	sld [smem:$0x78F];
	s28 =	sadd.s32 $0x1400, s0;
	s7 =	spop (v2sf)  }
0x26e: {  	[tilespmem:s26], [sflag:$0x2] =	stream.linear.gather [spmem:s28], $0x80, $0x38;
	[tilespmem:$0x1C200] =	vst v63  }
0x26f: {  	s30 =	sadd.s32 $0x1800, s0;
	s0 =	sadd.s32 $0x1C00, s0;
	(v2sf) =	vpush v63, $0x4;
	s8 =	sshll.u32 s7, $0xA  }
0x270: {  	[tilespmem:s29], [sflag:$0x2] =	stream.linear.gather [spmem:s30], $0x80, $0x38;
	[tilespmem:$0x1C200] =	vst v63  }
0x271: {  	s15 =	sld [smem:$0x790];
	s3 =	sshll.u32 s7, $0x7;
	s10 =	sand.u32 $0xFFFFE000, s8  }
0x272: {  	[tilespmem:s31], [sflag:$0x2] =	stream.linear.gather [spmem:s0], $0x80, $0x38;
	[tilespmem:$0x1C200] =	vst v63  }
0x273: {  	s16 =	sld [smem:$0x791];
	s3 =	sand.u32 $0x380, s3;
	s0 =	sadd.s32 s10, s1  }
0x274: {  	s20 =	sld [smem:$0x792];
	s0 =	sadd.s32 s3, s0  }
0x275: {  	[tilespmem:s15], [sflag:$0x2] =	stream.linear.gather [spmem:s0], $0x80, $0x38;
	[tilespmem:$0x1C200] =	vst v63  }
0x276: {  	s22 =	sld [smem:$0x793];
	s19 =	sadd.s32 $0x400, s0  }
0x277: {  	[tilespmem:s16], [sflag:$0x2] =	stream.linear.gather [spmem:s19], $0x80, $0x38;
	[tilespmem:$0x1C200] =	vst v63  }
0x278: {  	s24 =	sld [smem:$0x794];
	s21 =	sadd.s32 $0x800, s0  }
0x279: {  	[tilespmem:s20], [sflag:$0x2] =	stream.linear.gather [spmem:s21], $0x80, $0x38;
	[tilespmem:$0x1C200] =	vst v63  }
0x27a: {  	s26 =	sld [smem:$0x795];
	s23 =	sadd.s32 $0xC00, s0  }
0x27b: {  	[tilespmem:s22], [sflag:$0x2] =	stream.linear.gather [spmem:s23], $0x80, $0x38;
	[tilespmem:$0x1C200] =	vst v63  }
0x27c: {  	s29 =	sld [smem:$0x796];
	s25 =	sadd.s32 $0x1000, s0  }
0x27d: {  	[tilespmem:s24], [sflag:$0x2] =	stream.linear.gather [spmem:s25], $0x80, $0x38;
	[tilespmem:$0x1C200] =	vst v63  }
0x27e: {  	s31 =	sld [smem:$0x797];
	s28 =	sadd.s32 $0x1400, s0;
	s7 =	spop (v2sf)  }
0x27f: {  	[tilespmem:s26], [sflag:$0x2] =	stream.linear.gather [spmem:s28], $0x80, $0x38;
	[tilespmem:$0x1C200] =	vst v63  }
0x280: {  	s30 =	sadd.s32 $0x1800, s0;
	s0 =	sadd.s32 $0x1C00, s0;
	(v2sf) =	vpush v63, $0x5;
	s8 =	sshll.u32 s7, $0xA  }
0x281: {  	[tilespmem:s29], [sflag:$0x2] =	stream.linear.gather [spmem:s30], $0x80, $0x38;
	[tilespmem:$0x1C200] =	vst v63  }
0x282: {  	s15 =	sld [smem:$0x798];
	s3 =	sshll.u32 s7, $0x7;
	s10 =	sand.u32 $0xFFFFE000, s8  }
0x283: {  	[tilespmem:s31], [sflag:$0x2] =	stream.linear.gather [spmem:s0], $0x80, $0x38;
	[tilespmem:$0x1C200] =	vst v63  }
0x284: {  	s16 =	sld [smem:$0x799];
	s3 =	sand.u32 $0x380, s3;
	s0 =	sadd.s32 s10, s1  }
0x285: {  	s20 =	sld [smem:$0x79A];
	s0 =	sadd.s32 s3, s0  }
0x286: {  	[tilespmem:s15], [sflag:$0x2] =	stream.linear.gather [spmem:s0], $0x80, $0x38;
	[tilespmem:$0x1C200] =	vst v63  }
0x287: {  	s22 =	sld [smem:$0x79B];
	s19 =	sadd.s32 $0x400, s0  }
0x288: {  	[tilespmem:s16], [sflag:$0x2] =	stream.linear.gather [spmem:s19], $0x80, $0x38;
	[tilespmem:$0x1C200] =	vst v63  }
0x289: {  	s24 =	sld [smem:$0x79C];
	s21 =	sadd.s32 $0x800, s0  }
0x28a: {  	[tilespmem:s20], [sflag:$0x2] =	stream.linear.gather [spmem:s21], $0x80, $0x38;
	[tilespmem:$0x1C200] =	vst v63  }
0x28b: {  	s26 =	sld [smem:$0x79D];
	s23 =	sadd.s32 $0xC00, s0  }
0x28c: {  	[tilespmem:s22], [sflag:$0x2] =	stream.linear.gather [spmem:s23], $0x80, $0x38;
	[tilespmem:$0x1C200] =	vst v63  }
0x28d: {  	s29 =	sld [smem:$0x79E];
	s25 =	sadd.s32 $0x1000, s0  }
0x28e: {  	[tilespmem:s24], [sflag:$0x2] =	stream.linear.gather [spmem:s25], $0x80, $0x38;
	[tilespmem:$0x1C200] =	vst v63  }
0x28f: {  	s31 =	sld [smem:$0x79F];
	s28 =	sadd.s32 $0x1400, s0;
	s7 =	spop (v2sf)  }
0x290: {  	[tilespmem:s26], [sflag:$0x2] =	stream.linear.gather [spmem:s28], $0x80, $0x38;
	[tilespmem:$0x1C200] =	vst v63  }
0x291: {  	s30 =	sadd.s32 $0x1800, s0;
	s0 =	sadd.s32 $0x1C00, s0;
	(v2sf) =	vpush v63, $0x6;
	s8 =	sshll.u32 s7, $0xA  }
0x292: {  	[tilespmem:s29], [sflag:$0x2] =	stream.linear.gather [spmem:s30], $0x80, $0x38;
	[tilespmem:$0x1C200] =	vst v63  }
0x293: {  	s15 =	sld [smem:$0x7A0];
	s3 =	sshll.u32 s7, $0x7;
	s10 =	sand.u32 $0xFFFFE000, s8  }
0x294: {  	[tilespmem:s31], [sflag:$0x2] =	stream.linear.gather [spmem:s0], $0x80, $0x38;
	[tilespmem:$0x1C200] =	vst v63  }
0x295: {  	s16 =	sld [smem:$0x7A1];
	s3 =	sand.u32 $0x380, s3;
	s0 =	sadd.s32 s10, s1  }
0x296: {  	s20 =	sld [smem:$0x7A2];
	s0 =	sadd.s32 s3, s0  }
0x297: {  	[tilespmem:s15], [sflag:$0x2] =	stream.linear.gather [spmem:s0], $0x80, $0x38;
	[tilespmem:$0x1C200] =	vst v63  }
0x298: {  	s22 =	sld [smem:$0x7A3];
	s19 =	sadd.s32 $0x400, s0  }
0x299: {  	[tilespmem:s16], [sflag:$0x2] =	stream.linear.gather [spmem:s19], $0x80, $0x38;
	[tilespmem:$0x1C200] =	vst v63  }
0x29a: {  	s24 =	sld [smem:$0x7A4];
	s21 =	sadd.s32 $0x800, s0  }
0x29b: {  	[tilespmem:s20], [sflag:$0x2] =	stream.linear.gather [spmem:s21], $0x80, $0x38;
	[tilespmem:$0x1C200] =	vst v63  }
0x29c: {  	s26 =	sld [smem:$0x7A5];
	s23 =	sadd.s32 $0xC00, s0  }
0x29d: {  	[tilespmem:s22], [sflag:$0x2] =	stream.linear.gather [spmem:s23], $0x80, $0x38;
	[tilespmem:$0x1C200] =	vst v63  }
0x29e: {  	s29 =	sld [smem:$0x7A6];
	s25 =	sadd.s32 $0x1000, s0  }
0x29f: {  	[tilespmem:s24], [sflag:$0x2] =	stream.linear.gather [spmem:s25], $0x80, $0x38;
	[tilespmem:$0x1C200] =	vst v63  }
0x2a0: {  	s31 =	sld [smem:$0x7A7];
	s28 =	sadd.s32 $0x1400, s0;
	s7 =	spop (v2sf)  }
0x2a1: {  	[tilespmem:s26], [sflag:$0x2] =	stream.linear.gather [spmem:s28], $0x80, $0x38;
	[tilespmem:$0x1C200] =	vst v63  }
0x2a2: {  	s30 =	sadd.s32 $0x1800, s0;
	s0 =	sadd.s32 $0x1C00, s0;
	(v2sf) =	vpush v63, $0x7;
	s8 =	sshll.u32 s7, $0xA  }
0x2a3: {  	[tilespmem:s29], [sflag:$0x2] =	stream.linear.gather [spmem:s30], $0x80, $0x38;
	[tilespmem:$0x1C200] =	vst v63  }
0x2a4: {  	s15 =	sld [smem:$0x7A8];
	s3 =	sshll.u32 s7, $0x7;
	s10 =	sand.u32 $0xFFFFE000, s8  }
0x2a5: {  	[tilespmem:s31], [sflag:$0x2] =	stream.linear.gather [spmem:s0], $0x80, $0x38;
	[tilespmem:$0x1C200] =	vst v63  }
0x2a6: {  	s16 =	sld [smem:$0x7A9];
	s3 =	sand.u32 $0x380, s3;
	s0 =	sadd.s32 s10, s1  }
0x2a7: {  	s20 =	sld [smem:$0x7AA];
	s0 =	sadd.s32 s3, s0  }
0x2a8: {  	[tilespmem:s15], [sflag:$0x2] =	stream.linear.gather [spmem:s0], $0x80, $0x38;
	[tilespmem:$0x1C200] =	vst v63  }
0x2a9: {  	s22 =	sld [smem:$0x7AB];
	s19 =	sadd.s32 $0x400, s0  }
0x2aa: {  	[tilespmem:s16], [sflag:$0x2] =	stream.linear.gather [spmem:s19], $0x80, $0x38;
	[tilespmem:$0x1C200] =	vst v63  }
0x2ab: {  	s24 =	sld [smem:$0x7AC];
	s21 =	sadd.s32 $0x800, s0  }
0x2ac: {  	[tilespmem:s20], [sflag:$0x2] =	stream.linear.gather [spmem:s21], $0x80, $0x38;
	[tilespmem:$0x1C200] =	vst v63  }
0x2ad: {  	s26 =	sld [smem:$0x7AD];
	s23 =	sadd.s32 $0xC00, s0  }
0x2ae: {  	[tilespmem:s22], [sflag:$0x2] =	stream.linear.gather [spmem:s23], $0x80, $0x38;
	[tilespmem:$0x1C200] =	vst v63  }
0x2af: {  	s29 =	sld [smem:$0x7AE];
	s25 =	sadd.s32 $0x1000, s0  }
0x2b0: {  	[tilespmem:s24], [sflag:$0x2] =	stream.linear.gather [spmem:s25], $0x80, $0x38;
	[tilespmem:$0x1C200] =	vst v63  }
0x2b1: {  	s31 =	sld [smem:$0x7AF];
	s28 =	sadd.s32 $0x1400, s0;
	s7 =	spop (v2sf)  }
0x2b2: {  	[tilespmem:s26], [sflag:$0x2] =	stream.linear.gather [spmem:s28], $0x80, $0x38;
	[tilespmem:$0x1C200] =	vst v63  }
0x2b3: {  	s30 =	sadd.s32 $0x1800, s0;
	s0 =	sadd.s32 $0x1C00, s0;
	(v2sf) =	vpush v63, $0x8;
	s8 =	sshll.u32 s7, $0xA  }
0x2b4: {  	[tilespmem:s29], [sflag:$0x2] =	stream.linear.gather [spmem:s30], $0x80, $0x38;
	[tilespmem:$0x1C200] =	vst v63  }
0x2b5: {  	s15 =	sld [smem:$0x7B0];
	s3 =	sshll.u32 s7, $0x7;
	s10 =	sand.u32 $0xFFFFE000, s8  }
0x2b6: {  	[tilespmem:s31], [sflag:$0x2] =	stream.linear.gather [spmem:s0], $0x80, $0x38;
	[tilespmem:$0x1C200] =	vst v63  }
0x2b7: {  	s16 =	sld [smem:$0x7B1];
	s3 =	sand.u32 $0x380, s3;
	s0 =	sadd.s32 s10, s1  }
0x2b8: {  	s20 =	sld [smem:$0x7B2];
	s0 =	sadd.s32 s3, s0  }
0x2b9: {  	[tilespmem:s15], [sflag:$0x2] =	stream.linear.gather [spmem:s0], $0x80, $0x38;
	[tilespmem:$0x1C200] =	vst v63  }
0x2ba: {  	s22 =	sld [smem:$0x7B3];
	s19 =	sadd.s32 $0x400, s0  }
0x2bb: {  	[tilespmem:s16], [sflag:$0x2] =	stream.linear.gather [spmem:s19], $0x80, $0x38;
	[tilespmem:$0x1C200] =	vst v63  }
0x2bc: {  	s24 =	sld [smem:$0x7B4];
	s21 =	sadd.s32 $0x800, s0  }
0x2bd: {  	[tilespmem:s20], [sflag:$0x2] =	stream.linear.gather [spmem:s21], $0x80, $0x38;
	[tilespmem:$0x1C200] =	vst v63  }
0x2be: {  	s26 =	sld [smem:$0x7B5];
	s23 =	sadd.s32 $0xC00, s0  }
0x2bf: {  	[tilespmem:s22], [sflag:$0x2] =	stream.linear.gather [spmem:s23], $0x80, $0x38;
	[tilespmem:$0x1C200] =	vst v63  }
0x2c0: {  	s29 =	sld [smem:$0x7B6];
	s25 =	sadd.s32 $0x1000, s0  }
0x2c1: {  	[tilespmem:s24], [sflag:$0x2] =	stream.linear.gather [spmem:s25], $0x80, $0x38;
	[tilespmem:$0x1C200] =	vst v63  }
0x2c2: {  	s31 =	sld [smem:$0x7B7];
	s28 =	sadd.s32 $0x1400, s0;
	s7 =	spop (v2sf)  }
0x2c3: {  	[tilespmem:s26], [sflag:$0x2] =	stream.linear.gather [spmem:s28], $0x80, $0x38;
	[tilespmem:$0x1C200] =	vst v63  }
0x2c4: {  	s30 =	sadd.s32 $0x1800, s0;
	s0 =	sadd.s32 $0x1C00, s0;
	(v2sf) =	vpush v63, $0x9;
	s8 =	sshll.u32 s7, $0xA  }
0x2c5: {  	[tilespmem:s29], [sflag:$0x2] =	stream.linear.gather [spmem:s30], $0x80, $0x38;
	[tilespmem:$0x1C200] =	vst v63  }
0x2c6: {  	s15 =	sld [smem:$0x7B8];
	s3 =	sshll.u32 s7, $0x7;
	s10 =	sand.u32 $0xFFFFE000, s8  }
0x2c7: {  	[tilespmem:s31], [sflag:$0x2] =	stream.linear.gather [spmem:s0], $0x80, $0x38;
	[tilespmem:$0x1C200] =	vst v63  }
0x2c8: {  	s16 =	sld [smem:$0x7B9];
	s3 =	sand.u32 $0x380, s3;
	s0 =	sadd.s32 s10, s1  }
0x2c9: {  	s20 =	sld [smem:$0x7BA];
	s0 =	sadd.s32 s3, s0  }
0x2ca: {  	[tilespmem:s15], [sflag:$0x2] =	stream.linear.gather [spmem:s0], $0x80, $0x38;
	[tilespmem:$0x1C200] =	vst v63  }
0x2cb: {  	s22 =	sld [smem:$0x7BB];
	s19 =	sadd.s32 $0x400, s0  }
0x2cc: {  	[tilespmem:s16], [sflag:$0x2] =	stream.linear.gather [spmem:s19], $0x80, $0x38;
	[tilespmem:$0x1C200] =	vst v63  }
0x2cd: {  	s24 =	sld [smem:$0x7BC];
	s21 =	sadd.s32 $0x800, s0  }
0x2ce: {  	[tilespmem:s20], [sflag:$0x2] =	stream.linear.gather [spmem:s21], $0x80, $0x38;
	[tilespmem:$0x1C200] =	vst v63  }
0x2cf: {  	s26 =	sld [smem:$0x7BD];
	s23 =	sadd.s32 $0xC00, s0  }
0x2d0: {  	[tilespmem:s22], [sflag:$0x2] =	stream.linear.gather [spmem:s23], $0x80, $0x38;
	[tilespmem:$0x1C200] =	vst v63  }
0x2d1: {  	s29 =	sld [smem:$0x7BE];
	s25 =	sadd.s32 $0x1000, s0  }
0x2d2: {  	[tilespmem:s24], [sflag:$0x2] =	stream.linear.gather [spmem:s25], $0x80, $0x38;
	[tilespmem:$0x1C200] =	vst v63  }
0x2d3: {  	s31 =	sld [smem:$0x7BF];
	s28 =	sadd.s32 $0x1400, s0;
	s7 =	spop (v2sf)  }
0x2d4: {  	[tilespmem:s26], [sflag:$0x2] =	stream.linear.gather [spmem:s28], $0x80, $0x38;
	[tilespmem:$0x1C200] =	vst v63  }
0x2d5: {  	s30 =	sadd.s32 $0x1800, s0;
	s0 =	sadd.s32 $0x1C00, s0;
	(v2sf) =	vpush v63, $0xA;
	s8 =	sshll.u32 s7, $0xA  }
0x2d6: {  	[tilespmem:s29], [sflag:$0x2] =	stream.linear.gather [spmem:s30], $0x80, $0x38;
	[tilespmem:$0x1C200] =	vst v63  }
0x2d7: {  	s15 =	sld [smem:$0x7C0];
	s3 =	sshll.u32 s7, $0x7;
	s10 =	sand.u32 $0xFFFFE000, s8  }
0x2d8: {  	[tilespmem:s31], [sflag:$0x2] =	stream.linear.gather [spmem:s0], $0x80, $0x38;
	[tilespmem:$0x1C200] =	vst v63  }
0x2d9: {  	s16 =	sld [smem:$0x7C1];
	s3 =	sand.u32 $0x380, s3;
	s0 =	sadd.s32 s10, s1  }
0x2da: {  	s20 =	sld [smem:$0x7C2];
	s0 =	sadd.s32 s3, s0  }
0x2db: {  	[tilespmem:s15], [sflag:$0x2] =	stream.linear.gather [spmem:s0], $0x80, $0x38;
	[tilespmem:$0x1C200] =	vst v63  }
0x2dc: {  	s22 =	sld [smem:$0x7C3];
	s19 =	sadd.s32 $0x400, s0  }
0x2dd: {  	[tilespmem:s16], [sflag:$0x2] =	stream.linear.gather [spmem:s19], $0x80, $0x38;
	[tilespmem:$0x1C200] =	vst v63  }
0x2de: {  	s24 =	sld [smem:$0x7C4];
	s21 =	sadd.s32 $0x800, s0  }
0x2df: {  	[tilespmem:s20], [sflag:$0x2] =	stream.linear.gather [spmem:s21], $0x80, $0x38;
	[tilespmem:$0x1C200] =	vst v63  }
0x2e0: {  	s26 =	sld [smem:$0x7C5];
	s23 =	sadd.s32 $0xC00, s0  }
0x2e1: {  	[tilespmem:s22], [sflag:$0x2] =	stream.linear.gather [spmem:s23], $0x80, $0x38;
	[tilespmem:$0x1C200] =	vst v63  }
0x2e2: {  	s29 =	sld [smem:$0x7C6];
	s25 =	sadd.s32 $0x1000, s0  }
0x2e3: {  	[tilespmem:s24], [sflag:$0x2] =	stream.linear.gather [spmem:s25], $0x80, $0x38;
	[tilespmem:$0x1C200] =	vst v63  }
0x2e4: {  	s31 =	sld [smem:$0x7C7];
	s28 =	sadd.s32 $0x1400, s0;
	s7 =	spop (v2sf)  }
0x2e5: {  	[tilespmem:s26], [sflag:$0x2] =	stream.linear.gather [spmem:s28], $0x80, $0x38;
	[tilespmem:$0x1C200] =	vst v63  }
0x2e6: {  	s30 =	sadd.s32 $0x1800, s0;
	s0 =	sadd.s32 $0x1C00, s0;
	(v2sf) =	vpush v63, $0xB;
	s8 =	sshll.u32 s7, $0xA  }
0x2e7: {  	[tilespmem:s29], [sflag:$0x2] =	stream.linear.gather [spmem:s30], $0x80, $0x38;
	[tilespmem:$0x1C200] =	vst v63  }
0x2e8: {  	s15 =	sld [smem:$0x7C8];
	s3 =	sshll.u32 s7, $0x7;
	s10 =	sand.u32 $0xFFFFE000, s8  }
0x2e9: {  	[tilespmem:s31], [sflag:$0x2] =	stream.linear.gather [spmem:s0], $0x80, $0x38;
	[tilespmem:$0x1C200] =	vst v63  }
0x2ea: {  	s16 =	sld [smem:$0x7C9];
	s3 =	sand.u32 $0x380, s3;
	s0 =	sadd.s32 s10, s1  }
0x2eb: {  	s20 =	sld [smem:$0x7CA];
	s0 =	sadd.s32 s3, s0  }
0x2ec: {  	[tilespmem:s15], [sflag:$0x2] =	stream.linear.gather [spmem:s0], $0x80, $0x38;
	[tilespmem:$0x1C200] =	vst v63  }
0x2ed: {  	s22 =	sld [smem:$0x7CB];
	s19 =	sadd.s32 $0x400, s0  }
0x2ee: {  	[tilespmem:s16], [sflag:$0x2] =	stream.linear.gather [spmem:s19], $0x80, $0x38;
	[tilespmem:$0x1C200] =	vst v63  }
0x2ef: {  	s24 =	sld [smem:$0x7CC];
	s21 =	sadd.s32 $0x800, s0  }
0x2f0: {  	[tilespmem:s20], [sflag:$0x2] =	stream.linear.gather [spmem:s21], $0x80, $0x38;
	[tilespmem:$0x1C200] =	vst v63  }
0x2f1: {  	s26 =	sld [smem:$0x7CD];
	s23 =	sadd.s32 $0xC00, s0  }
0x2f2: {  	[tilespmem:s22], [sflag:$0x2] =	stream.linear.gather [spmem:s23], $0x80, $0x38;
	[tilespmem:$0x1C200] =	vst v63  }
0x2f3: {  	s29 =	sld [smem:$0x7CE];
	s25 =	sadd.s32 $0x1000, s0  }
0x2f4: {  	[tilespmem:s24], [sflag:$0x2] =	stream.linear.gather [spmem:s25], $0x80, $0x38;
	[tilespmem:$0x1C200] =	vst v63  }
0x2f5: {  	s31 =	sld [smem:$0x7CF];
	s28 =	sadd.s32 $0x1400, s0;
	s7 =	spop (v2sf)  }
0x2f6: {  	[tilespmem:s26], [sflag:$0x2] =	stream.linear.gather [spmem:s28], $0x80, $0x38;
	[tilespmem:$0x1C200] =	vst v63  }
0x2f7: {  	s30 =	sadd.s32 $0x1800, s0;
	s0 =	sadd.s32 $0x1C00, s0;
	(v2sf) =	vpush v63, $0xC;
	s8 =	sshll.u32 s7, $0xA  }
0x2f8: {  	[tilespmem:s29], [sflag:$0x2] =	stream.linear.gather [spmem:s30], $0x80, $0x38;
	[tilespmem:$0x1C200] =	vst v63  }
0x2f9: {  	s15 =	sld [smem:$0x7D0];
	s3 =	sshll.u32 s7, $0x7;
	s10 =	sand.u32 $0xFFFFE000, s8  }
0x2fa: {  	[tilespmem:s31], [sflag:$0x2] =	stream.linear.gather [spmem:s0], $0x80, $0x38;
	[tilespmem:$0x1C200] =	vst v63  }
0x2fb: {  	s3 =	sand.u32 $0x380, s3;
	s16 =	sld [smem:$0x7D1];
	s0 =	sadd.s32 s10, s1  }
0x2fc: {  	s20 =	sld [smem:$0x7D2];
	s0 =	sadd.s32 s3, s0  }
0x2fd: {  	[tilespmem:s15], [sflag:$0x2] =	stream.linear.gather [spmem:s0], $0x80, $0x38;
	[tilespmem:$0x1C200] =	vst v63  }
0x2fe: {  	s22 =	sld [smem:$0x7D3];
	s19 =	sadd.s32 $0x400, s0  }
0x2ff: {  	[tilespmem:s16], [sflag:$0x2] =	stream.linear.gather [spmem:s19], $0x80, $0x38;
	[tilespmem:$0x1C200] =	vst v63  }
0x300: {  	s24 =	sld [smem:$0x7D4];
	s21 =	sadd.s32 $0x800, s0  }
0x301: {  	[tilespmem:s20], [sflag:$0x2] =	stream.linear.gather [spmem:s21], $0x80, $0x38;
	[tilespmem:$0x1C200] =	vst v63  }
0x302: {  	s26 =	sld [smem:$0x7D5];
	s23 =	sadd.s32 $0xC00, s0  }
0x303: {  	[tilespmem:s22], [sflag:$0x2] =	stream.linear.gather [spmem:s23], $0x80, $0x38;
	[tilespmem:$0x1C200] =	vst v63  }
0x304: {  	s29 =	sld [smem:$0x7D6];
	s25 =	sadd.s32 $0x1000, s0  }
0x305: {  	[tilespmem:s24], [sflag:$0x2] =	stream.linear.gather [spmem:s25], $0x80, $0x38;
	[tilespmem:$0x1C200] =	vst v63  }
0x306: {  	s31 =	sld [smem:$0x7D7];
	s7 =	spop (v2sf);
	s28 =	sadd.s32 $0x1400, s0  }
0x307: {  	[tilespmem:s26], [sflag:$0x2] =	stream.linear.gather [spmem:s28], $0x80, $0x38;
	[tilespmem:$0x1C200] =	vst v63  }
0x308: {  	(v2sf) =	vpush v63, $0xD;
	s30 =	sadd.s32 $0x1800, s0;
	s8 =	sshll.u32 s7, $0xA;
	s0 =	sadd.s32 $0x1C00, s0  }
0x309: {  	[tilespmem:s29], [sflag:$0x2] =	stream.linear.gather [spmem:s30], $0x80, $0x38;
	[tilespmem:$0x1C200] =	vst v63  }
0x30a: {  	s3 =	sshll.u32 s7, $0x7;
	s15 =	sld [smem:$0x7D8];
	s10 =	sand.u32 $0xFFFFE000, s8  }
0x30b: {  	[tilespmem:s31], [sflag:$0x2] =	stream.linear.gather [spmem:s0], $0x80, $0x38;
	[tilespmem:$0x1C200] =	vst v63  }
0x30c: {  	s3 =	sand.u32 $0x380, s3;
	s16 =	sld [smem:$0x7D9];
	s0 =	sadd.s32 s10, s1  }
0x30d: {  	s20 =	sld [smem:$0x7DA];
	s0 =	sadd.s32 s3, s0  }
0x30e: {  	[tilespmem:s15], [sflag:$0x2] =	stream.linear.gather [spmem:s0], $0x80, $0x38;
	[tilespmem:$0x1C200] =	vst v63  }
0x30f: {  	s22 =	sld [smem:$0x7DB];
	s19 =	sadd.s32 $0x400, s0  }
0x310: {  	[tilespmem:s16], [sflag:$0x2] =	stream.linear.gather [spmem:s19], $0x80, $0x38;
	[tilespmem:$0x1C200] =	vst v63  }
0x311: {  	s24 =	sld [smem:$0x7DC];
	s21 =	sadd.s32 $0x800, s0  }
0x312: {  	[tilespmem:s20], [sflag:$0x2] =	stream.linear.gather [spmem:s21], $0x80, $0x38;
	[tilespmem:$0x1C200] =	vst v63  }
0x313: {  	s26 =	sld [smem:$0x7DD];
	s23 =	sadd.s32 $0xC00, s0  }
0x314: {  	[tilespmem:s22], [sflag:$0x2] =	stream.linear.gather [spmem:s23], $0x80, $0x38;
	[tilespmem:$0x1C200] =	vst v63  }
0x315: {  	s29 =	sld [smem:$0x7DE];
	s25 =	sadd.s32 $0x1000, s0  }
0x316: {  	[tilespmem:s24], [sflag:$0x2] =	stream.linear.gather [spmem:s25], $0x80, $0x38;
	[tilespmem:$0x1C200] =	vst v63  }
0x317: {  	s31 =	sld [smem:$0x7DF];
	s7 =	spop (v2sf);
	(v2sf) =	vpush v63, $0xE;
	s28 =	sadd.s32 $0x1400, s0  }
0x318: {  	[tilespmem:s26], [sflag:$0x2] =	stream.linear.gather [spmem:s28], $0x80, $0x38;
	[tilespmem:$0x1C200] =	vst v63  }
0x319: {  	s8 =	sshll.u32 s7, $0xA;
	s3 =	sshll.u32 s7, $0x7;
	s30 =	sadd.s32 $0x1800, s0  }
0x31a: {  	[tilespmem:s29], [sflag:$0x2] =	stream.linear.gather [spmem:s30], $0x80, $0x38;
	[tilespmem:$0x1C200] =	vst v63  }
0x31b: {  	s0 =	sadd.s32 $0x1C00, s0;
	s10 =	sand.u32 $0xFFFFE000, s8;
	s15 =	sld [smem:$0x7E0]  }
0x31c: {  	[tilespmem:s31], [sflag:$0x2] =	stream.linear.gather [spmem:s0], $0x80, $0x38;
	[tilespmem:$0x1C200] =	vst v63  }
0x31d: {  	s3 =	sand.u32 $0x380, s3;
	s0 =	sadd.s32 s10, s1  }
0x31e: {  	s16 =	sld [smem:$0x7E1];
	s0 =	sadd.s32 s3, s0  }
0x31f: {  	[tilespmem:s15], [sflag:$0x2] =	stream.linear.gather [spmem:s0], $0x80, $0x38;
	[tilespmem:$0x1C200] =	vst v63  }
0x320: {  	s20 =	sld [smem:$0x7E2];
	s19 =	sadd.s32 $0x400, s0  }
0x321: {  	[tilespmem:s16], [sflag:$0x2] =	stream.linear.gather [spmem:s19], $0x80, $0x38;
	[tilespmem:$0x1C200] =	vst v63  }
0x322: {  	s22 =	sld [smem:$0x7E3];
	s21 =	sadd.s32 $0x800, s0  }
0x323: {  	[tilespmem:s20], [sflag:$0x2] =	stream.linear.gather [spmem:s21], $0x80, $0x38;
	[tilespmem:$0x1C200] =	vst v63  }
0x324: {  	s24 =	sld [smem:$0x7E4];
	s23 =	sadd.s32 $0xC00, s0  }
0x325: {  	[tilespmem:s22], [sflag:$0x2] =	stream.linear.gather [spmem:s23], $0x80, $0x38;
	[tilespmem:$0x1C200] =	vst v63  }
0x326: {  	s26 =	sld [smem:$0x7E5];
	s7 =	spop (v2sf);
	s25 =	sadd.s32 $0x1000, s0  }
0x327: {  	[tilespmem:s24], [sflag:$0x2] =	stream.linear.gather [spmem:s25], $0x80, $0x38;
	[tilespmem:$0x1C200] =	vst v63  }
0x328: {  	s29 =	sld [smem:$0x7E6];
	(v2sf) =	vpush v63, $0xF;
	s8 =	sshll.u32 s7, $0xA;
	s28 =	sadd.s32 $0x1400, s0  }
0x329: {  	[tilespmem:s26], [sflag:$0x2] =	stream.linear.gather [spmem:s28], $0x80, $0x38;
	[tilespmem:$0x1C200] =	vst v63  }
0x32a: {  	s31 =	sld [smem:$0x7E7];
	s10 =	sand.u32 $0xFFFFE000, s8;
	s30 =	sadd.s32 $0x1800, s0  }
0x32b: {  	[tilespmem:s29], [sflag:$0x2] =	stream.linear.gather [spmem:s30], $0x80, $0x38;
	[tilespmem:$0x1C200] =	vst v63  }
0x32c: {  	s3 =	sshll.u32 s7, $0x7;
	s0 =	sadd.s32 $0x1C00, s0;
	s15 =	sld [smem:$0x7E9]  }
0x32d: {  	[tilespmem:s31], [sflag:$0x2] =	stream.linear.gather [spmem:s0], $0x80, $0x38;
	[tilespmem:$0x1C200] =	vst v63  }
0x32e: {  	s3 =	sand.u32 $0x380, s3;
	s0 =	sadd.s32 s10, s1  }
0x32f: {  	s16 =	sld [smem:$0x7EA];
	s0 =	sadd.s32 s3, s0  }
0x330: {  	[tilespmem:s15], [sflag:$0x2] =	stream.linear.gather [spmem:s0], $0x80, $0x38;
	[tilespmem:$0x1C200] =	vst v63  }
0x331: {  	s20 =	sld [smem:$0x7EB];
	s19 =	sadd.s32 $0x400, s0  }
0x332: {  	[tilespmem:s16], [sflag:$0x2] =	stream.linear.gather [spmem:s19], $0x80, $0x38;
	[tilespmem:$0x1C200] =	vst v63  }
0x333: {  	s22 =	sld [smem:$0x7EC];
	s21 =	sadd.s32 $0x800, s0  }
0x334: {  	[tilespmem:s20], [sflag:$0x2] =	stream.linear.gather [spmem:s21], $0x80, $0x38;
	[tilespmem:$0x1C200] =	vst v63  }
0x335: {  	s24 =	sld [smem:$0x7ED];
	s23 =	sadd.s32 $0xC00, s0  }
0x336: {  	[tilespmem:s22], [sflag:$0x2] =	stream.linear.gather [spmem:s23], $0x80, $0x38;
	[tilespmem:$0x1C200] =	vst v63  }
0x337: {  	s26 =	sld [smem:$0x7EF];
	s7 =	spop (v2sf);
	s25 =	sadd.s32 $0x1000, s0  }
0x338: {  	[tilespmem:s24], [sflag:$0x2] =	stream.linear.gather [spmem:s25], $0x80, $0x38;
	[tilespmem:$0x1C200] =	vst v63  }
0x339: {  	s29 =	sld [smem:$0x7F0];
	s8 =	sshll.u32 s7, $0xA;
	s28 =	sadd.s32 $0x1400, s0  }
0x33a: {  	[tilespmem:s26], [sflag:$0x2] =	stream.linear.gather [spmem:s28], $0x80, $0x38;
	[tilespmem:$0x1C200] =	vst v63  }
0x33b: {  	s31 =	sld [smem:$0x7F2];
	s10 =	sand.u32 $0xFFFFE000, s8;
	s30 =	sadd.s32 $0x1800, s0  }
0x33c: {  	[tilespmem:s29], [sflag:$0x2] =	stream.linear.gather [spmem:s30], $0x80, $0x38;
	[tilespmem:$0x1C200] =	vst v63  }
0x33d: {  	s3 =	sshll.u32 s7, $0x7;
	s0 =	sadd.s32 $0x1C00, s0;
	s15 =	sld [smem:$0x7F4]  }
0x33e: {  	[tilespmem:s31], [sflag:$0x2] =	stream.linear.gather [spmem:s0], $0x80, $0x38;
	[tilespmem:$0x1C200] =	vst v63  }
0x33f: {  	s3 =	sand.u32 $0x380, s3;
	s0 =	sadd.s32 s10, s1  }
0x340: {  	s16 =	sld [smem:$0x7F5];
	s0 =	sadd.s32 s3, s0  }
0x341: {  	[tilespmem:s15], [sflag:$0x2] =	stream.linear.gather [spmem:s0], $0x80, $0x38;
	[tilespmem:$0x1C200] =	vst v63  }
0x342: {  	s20 =	sld [smem:$0x7F7];
	s19 =	sadd.s32 $0x400, s0  }
0x343: {  	[tilespmem:s16], [sflag:$0x2] =	stream.linear.gather [spmem:s19], $0x80, $0x38;
	[tilespmem:$0x1C200] =	vst v63  }
0x344: {  	s22 =	sld [smem:$0x7F8];
	s21 =	sadd.s32 $0x800, s0  }
0x345: {  	[tilespmem:s20], [sflag:$0x2] =	stream.linear.gather [spmem:s21], $0x80, $0x38;
	[tilespmem:$0x1C200] =	vst v63  }
0x346: {  	s24 =	sld [smem:$0x7FA];
	s23 =	sadd.s32 $0xC00, s0  }
0x347: {  	[tilespmem:s22], [sflag:$0x2] =	stream.linear.gather [spmem:s23], $0x80, $0x38;
	[tilespmem:$0x1C200] =	vst v63  }
0x348: {  	s26 =	sld [smem:$0x7FB];
	s25 =	sadd.s32 $0x1000, s0  }
0x349: {  	[tilespmem:s24], [sflag:$0x2] =	stream.linear.gather [spmem:s25], $0x80, $0x38;
	[tilespmem:$0x1C200] =	vst v63  }
0x34a: {  	s29 =	sld [smem:$0x7FC];
	s28 =	sadd.s32 $0x1400, s0  }
0x34b: {  	[tilespmem:s26], [sflag:$0x2] =	stream.linear.gather [spmem:s28], $0x80, $0x38;
	[tilespmem:$0x1C200] =	vst v63  }
0x34c: {  	s31 =	sld [smem:$0x7FD];
	s30 =	sadd.s32 $0x1800, s0  }
0x34d: {  	[tilespmem:s29], [sflag:$0x2] =	stream.linear.gather [spmem:s30], $0x80, $0x38;
	[tilespmem:$0x1C200] =	vst v63  }
0x34e: {  	p6 =	por $0x0, $0x0;
	s0 =	sadd.s32 $0x1C00, s0  }
0x34f: {  	[tilespmem:s31], [sflag:$0x2] =	stream.linear.gather [spmem:s0], $0x80, $0x38;
	[tilespmem:$0x1C200] =	vst v63  }
0x350: {  	p1 =	por p6, p6;
	_ =	swait.ge [sflag:s14], $0x4000  }
0x351: {  	s19 =	simm.s32 $0x1000;
	s20 =	simm.s32 $0x2000;
	[sflag:s14] =	ssyncset.done $0x0  }
0x352: {  	s0 =	sadd.s32 $0x800, s18;
	s18 =	simm.s32 $0x180;
	[sflag:s14] =	ssyncadd.s32 $0xFFFFC000  }
.LBB2_2:
0x353: {  	[hbm4b:s0+s2] =	stream.linear.scatter [tilespmem:s13], [sflag:$0x4], $0x4000, $0x38;
	[tilespmem:$0x1C200] =	vst v63  }
0x354: {  	s0 =	simm.s32 @!p1 $0x3  }
0x355: {  	_ =	swait.ge @!p1 [sflag:s0], $0x4000  }
0x356: {  	[sflag:s0] =	ssyncset.done @!p1 $0x0  }
0x357: {  	[sflag:s0] =	ssyncadd.s32 @!p1 $0xFFFFC000  }
0x358: {  	v0 =	vld [tilespmem:s18+$0xFFFFFF80];
	_ =	sdelay $0x4  }
0x359: {  	(v2sf) =	vpush v0, $0x0;
	_ =	sdelay $0x1  }
0x35a: {  	(v2sf) =	vpush v0, $0x1;
	_ =	sdelay $0x1  }
0x35b: {  	(v2sf) =	vpush v0, $0x2;
	_ =	sdelay $0x7  }
0x35c: {  	s16 =	rddreg [dreg:$0x5]  }
0x35d: {  	s23 =	rddreg [dreg:$0x6]  }
0x35e: {  	s28 =	rddreg [dreg:$0x7]  }
0x35f: {  	s30 =	rddreg [dreg:$0x8];
	s10 =	spop (v2sf)  }
0x360: {  	s8 =	rddreg [dreg:$0xa];
	s3 =	sshll.u32 s10, $0xA  }
0x361: {  	s0 =	sshll.u32 s10, $0x7;
	s5 =	spop (v2sf);
	s3 =	sand.u32 $0xFFFFE000, s3  }
0x362: {  	(v2sf) =	vpush v0, $0x3;
	s6 =	sshll.u32 s5, $0xA;
	s0 =	sand.u32 $0x380, s0;
	s3 =	sadd.s32 s3, s1  }
0x363: {  	s22 =	sshll.u32 s5, $0x7;
	s24 =	spop (v2sf);
	s0 =	sadd.s32 s0, s3  }
0x364: {  	[tilespmem:s11], [sflag:$0x1] =	stream.linear.gather [spmem:s0], $0x80, $0x38;
	[tilespmem:$0x1C200] =	vst v63  }
0x365: {  	s15 =	sand.u32 $0xFFFFE000, s6;
	s5 =	sshll.u32 s24, $0x7;
	s25 =	sadd.s32 $0x400, s0  }
0x366: {  	(v2sf) =	vpush v0, $0x4;
	[tilespmem:s16], [sflag:$0x1] =	stream.linear.gather [spmem:s25], $0x80, $0x38;
	[tilespmem:$0x1C200] =	vst v63  }
0x367: {  	s22 =	sand.u32 $0x380, s22;
	s6 =	sadd.s32 s15, s1;
	s26 =	sadd.s32 $0x800, s0  }
0x368: {  	(v2sf) =	vpush v0, $0x5;
	[tilespmem:s23], [sflag:$0x1] =	stream.linear.gather [spmem:s26], $0x80, $0x38;
	[tilespmem:$0x1C200] =	vst v63  }
0x369: {  	s15 =	rddreg [dreg:$0xb];
	s29 =	sadd.s32 $0xC00, s0;
	s31 =	sadd.s32 $0x1000, s0  }
0x36a: {  	[tilespmem:s28], [sflag:$0x1] =	stream.linear.gather [spmem:s29], $0x80, $0x38;
	[tilespmem:$0x1C200] =	vst v63  }
0x36b: {  	s7 =	sadd.s32 $0x1400, s0;
	s10 =	sadd.s32 $0x1800, s0;
	s0 =	sadd.s32 $0x1C00, s0  }
0x36c: {  	[tilespmem:s30], [sflag:$0x1] =	stream.linear.gather [spmem:s31], $0x80, $0x38;
	[tilespmem:$0x1C200] =	vst v63  }
0x36d: {  	s25 =	sshll.u32 s24, $0xA;
	s24 =	sadd.s32 s22, s6;
	s26 =	rddreg [dreg:$0x9]  }
0x36e: {  	[tilespmem:s26], [sflag:$0x1] =	stream.linear.gather [spmem:s7], $0x80, $0x38;
	[tilespmem:$0x1C200] =	vst v63  }
0x36f: {  	s25 =	sand.u32 $0xFFFFE000, s25;
	s22 =	sadd.s32 $0x400, s24;
	s28 =	rddreg [dreg:$0xc]  }
0x370: {  	[tilespmem:s8], [sflag:$0x1] =	stream.linear.gather [spmem:s10], $0x80, $0x38;
	[tilespmem:$0x1C200] =	vst v63  }
0x371: {  	s3 =	sadd.s32 s25, s1;
	s29 =	rddreg [dreg:$0xd];
	s16 =	spop (v2sf)  }
0x372: {  	[tilespmem:s15], [sflag:$0x1] =	stream.linear.gather [spmem:s0], $0x80, $0x38;
	[tilespmem:$0x1C200] =	vst v63  }
0x373: {  	s31 =	rddreg [dreg:$0xe];
	s7 =	sadd.s32 $0x800, s24;
	s30 =	sshll.u32 s16, $0xA  }
0x374: {  	[tilespmem:s28], [sflag:$0x1] =	stream.linear.gather [spmem:s24], $0x80, $0x38;
	[tilespmem:$0x1C200] =	vst v63  }
0x375: {  	s8 =	rddreg [dreg:$0xf];
	s10 =	spop (v2sf);
	s6 =	sand.u32 $0xFFFFE000, s30  }
0x376: {  	[tilespmem:s29], [sflag:$0x1] =	stream.linear.gather [spmem:s22], $0x80, $0x38;
	[tilespmem:$0x1C200] =	vst v63  }
0x377: {  	s26 =	spop (v2sf);
	s30 =	rddreg [dreg:$0x11];
	s15 =	sshll.u32 s10, $0xA  }
0x378: {  	(v2sf) =	vpush v0, $0x6;
	[tilespmem:s31], [sflag:$0x1] =	stream.linear.gather [spmem:s7], $0x80, $0x38;
	[tilespmem:$0x1C200] =	vst v63  }
0x379: {  	s25 =	sand.u32 $0xFFFFE000, s15;
	s15 =	rddreg [dreg:$0x13];
	s28 =	sadd.s32 $0xC00, s24  }
0x37a: {  	[tilespmem:s8], [sflag:$0x1] =	stream.linear.gather [spmem:s28], $0x80, $0x38;
	[tilespmem:$0x1C200] =	vst v63  }
0x37b: {  	s23 =	sshll.u32 s16, $0x7;
	s16 =	sadd.s32 $0x1000, s24;
	s29 =	rddreg [dreg:$0x10]  }
0x37c: {  	[tilespmem:s29], [sflag:$0x1] =	stream.linear.gather [spmem:s16], $0x80, $0x38;
	[tilespmem:$0x1C200] =	vst v63  }
0x37d: {  	s0 =	sadd.s32 s6, s1;
	s31 =	sadd.s32 $0x1400, s24;
	s7 =	rddreg [dreg:$0x12]  }
0x37e: {  	[tilespmem:s30], [sflag:$0x1] =	stream.linear.gather [spmem:s31], $0x80, $0x38;
	[tilespmem:$0x1C200] =	vst v63  }
0x37f: {  	s6 =	sshll.u32 s10, $0x7;
	s10 =	sadd.s32 $0x1800, s24;
	s16 =	rddreg [dreg:$0x14]  }
0x380: {  	[tilespmem:s7], [sflag:$0x1] =	stream.linear.gather [spmem:s10], $0x80, $0x38;
	[tilespmem:$0x1C200] =	vst v63  }
0x381: {  	s5 =	sand.u32 $0x380, s5;
	s24 =	sadd.s32 $0x1C00, s24;
	s30 =	rddreg [dreg:$0x15]  }
0x382: {  	[tilespmem:s15], [sflag:$0x1] =	stream.linear.gather [spmem:s24], $0x80, $0x38;
	[tilespmem:$0x1C200] =	vst v63  }
0x383: {  	s8 =	sshll.u32 s26, $0xA;
	s7 =	rddreg [dreg:$0x16];
	s24 =	sadd.s32 s5, s3  }
0x384: {  	[tilespmem:s16], [sflag:$0x1] =	stream.linear.gather [spmem:s24], $0x80, $0x38;
	[tilespmem:$0x1C200] =	vst v63  }
0x385: {  	s29 =	sand.u32 $0xFFFFE000, s8;
	s10 =	rddreg [dreg:$0x17];
	s31 =	sadd.s32 $0x400, s24  }
0x386: {  	(v2sf) =	vpush v0, $0x7;
	[tilespmem:s30], [sflag:$0x1] =	stream.linear.gather [spmem:s31], $0x80, $0x38;
	[tilespmem:$0x1C200] =	vst v63  }
0x387: {  	s28 =	spop (v2sf);
	s5 =	sshll.u32 s26, $0x7;
	s8 =	sadd.s32 $0x800, s24  }
0x388: {  	[tilespmem:s7], [sflag:$0x1] =	stream.linear.gather [spmem:s8], $0x80, $0x38;
	[tilespmem:$0x1C200] =	vst v63  }
0x389: {  	s15 =	sadd.s32 $0xC00, s24;
	s16 =	rddreg [dreg:$0x18];
	s7 =	sshll.u32 s28, $0xA  }
0x38a: {  	[tilespmem:s10], [sflag:$0x1] =	stream.linear.gather [spmem:s15], $0x80, $0x38;
	[tilespmem:$0x1C200] =	vst v63  }
0x38b: {  	s31 =	rddreg [dreg:$0x19];
	s8 =	sadd.s32 $0x1000, s24;
	s10 =	sand.u32 $0xFFFFE000, s7  }
0x38c: {  	[tilespmem:s16], [sflag:$0x1] =	stream.linear.gather [spmem:s8], $0x80, $0x38;
	[tilespmem:$0x1C200] =	vst v63  }
0x38d: {  	s15 =	sadd.s32 $0x1400, s24;
	s26 =	sadd.s32 s10, s1;
	s10 =	rddreg [dreg:$0x1c]  }
0x38e: {  	[tilespmem:s31], [sflag:$0x1] =	stream.linear.gather [spmem:s15], $0x80, $0x38;
	[tilespmem:$0x1C200] =	vst v63  }
0x38f: {  	s7 =	sadd.s32 $0x1800, s24;
	s16 =	rddreg [dreg:$0x1a]  }
0x390: {  	[tilespmem:s16], [sflag:$0x1] =	stream.linear.gather [spmem:s7], $0x80, $0x38;
	[tilespmem:$0x1C200] =	vst v63  }
0x391: {  	s23 =	sand.u32 $0x380, s23;
	s24 =	sadd.s32 $0x1C00, s24;
	s8 =	rddreg [dreg:$0x1b]  }
0x392: {  	(v2sf) =	vpush v0, $0x8;
	[tilespmem:s8], [sflag:$0x1] =	stream.linear.gather [spmem:s24], $0x80, $0x38;
	[tilespmem:$0x1C200] =	vst v63  }
0x393: {  	s23 =	sadd.s32 s23, s0;
	s15 =	rddreg [dreg:$0x1d]  }
0x394: {  	[tilespmem:s10], [sflag:$0x1] =	stream.linear.gather [spmem:s23], $0x80, $0x38;
	[tilespmem:$0x1C200] =	vst v63  }
0x395: {  	s31 =	rddreg [dreg:$0x1e];
	s16 =	sadd.s32 $0x400, s23;
	s24 =	spop (v2sf)  }
0x396: {  	[tilespmem:s15], [sflag:$0x1] =	stream.linear.gather [spmem:s16], $0x80, $0x38;
	[tilespmem:$0x1C200] =	vst v63  }
0x397: {  	s8 =	sadd.s32 $0x800, s23;
	s7 =	sshll.u32 s24, $0xA;
	s10 =	rddreg [dreg:$0x1f]  }
0x398: {  	[tilespmem:s31], [sflag:$0x1] =	stream.linear.gather [spmem:s8], $0x80, $0x38;
	[tilespmem:$0x1C200] =	vst v63  }
0x399: {  	s30 =	sand.u32 $0xFFFFE000, s7;
	s15 =	sadd.s32 $0xC00, s23;
	s16 =	sld [smem:$0x715]  }
0x39a: {  	[tilespmem:s10], [sflag:$0x1] =	stream.linear.gather [spmem:s15], $0x80, $0x38;
	[tilespmem:$0x1C200] =	vst v63  }
0x39b: {  	(v2sf) =	vpush v0, $0x9;
	s7 =	sld [smem:$0x716];
	s0 =	sadd.s32 s30, s1;
	s30 =	sadd.s32 $0x1000, s23  }
0x39c: {  	[tilespmem:s16], [sflag:$0x1] =	stream.linear.gather [spmem:s30], $0x80, $0x38;
	[tilespmem:$0x1C200] =	vst v63  }
0x39d: {  	s6 =	sand.u32 $0x380, s6;
	s8 =	sadd.s32 $0x1400, s23;
	s10 =	sld [smem:$0x717]  }
0x39e: {  	[tilespmem:s7], [sflag:$0x1] =	stream.linear.gather [spmem:s8], $0x80, $0x38;
	[tilespmem:$0x1C200] =	vst v63  }
0x39f: {  	s22 =	sadd.s32 s25, s1;
	s15 =	sadd.s32 $0x1800, s23;
	s16 =	sld [smem:$0x718]  }
0x3a0: {  	[tilespmem:s10], [sflag:$0x1] =	stream.linear.gather [spmem:s15], $0x80, $0x38;
	[tilespmem:$0x1C200] =	vst v63  }
0x3a1: {  	s31 =	spop (v2sf);
	s23 =	sadd.s32 $0x1C00, s23;
	s30 =	sld [smem:$0x719]  }
0x3a2: {  	[tilespmem:s16], [sflag:$0x1] =	stream.linear.gather [spmem:s23], $0x80, $0x38;
	[tilespmem:$0x1C200] =	vst v63  }
0x3a3: {  	s6 =	sadd.s32 s6, s22;
	s3 =	sadd.s32 s29, s1;
	s23 =	sld [smem:$0x71A]  }
0x3a4: {  	[tilespmem:s30], [sflag:$0x1] =	stream.linear.gather [spmem:s6], $0x80, $0x38;
	[tilespmem:$0x1C200] =	vst v63  }
0x3a5: {  	s5 =	sand.u32 $0x380, s5;
	s28 =	sshll.u32 s28, $0x7;
	s10 =	sld [smem:$0x71B]  }
0x3a6: {  	s24 =	sshll.u32 s24, $0x7;
	s8 =	sadd.s32 $0x400, s6;
	s16 =	sld [smem:$0x71C]  }
0x3a7: {  	[tilespmem:s23], [sflag:$0x1] =	stream.linear.gather [spmem:s8], $0x80, $0x38;
	[tilespmem:$0x1C200] =	vst v63  }
0x3a8: {  	s7 =	sshll.u32 s31, $0xA;
	s15 =	sadd.s32 $0x800, s6;
	s29 =	sld [smem:$0x721]  }
0x3a9: {  	(v2sf) =	vpush v0, $0xA;
	[tilespmem:s10], [sflag:$0x1] =	stream.linear.gather [spmem:s15], $0x80, $0x38;
	[tilespmem:$0x1C200] =	vst v63  }
0x3aa: {  	s30 =	spop (v2sf);
	s8 =	sadd.s32 $0xC00, s6;
	s10 =	sld [smem:$0x71D]  }
0x3ab: {  	[tilespmem:s16], [sflag:$0x1] =	stream.linear.gather [spmem:s8], $0x80, $0x38;
	[tilespmem:$0x1C200] =	vst v63  }
0x3ac: {  	s23 =	sshll.u32 s31, $0x7;
	s15 =	sadd.s32 $0x1000, s6;
	s16 =	sld [smem:$0x71E]  }
0x3ad: {  	[tilespmem:s10], [sflag:$0x1] =	stream.linear.gather [spmem:s15], $0x80, $0x38;
	[tilespmem:$0x1C200] =	vst v63  }
0x3ae: {  	s8 =	sshll.u32 s30, $0xA;
	s10 =	sadd.s32 $0x1400, s6;
	s15 =	sld [smem:$0x71F]  }
0x3af: {  	[tilespmem:s16], [sflag:$0x1] =	stream.linear.gather [spmem:s10], $0x80, $0x38;
	[tilespmem:$0x1C200] =	vst v63  }
0x3b0: {  	s31 =	sand.u32 $0xFFFFE000, s8;
	s8 =	sld [smem:$0x720];
	s16 =	sadd.s32 $0x1800, s6  }
0x3b1: {  	[tilespmem:s15], [sflag:$0x1] =	stream.linear.gather [spmem:s16], $0x80, $0x38;
	[tilespmem:$0x1C200] =	vst v63  }
0x3b2: {  	s25 =	sadd.s32 s31, s1;
	s31 =	sld [smem:$0x722];
	s6 =	sadd.s32 $0x1C00, s6  }
0x3b3: {  	[tilespmem:s8], [sflag:$0x1] =	stream.linear.gather [spmem:s6], $0x80, $0x38;
	[tilespmem:$0x1C200] =	vst v63  }
0x3b4: {  	s7 =	sand.u32 $0xFFFFE000, s7;
	s10 =	sld [smem:$0x723];
	s8 =	sadd.s32 s5, s3  }
0x3b5: {  	(v2sf) =	vpush v0, $0xB;
	[tilespmem:s29], [sflag:$0x1] =	stream.linear.gather [spmem:s8], $0x80, $0x38;
	[tilespmem:$0x1C200] =	vst v63  }
0x3b6: {  	s22 =	sadd.s32 s7, s1;
	s16 =	sld [smem:$0x724];
	s5 =	sadd.s32 $0x400, s8  }
0x3b7: {  	[tilespmem:s31], [sflag:$0x1] =	stream.linear.gather [spmem:s5], $0x80, $0x38;
	[tilespmem:$0x1C200] =	vst v63  }
0x3b8: {  	s6 =	sshll.u32 s30, $0x7;
	s15 =	sadd.s32 $0x800, s8;
	s29 =	spop (v2sf)  }
0x3b9: {  	[tilespmem:s10], [sflag:$0x1] =	stream.linear.gather [spmem:s15], $0x80, $0x38;
	[tilespmem:$0x1C200] =	vst v63  }
0x3ba: {  	s7 =	sadd.s32 $0xC00, s8;
	s31 =	sshll.u32 s29, $0xA;
	s10 =	sld [smem:$0x725]  }
0x3bb: {  	[tilespmem:s16], [sflag:$0x1] =	stream.linear.gather [spmem:s7], $0x80, $0x38;
	[tilespmem:$0x1C200] =	vst v63  }
0x3bc: {  	s5 =	sshll.u32 s29, $0x7;
	s15 =	sadd.s32 $0x1000, s8;
	s16 =	sld [smem:$0x726]  }
0x3bd: {  	(v2sf) =	vpush v0, $0xC;
	[tilespmem:s10], [sflag:$0x1] =	stream.linear.gather [spmem:s15], $0x80, $0x38;
	[tilespmem:$0x1C200] =	vst v63  }
0x3be: {  	s30 =	sand.u32 $0xFFFFE000, s31;
	s15 =	sadd.s32 $0x1400, s8;
	s10 =	sld [smem:$0x727]  }
0x3bf: {  	[tilespmem:s16], [sflag:$0x1] =	stream.linear.gather [spmem:s15], $0x80, $0x38;
	[tilespmem:$0x1C200] =	vst v63  }
0x3c0: {  	s31 =	sld [smem:$0x728];
	s3 =	sadd.s32 s30, s1;
	s16 =	sadd.s32 $0x1800, s8  }
0x3c1: {  	[tilespmem:s10], [sflag:$0x1] =	stream.linear.gather [spmem:s16], $0x80, $0x38;
	[tilespmem:$0x1C200] =	vst v63  }
0x3c2: {  	s8 =	sadd.s32 $0x1C00, s8;
	s15 =	sld [smem:$0x729];
	s10 =	sand.u32 $0x380, s28  }
0x3c3: {  	[tilespmem:s31], [sflag:$0x1] =	stream.linear.gather [spmem:s8], $0x80, $0x38;
	[tilespmem:$0x1C200] =	vst v63  }
0x3c4: {  	s30 =	spop (v2sf);
	s16 =	sld [smem:$0x72A];
	s7 =	sadd.s32 s10, s26  }
0x3c5: {  	[tilespmem:s15], [sflag:$0x1] =	stream.linear.gather [spmem:s7], $0x80, $0x38;
	[tilespmem:$0x1C200] =	vst v63  }
0x3c6: {  	s29 =	sshll.u32 s30, $0xA;
	s31 =	sadd.s32 $0x400, s7;
	s15 =	sld [smem:$0x72B]  }
0x3c7: {  	[tilespmem:s16], [sflag:$0x1] =	stream.linear.gather [spmem:s31], $0x80, $0x38;
	[tilespmem:$0x1C200] =	vst v63  }
0x3c8: {  	s26 =	sand.u32 $0xFFFFE000, s29;
	s29 =	sld [smem:$0x72C];
	s16 =	sadd.s32 $0x800, s7  }
0x3c9: {  	(v2sf) =	vpush v0, $0xD;
	[tilespmem:s15], [sflag:$0x1] =	stream.linear.gather [spmem:s16], $0x80, $0x38;
	[tilespmem:$0x1C200] =	vst v63  }
0x3ca: {  	s31 =	sadd.s32 s26, s1;
	s26 =	sld [smem:$0x72D];
	s15 =	sadd.s32 $0xC00, s7  }
0x3cb: {  	[tilespmem:s29], [sflag:$0x1] =	stream.linear.gather [spmem:s15], $0x80, $0x38;
	[tilespmem:$0x1C200] =	vst v63  }
0x3cc: {  	s10 =	sld [smem:$0x72E];
	s28 =	spop (v2sf);
	s16 =	sadd.s32 $0x1000, s7  }
0x3cd: {  	[tilespmem:s26], [sflag:$0x1] =	stream.linear.gather [spmem:s16], $0x80, $0x38;
	[tilespmem:$0x1C200] =	vst v63  }
0x3ce: {  	s15 =	sshll.u32 s28, $0xA;
	s16 =	sadd.s32 $0x1400, s7;
	s26 =	sld [smem:$0x72F]  }
0x3cf: {  	[tilespmem:s10], [sflag:$0x1] =	stream.linear.gather [spmem:s16], $0x80, $0x38;
	[tilespmem:$0x1C200] =	vst v63  }
0x3d0: {  	s29 =	sand.u32 $0xFFFFE000, s15;
	s15 =	sadd.s32 $0x1800, s7;
	s16 =	sld [smem:$0x730]  }
0x3d1: {  	[tilespmem:s26], [sflag:$0x1] =	stream.linear.gather [spmem:s15], $0x80, $0x38;
	[tilespmem:$0x1C200] =	vst v63  }
0x3d2: {  	s7 =	sadd.s32 $0x1C00, s7;
	s26 =	sand.u32 $0x380, s24;
	s15 =	sld [smem:$0x731]  }
0x3d3: {  	(v2sf) =	vpush v0, $0xE;
	[tilespmem:s16], [sflag:$0x1] =	stream.linear.gather [spmem:s7], $0x80, $0x38;
	[tilespmem:$0x1C200] =	vst v63  }
0x3d4: {  	s7 =	sadd.s32 s26, s0;
	s16 =	sld [smem:$0x732]  }
0x3d5: {  	[tilespmem:s15], [sflag:$0x1] =	stream.linear.gather [spmem:s7], $0x80, $0x38;
	[tilespmem:$0x1C200] =	vst v63  }
0x3d6: {  	s0 =	sshll.u32 s28, $0x7;
	s26 =	sld [smem:$0x733];
	s28 =	sadd.s32 $0x400, s7  }
0x3d7: {  	[tilespmem:s16], [sflag:$0x1] =	stream.linear.gather [spmem:s28], $0x80, $0x38;
	[tilespmem:$0x1C200] =	vst v63  }
0x3d8: {  	s10 =	sld [smem:$0x734];
	s24 =	spop (v2sf);
	s15 =	sadd.s32 $0x800, s7  }
0x3d9: {  	[tilespmem:s26], [sflag:$0x1] =	stream.linear.gather [spmem:s15], $0x80, $0x38;
	[tilespmem:$0x1C200] =	vst v63  }
0x3da: {  	s16 =	sshll.u32 s24, $0xA;
	s26 =	sadd.s32 $0xC00, s7;
	s15 =	sld [smem:$0x735]  }
0x3db: {  	[tilespmem:s10], [sflag:$0x1] =	stream.linear.gather [spmem:s26], $0x80, $0x38;
	[tilespmem:$0x1C200] =	vst v63  }
0x3dc: {  	s28 =	sadd.s32 $0x1000, s7;
	s16 =	sand.u32 $0xFFFFE000, s16;
	s10 =	sld [smem:$0x736]  }
0x3dd: {  	[tilespmem:s15], [sflag:$0x1] =	stream.linear.gather [spmem:s28], $0x80, $0x38;
	[tilespmem:$0x1C200] =	vst v63  }
0x3de: {  	s26 =	sadd.s32 s16, s1;
	s16 =	sadd.s32 $0x1400, s7;
	s15 =	sld [smem:$0x737]  }
0x3df: {  	[tilespmem:s10], [sflag:$0x1] =	stream.linear.gather [spmem:s16], $0x80, $0x38;
	[tilespmem:$0x1C200] =	vst v63  }
0x3e0: {  	s23 =	sand.u32 $0x380, s23;
	s8 =	sadd.s32 $0x1800, s7;
	s10 =	sld [smem:$0x738]  }
0x3e1: {  	[tilespmem:s15], [sflag:$0x1] =	stream.linear.gather [spmem:s8], $0x80, $0x38;
	[tilespmem:$0x1C200] =	vst v63  }
0x3e2: {  	s7 =	sadd.s32 $0x1C00, s7;
	s28 =	spop (v2sf);
	s15 =	sld [smem:$0x739]  }
0x3e3: {  	(v2sf) =	vpush v0, $0xF;
	[tilespmem:s10], [sflag:$0x1] =	stream.linear.gather [spmem:s7], $0x80, $0x38;
	[tilespmem:$0x1C200] =	vst v63  }
0x3e4: {  	s16 =	sshll.u32 s28, $0xA;
	s8 =	sld [smem:$0x73A];
	s7 =	sadd.s32 s23, s22  }
0x3e5: {  	[tilespmem:s15], [sflag:$0x1] =	stream.linear.gather [spmem:s7], $0x80, $0x38;
	[tilespmem:$0x1C200] =	vst v63  }
0x3e6: {  	s23 =	sand.u32 $0xFFFFE000, s16;
	s22 =	sld [smem:$0x73B];
	s16 =	sadd.s32 $0x400, s7  }
0x3e7: {  	[tilespmem:s8], [sflag:$0x1] =	stream.linear.gather [spmem:s16], $0x80, $0x38;
	[tilespmem:$0x1C200] =	vst v63  }
0x3e8: {  	s10 =	sld [smem:$0x73C];
	s15 =	sadd.s32 $0x800, s7  }
0x3e9: {  	[tilespmem:s22], [sflag:$0x1] =	stream.linear.gather [spmem:s15], $0x80, $0x38;
	[tilespmem:$0x1C200] =	vst v63  }
0x3ea: {  	s22 =	sadd.s32 $0xC00, s7;
	s15 =	sld [smem:$0x73D]  }
0x3eb: {  	[tilespmem:s10], [sflag:$0x1] =	stream.linear.gather [spmem:s22], $0x80, $0x38;
	[tilespmem:$0x1C200] =	vst v63  }
0x3ec: {  	s8 =	sadd.s32 $0x1000, s7;
	s10 =	sld [smem:$0x73E]  }
0x3ed: {  	[tilespmem:s15], [sflag:$0x1] =	stream.linear.gather [spmem:s8], $0x80, $0x38;
	[tilespmem:$0x1C200] =	vst v63  }
0x3ee: {  	s8 =	sadd.s32 $0x1400, s7;
	s15 =	sld [smem:$0x73F]  }
0x3ef: {  	[tilespmem:s10], [sflag:$0x1] =	stream.linear.gather [spmem:s8], $0x80, $0x38;
	[tilespmem:$0x1C200] =	vst v63  }
0x3f0: {  	s6 =	sand.u32 $0x380, s6;
	s8 =	sadd.s32 $0x1800, s7;
	s10 =	sld [smem:$0x740]  }
0x3f1: {  	[tilespmem:s15], [sflag:$0x1] =	stream.linear.gather [spmem:s8], $0x80, $0x38;
	[tilespmem:$0x1C200] =	vst v63  }
0x3f2: {  	s16 =	spop (v2sf);
	s7 =	sadd.s32 $0x1C00, s7;
	s8 =	sld [smem:$0x741]  }
0x3f3: {  	[tilespmem:s10], [sflag:$0x1] =	stream.linear.gather [spmem:s7], $0x80, $0x38;
	[tilespmem:$0x1C200] =	vst v63  }
0x3f4: {  	s6 =	sadd.s32 s6, s25;
	s25 =	sshll.u32 s16, $0x7;
	s15 =	sld [smem:$0x742]  }
0x3f5: {  	[tilespmem:s8], [sflag:$0x1] =	stream.linear.gather [spmem:s6], $0x80, $0x38;
	[tilespmem:$0x1C200] =	vst v63  }
0x3f6: {  	s22 =	sshll.u32 s16, $0xA;
	s16 =	sadd.s32 $0x400, s6;
	s10 =	sld [smem:$0x743]  }
0x3f7: {  	[tilespmem:s15], [sflag:$0x1] =	stream.linear.gather [spmem:s16], $0x80, $0x38;
	[tilespmem:$0x1C200] =	vst v63  }
0x3f8: {  	s15 =	sadd.s32 $0x800, s6;
	s16 =	sld [smem:$0x744]  }
0x3f9: {  	[tilespmem:s10], [sflag:$0x1] =	stream.linear.gather [spmem:s15], $0x80, $0x38;
	[tilespmem:$0x1C200] =	vst v63  }
0x3fa: {  	s10 =	sadd.s32 $0xC00, s6;
	s15 =	sld [smem:$0x745]  }
0x3fb: {  	[tilespmem:s16], [sflag:$0x1] =	stream.linear.gather [spmem:s10], $0x80, $0x38;
	[tilespmem:$0x1C200] =	vst v63  }
0x3fc: {  	s8 =	sld [smem:$0x746];
	s16 =	sadd.s32 $0x1000, s6  }
0x3fd: {  	[tilespmem:s15], [sflag:$0x1] =	stream.linear.gather [spmem:s16], $0x80, $0x38;
	[tilespmem:$0x1C200] =	vst v63  }
0x3fe: {  	s15 =	sadd.s32 $0x1400, s6;
	s16 =	sld [smem:$0x747]  }
0x3ff: {  	[tilespmem:s8], [sflag:$0x1] =	stream.linear.gather [spmem:s15], $0x80, $0x38;
	[tilespmem:$0x1C200] =	vst v63  }
0x400: {  	s8 =	sadd.s32 $0x1800, s6;
	s15 =	sld [smem:$0x748]  }
0x401: {  	[tilespmem:s16], [sflag:$0x1] =	stream.linear.gather [spmem:s8], $0x80, $0x38;
	[tilespmem:$0x1C200] =	vst v63  }
0x402: {  	s5 =	sand.u32 $0x380, s5;
	s6 =	sadd.s32 $0x1C00, s6;
	s16 =	sld [smem:$0x749]  }
0x403: {  	[tilespmem:s15], [sflag:$0x1] =	stream.linear.gather [spmem:s6], $0x80, $0x38;
	[tilespmem:$0x1C200] =	vst v63  }
0x404: {  	s3 =	sadd.s32 s5, s3;
	s10 =	sld [smem:$0x74A]  }
0x405: {  	[tilespmem:s16], [sflag:$0x1] =	stream.linear.gather [spmem:s3], $0x80, $0x38;
	[tilespmem:$0x1C200] =	vst v63  }
0x406: {  	s15 =	sadd.s32 $0x400, s3;
	s16 =	sld [smem:$0x74B]  }
0x407: {  	[tilespmem:s10], [sflag:$0x1] =	stream.linear.gather [spmem:s15], $0x80, $0x38;
	[tilespmem:$0x1C200] =	vst v63  }
0x408: {  	s8 =	sadd.s32 $0x800, s3;
	s10 =	sld [smem:$0x74C]  }
0x409: {  	[tilespmem:s16], [sflag:$0x1] =	stream.linear.gather [spmem:s8], $0x80, $0x38;
	[tilespmem:$0x1C200] =	vst v63  }
0x40a: {  	s15 =	sadd.s32 $0xC00, s3;
	s16 =	sld [smem:$0x74D]  }
0x40b: {  	[tilespmem:s10], [sflag:$0x1] =	stream.linear.gather [spmem:s15], $0x80, $0x38;
	[tilespmem:$0x1C200] =	vst v63  }
0x40c: {  	s8 =	sadd.s32 $0x1000, s3;
	s10 =	sld [smem:$0x74E]  }
0x40d: {  	[tilespmem:s16], [sflag:$0x1] =	stream.linear.gather [spmem:s8], $0x80, $0x38;
	[tilespmem:$0x1C200] =	vst v63  }
0x40e: {  	s15 =	sadd.s32 $0x1400, s3;
	s16 =	sld [smem:$0x74F]  }
0x40f: {  	[tilespmem:s10], [sflag:$0x1] =	stream.linear.gather [spmem:s15], $0x80, $0x38;
	[tilespmem:$0x1C200] =	vst v63  }
0x410: {  	s8 =	sadd.s32 $0x1800, s3;
	s10 =	sld [smem:$0x750];
	s15 =	sshll.u32 s30, $0x7  }
0x411: {  	[tilespmem:s16], [sflag:$0x1] =	stream.linear.gather [spmem:s8], $0x80, $0x38;
	[tilespmem:$0x1C200] =	vst v63  }
0x412: {  	s3 =	sadd.s32 $0x1C00, s3;
	s30 =	sld [smem:$0x751];
	s16 =	sand.u32 $0x380, s15  }
0x413: {  	[tilespmem:s10], [sflag:$0x1] =	stream.linear.gather [spmem:s3], $0x80, $0x38;
	[tilespmem:$0x1C200] =	vst v63  }
0x414: {  	s6 =	sld [smem:$0x752];
	s3 =	sadd.s32 s16, s31  }
0x415: {  	[tilespmem:s30], [sflag:$0x1] =	stream.linear.gather [spmem:s3], $0x80, $0x38;
	[tilespmem:$0x1C200] =	vst v63  }
0x416: {  	s10 =	sld [smem:$0x753];
	s8 =	sadd.s32 $0x400, s3  }
0x417: {  	[tilespmem:s6], [sflag:$0x1] =	stream.linear.gather [spmem:s8], $0x80, $0x38;
	[tilespmem:$0x1C200] =	vst v63  }
0x418: {  	s16 =	sld [smem:$0x754];
	s15 =	sadd.s32 $0x800, s3  }
0x419: {  	[tilespmem:s10], [sflag:$0x1] =	stream.linear.gather [spmem:s15], $0x80, $0x38;
	[tilespmem:$0x1C200] =	vst v63  }
0x41a: {  	s31 =	sld [smem:$0x755];
	s30 =	sadd.s32 $0xC00, s3  }
0x41b: {  	[tilespmem:s16], [sflag:$0x1] =	stream.linear.gather [spmem:s30], $0x80, $0x38;
	[tilespmem:$0x1C200] =	vst v63  }
0x41c: {  	s6 =	sadd.s32 $0x1000, s3;
	s8 =	sld [smem:$0x756]  }
0x41d: {  	[tilespmem:s31], [sflag:$0x1] =	stream.linear.gather [spmem:s6], $0x80, $0x38;
	[tilespmem:$0x1C200] =	vst v63  }
0x41e: {  	s10 =	sadd.s32 $0x1400, s3;
	s15 =	sld [smem:$0x757]  }
0x41f: {  	[tilespmem:s8], [sflag:$0x1] =	stream.linear.gather [spmem:s10], $0x80, $0x38;
	[tilespmem:$0x1C200] =	vst v63  }
0x420: {  	s29 =	sadd.s32 s29, s1;
	s16 =	sadd.s32 $0x1800, s3;
	s30 =	sld [smem:$0x758]  }
0x421: {  	[tilespmem:s15], [sflag:$0x1] =	stream.linear.gather [spmem:s16], $0x80, $0x38;
	[tilespmem:$0x1C200] =	vst v63  }
0x422: {  	s0 =	sand.u32 $0x380, s0;
	s3 =	sadd.s32 $0x1C00, s3;
	s31 =	sld [smem:$0x759]  }
0x423: {  	[tilespmem:s30], [sflag:$0x1] =	stream.linear.gather [spmem:s3], $0x80, $0x38;
	[tilespmem:$0x1C200] =	vst v63  }
0x424: {  	s0 =	sadd.s32 s0, s29;
	s6 =	sld [smem:$0x75A]  }
0x425: {  	[tilespmem:s31], [sflag:$0x1] =	stream.linear.gather [spmem:s0], $0x80, $0x38;
	[tilespmem:$0x1C200] =	vst v63  }
0x426: {  	s7 =	sadd.s32 $0x400, s0;
	s8 =	sld [smem:$0x75B]  }
0x427: {  	[tilespmem:s6], [sflag:$0x1] =	stream.linear.gather [spmem:s7], $0x80, $0x38;
	[tilespmem:$0x1C200] =	vst v63  }
0x428: {  	s10 =	sadd.s32 $0x800, s0;
	s15 =	sld [smem:$0x75C]  }
0x429: {  	[tilespmem:s8], [sflag:$0x1] =	stream.linear.gather [spmem:s10], $0x80, $0x38;
	[tilespmem:$0x1C200] =	vst v63  }
0x42a: {  	s29 =	sld [smem:$0x75D];
	s16 =	sadd.s32 $0xC00, s0  }
0x42b: {  	[tilespmem:s15], [sflag:$0x1] =	stream.linear.gather [spmem:s16], $0x80, $0x38;
	[tilespmem:$0x1C200] =	vst v63  }
0x42c: {  	s30 =	sadd.s32 $0x1000, s0;
	s31 =	sld [smem:$0x75E]  }
0x42d: {  	[tilespmem:s29], [sflag:$0x1] =	stream.linear.gather [spmem:s30], $0x80, $0x38;
	[tilespmem:$0x1C200] =	vst v63  }
0x42e: {  	s6 =	sadd.s32 $0x1400, s0;
	s7 =	sld [smem:$0x75F]  }
0x42f: {  	[tilespmem:s31], [sflag:$0x1] =	stream.linear.gather [spmem:s6], $0x80, $0x38;
	[tilespmem:$0x1C200] =	vst v63  }
0x430: {  	s8 =	sadd.s32 $0x1800, s0;
	s10 =	sld [smem:$0x760];
	s15 =	sshll.u32 s24, $0x7  }
0x431: {  	[tilespmem:s7], [sflag:$0x1] =	stream.linear.gather [spmem:s8], $0x80, $0x38;
	[tilespmem:$0x1C200] =	vst v63  }
0x432: {  	s0 =	sadd.s32 $0x1C00, s0;
	s24 =	sld [smem:$0x761];
	s16 =	sand.u32 $0x380, s15  }
0x433: {  	[tilespmem:s10], [sflag:$0x1] =	stream.linear.gather [spmem:s0], $0x80, $0x38;
	[tilespmem:$0x1C200] =	vst v63  }
0x434: {  	s29 =	sld [smem:$0x762];
	s0 =	sadd.s32 s16, s26  }
0x435: {  	[tilespmem:s24], [sflag:$0x1] =	stream.linear.gather [spmem:s0], $0x80, $0x38;
	[tilespmem:$0x1C200] =	vst v63  }
0x436: {  	s31 =	sld [smem:$0x763];
	s30 =	sadd.s32 $0x400, s0  }
0x437: {  	[tilespmem:s29], [sflag:$0x1] =	stream.linear.gather [spmem:s30], $0x80, $0x38;
	[tilespmem:$0x1C200] =	vst v63  }
0x438: {  	s8 =	sld [smem:$0x764];
	s7 =	sadd.s32 $0x800, s0  }
0x439: {  	[tilespmem:s31], [sflag:$0x1] =	stream.linear.gather [spmem:s7], $0x80, $0x38;
	[tilespmem:$0x1C200] =	vst v63  }
0x43a: {  	s15 =	sld [smem:$0x765];
	s10 =	sadd.s32 $0xC00, s0  }
0x43b: {  	[tilespmem:s8], [sflag:$0x1] =	stream.linear.gather [spmem:s10], $0x80, $0x38;
	[tilespmem:$0x1C200] =	vst v63  }
0x43c: {  	s16 =	sadd.s32 $0x1000, s0;
	s24 =	sld [smem:$0x766]  }
0x43d: {  	[tilespmem:s15], [sflag:$0x1] =	stream.linear.gather [spmem:s16], $0x80, $0x38;
	[tilespmem:$0x1C200] =	vst v63  }
0x43e: {  	s28 =	sshll.u32 s28, $0x7;
	s26 =	sadd.s32 $0x1400, s0;
	s29 =	sld [smem:$0x767]  }
0x43f: {  	[tilespmem:s24], [sflag:$0x1] =	stream.linear.gather [spmem:s26], $0x80, $0x38;
	[tilespmem:$0x1C200] =	vst v63  }
0x440: {  	s23 =	sadd.s32 s23, s1;
	s30 =	sadd.s32 $0x1800, s0;
	s31 =	sld [smem:$0x768]  }
0x441: {  	[tilespmem:s29], [sflag:$0x1] =	stream.linear.gather [spmem:s30], $0x80, $0x38;
	[tilespmem:$0x1C200] =	vst v63  }
0x442: {  	s6 =	sand.u32 $0x380, s28;
	s0 =	sadd.s32 $0x1C00, s0;
	s7 =	sld [smem:$0x769]  }
0x443: {  	[tilespmem:s31], [sflag:$0x1] =	stream.linear.gather [spmem:s0], $0x80, $0x38;
	[tilespmem:$0x1C200] =	vst v63  }
0x444: {  	s8 =	sld [smem:$0x76A];
	s0 =	sadd.s32 s6, s23  }
0x445: {  	[tilespmem:s7], [sflag:$0x1] =	stream.linear.gather [spmem:s0], $0x80, $0x38;
	[tilespmem:$0x1C200] =	vst v63  }
0x446: {  	s15 =	sld [smem:$0x76B];
	s10 =	sadd.s32 $0x400, s0  }
0x447: {  	[tilespmem:s8], [sflag:$0x1] =	stream.linear.gather [spmem:s10], $0x80, $0x38;
	[tilespmem:$0x1C200] =	vst v63  }
0x448: {  	s23 =	sld [smem:$0x76C];
	s16 =	sadd.s32 $0x800, s0  }
0x449: {  	[tilespmem:s15], [sflag:$0x1] =	stream.linear.gather [spmem:s16], $0x80, $0x38;
	[tilespmem:$0x1C200] =	vst v63  }
0x44a: {  	s26 =	sld [smem:$0x76D];
	s24 =	sadd.s32 $0xC00, s0  }
0x44b: {  	[tilespmem:s23], [sflag:$0x1] =	stream.linear.gather [spmem:s24], $0x80, $0x38;
	[tilespmem:$0x1C200] =	vst v63  }
0x44c: {  	s29 =	sld [smem:$0x76E];
	s28 =	sadd.s32 $0x1000, s0  }
0x44d: {  	[tilespmem:s26], [sflag:$0x1] =	stream.linear.gather [spmem:s28], $0x80, $0x38;
	[tilespmem:$0x1C200] =	vst v63  }
0x44e: {  	s22 =	sand.u32 $0xFFFFE000, s22;
	s31 =	sld [smem:$0x76F];
	s30 =	sadd.s32 $0x1400, s0  }
0x44f: {  	[tilespmem:s29], [sflag:$0x1] =	stream.linear.gather [spmem:s30], $0x80, $0x38;
	[tilespmem:$0x1C200] =	vst v63  }
0x450: {  	s22 =	sadd.s32 s22, s1;
	s7 =	sadd.s32 $0x1800, s0;
	s8 =	sld [smem:$0x770]  }
0x451: {  	[tilespmem:s31], [sflag:$0x1] =	stream.linear.gather [spmem:s7], $0x80, $0x38;
	[tilespmem:$0x1C200] =	vst v63  }
0x452: {  	s0 =	sadd.s32 $0x1C00, s0;
	s10 =	sand.u32 $0x380, s25;
	s15 =	sld [smem:$0x771]  }
0x453: {  	[tilespmem:s8], [sflag:$0x1] =	stream.linear.gather [spmem:s0], $0x80, $0x38;
	[tilespmem:$0x1C200] =	vst v63  }
0x454: {  	s16 =	sadd.s32 s10, s22;
	s22 =	sld [smem:$0x772]  }
0x455: {  	[tilespmem:s15], [sflag:$0x1] =	stream.linear.gather [spmem:s16], $0x80, $0x38;
	[tilespmem:$0x1C200] =	vst v63  }
0x456: {  	s23 =	sadd.s32 $0x400, s16;
	s24 =	sld [smem:$0x773]  }
0x457: {  	[tilespmem:s22], [sflag:$0x1] =	stream.linear.gather [spmem:s23], $0x80, $0x38;
	[tilespmem:$0x1C200] =	vst v63  }
0x458: {  	s25 =	sadd.s32 $0x800, s16;
	s26 =	sld [smem:$0x774]  }
0x459: {  	[tilespmem:s24], [sflag:$0x1] =	stream.linear.gather [spmem:s25], $0x80, $0x38;
	[tilespmem:$0x1C200] =	vst v63  }
0x45a: {  	s28 =	sadd.s32 $0xC00, s16;
	s29 =	sld [smem:$0x775]  }
0x45b: {  	[tilespmem:s26], [sflag:$0x1] =	stream.linear.gather [spmem:s28], $0x80, $0x38;
	[tilespmem:$0x1C200] =	vst v63  }
0x45c: {  	s30 =	sadd.s32 $0x1000, s16;
	s31 =	sld [smem:$0x776]  }
0x45d: {  	[tilespmem:s29], [sflag:$0x1] =	stream.linear.gather [spmem:s30], $0x80, $0x38;
	[tilespmem:$0x1C200] =	vst v63  }
0x45e: {  	s7 =	sadd.s32 $0x1400, s16;
	s8 =	sld [smem:$0x777]  }
0x45f: {  	[tilespmem:s31], [sflag:$0x1] =	stream.linear.gather [spmem:s7], $0x80, $0x38;
	[tilespmem:$0x1C200] =	vst v63  }
0x460: {  	s10 =	sadd.s32 $0x1800, s16;
	s15 =	sld [smem:$0x778]  }
0x461: {  	[tilespmem:s8], [sflag:$0x1] =	stream.linear.gather [spmem:s10], $0x80, $0x38;
	[tilespmem:$0x1C200] =	vst v63  }
0x462: {  	s0 =	sadd.s32 $0x1C00, s16  }
0x463: {  	[tilespmem:s15], [sflag:$0x1] =	stream.linear.gather [spmem:s0], $0x80, $0x38;
	[tilespmem:$0x1C200] =	vst v63  }
0x464: {  	_ =	swait.ge [sflag:s12], $0x4000  }
0x465: {  	s16 =	rddreg [dreg:$0x4];
	[sflag:s12] =	ssyncset.done $0x0  }
0x466: {  	s0 =	simm.s32 @!p1 $0x4;
	[sflag:s12] =	ssyncadd.s32 $0xFFFFC000;
	s22 =	sadd.s32 s19, s16  }
0x467: {  	[hbm4b:s22+s2] =	stream.linear.scatter [tilespmem:s11], [sflag:$0x3], $0x4000, $0x38;
	[tilespmem:$0x1C200] =	vst v63  }
0x468: {  	_ =	swait.ge @!p1 [sflag:s0], $0x4000  }
0x469: {  	[sflag:s0] =	ssyncset.done @!p1 $0x0  }
0x46a: {  	[sflag:s0] =	ssyncadd.s32 @!p1 $0xFFFFC000  }
0x46b: {  	v63 =	vld [tilespmem:s18+$0x0];
	_ =	sdelay $0x4  }
0x46c: {  	(v2sf) =	vpush v63, $0x0  }
0x46d: {  	(v2sf) =	vpush v63, $0x1;
	_ =	sdelay $0x1  }
0x46e: {  	(v2sf) =	vpush v63, $0x2;
	_ =	sdelay $0x8  }
0x46f: {  	s3 =	sld [smem:$0x77D];
	(v2sf) =	vpush v63, $0x3  }
0x470: {  	s21 =	smov.u32 s20;
	s26 =	sld [smem:$0x779]  }
0x471: {  	p3 =	seq.s32 s21, $0x0;
	s28 =	sld [smem:$0x77A]  }
0x472: {  	s19 =	smov.u32 s21;
	s31 =	sld [smem:$0x77B];
	s21 =	spop (v2sf)  }
0x473: {  	s23 =	sshll.u32 s21, $0xA;
	s0 =	sshll.u32 s21, $0x7;
	s24 =	spop (v2sf)  }
0x474: {  	s5 =	sand.u32 $0xFFFFE000, s23;
	s25 =	sshll.u32 s24, $0xA;
	s6 =	sshll.u32 s24, $0x7  }
0x475: {  	s0 =	sand.u32 $0x380, s0;
	s29 =	spop (v2sf);
	s5 =	sadd.s32 s5, s1  }
0x476: {  	s24 =	sld [smem:$0x77C];
	s7 =	sand.u32 $0xFFFFE000, s25;
	s8 =	sadd.s32 s0, s5  }
0x477: {  	[tilespmem:s13], [sflag:$0x2] =	stream.linear.gather [spmem:s8], $0x80, $0x38;
	[tilespmem:$0x1C200] =	vst v63  }
0x478: {  	s21 =	sshll.u32 s29, $0xA;
	s6 =	sand.u32 $0x380, s6;
	s5 =	sadd.s32 $0x400, s8  }
0x479: {  	[tilespmem:s26], [sflag:$0x2] =	stream.linear.gather [spmem:s5], $0x80, $0x38;
	[tilespmem:$0x1C200] =	vst v63  }
0x47a: {  	s7 =	sadd.s32 s7, s1;
	s16 =	sand.u32 $0xFFFFE000, s21;
	s30 =	sadd.s32 $0x800, s8  }
0x47b: {  	[tilespmem:s28], [sflag:$0x2] =	stream.linear.gather [spmem:s30], $0x80, $0x38;
	[tilespmem:$0x1C200] =	vst v63  }
0x47c: {  	s23 =	sadd.s32 $0xC00, s8;
	s25 =	sadd.s32 $0x1000, s8;
	s28 =	sld [smem:$0x77E]  }
0x47d: {  	[tilespmem:s31], [sflag:$0x2] =	stream.linear.gather [spmem:s23], $0x80, $0x38;
	[tilespmem:$0x1C200] =	vst v63  }
0x47e: {  	s0 =	sadd.s32 s16, s1;
	s16 =	spop (v2sf);
	s30 =	sld [smem:$0x77F]  }
0x47f: {  	[tilespmem:s24], [sflag:$0x2] =	stream.linear.gather [spmem:s25], $0x80, $0x38;
	[tilespmem:$0x1C200] =	vst v63  }
0x480: {  	s5 =	sshll.u32 s29, $0x7;
	s26 =	sadd.s32 $0x1400, s8;
	s24 =	sld [smem:$0x780]  }
0x481: {  	(v2sf) =	vpush v63, $0x4;
	[tilespmem:s3], [sflag:$0x2] =	stream.linear.gather [spmem:s26], $0x80, $0x38;
	[tilespmem:$0x1C200] =	vst v63  }
0x482: {  	s29 =	sadd.s32 $0x1800, s8;
	s31 =	sshll.u32 s16, $0xA;
	s25 =	sld [smem:$0x781]  }
0x483: {  	[tilespmem:s28], [sflag:$0x2] =	stream.linear.gather [spmem:s29], $0x80, $0x38;
	[tilespmem:$0x1C200] =	vst v63  }
0x484: {  	s23 =	sadd.s32 $0x1C00, s8;
	s26 =	sand.u32 $0xFFFFE000, s31;
	s31 =	sld [smem:$0x783]  }
0x485: {  	[tilespmem:s30], [sflag:$0x2] =	stream.linear.gather [spmem:s23], $0x80, $0x38;
	[tilespmem:$0x1C200] =	vst v63  }
0x486: {  	s7 =	sadd.s32 s6, s7;
	s29 =	sld [smem:$0x782]  }
0x487: {  	[tilespmem:s24], [sflag:$0x2] =	stream.linear.gather [spmem:s7], $0x80, $0x38;
	[tilespmem:$0x1C200] =	vst v63  }
0x488: {  	s28 =	sadd.s32 $0x400, s7;
	s23 =	sshll.u32 s16, $0x7;
	s16 =	sld [smem:$0x784]  }
0x489: {  	(v2sf) =	vpush v63, $0x5;
	[tilespmem:s25], [sflag:$0x2] =	stream.linear.gather [spmem:s28], $0x80, $0x38;
	[tilespmem:$0x1C200] =	vst v63  }
0x48a: {  	s30 =	sadd.s32 $0x800, s7;
	s24 =	sld [smem:$0x785]  }
0x48b: {  	[tilespmem:s29], [sflag:$0x2] =	stream.linear.gather [spmem:s30], $0x80, $0x38;
	[tilespmem:$0x1C200] =	vst v63  }
0x48c: {  	s10 =	sadd.s32 $0xC00, s7;
	s21 =	sadd.s32 $0x1000, s7;
	s28 =	sld [smem:$0x786]  }
0x48d: {  	[tilespmem:s31], [sflag:$0x2] =	stream.linear.gather [spmem:s10], $0x80, $0x38;
	[tilespmem:$0x1C200] =	vst v63  }
0x48e: {  	s5 =	sand.u32 $0x380, s5;
	s6 =	sadd.s32 s26, s1;
	s30 =	sld [smem:$0x787]  }
0x48f: {  	[tilespmem:s16], [sflag:$0x2] =	stream.linear.gather [spmem:s21], $0x80, $0x38;
	[tilespmem:$0x1C200] =	vst v63  }
0x490: {  	s26 =	sadd.s32 $0x1400, s7;
	s15 =	spop (v2sf);
	s31 =	sld [smem:$0x788]  }
0x491: {  	[tilespmem:s24], [sflag:$0x2] =	stream.linear.gather [spmem:s26], $0x80, $0x38;
	[tilespmem:$0x1C200] =	vst v63  }
0x492: {  	s25 =	sshll.u32 s15, $0xA;
	s29 =	sadd.s32 $0x1800, s7;
	s10 =	sld [smem:$0x789]  }
0x493: {  	[tilespmem:s28], [sflag:$0x2] =	stream.linear.gather [spmem:s29], $0x80, $0x38;
	[tilespmem:$0x1C200] =	vst v63  }
0x494: {  	s7 =	sadd.s32 $0x1C00, s7;
	s21 =	sshll.u32 s15, $0x7;
	s15 =	sld [smem:$0x78A]  }
0x495: {  	[tilespmem:s30], [sflag:$0x2] =	stream.linear.gather [spmem:s7], $0x80, $0x38;
	[tilespmem:$0x1C200] =	vst v63  }
0x496: {  	s16 =	sand.u32 $0xFFFFE000, s25;
	s25 =	sld [smem:$0x78B];
	s7 =	sadd.s32 s5, s0  }
0x497: {  	[tilespmem:s31], [sflag:$0x2] =	stream.linear.gather [spmem:s7], $0x80, $0x38;
	[tilespmem:$0x1C200] =	vst v63  }
0x498: {  	s3 =	sadd.s32 s16, s1;
	s16 =	spop (v2sf);
	s5 =	sadd.s32 $0x400, s7  }
0x499: {  	(v2sf) =	vpush v63, $0x6;
	[tilespmem:s10], [sflag:$0x2] =	stream.linear.gather [spmem:s5], $0x80, $0x38;
	[tilespmem:$0x1C200] =	vst v63  }
0x49a: {  	s26 =	sshll.u32 s16, $0xA;
	s29 =	sld [smem:$0x78C];
	s24 =	sadd.s32 $0x800, s7  }
0x49b: {  	[tilespmem:s15], [sflag:$0x2] =	stream.linear.gather [spmem:s24], $0x80, $0x38;
	[tilespmem:$0x1C200] =	vst v63  }
0x49c: {  	s28 =	sadd.s32 $0xC00, s7;
	s31 =	sld [smem:$0x78D];
	s15 =	sand.u32 $0xFFFFE000, s26  }
0x49d: {  	[tilespmem:s25], [sflag:$0x2] =	stream.linear.gather [spmem:s28], $0x80, $0x38;
	[tilespmem:$0x1C200] =	vst v63  }
0x49e: {  	s30 =	sadd.s32 $0x1000, s7;
	s0 =	sadd.s32 s15, s1;
	s15 =	sld [smem:$0x799]  }
0x49f: {  	[tilespmem:s29], [sflag:$0x2] =	stream.linear.gather [spmem:s30], $0x80, $0x38;
	[tilespmem:$0x1C200] =	vst v63  }
0x4a0: {  	s24 =	sadd.s32 $0x1400, s7;
	s25 =	sld [smem:$0x78E]  }
0x4a1: {  	[tilespmem:s31], [sflag:$0x2] =	stream.linear.gather [spmem:s24], $0x80, $0x38;
	[tilespmem:$0x1C200] =	vst v63  }
0x4a2: {  	s26 =	sadd.s32 $0x1800, s7;
	s28 =	sld [smem:$0x78F]  }
0x4a3: {  	(v2sf) =	vpush v63, $0x7;
	[tilespmem:s25], [sflag:$0x2] =	stream.linear.gather [spmem:s26], $0x80, $0x38;
	[tilespmem:$0x1C200] =	vst v63  }
0x4a4: {  	s7 =	sadd.s32 $0x1C00, s7;
	s29 =	sand.u32 $0x380, s23;
	s30 =	sld [smem:$0x790]  }
0x4a5: {  	[tilespmem:s28], [sflag:$0x2] =	stream.linear.gather [spmem:s7], $0x80, $0x38;
	[tilespmem:$0x1C200] =	vst v63  }
0x4a6: {  	s5 =	sshll.u32 s16, $0x7;
	s31 =	sld [smem:$0x791];
	s7 =	sadd.s32 s29, s6  }
0x4a7: {  	[tilespmem:s30], [sflag:$0x2] =	stream.linear.gather [spmem:s7], $0x80, $0x38;
	[tilespmem:$0x1C200] =	vst v63  }
0x4a8: {  	s16 =	spop (v2sf);
	s24 =	sld [smem:$0x792];
	s23 =	sadd.s32 $0x400, s7  }
0x4a9: {  	[tilespmem:s31], [sflag:$0x2] =	stream.linear.gather [spmem:s23], $0x80, $0x38;
	[tilespmem:$0x1C200] =	vst v63  }
0x4aa: {  	s10 =	sshll.u32 s16, $0xA;
	s26 =	sld [smem:$0x793];
	s25 =	sadd.s32 $0x800, s7  }
0x4ab: {  	[tilespmem:s24], [sflag:$0x2] =	stream.linear.gather [spmem:s25], $0x80, $0x38;
	[tilespmem:$0x1C200] =	vst v63  }
0x4ac: {  	s5 =	sand.u32 $0x380, s5;
	s29 =	sld [smem:$0x794];
	s28 =	sadd.s32 $0xC00, s7  }
0x4ad: {  	[tilespmem:s26], [sflag:$0x2] =	stream.linear.gather [spmem:s28], $0x80, $0x38;
	[tilespmem:$0x1C200] =	vst v63  }
0x4ae: {  	s8 =	sand.u32 $0xFFFFE000, s10;
	s30 =	sadd.s32 $0x1000, s7;
	s31 =	sld [smem:$0x795]  }
0x4af: {  	(v2sf) =	vpush v63, $0x8;
	[tilespmem:s29], [sflag:$0x2] =	stream.linear.gather [spmem:s30], $0x80, $0x38;
	[tilespmem:$0x1C200] =	vst v63  }
0x4b0: {  	s23 =	sadd.s32 $0x1400, s7;
	s25 =	sshll.u32 s16, $0x7;
	s24 =	sld [smem:$0x796]  }
0x4b1: {  	[tilespmem:s31], [sflag:$0x2] =	stream.linear.gather [spmem:s23], $0x80, $0x38;
	[tilespmem:$0x1C200] =	vst v63  }
0x4b2: {  	s16 =	spop (v2sf);
	s28 =	sadd.s32 $0x1800, s7;
	s29 =	sld [smem:$0x797]  }
0x4b3: {  	[tilespmem:s24], [sflag:$0x2] =	stream.linear.gather [spmem:s28], $0x80, $0x38;
	[tilespmem:$0x1C200] =	vst v63  }
0x4b4: {  	s7 =	sadd.s32 $0x1C00, s7;
	s30 =	sand.u32 $0x380, s21;
	s31 =	sld [smem:$0x798]  }
0x4b5: {  	[tilespmem:s29], [sflag:$0x2] =	stream.linear.gather [spmem:s7], $0x80, $0x38;
	[tilespmem:$0x1C200] =	vst v63  }
0x4b6: {  	s6 =	sadd.s32 s8, s1;
	s26 =	sshll.u32 s16, $0xA;
	s7 =	sadd.s32 s30, s3  }
0x4b7: {  	[tilespmem:s31], [sflag:$0x2] =	stream.linear.gather [spmem:s7], $0x80, $0x38;
	[tilespmem:$0x1C200] =	vst v63  }
0x4b8: {  	s21 =	sld [smem:$0x79A];
	s23 =	sand.u32 $0xFFFFE000, s26;
	s8 =	sadd.s32 $0x400, s7  }
0x4b9: {  	(v2sf) =	vpush v63, $0x9;
	[tilespmem:s15], [sflag:$0x2] =	stream.linear.gather [spmem:s8], $0x80, $0x38;
	[tilespmem:$0x1C200] =	vst v63  }
0x4ba: {  	s23 =	sadd.s32 s23, s1;
	s28 =	sld [smem:$0x79B];
	s26 =	sadd.s32 $0x800, s7  }
0x4bb: {  	[tilespmem:s21], [sflag:$0x2] =	stream.linear.gather [spmem:s26], $0x80, $0x38;
	[tilespmem:$0x1C200] =	vst v63  }
0x4bc: {  	s24 =	sshll.u32 s16, $0x7;
	s30 =	sld [smem:$0x79C];
	s29 =	sadd.s32 $0xC00, s7  }
0x4bd: {  	[tilespmem:s28], [sflag:$0x2] =	stream.linear.gather [spmem:s29], $0x80, $0x38;
	[tilespmem:$0x1C200] =	vst v63  }
0x4be: {  	s15 =	spop (v2sf);
	s21 =	sadd.s32 $0x1000, s7;
	s26 =	sld [smem:$0x79D]  }
0x4bf: {  	[tilespmem:s30], [sflag:$0x2] =	stream.linear.gather [spmem:s21], $0x80, $0x38;
	[tilespmem:$0x1C200] =	vst v63  }
0x4c0: {  	s31 =	sshll.u32 s15, $0xA;
	s28 =	sadd.s32 $0x1400, s7;
	s29 =	sld [smem:$0x79E]  }
0x4c1: {  	[tilespmem:s26], [sflag:$0x2] =	stream.linear.gather [spmem:s28], $0x80, $0x38;
	[tilespmem:$0x1C200] =	vst v63  }
0x4c2: {  	s16 =	sand.u32 $0xFFFFE000, s31;
	s31 =	sld [smem:$0x79F];
	s30 =	sadd.s32 $0x1800, s7  }
0x4c3: {  	[tilespmem:s29], [sflag:$0x2] =	stream.linear.gather [spmem:s30], $0x80, $0x38;
	[tilespmem:$0x1C200] =	vst v63  }
0x4c4: {  	s21 =	sshll.u32 s15, $0x7;
	s7 =	sadd.s32 $0x1C00, s7;
	s15 =	sld [smem:$0x7A0]  }
0x4c5: {  	[tilespmem:s31], [sflag:$0x2] =	stream.linear.gather [spmem:s7], $0x80, $0x38;
	[tilespmem:$0x1C200] =	vst v63  }
0x4c6: {  	s3 =	sadd.s32 s16, s1;
	s16 =	sld [smem:$0x7A1];
	s7 =	sadd.s32 s5, s0  }
0x4c7: {  	(v2sf) =	vpush v63, $0xA;
	[tilespmem:s15], [sflag:$0x2] =	stream.linear.gather [spmem:s7], $0x80, $0x38;
	[tilespmem:$0x1C200] =	vst v63  }
0x4c8: {  	s28 =	sld [smem:$0x7A2];
	s5 =	spop (v2sf);
	s26 =	sadd.s32 $0x400, s7  }
0x4c9: {  	[tilespmem:s16], [sflag:$0x2] =	stream.linear.gather [spmem:s26], $0x80, $0x38;
	[tilespmem:$0x1C200] =	vst v63  }
0x4ca: {  	s31 =	sld [smem:$0x7A3];
	s29 =	sshll.u32 s5, $0xA;
	s30 =	sadd.s32 $0x800, s7  }
0x4cb: {  	[tilespmem:s28], [sflag:$0x2] =	stream.linear.gather [spmem:s30], $0x80, $0x38;
	[tilespmem:$0x1C200] =	vst v63  }
0x4cc: {  	s5 =	sshll.u32 s5, $0x7;
	s16 =	sadd.s32 $0xC00, s7;
	s26 =	sld [smem:$0x7A4]  }
0x4cd: {  	[tilespmem:s31], [sflag:$0x2] =	stream.linear.gather [spmem:s16], $0x80, $0x38;
	[tilespmem:$0x1C200] =	vst v63  }
0x4ce: {  	s15 =	sand.u32 $0xFFFFE000, s29;
	s29 =	sld [smem:$0x7A5];
	s28 =	sadd.s32 $0x1000, s7  }
0x4cf: {  	(v2sf) =	vpush v63, $0xB;
	[tilespmem:s26], [sflag:$0x2] =	stream.linear.gather [spmem:s28], $0x80, $0x38;
	[tilespmem:$0x1C200] =	vst v63  }
0x4d0: {  	s10 =	sadd.s32 $0x1800, s7;
	s30 =	sadd.s32 $0x1400, s7;
	s31 =	sld [smem:$0x7A6]  }
0x4d1: {  	[tilespmem:s29], [sflag:$0x2] =	stream.linear.gather [spmem:s30], $0x80, $0x38;
	[tilespmem:$0x1C200] =	vst v63  }
0x4d2: {  	s5 =	sand.u32 $0x380, s5;
	s0 =	sadd.s32 s15, s1;
	s26 =	sld [smem:$0x7A7]  }
0x4d3: {  	[tilespmem:s31], [sflag:$0x2] =	stream.linear.gather [spmem:s10], $0x80, $0x38;
	[tilespmem:$0x1C200] =	vst v63  }
0x4d4: {  	s7 =	sadd.s32 $0x1C00, s7;
	s29 =	sand.u32 $0x380, s25;
	s30 =	sld [smem:$0x7A8]  }
0x4d5: {  	[tilespmem:s26], [sflag:$0x2] =	stream.linear.gather [spmem:s7], $0x80, $0x38;
	[tilespmem:$0x1C200] =	vst v63  }
0x4d6: {  	s16 =	spop (v2sf);
	s31 =	sld [smem:$0x7A9];
	s7 =	sadd.s32 s29, s6  }
0x4d7: {  	[tilespmem:s30], [sflag:$0x2] =	stream.linear.gather [spmem:s7], $0x80, $0x38;
	[tilespmem:$0x1C200] =	vst v63  }
0x4d8: {  	s28 =	sshll.u32 s16, $0xA;
	s25 =	sld [smem:$0x7AA];
	s15 =	sadd.s32 $0x400, s7  }
0x4d9: {  	[tilespmem:s31], [sflag:$0x2] =	stream.linear.gather [spmem:s15], $0x80, $0x38;
	[tilespmem:$0x1C200] =	vst v63  }
0x4da: {  	s10 =	sand.u32 $0xFFFFE000, s28;
	s28 =	sld [smem:$0x7AB];
	s26 =	sadd.s32 $0x800, s7  }
0x4db: {  	(v2sf) =	vpush v63, $0xC;
	[tilespmem:s25], [sflag:$0x2] =	stream.linear.gather [spmem:s26], $0x80, $0x38;
	[tilespmem:$0x1C200] =	vst v63  }
0x4dc: {  	s29 =	sadd.s32 $0xC00, s7;
	s30 =	sshll.u32 s16, $0x7;
	s31 =	sld [smem:$0x7AC]  }
0x4dd: {  	[tilespmem:s28], [sflag:$0x2] =	stream.linear.gather [spmem:s29], $0x80, $0x38;
	[tilespmem:$0x1C200] =	vst v63  }
0x4de: {  	s16 =	spop (v2sf);
	s25 =	sadd.s32 $0x1000, s7;
	s26 =	sld [smem:$0x7AD]  }
0x4df: {  	[tilespmem:s31], [sflag:$0x2] =	stream.linear.gather [spmem:s25], $0x80, $0x38;
	[tilespmem:$0x1C200] =	vst v63  }
0x4e0: {  	s28 =	sshll.u32 s16, $0xA;
	s29 =	sadd.s32 $0x1400, s7;
	s31 =	sld [smem:$0x7AE]  }
0x4e1: {  	[tilespmem:s26], [sflag:$0x2] =	stream.linear.gather [spmem:s29], $0x80, $0x38;
	[tilespmem:$0x1C200] =	vst v63  }
0x4e2: {  	s25 =	sand.u32 $0xFFFFE000, s28;
	s28 =	sld [smem:$0x7AF];
	s26 =	sadd.s32 $0x1800, s7  }
0x4e3: {  	[tilespmem:s31], [sflag:$0x2] =	stream.linear.gather [spmem:s26], $0x80, $0x38;
	[tilespmem:$0x1C200] =	vst v63  }
0x4e4: {  	s7 =	sadd.s32 $0x1C00, s7;
	s29 =	sand.u32 $0x380, s24;
	s31 =	sld [smem:$0x7B0]  }
0x4e5: {  	[tilespmem:s28], [sflag:$0x2] =	stream.linear.gather [spmem:s7], $0x80, $0x38;
	[tilespmem:$0x1C200] =	vst v63  }
0x4e6: {  	s6 =	sadd.s32 s10, s1;
	s7 =	sadd.s32 s29, s23;
	s23 =	sld [smem:$0x7B1]  }
0x4e7: {  	(v2sf) =	vpush v63, $0xD;
	[tilespmem:s31], [sflag:$0x2] =	stream.linear.gather [spmem:s7], $0x80, $0x38;
	[tilespmem:$0x1C200] =	vst v63  }
0x4e8: {  	s26 =	sld [smem:$0x7B2];
	s29 =	sshll.u32 s16, $0x7;
	s24 =	sadd.s32 $0x400, s7  }
0x4e9: {  	[tilespmem:s23], [sflag:$0x2] =	stream.linear.gather [spmem:s24], $0x80, $0x38;
	[tilespmem:$0x1C200] =	vst v63  }
0x4ea: {  	s16 =	spop (v2sf);
	s28 =	sadd.s32 $0x800, s7;
	s31 =	sld [smem:$0x7B3]  }
0x4eb: {  	[tilespmem:s26], [sflag:$0x2] =	stream.linear.gather [spmem:s28], $0x80, $0x38;
	[tilespmem:$0x1C200] =	vst v63  }
0x4ec: {  	s24 =	sshll.u32 s16, $0xA;
	s26 =	sadd.s32 $0xC00, s7;
	s28 =	sld [smem:$0x7B4]  }
0x4ed: {  	(v2sf) =	vpush v63, $0xE;
	[tilespmem:s31], [sflag:$0x2] =	stream.linear.gather [spmem:s26], $0x80, $0x38;
	[tilespmem:$0x1C200] =	vst v63  }
0x4ee: {  	s10 =	sld [smem:$0x7B5];
	s23 =	sand.u32 $0xFFFFE000, s24;
	s31 =	sadd.s32 $0x1000, s7  }
0x4ef: {  	[tilespmem:s28], [sflag:$0x2] =	stream.linear.gather [spmem:s31], $0x80, $0x38;
	[tilespmem:$0x1C200] =	vst v63  }
0x4f0: {  	s24 =	sadd.s32 s23, s1;
	s26 =	sadd.s32 $0x1400, s7;
	s31 =	sld [smem:$0x7B6]  }
0x4f1: {  	[tilespmem:s10], [sflag:$0x2] =	stream.linear.gather [spmem:s26], $0x80, $0x38;
	[tilespmem:$0x1C200] =	vst v63  }
0x4f2: {  	s23 =	sld [smem:$0x7B7];
	s28 =	sshll.u32 s16, $0x7;
	s10 =	sadd.s32 $0x1800, s7  }
0x4f3: {  	[tilespmem:s31], [sflag:$0x2] =	stream.linear.gather [spmem:s10], $0x80, $0x38;
	[tilespmem:$0x1C200] =	vst v63  }
0x4f4: {  	s7 =	sadd.s32 $0x1C00, s7;
	s26 =	sand.u32 $0x380, s21;
	s31 =	sld [smem:$0x7B8]  }
0x4f5: {  	[tilespmem:s23], [sflag:$0x2] =	stream.linear.gather [spmem:s7], $0x80, $0x38;
	[tilespmem:$0x1C200] =	vst v63  }
0x4f6: {  	s16 =	spop (v2sf);
	s3 =	sadd.s32 s26, s3;
	s10 =	sld [smem:$0x7B9]  }
0x4f7: {  	[tilespmem:s31], [sflag:$0x2] =	stream.linear.gather [spmem:s3], $0x80, $0x38;
	[tilespmem:$0x1C200] =	vst v63  }
0x4f8: {  	s21 =	sshll.u32 s16, $0xA;
	s26 =	sld [smem:$0x7BA];
	s23 =	sadd.s32 $0x400, s3  }
0x4f9: {  	[tilespmem:s10], [sflag:$0x2] =	stream.linear.gather [spmem:s23], $0x80, $0x38;
	[tilespmem:$0x1C200] =	vst v63  }
0x4fa: {  	s8 =	sand.u32 $0xFFFFE000, s21;
	s31 =	sadd.s32 $0x800, s3;
	s10 =	sld [smem:$0x7BB]  }
0x4fb: {  	[tilespmem:s26], [sflag:$0x2] =	stream.linear.gather [spmem:s31], $0x80, $0x38;
	[tilespmem:$0x1C200] =	vst v63  }
0x4fc: {  	s21 =	sadd.s32 $0xC00, s3;
	s15 =	spop (v2sf);
	s31 =	sld [smem:$0x7BC]  }
0x4fd: {  	(v2sf) =	vpush v63, $0xF;
	[tilespmem:s10], [sflag:$0x2] =	stream.linear.gather [spmem:s21], $0x80, $0x38;
	[tilespmem:$0x1C200] =	vst v63  }
0x4fe: {  	s26 =	sshll.u32 s16, $0x7;
	s16 =	sld [smem:$0x7BD];
	s10 =	sadd.s32 $0x1000, s3  }
0x4ff: {  	[tilespmem:s31], [sflag:$0x2] =	stream.linear.gather [spmem:s10], $0x80, $0x38;
	[tilespmem:$0x1C200] =	vst v63  }
0x500: {  	s23 =	sadd.s32 s8, s1;
	s8 =	sld [smem:$0x7BE];
	s21 =	sadd.s32 $0x1400, s3  }
0x501: {  	[tilespmem:s16], [sflag:$0x2] =	stream.linear.gather [spmem:s21], $0x80, $0x38;
	[tilespmem:$0x1C200] =	vst v63  }
0x502: {  	s31 =	sshll.u32 s15, $0xA;
	s10 =	sadd.s32 $0x1800, s3;
	s21 =	sld [smem:$0x7BF]  }
0x503: {  	[tilespmem:s8], [sflag:$0x2] =	stream.linear.gather [spmem:s10], $0x80, $0x38;
	[tilespmem:$0x1C200] =	vst v63  }
0x504: {  	s3 =	sadd.s32 $0x1C00, s3;
	s16 =	sand.u32 $0xFFFFE000, s31;
	s31 =	sld [smem:$0x7C0]  }
0x505: {  	[tilespmem:s21], [sflag:$0x2] =	stream.linear.gather [spmem:s3], $0x80, $0x38;
	[tilespmem:$0x1C200] =	vst v63  }
0x506: {  	s30 =	sand.u32 $0x380, s30;
	s8 =	sadd.s32 s5, s0;
	s10 =	sld [smem:$0x7C1]  }
0x507: {  	[tilespmem:s31], [sflag:$0x2] =	stream.linear.gather [spmem:s8], $0x80, $0x38;
	[tilespmem:$0x1C200] =	vst v63  }
0x508: {  	s0 =	sadd.s32 s16, s1;
	s21 =	sadd.s32 $0x400, s8;
	s31 =	sld [smem:$0x7C2]  }
0x509: {  	[tilespmem:s10], [sflag:$0x2] =	stream.linear.gather [spmem:s21], $0x80, $0x38;
	[tilespmem:$0x1C200] =	vst v63  }
0x50a: {  	s5 =	sshll.u32 s15, $0x7;
	s16 =	sld [smem:$0x7C3];
	s7 =	sadd.s32 $0x800, s8  }
0x50b: {  	[tilespmem:s31], [sflag:$0x2] =	stream.linear.gather [spmem:s7], $0x80, $0x38;
	[tilespmem:$0x1C200] =	vst v63  }
0x50c: {  	s15 =	spop (v2sf);
	s21 =	sadd.s32 $0xC00, s8;
	s10 =	sld [smem:$0x7C4]  }
0x50d: {  	[tilespmem:s16], [sflag:$0x2] =	stream.linear.gather [spmem:s21], $0x80, $0x38;
	[tilespmem:$0x1C200] =	vst v63  }
0x50e: {  	s31 =	sshll.u32 s15, $0xA;
	s7 =	sld [smem:$0x7C5];
	s21 =	sadd.s32 $0x1000, s8  }
0x50f: {  	[tilespmem:s10], [sflag:$0x2] =	stream.linear.gather [spmem:s21], $0x80, $0x38;
	[tilespmem:$0x1C200] =	vst v63  }
0x510: {  	s16 =	sand.u32 $0xFFFFE000, s31;
	s31 =	sadd.s32 $0x1400, s8;
	s10 =	sld [smem:$0x7C6]  }
0x511: {  	[tilespmem:s7], [sflag:$0x2] =	stream.linear.gather [spmem:s31], $0x80, $0x38;
	[tilespmem:$0x1C200] =	vst v63  }
0x512: {  	s21 =	sadd.s32 s16, s1;
	s16 =	sld [smem:$0x7C7];
	s31 =	sadd.s32 $0x1800, s8  }
0x513: {  	[tilespmem:s10], [sflag:$0x2] =	stream.linear.gather [spmem:s31], $0x80, $0x38;
	[tilespmem:$0x1C200] =	vst v63  }
0x514: {  	s3 =	sshll.u32 s15, $0x7;
	s15 =	sadd.s32 $0x1C00, s8;
	s31 =	sld [smem:$0x7C8]  }
0x515: {  	[tilespmem:s16], [sflag:$0x2] =	stream.linear.gather [spmem:s15], $0x80, $0x38;
	[tilespmem:$0x1C200] =	vst v63  }
0x516: {  	s6 =	sadd.s32 s30, s6;
	s15 =	sld [smem:$0x7C9]  }
0x517: {  	[tilespmem:s31], [sflag:$0x2] =	stream.linear.gather [spmem:s6], $0x80, $0x38;
	[tilespmem:$0x1C200] =	vst v63  }
0x518: {  	s8 =	sadd.s32 $0x400, s6;
	s16 =	sld [smem:$0x7CA]  }
0x519: {  	[tilespmem:s15], [sflag:$0x2] =	stream.linear.gather [spmem:s8], $0x80, $0x38;
	[tilespmem:$0x1C200] =	vst v63  }
0x51a: {  	s30 =	sadd.s32 $0x800, s6;
	s31 =	sld [smem:$0x7CB]  }
0x51b: {  	[tilespmem:s16], [sflag:$0x2] =	stream.linear.gather [spmem:s30], $0x80, $0x38;
	[tilespmem:$0x1C200] =	vst v63  }
0x51c: {  	s15 =	sadd.s32 $0xC00, s6;
	s16 =	sld [smem:$0x7CC]  }
0x51d: {  	[tilespmem:s31], [sflag:$0x2] =	stream.linear.gather [spmem:s15], $0x80, $0x38;
	[tilespmem:$0x1C200] =	vst v63  }
0x51e: {  	s30 =	sadd.s32 $0x1000, s6;
	s31 =	sld [smem:$0x7CD]  }
0x51f: {  	[tilespmem:s16], [sflag:$0x2] =	stream.linear.gather [spmem:s30], $0x80, $0x38;
	[tilespmem:$0x1C200] =	vst v63  }
0x520: {  	s15 =	sadd.s32 $0x1400, s6;
	s16 =	sld [smem:$0x7CE]  }
0x521: {  	[tilespmem:s31], [sflag:$0x2] =	stream.linear.gather [spmem:s15], $0x80, $0x38;
	[tilespmem:$0x1C200] =	vst v63  }
0x522: {  	s25 =	sadd.s32 s25, s1;
	s30 =	sadd.s32 $0x1800, s6;
	s31 =	sld [smem:$0x7CF]  }
0x523: {  	[tilespmem:s16], [sflag:$0x2] =	stream.linear.gather [spmem:s30], $0x80, $0x38;
	[tilespmem:$0x1C200] =	vst v63  }
0x524: {  	s6 =	sadd.s32 $0x1C00, s6;
	s15 =	sand.u32 $0x380, s29;
	s16 =	sld [smem:$0x7D0]  }
0x525: {  	[tilespmem:s31], [sflag:$0x2] =	stream.linear.gather [spmem:s6], $0x80, $0x38;
	[tilespmem:$0x1C200] =	vst v63  }
0x526: {  	s29 =	sld [smem:$0x7D1];
	s6 =	sadd.s32 s15, s25  }
0x527: {  	[tilespmem:s16], [sflag:$0x2] =	stream.linear.gather [spmem:s6], $0x80, $0x38;
	[tilespmem:$0x1C200] =	vst v63  }
0x528: {  	s31 =	sld [smem:$0x7D2];
	s30 =	sadd.s32 $0x400, s6  }
0x529: {  	[tilespmem:s29], [sflag:$0x2] =	stream.linear.gather [spmem:s30], $0x80, $0x38;
	[tilespmem:$0x1C200] =	vst v63  }
0x52a: {  	s15 =	sadd.s32 $0x800, s6;
	s16 =	sld [smem:$0x7D3]  }
0x52b: {  	[tilespmem:s31], [sflag:$0x2] =	stream.linear.gather [spmem:s15], $0x80, $0x38;
	[tilespmem:$0x1C200] =	vst v63  }
0x52c: {  	s25 =	sadd.s32 $0xC00, s6;
	s29 =	sld [smem:$0x7D4]  }
0x52d: {  	[tilespmem:s16], [sflag:$0x2] =	stream.linear.gather [spmem:s25], $0x80, $0x38;
	[tilespmem:$0x1C200] =	vst v63  }
0x52e: {  	s30 =	sadd.s32 $0x1000, s6;
	s31 =	sld [smem:$0x7D5]  }
0x52f: {  	[tilespmem:s29], [sflag:$0x2] =	stream.linear.gather [spmem:s30], $0x80, $0x38;
	[tilespmem:$0x1C200] =	vst v63  }
0x530: {  	s15 =	sadd.s32 $0x1400, s6;
	s16 =	sld [smem:$0x7D6]  }
0x531: {  	[tilespmem:s31], [sflag:$0x2] =	stream.linear.gather [spmem:s15], $0x80, $0x38;
	[tilespmem:$0x1C200] =	vst v63  }
0x532: {  	s25 =	sadd.s32 $0x1800, s6;
	s29 =	sld [smem:$0x7D7]  }
0x533: {  	[tilespmem:s16], [sflag:$0x2] =	stream.linear.gather [spmem:s25], $0x80, $0x38;
	[tilespmem:$0x1C200] =	vst v63  }
0x534: {  	s6 =	sadd.s32 $0x1C00, s6;
	s30 =	sand.u32 $0x380, s28;
	s31 =	sld [smem:$0x7D8]  }
0x535: {  	[tilespmem:s29], [sflag:$0x2] =	stream.linear.gather [spmem:s6], $0x80, $0x38;
	[tilespmem:$0x1C200] =	vst v63  }
0x536: {  	s8 =	sld [smem:$0x7D9];
	s6 =	sadd.s32 s30, s24  }
0x537: {  	[tilespmem:s31], [sflag:$0x2] =	stream.linear.gather [spmem:s6], $0x80, $0x38;
	[tilespmem:$0x1C200] =	vst v63  }
0x538: {  	s16 =	sld [smem:$0x7DA];
	s15 =	sadd.s32 $0x400, s6  }
0x539: {  	[tilespmem:s8], [sflag:$0x2] =	stream.linear.gather [spmem:s15], $0x80, $0x38;
	[tilespmem:$0x1C200] =	vst v63  }
0x53a: {  	s25 =	sld [smem:$0x7DB];
	s24 =	sadd.s32 $0x800, s6  }
0x53b: {  	[tilespmem:s16], [sflag:$0x2] =	stream.linear.gather [spmem:s24], $0x80, $0x38;
	[tilespmem:$0x1C200] =	vst v63  }
0x53c: {  	s29 =	sld [smem:$0x7DC];
	s28 =	sadd.s32 $0xC00, s6  }
0x53d: {  	[tilespmem:s25], [sflag:$0x2] =	stream.linear.gather [spmem:s28], $0x80, $0x38;
	[tilespmem:$0x1C200] =	vst v63  }
0x53e: {  	s30 =	sadd.s32 $0x1000, s6;
	s31 =	sld [smem:$0x7DD]  }
0x53f: {  	[tilespmem:s29], [sflag:$0x2] =	stream.linear.gather [spmem:s30], $0x80, $0x38;
	[tilespmem:$0x1C200] =	vst v63  }
0x540: {  	s15 =	sadd.s32 $0x1400, s6;
	s16 =	sld [smem:$0x7DE]  }
0x541: {  	[tilespmem:s31], [sflag:$0x2] =	stream.linear.gather [spmem:s15], $0x80, $0x38;
	[tilespmem:$0x1C200] =	vst v63  }
0x542: {  	s24 =	sadd.s32 $0x1800, s6;
	s25 =	sld [smem:$0x7DF]  }
0x543: {  	[tilespmem:s16], [sflag:$0x2] =	stream.linear.gather [spmem:s24], $0x80, $0x38;
	[tilespmem:$0x1C200] =	vst v63  }
0x544: {  	s26 =	sand.u32 $0x380, s26;
	s6 =	sadd.s32 $0x1C00, s6;
	s28 =	sld [smem:$0x7E0]  }
0x545: {  	[tilespmem:s25], [sflag:$0x2] =	stream.linear.gather [spmem:s6], $0x80, $0x38;
	[tilespmem:$0x1C200] =	vst v63  }
0x546: {  	s29 =	sld [smem:$0x7E1];
	s6 =	sadd.s32 s26, s23  }
0x547: {  	[tilespmem:s28], [sflag:$0x2] =	stream.linear.gather [spmem:s6], $0x80, $0x38;
	[tilespmem:$0x1C200] =	vst v63  }
0x548: {  	s31 =	sld [smem:$0x7E2];
	s30 =	sadd.s32 $0x400, s6  }
0x549: {  	[tilespmem:s29], [sflag:$0x2] =	stream.linear.gather [spmem:s30], $0x80, $0x38;
	[tilespmem:$0x1C200] =	vst v63  }
0x54a: {  	s15 =	sld [smem:$0x7E3];
	s8 =	sadd.s32 $0x800, s6  }
0x54b: {  	[tilespmem:s31], [sflag:$0x2] =	stream.linear.gather [spmem:s8], $0x80, $0x38;
	[tilespmem:$0x1C200] =	vst v63  }
0x54c: {  	s23 =	sld [smem:$0x7E4];
	s16 =	sadd.s32 $0xC00, s6  }
0x54d: {  	[tilespmem:s15], [sflag:$0x2] =	stream.linear.gather [spmem:s16], $0x80, $0x38;
	[tilespmem:$0x1C200] =	vst v63  }
0x54e: {  	s25 =	sld [smem:$0x7E5];
	s24 =	sadd.s32 $0x1000, s6  }
0x54f: {  	[tilespmem:s23], [sflag:$0x2] =	stream.linear.gather [spmem:s24], $0x80, $0x38;
	[tilespmem:$0x1C200] =	vst v63  }
0x550: {  	s26 =	sadd.s32 $0x1400, s6;
	s28 =	sld [smem:$0x7E6]  }
0x551: {  	[tilespmem:s25], [sflag:$0x2] =	stream.linear.gather [spmem:s26], $0x80, $0x38;
	[tilespmem:$0x1C200] =	vst v63  }
0x552: {  	s29 =	sadd.s32 $0x1800, s6;
	s30 =	sld [smem:$0x7E7]  }
0x553: {  	[tilespmem:s28], [sflag:$0x2] =	stream.linear.gather [spmem:s29], $0x80, $0x38;
	[tilespmem:$0x1C200] =	vst v63  }
0x554: {  	s5 =	sand.u32 $0x380, s5;
	s6 =	sadd.s32 $0x1C00, s6;
	s31 =	sld [smem:$0x7E9]  }
0x555: {  	[tilespmem:s30], [sflag:$0x2] =	stream.linear.gather [spmem:s6], $0x80, $0x38;
	[tilespmem:$0x1C200] =	vst v63  }
0x556: {  	s0 =	sadd.s32 s5, s0;
	s6 =	sld [smem:$0x7EA]  }
0x557: {  	[tilespmem:s31], [sflag:$0x2] =	stream.linear.gather [spmem:s0], $0x80, $0x38;
	[tilespmem:$0x1C200] =	vst v63  }
0x558: {  	s7 =	sadd.s32 $0x400, s0;
	s8 =	sld [smem:$0x7EB]  }
0x559: {  	[tilespmem:s6], [sflag:$0x2] =	stream.linear.gather [spmem:s7], $0x80, $0x38;
	[tilespmem:$0x1C200] =	vst v63  }
0x55a: {  	s10 =	sadd.s32 $0x800, s0;
	s15 =	sld [smem:$0x7EC]  }
0x55b: {  	[tilespmem:s8], [sflag:$0x2] =	stream.linear.gather [spmem:s10], $0x80, $0x38;
	[tilespmem:$0x1C200] =	vst v63  }
0x55c: {  	s16 =	sadd.s32 $0xC00, s0;
	s23 =	sld [smem:$0x7ED]  }
0x55d: {  	[tilespmem:s15], [sflag:$0x2] =	stream.linear.gather [spmem:s16], $0x80, $0x38;
	[tilespmem:$0x1C200] =	vst v63  }
0x55e: {  	s24 =	sadd.s32 $0x1000, s0;
	s25 =	sld [smem:$0x7EF]  }
0x55f: {  	[tilespmem:s23], [sflag:$0x2] =	stream.linear.gather [spmem:s24], $0x80, $0x38;
	[tilespmem:$0x1C200] =	vst v63  }
0x560: {  	s26 =	sadd.s32 $0x1400, s0;
	s28 =	sld [smem:$0x7F0]  }
0x561: {  	[tilespmem:s25], [sflag:$0x2] =	stream.linear.gather [spmem:s26], $0x80, $0x38;
	[tilespmem:$0x1C200] =	vst v63  }
0x562: {  	s29 =	sadd.s32 $0x1800, s0;
	s30 =	sld [smem:$0x7F2]  }
0x563: {  	[tilespmem:s28], [sflag:$0x2] =	stream.linear.gather [spmem:s29], $0x80, $0x38;
	[tilespmem:$0x1C200] =	vst v63  }
0x564: {  	s3 =	sand.u32 $0x380, s3;
	s0 =	sadd.s32 $0x1C00, s0;
	s31 =	sld [smem:$0x7F4]  }
0x565: {  	[tilespmem:s30], [sflag:$0x2] =	stream.linear.gather [spmem:s0], $0x80, $0x38;
	[tilespmem:$0x1C200] =	vst v63  }
0x566: {  	s7 =	sadd.s32 s3, s21;
	s8 =	sld [smem:$0x7F5]  }
0x567: {  	[tilespmem:s31], [sflag:$0x2] =	stream.linear.gather [spmem:s7], $0x80, $0x38;
	[tilespmem:$0x1C200] =	vst v63  }
0x568: {  	s10 =	sadd.s32 $0x400, s7;
	s15 =	sld [smem:$0x7F7]  }
0x569: {  	[tilespmem:s8], [sflag:$0x2] =	stream.linear.gather [spmem:s10], $0x80, $0x38;
	[tilespmem:$0x1C200] =	vst v63  }
0x56a: {  	s21 =	sld [smem:$0x7F8];
	s16 =	sadd.s32 $0x800, s7  }
0x56b: {  	[tilespmem:s15], [sflag:$0x2] =	stream.linear.gather [spmem:s16], $0x80, $0x38;
	[tilespmem:$0x1C200] =	vst v63  }
0x56c: {  	s23 =	sadd.s32 $0xC00, s7;
	s24 =	sld [smem:$0x7FA]  }
0x56d: {  	[tilespmem:s21], [sflag:$0x2] =	stream.linear.gather [spmem:s23], $0x80, $0x38;
	[tilespmem:$0x1C200] =	vst v63  }
0x56e: {  	s25 =	sadd.s32 $0x1000, s7;
	s26 =	sld [smem:$0x7FB]  }
0x56f: {  	[tilespmem:s24], [sflag:$0x2] =	stream.linear.gather [spmem:s25], $0x80, $0x38;
	[tilespmem:$0x1C200] =	vst v63  }
0x570: {  	s20 =	sadd.s32 $0x1000, s20;
	s28 =	sadd.s32 $0x1400, s7;
	s29 =	sld [smem:$0x7FC]  }
0x571: {  	[tilespmem:s26], [sflag:$0x2] =	stream.linear.gather [spmem:s28], $0x80, $0x38;
	[tilespmem:$0x1C200] =	vst v63  }
0x572: {  	p2 =	sne.s32 s20, $0x40000;
	s30 =	sadd.s32 $0x1800, s7;
	s31 =	sld [smem:$0x7FD]  }
0x573: {  	[tilespmem:s29], [sflag:$0x2] =	stream.linear.gather [spmem:s30], $0x80, $0x38;
	[tilespmem:$0x1C200] =	vst v63  }
.Ltmp0:
0x574: {  	s0 =	sadd.s32 $0x1C00, s7;
	(pc) =	sbr.rel @p2 .LBB2_2-.Ltmp0, $4  }
0x575: {  	[tilespmem:s31], [sflag:$0x2] =	stream.linear.gather [spmem:s0], $0x80, $0x38;
	[tilespmem:$0x1C200] =	vst v63  }
0x576: {  	_ =	swait.ge [sflag:s14], $0x4000  }
0x577: {  	p1 =	por p3, p3;
	[sflag:s14] =	ssyncset.done $0x0  }
0x578: {  	s18 =	sadd.s32 $0x100, s18;
	s0 =	sadd.s32 $0x800, s22;
	[sflag:s14] =	ssyncadd.s32 $0xFFFFC000  }
0x579: {  	[hbm4b:s0+s2] =	stream.linear.scatter [tilespmem:s13], [sflag:$0x4], $0x4000, $0x38;
	[tilespmem:$0x1C200] =	vst v63  }
0x57a: {  	s0 =	simm.s32 @!p1 $0x3  }
0x57b: {  	_ =	swait.ge @!p1 [sflag:s0], $0x4000  }
0x57c: {  	[sflag:s0] =	ssyncset.done @!p1 $0x0  }
0x57d: {  	[sflag:s0] =	ssyncadd.s32 @!p1 $0xFFFFC000  }
0x57e: {  	v0 =	vld [tilespmem:s18+$0xFFFFFF80];
	_ =	sdelay $0x4  }
0x57f: {  	(v2sf) =	vpush v0, $0x0;
	_ =	sdelay $0x9  }
0x580: {  	(v2sf) =	vpush v0, $0x1;
	_ =	sdelay $0x4  }
0x581: {  	s25 =	spop (v2sf)  }
0x582: {  	s26 =	rddreg [dreg:$0x5];
	s3 =	sshll.u32 s25, $0xA  }
0x583: {  	s6 =	rddreg [dreg:$0x6];
	s0 =	sshll.u32 s25, $0x7;
	s3 =	sand.u32 $0xFFFFE000, s3  }
0x584: {  	s7 =	rddreg [dreg:$0x7];
	s0 =	sand.u32 $0x380, s0;
	s3 =	sadd.s32 s3, s1  }
0x585: {  	s8 =	rddreg [dreg:$0x8];
	s0 =	sadd.s32 s0, s3  }
0x586: {  	[tilespmem:s11], [sflag:$0x1] =	stream.linear.gather [spmem:s0], $0x80, $0x38;
	[tilespmem:$0x1C200] =	vst v63  }
0x587: {  	s15 =	rddreg [dreg:$0x9];
	s5 =	sadd.s32 $0x400, s0  }
0x588: {  	[tilespmem:s26], [sflag:$0x1] =	stream.linear.gather [spmem:s5], $0x80, $0x38;
	[tilespmem:$0x1C200] =	vst v63  }
0x589: {  	s20 =	rddreg [dreg:$0xa];
	s29 =	sadd.s32 $0x800, s0  }
0x58a: {  	[tilespmem:s6], [sflag:$0x1] =	stream.linear.gather [spmem:s29], $0x80, $0x38;
	[tilespmem:$0x1C200] =	vst v63  }
0x58b: {  	s22 =	rddreg [dreg:$0xb];
	s28 =	spop (v2sf);
	s31 =	sadd.s32 $0xC00, s0  }
0x58c: {  	(v2sf) =	vpush v0, $0x2;
	[tilespmem:s7], [sflag:$0x1] =	stream.linear.gather [spmem:s31], $0x80, $0x38;
	[tilespmem:$0x1C200] =	vst v63  }
0x58d: {  	s23 =	rddreg [dreg:$0xc];
	s10 =	sadd.s32 $0x1000, s0  }
0x58e: {  	[tilespmem:s8], [sflag:$0x1] =	stream.linear.gather [spmem:s10], $0x80, $0x38;
	[tilespmem:$0x1C200] =	vst v63  }
0x58f: {  	s25 =	rddreg [dreg:$0xd];
	s30 =	sshll.u32 s28, $0xA;
	s16 =	sadd.s32 $0x1400, s0  }
0x590: {  	[tilespmem:s15], [sflag:$0x1] =	stream.linear.gather [spmem:s16], $0x80, $0x38;
	[tilespmem:$0x1C200] =	vst v63  }
0x591: {  	s3 =	sshll.u32 s28, $0x7;
	s21 =	sadd.s32 $0x1800, s0;
	s5 =	sand.u32 $0xFFFFE000, s30  }
0x592: {  	[tilespmem:s20], [sflag:$0x1] =	stream.linear.gather [spmem:s21], $0x80, $0x38;
	[tilespmem:$0x1C200] =	vst v63  }
0x593: {  	s0 =	sadd.s32 $0x1C00, s0;
	s3 =	sand.u32 $0x380, s3;
	s5 =	sadd.s32 s5, s1  }
0x594: {  	[tilespmem:s22], [sflag:$0x1] =	stream.linear.gather [spmem:s0], $0x80, $0x38;
	[tilespmem:$0x1C200] =	vst v63  }
0x595: {  	s26 =	rddreg [dreg:$0xe];
	s24 =	sadd.s32 s3, s5  }
0x596: {  	[tilespmem:s23], [sflag:$0x1] =	stream.linear.gather [spmem:s24], $0x80, $0x38;
	[tilespmem:$0x1C200] =	vst v63  }
0x597: {  	s30 =	rddreg [dreg:$0xf];
	s5 =	sadd.s32 $0x400, s24  }
0x598: {  	[tilespmem:s25], [sflag:$0x1] =	stream.linear.gather [spmem:s5], $0x80, $0x38;
	[tilespmem:$0x1C200] =	vst v63  }
0x599: {  	s29 =	sadd.s32 $0x800, s24;
	s10 =	rddreg [dreg:$0x10]  }
0x59a: {  	(v2sf) =	vpush v0, $0x3;
	[tilespmem:s26], [sflag:$0x1] =	stream.linear.gather [spmem:s29], $0x80, $0x38;
	[tilespmem:$0x1C200] =	vst v63  }
0x59b: {  	s8 =	sadd.s32 $0xC00, s24;
	s16 =	rddreg [dreg:$0x11];
	s28 =	spop (v2sf)  }
0x59c: {  	[tilespmem:s30], [sflag:$0x1] =	stream.linear.gather [spmem:s8], $0x80, $0x38;
	[tilespmem:$0x1C200] =	vst v63  }
0x59d: {  	s15 =	sadd.s32 $0x1000, s24;
	s31 =	sshll.u32 s28, $0xA;
	s21 =	rddreg [dreg:$0x12]  }
0x59e: {  	[tilespmem:s10], [sflag:$0x1] =	stream.linear.gather [spmem:s15], $0x80, $0x38;
	[tilespmem:$0x1C200] =	vst v63  }
0x59f: {  	s20 =	sadd.s32 $0x1400, s24;
	s3 =	sshll.u32 s28, $0x7;
	s28 =	rddreg [dreg:$0x16]  }
0x5a0: {  	[tilespmem:s16], [sflag:$0x1] =	stream.linear.gather [spmem:s20], $0x80, $0x38;
	[tilespmem:$0x1C200] =	vst v63  }
0x5a1: {  	s3 =	sand.u32 $0x380, s3;
	s22 =	sadd.s32 $0x1800, s24;
	s5 =	sand.u32 $0xFFFFE000, s31  }
0x5a2: {  	[tilespmem:s21], [sflag:$0x1] =	stream.linear.gather [spmem:s22], $0x80, $0x38;
	[tilespmem:$0x1C200] =	vst v63  }
0x5a3: {  	s0 =	sadd.s32 $0x1C00, s24;
	s23 =	rddreg [dreg:$0x13];
	s5 =	sadd.s32 s5, s1  }
0x5a4: {  	[tilespmem:s23], [sflag:$0x1] =	stream.linear.gather [spmem:s0], $0x80, $0x38;
	[tilespmem:$0x1C200] =	vst v63  }
0x5a5: {  	s24 =	rddreg [dreg:$0x14];
	s25 =	sadd.s32 s3, s5  }
0x5a6: {  	[tilespmem:s24], [sflag:$0x1] =	stream.linear.gather [spmem:s25], $0x80, $0x38;
	[tilespmem:$0x1C200] =	vst v63  }
0x5a7: {  	s26 =	rddreg [dreg:$0x15];
	s5 =	sadd.s32 $0x400, s25  }
0x5a8: {  	(v2sf) =	vpush v0, $0x4;
	[tilespmem:s26], [sflag:$0x1] =	stream.linear.gather [spmem:s5], $0x80, $0x38;
	[tilespmem:$0x1C200] =	vst v63  }
0x5a9: {  	s31 =	rddreg [dreg:$0x17];
	s29 =	spop (v2sf);
	s30 =	sadd.s32 $0x800, s25  }
0x5aa: {  	[tilespmem:s28], [sflag:$0x1] =	stream.linear.gather [spmem:s30], $0x80, $0x38;
	[tilespmem:$0x1C200] =	vst v63  }
0x5ab: {  	s3 =	sshll.u32 s29, $0x7;
	s10 =	sadd.s32 $0xC00, s25;
	s15 =	rddreg [dreg:$0x18]  }
0x5ac: {  	(v2sf) =	vpush v0, $0x5;
	[tilespmem:s31], [sflag:$0x1] =	stream.linear.gather [spmem:s10], $0x80, $0x38;
	[tilespmem:$0x1C200] =	vst v63  }
0x5ad: {  	s8 =	sshll.u32 s29, $0xA;
	s16 =	sadd.s32 $0x1000, s25;
	s20 =	rddreg [dreg:$0x19]  }
0x5ae: {  	[tilespmem:s15], [sflag:$0x1] =	stream.linear.gather [spmem:s16], $0x80, $0x38;
	[tilespmem:$0x1C200] =	vst v63  }
0x5af: {  	s3 =	sand.u32 $0x380, s3;
	s21 =	sadd.s32 $0x1400, s25;
	s22 =	rddreg [dreg:$0x1a]  }
0x5b0: {  	[tilespmem:s20], [sflag:$0x1] =	stream.linear.gather [spmem:s21], $0x80, $0x38;
	[tilespmem:$0x1C200] =	vst v63  }
0x5b1: {  	s23 =	sadd.s32 $0x1800, s25;
	s24 =	rddreg [dreg:$0x1b];
	s5 =	sand.u32 $0xFFFFE000, s8  }
0x5b2: {  	[tilespmem:s22], [sflag:$0x1] =	stream.linear.gather [spmem:s23], $0x80, $0x38;
	[tilespmem:$0x1C200] =	vst v63  }
0x5b3: {  	s0 =	sadd.s32 $0x1C00, s25;
	s25 =	rddreg [dreg:$0x1c];
	s5 =	sadd.s32 s5, s1  }
0x5b4: {  	[tilespmem:s24], [sflag:$0x1] =	stream.linear.gather [spmem:s0], $0x80, $0x38;
	[tilespmem:$0x1C200] =	vst v63  }
0x5b5: {  	s3 =	sadd.s32 s3, s5;
	s28 =	rddreg [dreg:$0x1d]  }
0x5b6: {  	(v2sf) =	vpush v0, $0x6;
	[tilespmem:s25], [sflag:$0x1] =	stream.linear.gather [spmem:s3], $0x80, $0x38;
	[tilespmem:$0x1C200] =	vst v63  }
0x5b7: {  	s26 =	spop (v2sf);
	s30 =	sadd.s32 $0x400, s3;
	s31 =	rddreg [dreg:$0x1e]  }
0x5b8: {  	(v2sf) =	vpush v0, $0x7;
	[tilespmem:s28], [sflag:$0x1] =	stream.linear.gather [spmem:s30], $0x80, $0x38;
	[tilespmem:$0x1C200] =	vst v63  }
0x5b9: {  	s29 =	sshll.u32 s26, $0xA;
	s10 =	sadd.s32 $0x800, s3;
	s15 =	rddreg [dreg:$0x1f]  }
0x5ba: {  	(v2sf) =	vpush v0, $0x8;
	[tilespmem:s31], [sflag:$0x1] =	stream.linear.gather [spmem:s10], $0x80, $0x38;
	[tilespmem:$0x1C200] =	vst v63  }
0x5bb: {  	s8 =	spop (v2sf);
	s16 =	sadd.s32 $0xC00, s3;
	s10 =	sld [smem:$0x715]  }
0x5bc: {  	[tilespmem:s15], [sflag:$0x1] =	stream.linear.gather [spmem:s16], $0x80, $0x38;
	[tilespmem:$0x1C200] =	vst v63  }
0x5bd: {  	s20 =	sand.u32 $0xFFFFE000, s29;
	s21 =	sadd.s32 $0x1000, s3;
	s22 =	sld [smem:$0x716]  }
0x5be: {  	[tilespmem:s10], [sflag:$0x1] =	stream.linear.gather [spmem:s21], $0x80, $0x38;
	[tilespmem:$0x1C200] =	vst v63  }
0x5bf: {  	s23 =	sadd.s32 s20, s1;
	s24 =	sadd.s32 $0x1400, s3;
	s25 =	sld [smem:$0x717]  }
0x5c0: {  	[tilespmem:s22], [sflag:$0x1] =	stream.linear.gather [spmem:s24], $0x80, $0x38;
	[tilespmem:$0x1C200] =	vst v63  }
0x5c1: {  	s0 =	sshll.u32 s26, $0x7;
	s26 =	sadd.s32 $0x1800, s3;
	s15 =	sld [smem:$0x718]  }
0x5c2: {  	[tilespmem:s25], [sflag:$0x1] =	stream.linear.gather [spmem:s26], $0x80, $0x38;
	[tilespmem:$0x1C200] =	vst v63  }
0x5c3: {  	s0 =	sand.u32 $0x380, s0;
	s3 =	sadd.s32 $0x1C00, s3;
	s28 =	sld [smem:$0x719]  }
0x5c4: {  	[tilespmem:s15], [sflag:$0x1] =	stream.linear.gather [spmem:s3], $0x80, $0x38;
	[tilespmem:$0x1C200] =	vst v63  }
0x5c5: {  	s5 =	spop (v2sf);
	s29 =	sld [smem:$0x71A];
	s6 =	sadd.s32 s0, s23  }
0x5c6: {  	[tilespmem:s28], [sflag:$0x1] =	stream.linear.gather [spmem:s6], $0x80, $0x38;
	[tilespmem:$0x1C200] =	vst v63  }
0x5c7: {  	s30 =	sadd.s32 $0x400, s6;
	s31 =	sld [smem:$0x71B];
	s3 =	spop (v2sf)  }
0x5c8: {  	(v2sf) =	vpush v0, $0x9;
	[tilespmem:s29], [sflag:$0x1] =	stream.linear.gather [spmem:s30], $0x80, $0x38;
	[tilespmem:$0x1C200] =	vst v63  }
0x5c9: {  	s16 =	sld [smem:$0x71C];
	s10 =	sadd.s32 $0x800, s6;
	s0 =	spop (v2sf);
	(v2sf) =	vpush v0, $0xA  }
0x5ca: {  	[tilespmem:s31], [sflag:$0x1] =	stream.linear.gather [spmem:s10], $0x80, $0x38;
	[tilespmem:$0x1C200] =	vst v63  }
0x5cb: {  	s20 =	sadd.s32 $0xC00, s6;
	s15 =	sld [smem:$0x71D]  }
0x5cc: {  	[tilespmem:s16], [sflag:$0x1] =	stream.linear.gather [spmem:s20], $0x80, $0x38;
	[tilespmem:$0x1C200] =	vst v63  }
0x5cd: {  	s21 =	sadd.s32 $0x1000, s6;
	s22 =	sld [smem:$0x71E]  }
0x5ce: {  	[tilespmem:s15], [sflag:$0x1] =	stream.linear.gather [spmem:s21], $0x80, $0x38;
	[tilespmem:$0x1C200] =	vst v63  }
0x5cf: {  	s23 =	sadd.s32 $0x1400, s6;
	s25 =	sadd.s32 $0x1800, s6;
	s24 =	sld [smem:$0x71F]  }
0x5d0: {  	[tilespmem:s22], [sflag:$0x1] =	stream.linear.gather [spmem:s23], $0x80, $0x38;
	[tilespmem:$0x1C200] =	vst v63  }
0x5d1: {  	s28 =	sshll.u32 s8, $0xA;
	s6 =	sadd.s32 $0x1C00, s6;
	s26 =	sld [smem:$0x720]  }
0x5d2: {  	[tilespmem:s24], [sflag:$0x1] =	stream.linear.gather [spmem:s25], $0x80, $0x38;
	[tilespmem:$0x1C200] =	vst v63  }
0x5d3: {  	s29 =	sand.u32 $0xFFFFE000, s28;
	s30 =	sshll.u32 s8, $0x7;
	s31 =	sld [smem:$0x721]  }
0x5d4: {  	[tilespmem:s26], [sflag:$0x1] =	stream.linear.gather [spmem:s6], $0x80, $0x38;
	[tilespmem:$0x1C200] =	vst v63  }
0x5d5: {  	s7 =	sand.u32 $0x380, s30;
	s10 =	sld [smem:$0x722];
	s6 =	sadd.s32 s29, s1  }
0x5d6: {  	s28 =	sld [smem:$0x727];
	s6 =	sadd.s32 s7, s6  }
0x5d7: {  	[tilespmem:s31], [sflag:$0x1] =	stream.linear.gather [spmem:s6], $0x80, $0x38;
	[tilespmem:$0x1C200] =	vst v63  }
0x5d8: {  	s16 =	sld [smem:$0x723];
	s15 =	sadd.s32 $0x400, s6  }
0x5d9: {  	[tilespmem:s10], [sflag:$0x1] =	stream.linear.gather [spmem:s15], $0x80, $0x38;
	[tilespmem:$0x1C200] =	vst v63  }
0x5da: {  	s21 =	sld [smem:$0x724];
	s20 =	sadd.s32 $0x800, s6  }
0x5db: {  	[tilespmem:s16], [sflag:$0x1] =	stream.linear.gather [spmem:s20], $0x80, $0x38;
	[tilespmem:$0x1C200] =	vst v63  }
0x5dc: {  	s23 =	sld [smem:$0x725];
	s22 =	sadd.s32 $0xC00, s6  }
0x5dd: {  	[tilespmem:s21], [sflag:$0x1] =	stream.linear.gather [spmem:s22], $0x80, $0x38;
	[tilespmem:$0x1C200] =	vst v63  }
0x5de: {  	s25 =	sld [smem:$0x726];
	s24 =	sadd.s32 $0x1000, s6  }
0x5df: {  	[tilespmem:s23], [sflag:$0x1] =	stream.linear.gather [spmem:s24], $0x80, $0x38;
	[tilespmem:$0x1C200] =	vst v63  }
0x5e0: {  	s30 =	sld [smem:$0x728];
	s26 =	sadd.s32 $0x1400, s6  }
0x5e1: {  	[tilespmem:s25], [sflag:$0x1] =	stream.linear.gather [spmem:s26], $0x80, $0x38;
	[tilespmem:$0x1C200] =	vst v63  }
0x5e2: {  	s8 =	sld [smem:$0x729];
	s29 =	sadd.s32 $0x1800, s6;
	s31 =	sshll.u32 s5, $0xA  }
0x5e3: {  	[tilespmem:s28], [sflag:$0x1] =	stream.linear.gather [spmem:s29], $0x80, $0x38;
	[tilespmem:$0x1C200] =	vst v63  }
0x5e4: {  	s6 =	sadd.s32 $0x1C00, s6;
	s5 =	sshll.u32 s5, $0x7;
	s7 =	sand.u32 $0xFFFFE000, s31  }
0x5e5: {  	[tilespmem:s30], [sflag:$0x1] =	stream.linear.gather [spmem:s6], $0x80, $0x38;
	[tilespmem:$0x1C200] =	vst v63  }
0x5e6: {  	s5 =	sand.u32 $0x380, s5;
	s6 =	sadd.s32 s7, s1  }
0x5e7: {  	s10 =	sld [smem:$0x72A];
	s5 =	sadd.s32 s5, s6  }
0x5e8: {  	[tilespmem:s8], [sflag:$0x1] =	stream.linear.gather [spmem:s5], $0x80, $0x38;
	[tilespmem:$0x1C200] =	vst v63  }
0x5e9: {  	s16 =	sld [smem:$0x72B];
	s15 =	sadd.s32 $0x400, s5  }
0x5ea: {  	[tilespmem:s10], [sflag:$0x1] =	stream.linear.gather [spmem:s15], $0x80, $0x38;
	[tilespmem:$0x1C200] =	vst v63  }
0x5eb: {  	s21 =	sld [smem:$0x72C];
	s20 =	sadd.s32 $0x800, s5  }
0x5ec: {  	[tilespmem:s16], [sflag:$0x1] =	stream.linear.gather [spmem:s20], $0x80, $0x38;
	[tilespmem:$0x1C200] =	vst v63  }
0x5ed: {  	s23 =	sld [smem:$0x72D];
	s22 =	sadd.s32 $0xC00, s5  }
0x5ee: {  	[tilespmem:s21], [sflag:$0x1] =	stream.linear.gather [spmem:s22], $0x80, $0x38;
	[tilespmem:$0x1C200] =	vst v63  }
0x5ef: {  	s25 =	sld [smem:$0x72E];
	s24 =	sadd.s32 $0x1000, s5  }
0x5f0: {  	[tilespmem:s23], [sflag:$0x1] =	stream.linear.gather [spmem:s24], $0x80, $0x38;
	[tilespmem:$0x1C200] =	vst v63  }
0x5f1: {  	s31 =	sshll.u32 s3, $0xA;
	s28 =	sld [smem:$0x72F];
	s26 =	sadd.s32 $0x1400, s5  }
0x5f2: {  	[tilespmem:s25], [sflag:$0x1] =	stream.linear.gather [spmem:s26], $0x80, $0x38;
	[tilespmem:$0x1C200] =	vst v63  }
0x5f3: {  	s3 =	sshll.u32 s3, $0x7;
	s30 =	sld [smem:$0x730];
	s29 =	sadd.s32 $0x1800, s5  }
0x5f4: {  	[tilespmem:s28], [sflag:$0x1] =	stream.linear.gather [spmem:s29], $0x80, $0x38;
	[tilespmem:$0x1C200] =	vst v63  }
0x5f5: {  	s7 =	sand.u32 $0xFFFFE000, s31;
	s5 =	sadd.s32 $0x1C00, s5;
	s8 =	sld [smem:$0x731]  }
0x5f6: {  	[tilespmem:s30], [sflag:$0x1] =	stream.linear.gather [spmem:s5], $0x80, $0x38;
	[tilespmem:$0x1C200] =	vst v63  }
0x5f7: {  	s3 =	sand.u32 $0x380, s3;
	s5 =	sadd.s32 s7, s1  }
0x5f8: {  	s10 =	sld [smem:$0x732];
	s3 =	sadd.s32 s3, s5  }
0x5f9: {  	[tilespmem:s8], [sflag:$0x1] =	stream.linear.gather [spmem:s3], $0x80, $0x38;
	[tilespmem:$0x1C200] =	vst v63  }
0x5fa: {  	s16 =	sld [smem:$0x733];
	s15 =	sadd.s32 $0x400, s3  }
0x5fb: {  	[tilespmem:s10], [sflag:$0x1] =	stream.linear.gather [spmem:s15], $0x80, $0x38;
	[tilespmem:$0x1C200] =	vst v63  }
0x5fc: {  	s21 =	sld [smem:$0x734];
	s20 =	sadd.s32 $0x800, s3  }
0x5fd: {  	[tilespmem:s16], [sflag:$0x1] =	stream.linear.gather [spmem:s20], $0x80, $0x38;
	[tilespmem:$0x1C200] =	vst v63  }
0x5fe: {  	s23 =	sld [smem:$0x735];
	s22 =	sadd.s32 $0xC00, s3  }
0x5ff: {  	[tilespmem:s21], [sflag:$0x1] =	stream.linear.gather [spmem:s22], $0x80, $0x38;
	[tilespmem:$0x1C200] =	vst v63  }
0x600: {  	s25 =	sld [smem:$0x736];
	s24 =	sadd.s32 $0x1000, s3  }
0x601: {  	[tilespmem:s23], [sflag:$0x1] =	stream.linear.gather [spmem:s24], $0x80, $0x38;
	[tilespmem:$0x1C200] =	vst v63  }
0x602: {  	s31 =	sshll.u32 s0, $0xA;
	s28 =	sld [smem:$0x737];
	s26 =	sadd.s32 $0x1400, s3  }
0x603: {  	[tilespmem:s25], [sflag:$0x1] =	stream.linear.gather [spmem:s26], $0x80, $0x38;
	[tilespmem:$0x1C200] =	vst v63  }
0x604: {  	s0 =	sshll.u32 s0, $0x7;
	s30 =	sld [smem:$0x738];
	s29 =	sadd.s32 $0x1800, s3  }
0x605: {  	[tilespmem:s28], [sflag:$0x1] =	stream.linear.gather [spmem:s29], $0x80, $0x38;
	[tilespmem:$0x1C200] =	vst v63  }
0x606: {  	s6 =	sand.u32 $0xFFFFE000, s31;
	s7 =	sld [smem:$0x739];
	s3 =	sadd.s32 $0x1C00, s3  }
0x607: {  	[tilespmem:s30], [sflag:$0x1] =	stream.linear.gather [spmem:s3], $0x80, $0x38;
	[tilespmem:$0x1C200] =	vst v63  }
0x608: {  	s0 =	sand.u32 $0x380, s0;
	s8 =	sld [smem:$0x73A];
	s3 =	sadd.s32 s6, s1  }
0x609: {  	s15 =	sld [smem:$0x73B];
	s0 =	sadd.s32 s0, s3  }
0x60a: {  	[tilespmem:s7], [sflag:$0x1] =	stream.linear.gather [spmem:s0], $0x80, $0x38;
	[tilespmem:$0x1C200] =	vst v63  }
0x60b: {  	s20 =	sld [smem:$0x73C];
	s10 =	sadd.s32 $0x400, s0  }
0x60c: {  	[tilespmem:s8], [sflag:$0x1] =	stream.linear.gather [spmem:s10], $0x80, $0x38;
	[tilespmem:$0x1C200] =	vst v63  }
0x60d: {  	s22 =	sld [smem:$0x73D];
	s16 =	sadd.s32 $0x800, s0  }
0x60e: {  	[tilespmem:s15], [sflag:$0x1] =	stream.linear.gather [spmem:s16], $0x80, $0x38;
	[tilespmem:$0x1C200] =	vst v63  }
0x60f: {  	s24 =	sld [smem:$0x73E];
	s21 =	sadd.s32 $0xC00, s0  }
0x610: {  	[tilespmem:s20], [sflag:$0x1] =	stream.linear.gather [spmem:s21], $0x80, $0x38;
	[tilespmem:$0x1C200] =	vst v63  }
0x611: {  	s26 =	sld [smem:$0x73F];
	s23 =	sadd.s32 $0x1000, s0  }
0x612: {  	[tilespmem:s22], [sflag:$0x1] =	stream.linear.gather [spmem:s23], $0x80, $0x38;
	[tilespmem:$0x1C200] =	vst v63  }
0x613: {  	s29 =	sld [smem:$0x740];
	s30 =	spop (v2sf);
	s25 =	sadd.s32 $0x1400, s0  }
0x614: {  	[tilespmem:s24], [sflag:$0x1] =	stream.linear.gather [spmem:s25], $0x80, $0x38;
	[tilespmem:$0x1C200] =	vst v63  }
0x615: {  	s31 =	sshll.u32 s30, $0xA;
	s3 =	sshll.u32 s30, $0x7;
	s28 =	sadd.s32 $0x1800, s0  }
0x616: {  	[tilespmem:s26], [sflag:$0x1] =	stream.linear.gather [spmem:s28], $0x80, $0x38;
	[tilespmem:$0x1C200] =	vst v63  }
0x617: {  	s0 =	sadd.s32 $0x1C00, s0;
	s6 =	sand.u32 $0xFFFFE000, s31;
	s7 =	sld [smem:$0x741]  }
0x618: {  	[tilespmem:s29], [sflag:$0x1] =	stream.linear.gather [spmem:s0], $0x80, $0x38;
	[tilespmem:$0x1C200] =	vst v63  }
0x619: {  	s3 =	sand.u32 $0x380, s3;
	s0 =	sadd.s32 s6, s1  }
0x61a: {  	s8 =	sld [smem:$0x742];
	s0 =	sadd.s32 s3, s0  }
0x61b: {  	[tilespmem:s7], [sflag:$0x1] =	stream.linear.gather [spmem:s0], $0x80, $0x38;
	[tilespmem:$0x1C200] =	vst v63  }
0x61c: {  	s15 =	sld [smem:$0x743];
	s10 =	sadd.s32 $0x400, s0  }
0x61d: {  	[tilespmem:s8], [sflag:$0x1] =	stream.linear.gather [spmem:s10], $0x80, $0x38;
	[tilespmem:$0x1C200] =	vst v63  }
0x61e: {  	s20 =	sld [smem:$0x744];
	s16 =	sadd.s32 $0x800, s0  }
0x61f: {  	[tilespmem:s15], [sflag:$0x1] =	stream.linear.gather [spmem:s16], $0x80, $0x38;
	[tilespmem:$0x1C200] =	vst v63  }
0x620: {  	s22 =	sld [smem:$0x745];
	s21 =	sadd.s32 $0xC00, s0  }
0x621: {  	[tilespmem:s20], [sflag:$0x1] =	stream.linear.gather [spmem:s21], $0x80, $0x38;
	[tilespmem:$0x1C200] =	vst v63  }
0x622: {  	s30 =	spop (v2sf);
	s24 =	sld [smem:$0x746];
	s23 =	sadd.s32 $0x1000, s0  }
0x623: {  	[tilespmem:s22], [sflag:$0x1] =	stream.linear.gather [spmem:s23], $0x80, $0x38;
	[tilespmem:$0x1C200] =	vst v63  }
0x624: {  	(v2sf) =	vpush v0, $0xB;
	s31 =	sshll.u32 s30, $0xA;
	s26 =	sld [smem:$0x747];
	s25 =	sadd.s32 $0x1400, s0  }
0x625: {  	[tilespmem:s24], [sflag:$0x1] =	stream.linear.gather [spmem:s25], $0x80, $0x38;
	[tilespmem:$0x1C200] =	vst v63  }
0x626: {  	s29 =	sld [smem:$0x748];
	s6 =	sand.u32 $0xFFFFE000, s31;
	s28 =	sadd.s32 $0x1800, s0  }
0x627: {  	[tilespmem:s26], [sflag:$0x1] =	stream.linear.gather [spmem:s28], $0x80, $0x38;
	[tilespmem:$0x1C200] =	vst v63  }
0x628: {  	s3 =	sshll.u32 s30, $0x7;
	s0 =	sadd.s32 $0x1C00, s0;
	s7 =	sld [smem:$0x749]  }
0x629: {  	[tilespmem:s29], [sflag:$0x1] =	stream.linear.gather [spmem:s0], $0x80, $0x38;
	[tilespmem:$0x1C200] =	vst v63  }
0x62a: {  	s3 =	sand.u32 $0x380, s3;
	s0 =	sadd.s32 s6, s1  }
0x62b: {  	s8 =	sld [smem:$0x74A];
	s0 =	sadd.s32 s3, s0  }
0x62c: {  	[tilespmem:s7], [sflag:$0x1] =	stream.linear.gather [spmem:s0], $0x80, $0x38;
	[tilespmem:$0x1C200] =	vst v63  }
0x62d: {  	s15 =	sld [smem:$0x74B];
	s10 =	sadd.s32 $0x400, s0  }
0x62e: {  	[tilespmem:s8], [sflag:$0x1] =	stream.linear.gather [spmem:s10], $0x80, $0x38;
	[tilespmem:$0x1C200] =	vst v63  }
0x62f: {  	s20 =	sld [smem:$0x74C];
	s16 =	sadd.s32 $0x800, s0  }
0x630: {  	[tilespmem:s15], [sflag:$0x1] =	stream.linear.gather [spmem:s16], $0x80, $0x38;
	[tilespmem:$0x1C200] =	vst v63  }
0x631: {  	s22 =	sld [smem:$0x74D];
	s21 =	sadd.s32 $0xC00, s0  }
0x632: {  	[tilespmem:s20], [sflag:$0x1] =	stream.linear.gather [spmem:s21], $0x80, $0x38;
	[tilespmem:$0x1C200] =	vst v63  }
0x633: {  	s30 =	spop (v2sf);
	s24 =	sld [smem:$0x74E];
	s23 =	sadd.s32 $0x1000, s0  }
0x634: {  	[tilespmem:s22], [sflag:$0x1] =	stream.linear.gather [spmem:s23], $0x80, $0x38;
	[tilespmem:$0x1C200] =	vst v63  }
0x635: {  	(v2sf) =	vpush v0, $0xC;
	s31 =	sshll.u32 s30, $0xA;
	s26 =	sld [smem:$0x74F];
	s25 =	sadd.s32 $0x1400, s0  }
0x636: {  	[tilespmem:s24], [sflag:$0x1] =	stream.linear.gather [spmem:s25], $0x80, $0x38;
	[tilespmem:$0x1C200] =	vst v63  }
0x637: {  	s29 =	sld [smem:$0x750];
	s6 =	sand.u32 $0xFFFFE000, s31;
	s28 =	sadd.s32 $0x1800, s0  }
0x638: {  	[tilespmem:s26], [sflag:$0x1] =	stream.linear.gather [spmem:s28], $0x80, $0x38;
	[tilespmem:$0x1C200] =	vst v63  }
0x639: {  	s3 =	sshll.u32 s30, $0x7;
	s0 =	sadd.s32 $0x1C00, s0;
	s7 =	sld [smem:$0x751]  }
0x63a: {  	[tilespmem:s29], [sflag:$0x1] =	stream.linear.gather [spmem:s0], $0x80, $0x38;
	[tilespmem:$0x1C200] =	vst v63  }
0x63b: {  	s3 =	sand.u32 $0x380, s3;
	s0 =	sadd.s32 s6, s1  }
0x63c: {  	s8 =	sld [smem:$0x752];
	s0 =	sadd.s32 s3, s0  }
0x63d: {  	[tilespmem:s7], [sflag:$0x1] =	stream.linear.gather [spmem:s0], $0x80, $0x38;
	[tilespmem:$0x1C200] =	vst v63  }
0x63e: {  	s15 =	sld [smem:$0x753];
	s10 =	sadd.s32 $0x400, s0  }
0x63f: {  	[tilespmem:s8], [sflag:$0x1] =	stream.linear.gather [spmem:s10], $0x80, $0x38;
	[tilespmem:$0x1C200] =	vst v63  }
0x640: {  	s20 =	sld [smem:$0x754];
	s16 =	sadd.s32 $0x800, s0  }
0x641: {  	[tilespmem:s15], [sflag:$0x1] =	stream.linear.gather [spmem:s16], $0x80, $0x38;
	[tilespmem:$0x1C200] =	vst v63  }
0x642: {  	s22 =	sld [smem:$0x755];
	s21 =	sadd.s32 $0xC00, s0  }
0x643: {  	[tilespmem:s20], [sflag:$0x1] =	stream.linear.gather [spmem:s21], $0x80, $0x38;
	[tilespmem:$0x1C200] =	vst v63  }
0x644: {  	s30 =	spop (v2sf);
	s24 =	sld [smem:$0x756];
	s23 =	sadd.s32 $0x1000, s0  }
0x645: {  	[tilespmem:s22], [sflag:$0x1] =	stream.linear.gather [spmem:s23], $0x80, $0x38;
	[tilespmem:$0x1C200] =	vst v63  }
0x646: {  	(v2sf) =	vpush v0, $0xD;
	s31 =	sshll.u32 s30, $0xA;
	s26 =	sld [smem:$0x757];
	s25 =	sadd.s32 $0x1400, s0  }
0x647: {  	[tilespmem:s24], [sflag:$0x1] =	stream.linear.gather [spmem:s25], $0x80, $0x38;
	[tilespmem:$0x1C200] =	vst v63  }
0x648: {  	s29 =	sld [smem:$0x758];
	s6 =	sand.u32 $0xFFFFE000, s31;
	s28 =	sadd.s32 $0x1800, s0  }
0x649: {  	[tilespmem:s26], [sflag:$0x1] =	stream.linear.gather [spmem:s28], $0x80, $0x38;
	[tilespmem:$0x1C200] =	vst v63  }
0x64a: {  	s3 =	sshll.u32 s30, $0x7;
	s0 =	sadd.s32 $0x1C00, s0;
	s7 =	sld [smem:$0x759]  }
0x64b: {  	[tilespmem:s29], [sflag:$0x1] =	stream.linear.gather [spmem:s0], $0x80, $0x38;
	[tilespmem:$0x1C200] =	vst v63  }
0x64c: {  	s3 =	sand.u32 $0x380, s3;
	s0 =	sadd.s32 s6, s1  }
0x64d: {  	s8 =	sld [smem:$0x75A];
	s0 =	sadd.s32 s3, s0  }
0x64e: {  	[tilespmem:s7], [sflag:$0x1] =	stream.linear.gather [spmem:s0], $0x80, $0x38;
	[tilespmem:$0x1C200] =	vst v63  }
0x64f: {  	s15 =	sld [smem:$0x75B];
	s10 =	sadd.s32 $0x400, s0  }
0x650: {  	[tilespmem:s8], [sflag:$0x1] =	stream.linear.gather [spmem:s10], $0x80, $0x38;
	[tilespmem:$0x1C200] =	vst v63  }
0x651: {  	s20 =	sld [smem:$0x75C];
	s16 =	sadd.s32 $0x800, s0  }
0x652: {  	[tilespmem:s15], [sflag:$0x1] =	stream.linear.gather [spmem:s16], $0x80, $0x38;
	[tilespmem:$0x1C200] =	vst v63  }
0x653: {  	s22 =	sld [smem:$0x75D];
	s21 =	sadd.s32 $0xC00, s0  }
0x654: {  	[tilespmem:s20], [sflag:$0x1] =	stream.linear.gather [spmem:s21], $0x80, $0x38;
	[tilespmem:$0x1C200] =	vst v63  }
0x655: {  	s30 =	spop (v2sf);
	s24 =	sld [smem:$0x75E];
	s23 =	sadd.s32 $0x1000, s0  }
0x656: {  	[tilespmem:s22], [sflag:$0x1] =	stream.linear.gather [spmem:s23], $0x80, $0x38;
	[tilespmem:$0x1C200] =	vst v63  }
0x657: {  	(v2sf) =	vpush v0, $0xE;
	s31 =	sshll.u32 s30, $0xA;
	s26 =	sld [smem:$0x75F];
	s25 =	sadd.s32 $0x1400, s0  }
0x658: {  	[tilespmem:s24], [sflag:$0x1] =	stream.linear.gather [spmem:s25], $0x80, $0x38;
	[tilespmem:$0x1C200] =	vst v63  }
0x659: {  	s29 =	sld [smem:$0x760];
	s6 =	sand.u32 $0xFFFFE000, s31;
	s28 =	sadd.s32 $0x1800, s0  }
0x65a: {  	[tilespmem:s26], [sflag:$0x1] =	stream.linear.gather [spmem:s28], $0x80, $0x38;
	[tilespmem:$0x1C200] =	vst v63  }
0x65b: {  	s3 =	sshll.u32 s30, $0x7;
	s0 =	sadd.s32 $0x1C00, s0;
	s7 =	sld [smem:$0x761]  }
0x65c: {  	[tilespmem:s29], [sflag:$0x1] =	stream.linear.gather [spmem:s0], $0x80, $0x38;
	[tilespmem:$0x1C200] =	vst v63  }
0x65d: {  	s3 =	sand.u32 $0x380, s3;
	s0 =	sadd.s32 s6, s1  }
0x65e: {  	s8 =	sld [smem:$0x762];
	s0 =	sadd.s32 s3, s0  }
0x65f: {  	[tilespmem:s7], [sflag:$0x1] =	stream.linear.gather [spmem:s0], $0x80, $0x38;
	[tilespmem:$0x1C200] =	vst v63  }
0x660: {  	s15 =	sld [smem:$0x763];
	s10 =	sadd.s32 $0x400, s0  }
0x661: {  	[tilespmem:s8], [sflag:$0x1] =	stream.linear.gather [spmem:s10], $0x80, $0x38;
	[tilespmem:$0x1C200] =	vst v63  }
0x662: {  	s20 =	sld [smem:$0x764];
	s16 =	sadd.s32 $0x800, s0  }
0x663: {  	[tilespmem:s15], [sflag:$0x1] =	stream.linear.gather [spmem:s16], $0x80, $0x38;
	[tilespmem:$0x1C200] =	vst v63  }
0x664: {  	s22 =	sld [smem:$0x765];
	s21 =	sadd.s32 $0xC00, s0  }
0x665: {  	[tilespmem:s20], [sflag:$0x1] =	stream.linear.gather [spmem:s21], $0x80, $0x38;
	[tilespmem:$0x1C200] =	vst v63  }
0x666: {  	s30 =	spop (v2sf);
	s24 =	sld [smem:$0x766];
	s23 =	sadd.s32 $0x1000, s0  }
0x667: {  	[tilespmem:s22], [sflag:$0x1] =	stream.linear.gather [spmem:s23], $0x80, $0x38;
	[tilespmem:$0x1C200] =	vst v63  }
0x668: {  	s31 =	sshll.u32 s30, $0xA;
	s26 =	sld [smem:$0x767];
	s25 =	sadd.s32 $0x1400, s0  }
0x669: {  	[tilespmem:s24], [sflag:$0x1] =	stream.linear.gather [spmem:s25], $0x80, $0x38;
	[tilespmem:$0x1C200] =	vst v63  }
0x66a: {  	(v2sf) =	vpush v0, $0xF;
	s29 =	sld [smem:$0x768];
	s3 =	sshll.u32 s30, $0x7;
	s28 =	sadd.s32 $0x1800, s0  }
0x66b: {  	[tilespmem:s26], [sflag:$0x1] =	stream.linear.gather [spmem:s28], $0x80, $0x38;
	[tilespmem:$0x1C200] =	vst v63  }
0x66c: {  	s0 =	sadd.s32 $0x1C00, s0;
	s7 =	sand.u32 $0xFFFFE000, s31;
	s8 =	sld [smem:$0x769]  }
0x66d: {  	[tilespmem:s29], [sflag:$0x1] =	stream.linear.gather [spmem:s0], $0x80, $0x38;
	[tilespmem:$0x1C200] =	vst v63  }
0x66e: {  	s30 =	sld [smem:$0x770];
	s3 =	sand.u32 $0x380, s3;
	s0 =	sadd.s32 s7, s1  }
0x66f: {  	s10 =	sld [smem:$0x76A];
	s0 =	sadd.s32 s3, s0  }
0x670: {  	[tilespmem:s8], [sflag:$0x1] =	stream.linear.gather [spmem:s0], $0x80, $0x38;
	[tilespmem:$0x1C200] =	vst v63  }
0x671: {  	s16 =	sld [smem:$0x76B];
	s15 =	sadd.s32 $0x400, s0  }
0x672: {  	[tilespmem:s10], [sflag:$0x1] =	stream.linear.gather [spmem:s15], $0x80, $0x38;
	[tilespmem:$0x1C200] =	vst v63  }
0x673: {  	s21 =	sld [smem:$0x76C];
	s20 =	sadd.s32 $0x800, s0  }
0x674: {  	[tilespmem:s16], [sflag:$0x1] =	stream.linear.gather [spmem:s20], $0x80, $0x38;
	[tilespmem:$0x1C200] =	vst v63  }
0x675: {  	s23 =	sld [smem:$0x76D];
	s22 =	sadd.s32 $0xC00, s0  }
0x676: {  	[tilespmem:s21], [sflag:$0x1] =	stream.linear.gather [spmem:s22], $0x80, $0x38;
	[tilespmem:$0x1C200] =	vst v63  }
0x677: {  	s25 =	sld [smem:$0x76E];
	s24 =	sadd.s32 $0x1000, s0  }
0x678: {  	[tilespmem:s23], [sflag:$0x1] =	stream.linear.gather [spmem:s24], $0x80, $0x38;
	[tilespmem:$0x1C200] =	vst v63  }
0x679: {  	s31 =	spop (v2sf);
	s28 =	sld [smem:$0x76F];
	s26 =	sadd.s32 $0x1400, s0  }
0x67a: {  	[tilespmem:s25], [sflag:$0x1] =	stream.linear.gather [spmem:s26], $0x80, $0x38;
	[tilespmem:$0x1C200] =	vst v63  }
0x67b: {  	s7 =	sshll.u32 s31, $0xA;
	s3 =	sshll.u32 s31, $0x7;
	s29 =	sadd.s32 $0x1800, s0  }
0x67c: {  	[tilespmem:s28], [sflag:$0x1] =	stream.linear.gather [spmem:s29], $0x80, $0x38;
	[tilespmem:$0x1C200] =	vst v63  }
0x67d: {  	s0 =	sadd.s32 $0x1C00, s0;
	s8 =	sand.u32 $0xFFFFE000, s7;
	s10 =	sld [smem:$0x771]  }
0x67e: {  	[tilespmem:s30], [sflag:$0x1] =	stream.linear.gather [spmem:s0], $0x80, $0x38;
	[tilespmem:$0x1C200] =	vst v63  }
0x67f: {  	s3 =	sand.u32 $0x380, s3;
	s0 =	sadd.s32 s8, s1  }
0x680: {  	s15 =	sld [smem:$0x772];
	s0 =	sadd.s32 s3, s0  }
0x681: {  	[tilespmem:s10], [sflag:$0x1] =	stream.linear.gather [spmem:s0], $0x80, $0x38;
	[tilespmem:$0x1C200] =	vst v63  }
0x682: {  	s20 =	sld [smem:$0x773];
	s16 =	sadd.s32 $0x400, s0  }
0x683: {  	[tilespmem:s15], [sflag:$0x1] =	stream.linear.gather [spmem:s16], $0x80, $0x38;
	[tilespmem:$0x1C200] =	vst v63  }
0x684: {  	s22 =	sld [smem:$0x774];
	s21 =	sadd.s32 $0x800, s0  }
0x685: {  	[tilespmem:s20], [sflag:$0x1] =	stream.linear.gather [spmem:s21], $0x80, $0x38;
	[tilespmem:$0x1C200] =	vst v63  }
0x686: {  	s24 =	sld [smem:$0x775];
	s23 =	sadd.s32 $0xC00, s0  }
0x687: {  	[tilespmem:s22], [sflag:$0x1] =	stream.linear.gather [spmem:s23], $0x80, $0x38;
	[tilespmem:$0x1C200] =	vst v63  }
0x688: {  	s26 =	sld [smem:$0x776];
	s25 =	sadd.s32 $0x1000, s0  }
0x689: {  	[tilespmem:s24], [sflag:$0x1] =	stream.linear.gather [spmem:s25], $0x80, $0x38;
	[tilespmem:$0x1C200] =	vst v63  }
0x68a: {  	s29 =	sld [smem:$0x777];
	s28 =	sadd.s32 $0x1400, s0  }
0x68b: {  	[tilespmem:s26], [sflag:$0x1] =	stream.linear.gather [spmem:s28], $0x80, $0x38;
	[tilespmem:$0x1C200] =	vst v63  }
0x68c: {  	s31 =	sld [smem:$0x778];
	s30 =	sadd.s32 $0x1800, s0  }
0x68d: {  	[tilespmem:s29], [sflag:$0x1] =	stream.linear.gather [spmem:s30], $0x80, $0x38;
	[tilespmem:$0x1C200] =	vst v63  }
0x68e: {  	s0 =	sadd.s32 $0x1C00, s0  }
0x68f: {  	[tilespmem:s31], [sflag:$0x1] =	stream.linear.gather [spmem:s0], $0x80, $0x38;
	[tilespmem:$0x1C200] =	vst v63  }
0x690: {  	_ =	swait.ge [sflag:s12], $0x4000  }
0x691: {  	s6 =	rddreg [dreg:$0x4];
	[sflag:s12] =	ssyncset.done $0x0  }
0x692: {  	s0 =	simm.s32 @!p1 $0x4;
	[sflag:s12] =	ssyncadd.s32 $0xFFFFC000;
	s19 =	sadd.s32 s19, s6  }
0x693: {  	[hbm4b:s19+s2] =	stream.linear.scatter [tilespmem:s11], [sflag:$0x3], $0x4000, $0x38;
	[tilespmem:$0x1C200] =	vst v63  }
0x694: {  	_ =	swait.ge @!p1 [sflag:s0], $0x4000  }
0x695: {  	[sflag:s0] =	ssyncset.done @!p1 $0x0  }
0x696: {  	[sflag:s0] =	ssyncadd.s32 @!p1 $0xFFFFC000  }
0x697: {  	v63 =	vld [tilespmem:s18+$0x0];
	_ =	sdelay $0x4  }
0x698: {  	(v2sf) =	vpush v63, $0x0;
	_ =	sdelay $0xe  }
0x699: {  	s7 =	spop (v2sf)  }
0x69a: {  	(v2sf) =	vpush v63, $0x1;
	s8 =	sshll.u32 s7, $0xA  }
0x69b: {  	s0 =	sshll.u32 s7, $0x7;
	s3 =	sand.u32 $0xFFFFE000, s8  }
0x69c: {  	s0 =	sand.u32 $0x380, s0;
	s3 =	sadd.s32 s3, s1  }
0x69d: {  	s10 =	sld [smem:$0x779];
	s0 =	sadd.s32 s0, s3  }
0x69e: {  	[tilespmem:s13], [sflag:$0x2] =	stream.linear.gather [spmem:s0], $0x80, $0x38;
	[tilespmem:$0x1C200] =	vst v63  }
0x69f: {  	s16 =	sld [smem:$0x77A];
	s15 =	sadd.s32 $0x400, s0  }
0x6a0: {  	[tilespmem:s10], [sflag:$0x2] =	stream.linear.gather [spmem:s15], $0x80, $0x38;
	[tilespmem:$0x1C200] =	vst v63  }
0x6a1: {  	s20 =	sld [smem:$0x77B];
	s18 =	sadd.s32 $0x800, s0  }
0x6a2: {  	[tilespmem:s16], [sflag:$0x2] =	stream.linear.gather [spmem:s18], $0x80, $0x38;
	[tilespmem:$0x1C200] =	vst v63  }
0x6a3: {  	s22 =	sld [smem:$0x77C];
	s21 =	sadd.s32 $0xC00, s0  }
0x6a4: {  	[tilespmem:s20], [sflag:$0x2] =	stream.linear.gather [spmem:s21], $0x80, $0x38;
	[tilespmem:$0x1C200] =	vst v63  }
0x6a5: {  	s23 =	sld [smem:$0x77D];
	s24 =	sadd.s32 $0x1000, s0  }
0x6a6: {  	[tilespmem:s22], [sflag:$0x2] =	stream.linear.gather [spmem:s24], $0x80, $0x38;
	[tilespmem:$0x1C200] =	vst v63  }
0x6a7: {  	s26 =	sld [smem:$0x77E];
	s25 =	sadd.s32 $0x1400, s0  }
0x6a8: {  	[tilespmem:s23], [sflag:$0x2] =	stream.linear.gather [spmem:s25], $0x80, $0x38;
	[tilespmem:$0x1C200] =	vst v63  }
0x6a9: {  	s29 =	sld [smem:$0x77F];
	s30 =	spop (v2sf)  }
0x6aa: {  	s8 =	sld [smem:$0x780];
	s28 =	sadd.s32 $0x1800, s0;
	(v2sf) =	vpush v63, $0x2;
	s31 =	sshll.u32 s30, $0xA  }
0x6ab: {  	[tilespmem:s26], [sflag:$0x2] =	stream.linear.gather [spmem:s28], $0x80, $0x38;
	[tilespmem:$0x1C200] =	vst v63  }
0x6ac: {  	s0 =	sadd.s32 $0x1C00, s0;
	s5 =	sshll.u32 s30, $0x7;
	s7 =	sand.u32 $0xFFFFE000, s31  }
0x6ad: {  	[tilespmem:s29], [sflag:$0x2] =	stream.linear.gather [spmem:s0], $0x80, $0x38;
	[tilespmem:$0x1C200] =	vst v63  }
0x6ae: {  	s10 =	sld [smem:$0x781];
	s3 =	sadd.s32 s7, s1;
	s0 =	sand.u32 $0x380, s5  }
0x6af: {  	s16 =	sld [smem:$0x782];
	s0 =	sadd.s32 s0, s3  }
0x6b0: {  	[tilespmem:s8], [sflag:$0x2] =	stream.linear.gather [spmem:s0], $0x80, $0x38;
	[tilespmem:$0x1C200] =	vst v63  }
0x6b1: {  	s20 =	sld [smem:$0x783];
	s15 =	sadd.s32 $0x400, s0  }
0x6b2: {  	[tilespmem:s10], [sflag:$0x2] =	stream.linear.gather [spmem:s15], $0x80, $0x38;
	[tilespmem:$0x1C200] =	vst v63  }
0x6b3: {  	s22 =	sld [smem:$0x784];
	s18 =	sadd.s32 $0x800, s0  }
0x6b4: {  	[tilespmem:s16], [sflag:$0x2] =	stream.linear.gather [spmem:s18], $0x80, $0x38;
	[tilespmem:$0x1C200] =	vst v63  }
0x6b5: {  	s24 =	sld [smem:$0x785];
	s21 =	sadd.s32 $0xC00, s0  }
0x6b6: {  	[tilespmem:s20], [sflag:$0x2] =	stream.linear.gather [spmem:s21], $0x80, $0x38;
	[tilespmem:$0x1C200] =	vst v63  }
0x6b7: {  	s26 =	sld [smem:$0x786];
	s23 =	sadd.s32 $0x1000, s0  }
0x6b8: {  	[tilespmem:s22], [sflag:$0x2] =	stream.linear.gather [spmem:s23], $0x80, $0x38;
	[tilespmem:$0x1C200] =	vst v63  }
0x6b9: {  	s29 =	sld [smem:$0x787];
	s25 =	sadd.s32 $0x1400, s0;
	s30 =	spop (v2sf)  }
0x6ba: {  	[tilespmem:s24], [sflag:$0x2] =	stream.linear.gather [spmem:s25], $0x80, $0x38;
	[tilespmem:$0x1C200] =	vst v63  }
0x6bb: {  	s28 =	sadd.s32 $0x1800, s0;
	s0 =	sadd.s32 $0x1C00, s0;
	(v2sf) =	vpush v63, $0x3;
	s31 =	sshll.u32 s30, $0xA  }
0x6bc: {  	[tilespmem:s26], [sflag:$0x2] =	stream.linear.gather [spmem:s28], $0x80, $0x38;
	[tilespmem:$0x1C200] =	vst v63  }
0x6bd: {  	s8 =	sld [smem:$0x788];
	s3 =	sshll.u32 s30, $0x7;
	s7 =	sand.u32 $0xFFFFE000, s31  }
0x6be: {  	[tilespmem:s29], [sflag:$0x2] =	stream.linear.gather [spmem:s0], $0x80, $0x38;
	[tilespmem:$0x1C200] =	vst v63  }
0x6bf: {  	s10 =	sld [smem:$0x789];
	s3 =	sand.u32 $0x380, s3;
	s0 =	sadd.s32 s7, s1  }
0x6c0: {  	s16 =	sld [smem:$0x78A];
	s0 =	sadd.s32 s3, s0  }
0x6c1: {  	[tilespmem:s8], [sflag:$0x2] =	stream.linear.gather [spmem:s0], $0x80, $0x38;
	[tilespmem:$0x1C200] =	vst v63  }
0x6c2: {  	s20 =	sld [smem:$0x78B];
	s15 =	sadd.s32 $0x400, s0  }
0x6c3: {  	[tilespmem:s10], [sflag:$0x2] =	stream.linear.gather [spmem:s15], $0x80, $0x38;
	[tilespmem:$0x1C200] =	vst v63  }
0x6c4: {  	s22 =	sld [smem:$0x78C];
	s18 =	sadd.s32 $0x800, s0  }
0x6c5: {  	[tilespmem:s16], [sflag:$0x2] =	stream.linear.gather [spmem:s18], $0x80, $0x38;
	[tilespmem:$0x1C200] =	vst v63  }
0x6c6: {  	s24 =	sld [smem:$0x78D];
	s21 =	sadd.s32 $0xC00, s0  }
0x6c7: {  	[tilespmem:s20], [sflag:$0x2] =	stream.linear.gather [spmem:s21], $0x80, $0x38;
	[tilespmem:$0x1C200] =	vst v63  }
0x6c8: {  	s26 =	sld [smem:$0x78E];
	s23 =	sadd.s32 $0x1000, s0  }
0x6c9: {  	[tilespmem:s22], [sflag:$0x2] =	stream.linear.gather [spmem:s23], $0x80, $0x38;
	[tilespmem:$0x1C200] =	vst v63  }
0x6ca: {  	s29 =	sld [smem:$0x78F];
	s25 =	sadd.s32 $0x1400, s0;
	s30 =	spop (v2sf)  }
0x6cb: {  	[tilespmem:s24], [sflag:$0x2] =	stream.linear.gather [spmem:s25], $0x80, $0x38;
	[tilespmem:$0x1C200] =	vst v63  }
0x6cc: {  	s28 =	sadd.s32 $0x1800, s0;
	s0 =	sadd.s32 $0x1C00, s0;
	(v2sf) =	vpush v63, $0x4;
	s31 =	sshll.u32 s30, $0xA  }
0x6cd: {  	[tilespmem:s26], [sflag:$0x2] =	stream.linear.gather [spmem:s28], $0x80, $0x38;
	[tilespmem:$0x1C200] =	vst v63  }
0x6ce: {  	s8 =	sld [smem:$0x790];
	s3 =	sshll.u32 s30, $0x7;
	s7 =	sand.u32 $0xFFFFE000, s31  }
0x6cf: {  	[tilespmem:s29], [sflag:$0x2] =	stream.linear.gather [spmem:s0], $0x80, $0x38;
	[tilespmem:$0x1C200] =	vst v63  }
0x6d0: {  	s10 =	sld [smem:$0x791];
	s3 =	sand.u32 $0x380, s3;
	s0 =	sadd.s32 s7, s1  }
0x6d1: {  	s16 =	sld [smem:$0x792];
	s0 =	sadd.s32 s3, s0  }
0x6d2: {  	[tilespmem:s8], [sflag:$0x2] =	stream.linear.gather [spmem:s0], $0x80, $0x38;
	[tilespmem:$0x1C200] =	vst v63  }
0x6d3: {  	s20 =	sld [smem:$0x793];
	s15 =	sadd.s32 $0x400, s0  }
0x6d4: {  	[tilespmem:s10], [sflag:$0x2] =	stream.linear.gather [spmem:s15], $0x80, $0x38;
	[tilespmem:$0x1C200] =	vst v63  }
0x6d5: {  	s22 =	sld [smem:$0x794];
	s18 =	sadd.s32 $0x800, s0  }
0x6d6: {  	[tilespmem:s16], [sflag:$0x2] =	stream.linear.gather [spmem:s18], $0x80, $0x38;
	[tilespmem:$0x1C200] =	vst v63  }
0x6d7: {  	s24 =	sld [smem:$0x795];
	s21 =	sadd.s32 $0xC00, s0  }
0x6d8: {  	[tilespmem:s20], [sflag:$0x2] =	stream.linear.gather [spmem:s21], $0x80, $0x38;
	[tilespmem:$0x1C200] =	vst v63  }
0x6d9: {  	s26 =	sld [smem:$0x796];
	s23 =	sadd.s32 $0x1000, s0  }
0x6da: {  	[tilespmem:s22], [sflag:$0x2] =	stream.linear.gather [spmem:s23], $0x80, $0x38;
	[tilespmem:$0x1C200] =	vst v63  }
0x6db: {  	s29 =	sld [smem:$0x797];
	s25 =	sadd.s32 $0x1400, s0;
	s30 =	spop (v2sf)  }
0x6dc: {  	[tilespmem:s24], [sflag:$0x2] =	stream.linear.gather [spmem:s25], $0x80, $0x38;
	[tilespmem:$0x1C200] =	vst v63  }
0x6dd: {  	s28 =	sadd.s32 $0x1800, s0;
	s0 =	sadd.s32 $0x1C00, s0;
	(v2sf) =	vpush v63, $0x5;
	s31 =	sshll.u32 s30, $0xA  }
0x6de: {  	[tilespmem:s26], [sflag:$0x2] =	stream.linear.gather [spmem:s28], $0x80, $0x38;
	[tilespmem:$0x1C200] =	vst v63  }
0x6df: {  	s8 =	sld [smem:$0x798];
	s3 =	sshll.u32 s30, $0x7;
	s7 =	sand.u32 $0xFFFFE000, s31  }
0x6e0: {  	[tilespmem:s29], [sflag:$0x2] =	stream.linear.gather [spmem:s0], $0x80, $0x38;
	[tilespmem:$0x1C200] =	vst v63  }
0x6e1: {  	s10 =	sld [smem:$0x799];
	s3 =	sand.u32 $0x380, s3;
	s0 =	sadd.s32 s7, s1  }
0x6e2: {  	s16 =	sld [smem:$0x79A];
	s0 =	sadd.s32 s3, s0  }
0x6e3: {  	[tilespmem:s8], [sflag:$0x2] =	stream.linear.gather [spmem:s0], $0x80, $0x38;
	[tilespmem:$0x1C200] =	vst v63  }
0x6e4: {  	s20 =	sld [smem:$0x79B];
	s15 =	sadd.s32 $0x400, s0  }
0x6e5: {  	[tilespmem:s10], [sflag:$0x2] =	stream.linear.gather [spmem:s15], $0x80, $0x38;
	[tilespmem:$0x1C200] =	vst v63  }
0x6e6: {  	s22 =	sld [smem:$0x79C];
	s18 =	sadd.s32 $0x800, s0  }
0x6e7: {  	[tilespmem:s16], [sflag:$0x2] =	stream.linear.gather [spmem:s18], $0x80, $0x38;
	[tilespmem:$0x1C200] =	vst v63  }
0x6e8: {  	s24 =	sld [smem:$0x79D];
	s21 =	sadd.s32 $0xC00, s0  }
0x6e9: {  	[tilespmem:s20], [sflag:$0x2] =	stream.linear.gather [spmem:s21], $0x80, $0x38;
	[tilespmem:$0x1C200] =	vst v63  }
0x6ea: {  	s26 =	sld [smem:$0x79E];
	s23 =	sadd.s32 $0x1000, s0  }
0x6eb: {  	[tilespmem:s22], [sflag:$0x2] =	stream.linear.gather [spmem:s23], $0x80, $0x38;
	[tilespmem:$0x1C200] =	vst v63  }
0x6ec: {  	s29 =	sld [smem:$0x79F];
	s25 =	sadd.s32 $0x1400, s0;
	s30 =	spop (v2sf)  }
0x6ed: {  	[tilespmem:s24], [sflag:$0x2] =	stream.linear.gather [spmem:s25], $0x80, $0x38;
	[tilespmem:$0x1C200] =	vst v63  }
0x6ee: {  	s28 =	sadd.s32 $0x1800, s0;
	s0 =	sadd.s32 $0x1C00, s0;
	(v2sf) =	vpush v63, $0x6;
	s31 =	sshll.u32 s30, $0xA  }
0x6ef: {  	[tilespmem:s26], [sflag:$0x2] =	stream.linear.gather [spmem:s28], $0x80, $0x38;
	[tilespmem:$0x1C200] =	vst v63  }
0x6f0: {  	s8 =	sld [smem:$0x7A0];
	s3 =	sshll.u32 s30, $0x7;
	s7 =	sand.u32 $0xFFFFE000, s31  }
0x6f1: {  	[tilespmem:s29], [sflag:$0x2] =	stream.linear.gather [spmem:s0], $0x80, $0x38;
	[tilespmem:$0x1C200] =	vst v63  }
0x6f2: {  	s10 =	sld [smem:$0x7A1];
	s3 =	sand.u32 $0x380, s3;
	s0 =	sadd.s32 s7, s1  }
0x6f3: {  	s16 =	sld [smem:$0x7A2];
	s0 =	sadd.s32 s3, s0  }
0x6f4: {  	[tilespmem:s8], [sflag:$0x2] =	stream.linear.gather [spmem:s0], $0x80, $0x38;
	[tilespmem:$0x1C200] =	vst v63  }
0x6f5: {  	s20 =	sld [smem:$0x7A3];
	s15 =	sadd.s32 $0x400, s0  }
0x6f6: {  	[tilespmem:s10], [sflag:$0x2] =	stream.linear.gather [spmem:s15], $0x80, $0x38;
	[tilespmem:$0x1C200] =	vst v63  }
0x6f7: {  	s22 =	sld [smem:$0x7A4];
	s18 =	sadd.s32 $0x800, s0  }
0x6f8: {  	[tilespmem:s16], [sflag:$0x2] =	stream.linear.gather [spmem:s18], $0x80, $0x38;
	[tilespmem:$0x1C200] =	vst v63  }
0x6f9: {  	s24 =	sld [smem:$0x7A5];
	s21 =	sadd.s32 $0xC00, s0  }
0x6fa: {  	[tilespmem:s20], [sflag:$0x2] =	stream.linear.gather [spmem:s21], $0x80, $0x38;
	[tilespmem:$0x1C200] =	vst v63  }
0x6fb: {  	s26 =	sld [smem:$0x7A6];
	s23 =	sadd.s32 $0x1000, s0  }
0x6fc: {  	[tilespmem:s22], [sflag:$0x2] =	stream.linear.gather [spmem:s23], $0x80, $0x38;
	[tilespmem:$0x1C200] =	vst v63  }
0x6fd: {  	s29 =	sld [smem:$0x7A7];
	s25 =	sadd.s32 $0x1400, s0;
	s30 =	spop (v2sf)  }
0x6fe: {  	[tilespmem:s24], [sflag:$0x2] =	stream.linear.gather [spmem:s25], $0x80, $0x38;
	[tilespmem:$0x1C200] =	vst v63  }
0x6ff: {  	s28 =	sadd.s32 $0x1800, s0;
	s0 =	sadd.s32 $0x1C00, s0;
	(v2sf) =	vpush v63, $0x7;
	s31 =	sshll.u32 s30, $0xA  }
0x700: {  	[tilespmem:s26], [sflag:$0x2] =	stream.linear.gather [spmem:s28], $0x80, $0x38;
	[tilespmem:$0x1C200] =	vst v63  }
0x701: {  	s8 =	sld [smem:$0x7A8];
	s3 =	sshll.u32 s30, $0x7;
	s7 =	sand.u32 $0xFFFFE000, s31  }
0x702: {  	[tilespmem:s29], [sflag:$0x2] =	stream.linear.gather [spmem:s0], $0x80, $0x38;
	[tilespmem:$0x1C200] =	vst v63  }
0x703: {  	s10 =	sld [smem:$0x7A9];
	s3 =	sand.u32 $0x380, s3;
	s0 =	sadd.s32 s7, s1  }
0x704: {  	s16 =	sld [smem:$0x7AA];
	s0 =	sadd.s32 s3, s0  }
0x705: {  	[tilespmem:s8], [sflag:$0x2] =	stream.linear.gather [spmem:s0], $0x80, $0x38;
	[tilespmem:$0x1C200] =	vst v63  }
0x706: {  	s20 =	sld [smem:$0x7AB];
	s15 =	sadd.s32 $0x400, s0  }
0x707: {  	[tilespmem:s10], [sflag:$0x2] =	stream.linear.gather [spmem:s15], $0x80, $0x38;
	[tilespmem:$0x1C200] =	vst v63  }
0x708: {  	s22 =	sld [smem:$0x7AC];
	s18 =	sadd.s32 $0x800, s0  }
0x709: {  	[tilespmem:s16], [sflag:$0x2] =	stream.linear.gather [spmem:s18], $0x80, $0x38;
	[tilespmem:$0x1C200] =	vst v63  }
0x70a: {  	s24 =	sld [smem:$0x7AD];
	s21 =	sadd.s32 $0xC00, s0  }
0x70b: {  	[tilespmem:s20], [sflag:$0x2] =	stream.linear.gather [spmem:s21], $0x80, $0x38;
	[tilespmem:$0x1C200] =	vst v63  }
0x70c: {  	s26 =	sld [smem:$0x7AE];
	s23 =	sadd.s32 $0x1000, s0  }
0x70d: {  	[tilespmem:s22], [sflag:$0x2] =	stream.linear.gather [spmem:s23], $0x80, $0x38;
	[tilespmem:$0x1C200] =	vst v63  }
0x70e: {  	s29 =	sld [smem:$0x7AF];
	s25 =	sadd.s32 $0x1400, s0;
	s30 =	spop (v2sf)  }
0x70f: {  	[tilespmem:s24], [sflag:$0x2] =	stream.linear.gather [spmem:s25], $0x80, $0x38;
	[tilespmem:$0x1C200] =	vst v63  }
0x710: {  	s28 =	sadd.s32 $0x1800, s0;
	s0 =	sadd.s32 $0x1C00, s0;
	(v2sf) =	vpush v63, $0x8;
	s31 =	sshll.u32 s30, $0xA  }
0x711: {  	[tilespmem:s26], [sflag:$0x2] =	stream.linear.gather [spmem:s28], $0x80, $0x38;
	[tilespmem:$0x1C200] =	vst v63  }
0x712: {  	s8 =	sld [smem:$0x7B0];
	s3 =	sshll.u32 s30, $0x7;
	s7 =	sand.u32 $0xFFFFE000, s31  }
0x713: {  	[tilespmem:s29], [sflag:$0x2] =	stream.linear.gather [spmem:s0], $0x80, $0x38;
	[tilespmem:$0x1C200] =	vst v63  }
0x714: {  	s10 =	sld [smem:$0x7B1];
	s3 =	sand.u32 $0x380, s3;
	s0 =	sadd.s32 s7, s1  }
0x715: {  	s16 =	sld [smem:$0x7B2];
	s0 =	sadd.s32 s3, s0  }
0x716: {  	[tilespmem:s8], [sflag:$0x2] =	stream.linear.gather [spmem:s0], $0x80, $0x38;
	[tilespmem:$0x1C200] =	vst v63  }
0x717: {  	s20 =	sld [smem:$0x7B3];
	s15 =	sadd.s32 $0x400, s0  }
0x718: {  	[tilespmem:s10], [sflag:$0x2] =	stream.linear.gather [spmem:s15], $0x80, $0x38;
	[tilespmem:$0x1C200] =	vst v63  }
0x719: {  	s22 =	sld [smem:$0x7B4];
	s18 =	sadd.s32 $0x800, s0  }
0x71a: {  	[tilespmem:s16], [sflag:$0x2] =	stream.linear.gather [spmem:s18], $0x80, $0x38;
	[tilespmem:$0x1C200] =	vst v63  }
0x71b: {  	s24 =	sld [smem:$0x7B5];
	s21 =	sadd.s32 $0xC00, s0  }
0x71c: {  	[tilespmem:s20], [sflag:$0x2] =	stream.linear.gather [spmem:s21], $0x80, $0x38;
	[tilespmem:$0x1C200] =	vst v63  }
0x71d: {  	s26 =	sld [smem:$0x7B6];
	s23 =	sadd.s32 $0x1000, s0  }
0x71e: {  	[tilespmem:s22], [sflag:$0x2] =	stream.linear.gather [spmem:s23], $0x80, $0x38;
	[tilespmem:$0x1C200] =	vst v63  }
0x71f: {  	s29 =	sld [smem:$0x7B7];
	s25 =	sadd.s32 $0x1400, s0;
	s30 =	spop (v2sf)  }
0x720: {  	[tilespmem:s24], [sflag:$0x2] =	stream.linear.gather [spmem:s25], $0x80, $0x38;
	[tilespmem:$0x1C200] =	vst v63  }
0x721: {  	s28 =	sadd.s32 $0x1800, s0;
	s0 =	sadd.s32 $0x1C00, s0;
	(v2sf) =	vpush v63, $0x9;
	s31 =	sshll.u32 s30, $0xA  }
0x722: {  	[tilespmem:s26], [sflag:$0x2] =	stream.linear.gather [spmem:s28], $0x80, $0x38;
	[tilespmem:$0x1C200] =	vst v63  }
0x723: {  	s8 =	sld [smem:$0x7B8];
	s3 =	sshll.u32 s30, $0x7;
	s7 =	sand.u32 $0xFFFFE000, s31  }
0x724: {  	[tilespmem:s29], [sflag:$0x2] =	stream.linear.gather [spmem:s0], $0x80, $0x38;
	[tilespmem:$0x1C200] =	vst v63  }
0x725: {  	s10 =	sld [smem:$0x7B9];
	s3 =	sand.u32 $0x380, s3;
	s0 =	sadd.s32 s7, s1  }
0x726: {  	s16 =	sld [smem:$0x7BA];
	s0 =	sadd.s32 s3, s0  }
0x727: {  	[tilespmem:s8], [sflag:$0x2] =	stream.linear.gather [spmem:s0], $0x80, $0x38;
	[tilespmem:$0x1C200] =	vst v63  }
0x728: {  	s20 =	sld [smem:$0x7BB];
	s15 =	sadd.s32 $0x400, s0  }
0x729: {  	[tilespmem:s10], [sflag:$0x2] =	stream.linear.gather [spmem:s15], $0x80, $0x38;
	[tilespmem:$0x1C200] =	vst v63  }
0x72a: {  	s22 =	sld [smem:$0x7BC];
	s18 =	sadd.s32 $0x800, s0  }
0x72b: {  	[tilespmem:s16], [sflag:$0x2] =	stream.linear.gather [spmem:s18], $0x80, $0x38;
	[tilespmem:$0x1C200] =	vst v63  }
0x72c: {  	s24 =	sld [smem:$0x7BD];
	s21 =	sadd.s32 $0xC00, s0  }
0x72d: {  	[tilespmem:s20], [sflag:$0x2] =	stream.linear.gather [spmem:s21], $0x80, $0x38;
	[tilespmem:$0x1C200] =	vst v63  }
0x72e: {  	s26 =	sld [smem:$0x7BE];
	s23 =	sadd.s32 $0x1000, s0  }
0x72f: {  	[tilespmem:s22], [sflag:$0x2] =	stream.linear.gather [spmem:s23], $0x80, $0x38;
	[tilespmem:$0x1C200] =	vst v63  }
0x730: {  	s29 =	sld [smem:$0x7BF];
	s25 =	sadd.s32 $0x1400, s0;
	s30 =	spop (v2sf)  }
0x731: {  	[tilespmem:s24], [sflag:$0x2] =	stream.linear.gather [spmem:s25], $0x80, $0x38;
	[tilespmem:$0x1C200] =	vst v63  }
0x732: {  	s28 =	sadd.s32 $0x1800, s0;
	s0 =	sadd.s32 $0x1C00, s0;
	(v2sf) =	vpush v63, $0xA;
	s31 =	sshll.u32 s30, $0xA  }
0x733: {  	[tilespmem:s26], [sflag:$0x2] =	stream.linear.gather [spmem:s28], $0x80, $0x38;
	[tilespmem:$0x1C200] =	vst v63  }
0x734: {  	s8 =	sld [smem:$0x7C0];
	s3 =	sshll.u32 s30, $0x7;
	s7 =	sand.u32 $0xFFFFE000, s31  }
0x735: {  	[tilespmem:s29], [sflag:$0x2] =	stream.linear.gather [spmem:s0], $0x80, $0x38;
	[tilespmem:$0x1C200] =	vst v63  }
0x736: {  	s10 =	sld [smem:$0x7C1];
	s3 =	sand.u32 $0x380, s3;
	s0 =	sadd.s32 s7, s1  }
0x737: {  	s16 =	sld [smem:$0x7C2];
	s0 =	sadd.s32 s3, s0  }
0x738: {  	[tilespmem:s8], [sflag:$0x2] =	stream.linear.gather [spmem:s0], $0x80, $0x38;
	[tilespmem:$0x1C200] =	vst v63  }
0x739: {  	s20 =	sld [smem:$0x7C3];
	s15 =	sadd.s32 $0x400, s0  }
0x73a: {  	[tilespmem:s10], [sflag:$0x2] =	stream.linear.gather [spmem:s15], $0x80, $0x38;
	[tilespmem:$0x1C200] =	vst v63  }
0x73b: {  	s22 =	sld [smem:$0x7C4];
	s18 =	sadd.s32 $0x800, s0  }
0x73c: {  	[tilespmem:s16], [sflag:$0x2] =	stream.linear.gather [spmem:s18], $0x80, $0x38;
	[tilespmem:$0x1C200] =	vst v63  }
0x73d: {  	s24 =	sld [smem:$0x7C5];
	s21 =	sadd.s32 $0xC00, s0  }
0x73e: {  	[tilespmem:s20], [sflag:$0x2] =	stream.linear.gather [spmem:s21], $0x80, $0x38;
	[tilespmem:$0x1C200] =	vst v63  }
0x73f: {  	s26 =	sld [smem:$0x7C6];
	s23 =	sadd.s32 $0x1000, s0  }
0x740: {  	[tilespmem:s22], [sflag:$0x2] =	stream.linear.gather [spmem:s23], $0x80, $0x38;
	[tilespmem:$0x1C200] =	vst v63  }
0x741: {  	s29 =	sld [smem:$0x7C7];
	s25 =	sadd.s32 $0x1400, s0;
	s30 =	spop (v2sf)  }
0x742: {  	[tilespmem:s24], [sflag:$0x2] =	stream.linear.gather [spmem:s25], $0x80, $0x38;
	[tilespmem:$0x1C200] =	vst v63  }
0x743: {  	s28 =	sadd.s32 $0x1800, s0;
	s0 =	sadd.s32 $0x1C00, s0;
	(v2sf) =	vpush v63, $0xB;
	s31 =	sshll.u32 s30, $0xA  }
0x744: {  	[tilespmem:s26], [sflag:$0x2] =	stream.linear.gather [spmem:s28], $0x80, $0x38;
	[tilespmem:$0x1C200] =	vst v63  }
0x745: {  	s8 =	sld [smem:$0x7C8];
	s3 =	sshll.u32 s30, $0x7;
	s7 =	sand.u32 $0xFFFFE000, s31  }
0x746: {  	[tilespmem:s29], [sflag:$0x2] =	stream.linear.gather [spmem:s0], $0x80, $0x38;
	[tilespmem:$0x1C200] =	vst v63  }
0x747: {  	s10 =	sld [smem:$0x7C9];
	s3 =	sand.u32 $0x380, s3;
	s0 =	sadd.s32 s7, s1  }
0x748: {  	s16 =	sld [smem:$0x7CA];
	s0 =	sadd.s32 s3, s0  }
0x749: {  	[tilespmem:s8], [sflag:$0x2] =	stream.linear.gather [spmem:s0], $0x80, $0x38;
	[tilespmem:$0x1C200] =	vst v63  }
0x74a: {  	s20 =	sld [smem:$0x7CB];
	s15 =	sadd.s32 $0x400, s0  }
0x74b: {  	[tilespmem:s10], [sflag:$0x2] =	stream.linear.gather [spmem:s15], $0x80, $0x38;
	[tilespmem:$0x1C200] =	vst v63  }
0x74c: {  	s22 =	sld [smem:$0x7CC];
	s18 =	sadd.s32 $0x800, s0  }
0x74d: {  	[tilespmem:s16], [sflag:$0x2] =	stream.linear.gather [spmem:s18], $0x80, $0x38;
	[tilespmem:$0x1C200] =	vst v63  }
0x74e: {  	s24 =	sld [smem:$0x7CD];
	s21 =	sadd.s32 $0xC00, s0  }
0x74f: {  	[tilespmem:s20], [sflag:$0x2] =	stream.linear.gather [spmem:s21], $0x80, $0x38;
	[tilespmem:$0x1C200] =	vst v63  }
0x750: {  	s26 =	sld [smem:$0x7CE];
	s23 =	sadd.s32 $0x1000, s0  }
0x751: {  	[tilespmem:s22], [sflag:$0x2] =	stream.linear.gather [spmem:s23], $0x80, $0x38;
	[tilespmem:$0x1C200] =	vst v63  }
0x752: {  	s29 =	sld [smem:$0x7CF];
	s25 =	sadd.s32 $0x1400, s0;
	s30 =	spop (v2sf)  }
0x753: {  	[tilespmem:s24], [sflag:$0x2] =	stream.linear.gather [spmem:s25], $0x80, $0x38;
	[tilespmem:$0x1C200] =	vst v63  }
0x754: {  	s28 =	sadd.s32 $0x1800, s0;
	s0 =	sadd.s32 $0x1C00, s0;
	(v2sf) =	vpush v63, $0xC;
	s31 =	sshll.u32 s30, $0xA  }
0x755: {  	[tilespmem:s26], [sflag:$0x2] =	stream.linear.gather [spmem:s28], $0x80, $0x38;
	[tilespmem:$0x1C200] =	vst v63  }
0x756: {  	s8 =	sld [smem:$0x7D0];
	s3 =	sshll.u32 s30, $0x7;
	s7 =	sand.u32 $0xFFFFE000, s31  }
0x757: {  	[tilespmem:s29], [sflag:$0x2] =	stream.linear.gather [spmem:s0], $0x80, $0x38;
	[tilespmem:$0x1C200] =	vst v63  }
0x758: {  	s3 =	sand.u32 $0x380, s3;
	s10 =	sld [smem:$0x7D1];
	s0 =	sadd.s32 s7, s1  }
0x759: {  	s16 =	sld [smem:$0x7D2];
	s0 =	sadd.s32 s3, s0  }
0x75a: {  	[tilespmem:s8], [sflag:$0x2] =	stream.linear.gather [spmem:s0], $0x80, $0x38;
	[tilespmem:$0x1C200] =	vst v63  }
0x75b: {  	s20 =	sld [smem:$0x7D3];
	s15 =	sadd.s32 $0x400, s0  }
0x75c: {  	[tilespmem:s10], [sflag:$0x2] =	stream.linear.gather [spmem:s15], $0x80, $0x38;
	[tilespmem:$0x1C200] =	vst v63  }
0x75d: {  	s22 =	sld [smem:$0x7D4];
	s18 =	sadd.s32 $0x800, s0  }
0x75e: {  	[tilespmem:s16], [sflag:$0x2] =	stream.linear.gather [spmem:s18], $0x80, $0x38;
	[tilespmem:$0x1C200] =	vst v63  }
0x75f: {  	s24 =	sld [smem:$0x7D5];
	s21 =	sadd.s32 $0xC00, s0  }
0x760: {  	[tilespmem:s20], [sflag:$0x2] =	stream.linear.gather [spmem:s21], $0x80, $0x38;
	[tilespmem:$0x1C200] =	vst v63  }
0x761: {  	s26 =	sld [smem:$0x7D6];
	s23 =	sadd.s32 $0x1000, s0  }
0x762: {  	[tilespmem:s22], [sflag:$0x2] =	stream.linear.gather [spmem:s23], $0x80, $0x38;
	[tilespmem:$0x1C200] =	vst v63  }
0x763: {  	s29 =	sld [smem:$0x7D7];
	s30 =	spop (v2sf);
	s25 =	sadd.s32 $0x1400, s0  }
0x764: {  	[tilespmem:s24], [sflag:$0x2] =	stream.linear.gather [spmem:s25], $0x80, $0x38;
	[tilespmem:$0x1C200] =	vst v63  }
0x765: {  	(v2sf) =	vpush v63, $0xD;
	s28 =	sadd.s32 $0x1800, s0;
	s31 =	sshll.u32 s30, $0xA;
	s0 =	sadd.s32 $0x1C00, s0  }
0x766: {  	[tilespmem:s26], [sflag:$0x2] =	stream.linear.gather [spmem:s28], $0x80, $0x38;
	[tilespmem:$0x1C200] =	vst v63  }
0x767: {  	s3 =	sshll.u32 s30, $0x7;
	s8 =	sld [smem:$0x7D8];
	s7 =	sand.u32 $0xFFFFE000, s31  }
0x768: {  	[tilespmem:s29], [sflag:$0x2] =	stream.linear.gather [spmem:s0], $0x80, $0x38;
	[tilespmem:$0x1C200] =	vst v63  }
0x769: {  	s3 =	sand.u32 $0x380, s3;
	s10 =	sld [smem:$0x7D9];
	s0 =	sadd.s32 s7, s1  }
0x76a: {  	s16 =	sld [smem:$0x7DA];
	s0 =	sadd.s32 s3, s0  }
0x76b: {  	[tilespmem:s8], [sflag:$0x2] =	stream.linear.gather [spmem:s0], $0x80, $0x38;
	[tilespmem:$0x1C200] =	vst v63  }
0x76c: {  	s20 =	sld [smem:$0x7DB];
	s15 =	sadd.s32 $0x400, s0  }
0x76d: {  	[tilespmem:s10], [sflag:$0x2] =	stream.linear.gather [spmem:s15], $0x80, $0x38;
	[tilespmem:$0x1C200] =	vst v63  }
0x76e: {  	s22 =	sld [smem:$0x7DC];
	s18 =	sadd.s32 $0x800, s0  }
0x76f: {  	[tilespmem:s16], [sflag:$0x2] =	stream.linear.gather [spmem:s18], $0x80, $0x38;
	[tilespmem:$0x1C200] =	vst v63  }
0x770: {  	s24 =	sld [smem:$0x7DD];
	s21 =	sadd.s32 $0xC00, s0  }
0x771: {  	[tilespmem:s20], [sflag:$0x2] =	stream.linear.gather [spmem:s21], $0x80, $0x38;
	[tilespmem:$0x1C200] =	vst v63  }
0x772: {  	s26 =	sld [smem:$0x7DE];
	s23 =	sadd.s32 $0x1000, s0  }
0x773: {  	[tilespmem:s22], [sflag:$0x2] =	stream.linear.gather [spmem:s23], $0x80, $0x38;
	[tilespmem:$0x1C200] =	vst v63  }
0x774: {  	s29 =	sld [smem:$0x7DF];
	s30 =	spop (v2sf);
	(v2sf) =	vpush v63, $0xE;
	s25 =	sadd.s32 $0x1400, s0  }
0x775: {  	[tilespmem:s24], [sflag:$0x2] =	stream.linear.gather [spmem:s25], $0x80, $0x38;
	[tilespmem:$0x1C200] =	vst v63  }
0x776: {  	s31 =	sshll.u32 s30, $0xA;
	s3 =	sshll.u32 s30, $0x7;
	s28 =	sadd.s32 $0x1800, s0  }
0x777: {  	[tilespmem:s26], [sflag:$0x2] =	stream.linear.gather [spmem:s28], $0x80, $0x38;
	[tilespmem:$0x1C200] =	vst v63  }
0x778: {  	s0 =	sadd.s32 $0x1C00, s0;
	s7 =	sand.u32 $0xFFFFE000, s31;
	s8 =	sld [smem:$0x7E0]  }
0x779: {  	[tilespmem:s29], [sflag:$0x2] =	stream.linear.gather [spmem:s0], $0x80, $0x38;
	[tilespmem:$0x1C200] =	vst v63  }
0x77a: {  	s3 =	sand.u32 $0x380, s3;
	s0 =	sadd.s32 s7, s1  }
0x77b: {  	s10 =	sld [smem:$0x7E1];
	s0 =	sadd.s32 s3, s0  }
0x77c: {  	[tilespmem:s8], [sflag:$0x2] =	stream.linear.gather [spmem:s0], $0x80, $0x38;
	[tilespmem:$0x1C200] =	vst v63  }
0x77d: {  	s16 =	sld [smem:$0x7E2];
	s15 =	sadd.s32 $0x400, s0  }
0x77e: {  	[tilespmem:s10], [sflag:$0x2] =	stream.linear.gather [spmem:s15], $0x80, $0x38;
	[tilespmem:$0x1C200] =	vst v63  }
0x77f: {  	s20 =	sld [smem:$0x7E3];
	s18 =	sadd.s32 $0x800, s0  }
0x780: {  	[tilespmem:s16], [sflag:$0x2] =	stream.linear.gather [spmem:s18], $0x80, $0x38;
	[tilespmem:$0x1C200] =	vst v63  }
0x781: {  	s22 =	sld [smem:$0x7E4];
	s21 =	sadd.s32 $0xC00, s0  }
0x782: {  	[tilespmem:s20], [sflag:$0x2] =	stream.linear.gather [spmem:s21], $0x80, $0x38;
	[tilespmem:$0x1C200] =	vst v63  }
0x783: {  	s24 =	sld [smem:$0x7E5];
	s30 =	spop (v2sf);
	s23 =	sadd.s32 $0x1000, s0  }
0x784: {  	[tilespmem:s22], [sflag:$0x2] =	stream.linear.gather [spmem:s23], $0x80, $0x38;
	[tilespmem:$0x1C200] =	vst v63  }
0x785: {  	s26 =	sld [smem:$0x7E6];
	s31 =	sshll.u32 s30, $0xA;
	s25 =	sadd.s32 $0x1400, s0  }
0x786: {  	[tilespmem:s24], [sflag:$0x2] =	stream.linear.gather [spmem:s25], $0x80, $0x38;
	[tilespmem:$0x1C200] =	vst v63  }
0x787: {  	(v2sf) =	vpush v63, $0xF;
	s29 =	sld [smem:$0x7E7];
	s7 =	sand.u32 $0xFFFFE000, s31;
	s28 =	sadd.s32 $0x1800, s0  }
0x788: {  	[tilespmem:s26], [sflag:$0x2] =	stream.linear.gather [spmem:s28], $0x80, $0x38;
	[tilespmem:$0x1C200] =	vst v63  }
0x789: {  	s3 =	sshll.u32 s30, $0x7;
	s0 =	sadd.s32 $0x1C00, s0;
	s8 =	sld [smem:$0x7E9]  }
0x78a: {  	[tilespmem:s29], [sflag:$0x2] =	stream.linear.gather [spmem:s0], $0x80, $0x38;
	[tilespmem:$0x1C200] =	vst v63  }
0x78b: {  	s6 =	sld [smem:$0x7F4];
	s3 =	sand.u32 $0x380, s3;
	s0 =	sadd.s32 s7, s1  }
0x78c: {  	s10 =	sld [smem:$0x7EA];
	s0 =	sadd.s32 s3, s0  }
0x78d: {  	[tilespmem:s8], [sflag:$0x2] =	stream.linear.gather [spmem:s0], $0x80, $0x38;
	[tilespmem:$0x1C200] =	vst v63  }
0x78e: {  	s16 =	sld [smem:$0x7EB];
	s15 =	sadd.s32 $0x400, s0  }
0x78f: {  	[tilespmem:s10], [sflag:$0x2] =	stream.linear.gather [spmem:s15], $0x80, $0x38;
	[tilespmem:$0x1C200] =	vst v63  }
0x790: {  	s20 =	sld [smem:$0x7EC];
	s18 =	sadd.s32 $0x800, s0  }
0x791: {  	[tilespmem:s16], [sflag:$0x2] =	stream.linear.gather [spmem:s18], $0x80, $0x38;
	[tilespmem:$0x1C200] =	vst v63  }
0x792: {  	s22 =	sld [smem:$0x7ED];
	s21 =	sadd.s32 $0xC00, s0  }
0x793: {  	[tilespmem:s20], [sflag:$0x2] =	stream.linear.gather [spmem:s21], $0x80, $0x38;
	[tilespmem:$0x1C200] =	vst v63  }
0x794: {  	s24 =	sld [smem:$0x7EF];
	s23 =	sadd.s32 $0x1000, s0  }
0x795: {  	[tilespmem:s22], [sflag:$0x2] =	stream.linear.gather [spmem:s23], $0x80, $0x38;
	[tilespmem:$0x1C200] =	vst v63  }
0x796: {  	s26 =	sld [smem:$0x7F0];
	s30 =	spop (v2sf);
	s25 =	sadd.s32 $0x1400, s0  }
0x797: {  	[tilespmem:s24], [sflag:$0x2] =	stream.linear.gather [spmem:s25], $0x80, $0x38;
	[tilespmem:$0x1C200] =	vst v63  }
0x798: {  	s31 =	sshll.u32 s30, $0xA;
	s29 =	sld [smem:$0x7F2];
	s28 =	sadd.s32 $0x1800, s0  }
0x799: {  	[tilespmem:s26], [sflag:$0x2] =	stream.linear.gather [spmem:s28], $0x80, $0x38;
	[tilespmem:$0x1C200] =	vst v63  }
0x79a: {  	s5 =	sand.u32 $0xFFFFE000, s31;
	s3 =	sshll.u32 s30, $0x7;
	s0 =	sadd.s32 $0x1C00, s0  }
0x79b: {  	[tilespmem:s29], [sflag:$0x2] =	stream.linear.gather [spmem:s0], $0x80, $0x38;
	[tilespmem:$0x1C200] =	vst v63  }
0x79c: {  	s3 =	sand.u32 $0x380, s3;
	s0 =	sadd.s32 s5, s1  }
0x79d: {  	s7 =	sld [smem:$0x7F5];
	s0 =	sadd.s32 s3, s0  }
0x79e: {  	[tilespmem:s6], [sflag:$0x2] =	stream.linear.gather [spmem:s0], $0x80, $0x38;
	[tilespmem:$0x1C200] =	vst v63  }
0x79f: {  	s10 =	sld [smem:$0x7F7];
	s8 =	sadd.s32 $0x400, s0  }
0x7a0: {  	[tilespmem:s7], [sflag:$0x2] =	stream.linear.gather [spmem:s8], $0x80, $0x38;
	[tilespmem:$0x1C200] =	vst v63  }
0x7a1: {  	s16 =	sld [smem:$0x7F8];
	s15 =	sadd.s32 $0x800, s0  }
0x7a2: {  	[tilespmem:s10], [sflag:$0x2] =	stream.linear.gather [spmem:s15], $0x80, $0x38;
	[tilespmem:$0x1C200] =	vst v63  }
0x7a3: {  	s20 =	sld [smem:$0x7FA];
	s18 =	sadd.s32 $0xC00, s0  }
0x7a4: {  	[tilespmem:s16], [sflag:$0x2] =	stream.linear.gather [spmem:s18], $0x80, $0x38;
	[tilespmem:$0x1C200] =	vst v63  }
0x7a5: {  	s22 =	sld [smem:$0x7FB];
	s21 =	sadd.s32 $0x1000, s0  }
0x7a6: {  	[tilespmem:s20], [sflag:$0x2] =	stream.linear.gather [spmem:s21], $0x80, $0x38;
	[tilespmem:$0x1C200] =	vst v63  }
0x7a7: {  	s24 =	sld [smem:$0x7FC];
	s23 =	sadd.s32 $0x1400, s0  }
0x7a8: {  	[tilespmem:s22], [sflag:$0x2] =	stream.linear.gather [spmem:s23], $0x80, $0x38;
	[tilespmem:$0x1C200] =	vst v63  }
0x7a9: {  	s26 =	sld [smem:$0x7FD];
	s25 =	sadd.s32 $0x1800, s0  }
0x7aa: {  	[tilespmem:s24], [sflag:$0x2] =	stream.linear.gather [spmem:s25], $0x80, $0x38;
	[tilespmem:$0x1C200] =	vst v63  }
0x7ab: {  	s0 =	sadd.s32 $0x1C00, s0  }
0x7ac: {  	[tilespmem:s26], [sflag:$0x2] =	stream.linear.gather [spmem:s0], $0x80, $0x38;
	[tilespmem:$0x1C200] =	vst v63  }
0x7ad: {  	_ =	swait.ge [sflag:s14], $0x4000  }
0x7ae: {  	[sflag:s14] =	ssyncset.done $0x0  }
0x7af: {  	s28 =	sadd.s32 $0x800, s19;
	s29 =	simm.s32 $0x3;
	[sflag:s14] =	ssyncadd.s32 $0xFFFFC000  }
0x7b0: {  	[hbm4b:s28+s2] =	stream.linear.scatter [tilespmem:s13], [sflag:$0x4], $0x4000, $0x38;
	[tilespmem:$0x1C200] =	vst v63  }
0x7b1: {  	_ =	swait.ge [sflag:s29], $0x4000  }
0x7b2: {  	[sflag:s29] =	ssyncset.done $0x0  }
0x7b3: {  	s30 =	simm.s32 $0x4;
	[sflag:s29] =	ssyncadd.s32 $0xFFFFC000  }
0x7b4: {  	_ =	swait.ge [sflag:s30], $0x4000  }
0x7b5: {  	s31 =	sld [smem:$0x7F3];
	_ =	sdelay $0x1  }
0x7b6: {  	s17 =	sadd.s32 $0x1, s17  }
0x7b7: {  	p1 =	sne.s32 s17, s31  }
.Ltmp1:
0x7b8: {  	_ = 	snop;
	(pc) =	sbr.rel @p1 .LBB2_1-.Ltmp1, $3  }
0x7b9: {  	_ =	sdelay $0x1  }
0x7ba: {  	[sflag:s30] =	ssyncset.done $0x0  }
0x7bb: {  	[sflag:s30] =	ssyncadd.s32 $0xFFFFC000  }
0x7bc: {  	_ =	sfence.sel $0x180000  }
0x7bd: {  	[bflag:$0x0] =	sbarrier.arrive $0xFFFF  }
0x7be: {  	_ =	strace $0x90000047  }
0x7bf: {  	[bflag:$0x2] =	sbarrier.arrive $0xFFFF  }
0x7c0: {  	s0 =	rddreg [dreg:$0x3]  }
0x7c1: {  	s0 =	sadd.s32 @!p0 $0x100000, s0  }
0x7c2: {  	[sflag:s0] =	ssyncadd.tile.s32 @!p0 $0x1;
	_ =	shalt  }
.Lfunc_end2:
_tile_overlayer_lowered:
.L_overlay_start_2:
0x7c3: {  	(tag) =	ssettag $0x2  }
0x7c4: {  	s0 =	rddreg [dreg:$0x0];
	s2 =	stileid.u32  }
0x7c5: {  	s1 =	rddreg [dreg:$0x1];
	p0 =	sne.s32 s2, $0x0  }
0x7c6: {  	s3 =	rddreg [dreg:$0x2];
	[bflag:$0x3] =	sbarrier.arrive $0xFFFF;
	s2 =	simm.s32 @!p0 $0x1C05  }
0x7c7: {  	[timem:s3], [sflag:s2] =	dma.local @!p0 [hbm:s0], s1  }
0x7c8: {  	s0 =	simm.s32 @!p0 $0x5  }
0x7c9: {  	_ =	swait.ge @!p0 [sflag:s0], s1  }
0x7ca: {  	s1 =	ssub.s32 @!p0 $0x0, s1;
	[sflag:s0] =	ssyncset.done @!p0 $0x0  }
0x7cb: {  	[sflag:s0] =	ssyncadd.s32 @!p0 s1  }
0x7cc: {  	[bflag:$0x3] =	sbarrier.arrive $0xFFFF  }
0x7cd: {  	_ =	shalt  }

</sc_bundles>
